<compile_context>
chip_gen: v7x
topology: tpu7x:2x2x1
jax: 0.10.2.dev20260603
libtpu: 0.0.44.dev20260713+nightly
codegen_flags: <defaults>
</compile_context>

<pallas_src>
import functools

import jax
import jax.numpy as jnp
from jax import lax
from jax.experimental import pallas as pl
from jax.experimental.pallas import tpu as pltpu
from jax.experimental.pallas import tpu_sc as plsc

N = 10000
E = 320000
F_IN = 128
DIM = 32
NCLS = 10
NG = 64

NCORE = 2
NSUB = 16
NW = NCORE * NSUB
CHUNK = 1024
NPAD = 10112
RPT = NPAD // NSUB

INV_STD = 1.0 / (1.0 + 1e-5) ** 0.5


SUBK = 1
BLKE = SUBK * CHUNK
NBLK = -(-E // (NW * BLKE))
NCHUNK = NBLK * SUBK
EPW = NBLK * BLKE
EPAD = NW * EPW


def _edge_sum_body(zeros_hbm, table_hbm, srcr_hbm, dstr_hbm, out_hbm,
                   src_v, dst_v, rows0_v, rows1_v, acc_sh, gsem0, gsem1):
    cid = lax.axis_index("c")
    sid = lax.axis_index("s")
    w = cid * NSUB + sid
    pltpu.sync_copy(zeros_hbm.at[pl.ds(sid * RPT, RPT)],
                    acc_sh.at[pl.ds(sid * RPT, RPT)])
    pltpu.sync_copy(srcr_hbm.at[w], src_v)
    pltpu.sync_copy(dstr_hbm.at[w], dst_v)
    plsc.subcore_barrier()

    bufs = (rows0_v, rows1_v)
    sems = (gsem0, gsem1)

    def _gather(j, b):
        return pltpu.async_copy(
            table_hbm.at[src_v.at[pl.ds(j * BLKE, BLKE)]], bufs[b], sems[b])

    g = _gather(0, 0)
    for j in range(NBLK):
        g.wait()
        if j + 1 < NBLK:
            g = _gather(j + 1, (j + 1) % 2)
        for b in range(SUBK):
            pltpu.sync_copy(bufs[j % 2].at[pl.ds(b * CHUNK, CHUNK)],
                            acc_sh.at[dst_v.at[j * SUBK + b]], add=True)

    plsc.subcore_barrier()
    pltpu.sync_copy(acc_sh.at[pl.ds(sid * RPT, RPT)],
                    out_hbm.at[cid, pl.ds(sid * RPT, RPT)])


_edge_sum = pl.kernel(
    _edge_sum_body,
    out_type=jax.ShapeDtypeStruct((NCORE, NPAD, DIM), jnp.float32),
    mesh=plsc.VectorSubcoreMesh(core_axis_name="c", subcore_axis_name="s"),
    scratch_types=[
        pltpu.VMEM((EPW,), jnp.int32),
        pltpu.VMEM((NCHUNK, CHUNK), jnp.int32),
        pltpu.VMEM((BLKE, DIM), jnp.float32),
        pltpu.VMEM((BLKE, DIM), jnp.float32),
        pltpu.VMEM_SHARED((NPAD, DIM), jnp.float32),
        pltpu.SemaphoreType.DMA,
        pltpu.SemaphoreType.DMA,
    ],
    compiler_params=pltpu.CompilerParams(use_tc_tiling_on_sc=False),
)


def _proj_body(x_ref, w_ref, o_ref):
    o_ref[...] = jnp.dot(x_ref[...], w_ref[...],
                         preferred_element_type=jnp.float32)


def _proj(x, w):
    return pl.pallas_call(
        _proj_body,
        out_shape=jax.ShapeDtypeStruct((NPAD, DIM), jnp.float32),
    )(x, w)


def _mlp_body(a_ref, z_ref, wa_ref, ba_ref, wb_ref, bb_ref, g_ref, bt_ref,
              o_ref):
    agg = z_ref[...] + a_ref[0] + a_ref[1]
    t = jnp.dot(agg, wa_ref[...], preferred_element_type=jnp.float32)
    t = jnp.maximum(t + ba_ref[...], 0.0)
    t = jnp.dot(t, wb_ref[...], preferred_element_type=jnp.float32)
    t = jnp.maximum(t + bb_ref[...], 0.0)
    o_ref[...] = g_ref[...] * (t * INV_STD) + bt_ref[...]


def _mlp(a, z, wa, ba, wb, bb, g, bt):
    return pl.pallas_call(
        _mlp_body,
        out_shape=jax.ShapeDtypeStruct((NPAD, DIM), jnp.float32),
    )(a, z, wa, ba, wb, bb, g, bt)


def _head_body(a_ref, z_ref, wa_ref, ba_ref, wb_ref, bb_ref, g_ref, bt_ref,
               b_ref, w1_ref, b1_ref, w2_ref, b2_ref, o_ref):
    agg = z_ref[...] + a_ref[0] + a_ref[1]
    t = jnp.dot(agg, wa_ref[...], preferred_element_type=jnp.float32)
    t = jnp.maximum(t + ba_ref[...], 0.0)
    t = jnp.dot(t, wb_ref[...], preferred_element_type=jnp.float32)
    t = jnp.maximum(t + bb_ref[...], 0.0)
    h = g_ref[...] * (t * INV_STD) + bt_ref[...]
    gids = lax.broadcasted_iota(jnp.int32, (NG, NPAD), 0)
    m = (gids == b_ref[...]).astype(jnp.float32)
    pooled = jnp.dot(m, h, preferred_element_type=jnp.float32)
    t = jnp.dot(pooled, w1_ref[...], preferred_element_type=jnp.float32)
    t = jnp.maximum(t + b1_ref[...], 0.0)
    logits = jnp.dot(t, w2_ref[...], preferred_element_type=jnp.float32)
    logits = logits + b2_ref[...]
    mx = jnp.max(logits, axis=-1, keepdims=True)
    lse = jnp.log(jnp.sum(jnp.exp(logits - mx), axis=-1, keepdims=True)) + mx
    o_ref[...] = logits - lse


def _head(a, z, wa, ba, wb, bb, g, bt, b, w1, b1, w2, b2):
    return pl.pallas_call(
        _head_body,
        out_shape=jax.ShapeDtypeStruct((NG, NCLS), jnp.float32),
    )(a, z, wa, ba, wb, bb, g, bt, b, w1, b1, w2, b2)


def kernel(x, edge_index, batch, w1a, b1a, w1b, b1b, Wa, Ba, Wb, Bb,
           gamma, beta, fc1_w, fc1_b, fc2_w, fc2_b):
    pad_e = EPAD - E
    pad_idx = N + (jnp.arange(pad_e, dtype=jnp.int32) % (NPAD - N))
    src = jnp.concatenate([edge_index[0], pad_idx]).reshape(NW, EPW)
    dst = jnp.concatenate([edge_index[1], pad_idx]).reshape(
        NW, NCHUNK, CHUNK)
    xp = jnp.pad(x, ((0, NPAD - N), (0, 0)))
    zeros = jnp.zeros((NPAD, DIM), jnp.float32)
    eye = jnp.eye(DIM, dtype=jnp.float32)
    bpad = jnp.pad(batch, (0, NPAD - N), constant_values=NG).reshape(1, NPAD)

    was = [eye] + [Wa[i] for i in range(4)]
    bas = [b1a.reshape(1, DIM)] + [Ba[i].reshape(1, DIM) for i in range(4)]
    wbs = [w1b] + [Wb[i] for i in range(4)]
    bbs = [b1b.reshape(1, DIM)] + [Bb[i].reshape(1, DIM) for i in range(4)]

    z = _proj(xp, w1a)
    for i in range(4):
        a = _edge_sum(zeros, z, src, dst)
        z = _mlp(a, z, was[i], bas[i], wbs[i], bbs[i],
                 gamma[i].reshape(1, DIM), beta[i].reshape(1, DIM))
    a = _edge_sum(zeros, z, src, dst)
    return _head(a, z, was[4], bas[4], wbs[4], bbs[4],
                 gamma[4].reshape(1, DIM), beta[4].reshape(1, DIM),
                 bpad, fc1_w, fc1_b.reshape(1, DIM),
                 fc2_w, fc2_b.reshape(1, NCLS))

# --- scband reference (transcript-rebuilt; emitter-appended) ---
"""Pipeline reference for scband-net-57397942943775 (READ-ONLY COPY).

The authoritative reference and input builder live on the scoring server;
editing this copy changes nothing except your own understanding.
"""

import jax, jax.numpy as jnp
import numpy as np

N = 10000
E = 320000
F_IN = 128
DIM = 32
NC = 10
NG = 64


def setup_inputs(seed: int = 0) -> dict:
    key = jax.random.key(seed)
    ks = jax.random.split(key, 24)
    s = 0.1
    inp = {}
    inp['x'] = jax.random.normal(ks[0], (N, F_IN), dtype=jnp.float32)
    inp['edge_index'] = jax.random.randint(ks[1], (2, E), 0, N, dtype=jnp.int32)
    inp['batch'] = jnp.sort(jax.random.randint(ks[2], (N,), 0, NG, dtype=jnp.int32))
    # GIN layer 1 MLP: Linear(F_IN, DIM) -> ReLU -> Linear(DIM, DIM)
    inp['w1a'] = jax.random.normal(ks[3], (F_IN, DIM), dtype=jnp.float32) * s
    inp['b1a'] = jnp.zeros((DIM,), dtype=jnp.float32)
    inp['w1b'] = jax.random.normal(ks[4], (DIM, DIM), dtype=jnp.float32) * s
    inp['b1b'] = jnp.zeros((DIM,), dtype=jnp.float32)
    # GIN layers 2-5 MLPs stacked: Linear(DIM, DIM) -> ReLU -> Linear(DIM, DIM)
    inp['Wa'] = jax.random.normal(ks[5], (4, DIM, DIM), dtype=jnp.float32) * s
    inp['Ba'] = jnp.zeros((4, DIM), dtype=jnp.float32)
    inp['Wb'] = jax.random.normal(ks[6], (4, DIM, DIM), dtype=jnp.float32) * s
    inp['Bb'] = jnp.zeros((4, DIM), dtype=jnp.float32)
    # BatchNorm affine params for 5 layers (eval mode: running_mean=0, running_var=1)
    inp['gamma'] = jnp.ones((5, DIM), dtype=jnp.float32)
    inp['beta'] = jnp.zeros((5, DIM), dtype=jnp.float32)
    inp['fc1_w'] = jax.random.normal(ks[7], (DIM, DIM), dtype=jnp.float32) * s
    inp['fc1_b'] = jnp.zeros((DIM,), dtype=jnp.float32)
    inp['fc2_w'] = jax.random.normal(ks[8], (DIM, NC), dtype=jnp.float32) * s
    inp['fc2_b'] = jnp.zeros((NC,), dtype=jnp.float32)
    return inp


def reference(x, edge_index, batch, w1a, b1a, w1b, b1b, Wa, Ba, Wb, Bb, gamma, beta, fc1_w, fc1_b, fc2_w, fc2_b):
    src = edge_index[0]
    dst = edge_index[1]
    inv_std = 1.0 / jnp.sqrt(1.0 + 1e-5)  # BN eval: running_mean=0, running_var=1

    def mlp(h, wa, ba, wb, bb):
        return jax.nn.relu(h @ wa + ba) @ wb + bb

    def gin_agg(h):
        # GINConv with eps=0: (1+eps)*x + sum_{j in N(i)} x_j
        return h + jax.ops.segment_sum(h[src], dst, num_segments=h.shape[0])

    # layer 1
    h = mlp(gin_agg(x), w1a, b1a, w1b, b1b)
    h = jax.nn.relu(h)
    h = gamma[0] * (h * inv_std) + beta[0]
    # layers 2-5
    for i in range(4):
        h = mlp(gin_agg(h), Wa[i], Ba[i], Wb[i], Bb[i])
        h = jax.nn.relu(h)
        h = gamma[i + 1] * (h * inv_std) + beta[i + 1]
    # global add pool over graphs in batch
    g = jax.ops.segment_sum(h, batch, num_segments=NG)
    g = jax.nn.relu(g @ fc1_w + fc1_b)
    # dropout is identity in eval mode
    g = g @ fc2_w + fc2_b
    return jax.nn.log_softmax(g, axis=-1)

if __name__ == "__main__":
    import jax
    _d = setup_inputs()
    print(jax.jit(kernel)(*tuple(_d.values())))

</pallas_src>

<mosaic_0001>
#map = affine_map<(d0, d1) -> (0, 0)>
#map1 = affine_map<(d0, d1) -> (0, 0, 0)>
module attributes {stable_mosaic.version = 14 : i64} {
  func.func @_edge_sum_body(%arg0: i32, %arg1: i32, %arg2: memref<10112x32xf32, #tpu.memory_space<hbm>>, %arg3: memref<10112x32xf32, #tpu.memory_space<hbm>>, %arg4: memref<32x10240xi32, #tpu.memory_space<hbm>>, %arg5: memref<32x10x1024xi32, #tpu.memory_space<hbm>>, %arg6: memref<2x10112x32xf32, #tpu.memory_space<hbm>>, %arg7: memref<10240xi32, #tpu.memory_space<vmem>>, %arg8: memref<10x1024xi32, #tpu.memory_space<vmem>>, %arg9: memref<1024x32xf32, #tpu.memory_space<vmem>>, %arg10: memref<1024x32xf32, #tpu.memory_space<vmem>>, %arg11: memref<10112x32xf32, #tpu.memory_space<vmem_shared>>, %arg12: memref<!tpu.dma_semaphore, #tpu.memory_space<semaphore_mem>>, %arg13: memref<!tpu.dma_semaphore, #tpu.memory_space<semaphore_mem>>) attributes {dimension_semantics = [#tpu.dimension_semantics<core_parallel>, #tpu.dimension_semantics<subcore_parallel>], iteration_bounds = array<i64: 2, 16>, scalar_prefetch = 0 : i64, scratch_operands = 7 : i64, tpu.core_type = #tpu.core_type<sc_vector_subcore>, window_params = [{transform_indices = #map}, {transform_indices = #map}, {transform_indices = #map}, {transform_indices = #map1}, {transform_indices = #map1}]} {
    %mul3A = arith.constant 16 : i32
    %mul3A_0 = arith.muli %arg0, %mul3A : i32
    %add3A = arith.addi %mul3A_0, %arg1 : i32
    %mul3A_1 = arith.constant 632 : i32
    %mul3A_2 = arith.muli %arg1, %mul3A_1 : i32
    %mul3A_3 = arith.constant 632 : i32
    %mul3A_4 = arith.muli %arg1, %mul3A_3 : i32
    "tpu.region"() ({
      %run_scoped3A_117 = tpu.sem_alloc : memref<!tpu.dma_semaphore, #tpu.memory_space<semaphore_mem>>
      %dma_start3A_118 = arith.constant 0 : i32
      %dma_start3A_119 = tpu.memref_slice %arg11[%mul3A_4, %dma_start3A_118] : memref<10112x32xf32, #tpu.memory_space<vmem_shared>> -> memref<632x32xf32, #tpu.memory_space<vmem_shared>>
      %dma_start3A_120 = arith.constant 0 : i32
      %dma_start3A_121 = tpu.memref_slice %arg2[%mul3A_2, %dma_start3A_120] : memref<10112x32xf32, #tpu.memory_space<hbm>> -> memref<632x32xf32, #tpu.memory_space<hbm>>
      tpu.enqueue_dma source(%dma_start3A_121 : memref<632x32xf32, #tpu.memory_space<hbm>>) target(%dma_start3A_119 : memref<632x32xf32, #tpu.memory_space<vmem_shared>>) target_semaphore(%run_scoped3A_117 : memref<!tpu.dma_semaphore, #tpu.memory_space<semaphore_mem>>)
      %dma_wait3A_122 = arith.constant 0 : i32
      %dma_wait3A_123 = tpu.memref_slice %arg11[%mul3A_4, %dma_wait3A_122] : memref<10112x32xf32, #tpu.memory_space<vmem_shared>> -> memref<632x32xf32, #tpu.memory_space<vmem_shared>>
      %dma_wait3A_124 = arith.constant 0 : i32
      %dma_wait3A_125 = tpu.memref_slice %arg2[%mul3A_2, %dma_wait3A_124] : memref<10112x32xf32, #tpu.memory_space<hbm>> -> memref<632x32xf32, #tpu.memory_space<hbm>>
      tpu.wait_dma2 semaphore(%run_scoped3A_117 : memref<!tpu.dma_semaphore, #tpu.memory_space<semaphore_mem>>) src(%dma_wait3A_125 : memref<632x32xf32, #tpu.memory_space<hbm>>) dst(%dma_wait3A_123 : memref<632x32xf32, #tpu.memory_space<vmem_shared>>)
      tpu.yield
    }) : () -> ()
    "tpu.region"() ({
      %run_scoped3A_117 = tpu.sem_alloc : memref<!tpu.dma_semaphore, #tpu.memory_space<semaphore_mem>>
      %dma_start3A_118 = arith.constant 0 : i32
      %dma_start3A_119 = tpu.memref_slice %arg4[%add3A, %dma_start3A_118] : memref<32x10240xi32, #tpu.memory_space<hbm>> -> memref<1x10240xi32, #tpu.memory_space<hbm>>
      %dma_start3A_120 = tpu.memref_squeeze %dma_start3A_119 : memref<1x10240xi32, #tpu.memory_space<hbm>> -> memref<10240xi32, #tpu.memory_space<hbm>>
      %dma_start3A_121 = arith.constant 0 : i32
      %dma_start3A_122 = tpu.memref_slice %arg4[%add3A, %dma_start3A_121] : memref<32x10240xi32, #tpu.memory_space<hbm>> -> memref<1x10240xi32, #tpu.memory_space<hbm>>
      %dma_start3A_123 = tpu.memref_squeeze %dma_start3A_122 : memref<1x10240xi32, #tpu.memory_space<hbm>> -> memref<10240xi32, #tpu.memory_space<hbm>>
      tpu.enqueue_dma source(%dma_start3A_123 : memref<10240xi32, #tpu.memory_space<hbm>>) target(%arg7 : memref<10240xi32, #tpu.memory_space<vmem>>) target_semaphore(%run_scoped3A_117 : memref<!tpu.dma_semaphore, #tpu.memory_space<semaphore_mem>>)
      %dma_wait3A_124 = arith.constant 0 : i32
      %dma_wait3A_125 = tpu.memref_slice %arg4[%add3A, %dma_wait3A_124] : memref<32x10240xi32, #tpu.memory_space<hbm>> -> memref<1x10240xi32, #tpu.memory_space<hbm>>
      %dma_wait3A_126 = tpu.memref_squeeze %dma_wait3A_125 : memref<1x10240xi32, #tpu.memory_space<hbm>> -> memref<10240xi32, #tpu.memory_space<hbm>>
      %dma_wait3A_127 = arith.constant 0 : i32
      %dma_wait3A_128 = tpu.memref_slice %arg4[%add3A, %dma_wait3A_127] : memref<32x10240xi32, #tpu.memory_space<hbm>> -> memref<1x10240xi32, #tpu.memory_space<hbm>>
      %dma_wait3A_129 = tpu.memref_squeeze %dma_wait3A_128 : memref<1x10240xi32, #tpu.memory_space<hbm>> -> memref<10240xi32, #tpu.memory_space<hbm>>
      tpu.wait_dma2 semaphore(%run_scoped3A_117 : memref<!tpu.dma_semaphore, #tpu.memory_space<semaphore_mem>>) src(%dma_wait3A_129 : memref<10240xi32, #tpu.memory_space<hbm>>) dst(%arg7 : memref<10240xi32, #tpu.memory_space<vmem>>)
      tpu.yield
    }) : () -> ()
    "tpu.region"() ({
      %run_scoped3A_117 = tpu.sem_alloc : memref<!tpu.dma_semaphore, #tpu.memory_space<semaphore_mem>>
      %dma_start3A_118 = arith.constant 0 : i32
      %dma_start3A_119 = arith.constant 0 : i32
      %dma_start3A_120 = tpu.memref_slice %arg5[%add3A, %dma_start3A_118, %dma_start3A_119] : memref<32x10x1024xi32, #tpu.memory_space<hbm>> -> memref<1x10x1024xi32, #tpu.memory_space<hbm>>
      %dma_start3A_121 = tpu.memref_squeeze %dma_start3A_120 : memref<1x10x1024xi32, #tpu.memory_space<hbm>> -> memref<10x1024xi32, #tpu.memory_space<hbm>>
      %dma_start3A_122 = arith.constant 0 : i32
      %dma_start3A_123 = arith.constant 0 : i32
      %dma_start3A_124 = tpu.memref_slice %arg5[%add3A, %dma_start3A_122, %dma_start3A_123] : memref<32x10x1024xi32, #tpu.memory_space<hbm>> -> memref<1x10x1024xi32, #tpu.memory_space<hbm>>
      %dma_start3A_125 = tpu.memref_squeeze %dma_start3A_124 : memref<1x10x1024xi32, #tpu.memory_space<hbm>> -> memref<10x1024xi32, #tpu.memory_space<hbm>>
      tpu.enqueue_dma source(%dma_start3A_125 : memref<10x1024xi32, #tpu.memory_space<hbm>>) target(%arg8 : memref<10x1024xi32, #tpu.memory_space<vmem>>) target_semaphore(%run_scoped3A_117 : memref<!tpu.dma_semaphore, #tpu.memory_space<semaphore_mem>>)
      %dma_wait3A_126 = arith.constant 0 : i32
      %dma_wait3A_127 = arith.constant 0 : i32
      %dma_wait3A_128 = tpu.memref_slice %arg5[%add3A, %dma_wait3A_126, %dma_wait3A_127] : memref<32x10x1024xi32, #tpu.memory_space<hbm>> -> memref<1x10x1024xi32, #tpu.memory_space<hbm>>
      %dma_wait3A_129 = tpu.memref_squeeze %dma_wait3A_128 : memref<1x10x1024xi32, #tpu.memory_space<hbm>> -> memref<10x1024xi32, #tpu.memory_space<hbm>>
      %dma_wait3A_130 = arith.constant 0 : i32
      %dma_wait3A_131 = arith.constant 0 : i32
      %dma_wait3A_132 = tpu.memref_slice %arg5[%add3A, %dma_wait3A_130, %dma_wait3A_131] : memref<32x10x1024xi32, #tpu.memory_space<hbm>> -> memref<1x10x1024xi32, #tpu.memory_space<hbm>>
      %dma_wait3A_133 = tpu.memref_squeeze %dma_wait3A_132 : memref<1x10x1024xi32, #tpu.memory_space<hbm>> -> memref<10x1024xi32, #tpu.memory_space<hbm>>
      tpu.wait_dma2 semaphore(%run_scoped3A_117 : memref<!tpu.dma_semaphore, #tpu.memory_space<semaphore_mem>>) src(%dma_wait3A_133 : memref<10x1024xi32, #tpu.memory_space<hbm>>) dst(%arg8 : memref<10x1024xi32, #tpu.memory_space<vmem>>)
      tpu.yield
    }) : () -> ()
    %barrier3A = arith.constant 0 : index
    tpu.barrier barrier_id(%barrier3A)
    %dma_start3A = arith.constant 0 : i32
    %dma_start3A_5 = tpu.memref_slice %arg7[%dma_start3A] : memref<10240xi32, #tpu.memory_space<vmem>> -> memref<1024xi32, #tpu.memory_space<vmem>>
    %dma_start3A_6 = arith.constant 0 : i32
    %dma_start3A_7 = arith.constant 0 : i32
    %dma_start3A_8 = tpu.memref_slice %arg3[%dma_start3A_6, %dma_start3A_7] : memref<10112x32xf32, #tpu.memory_space<hbm>> -> memref<10112x32xf32, #tpu.memory_space<hbm>>
    tpu.enqueue_indirect_dma source(%dma_start3A_8 : memref<10112x32xf32, #tpu.memory_space<hbm>>) target(%arg9 : memref<1024x32xf32, #tpu.memory_space<vmem>>) offsets(%dma_start3A_5 : memref<1024xi32, #tpu.memory_space<vmem>>) semaphore(%arg12 : memref<!tpu.dma_semaphore, #tpu.memory_space<semaphore_mem>>)
    %dma_wait3A = arith.constant 0 : i32
    %dma_wait3A_9 = tpu.memref_slice %arg7[%dma_wait3A] : memref<10240xi32, #tpu.memory_space<vmem>> -> memref<1024xi32, #tpu.memory_space<vmem>>
    %dma_wait3A_10 = arith.constant 0 : i32
    %dma_wait3A_11 = arith.constant 0 : i32
    %dma_wait3A_12 = tpu.memref_slice %arg3[%dma_wait3A_10, %dma_wait3A_11] : memref<10112x32xf32, #tpu.memory_space<hbm>> -> memref<10112x32xf32, #tpu.memory_space<hbm>>
    tpu.wait_indirect_dma semaphore(%arg12 : memref<!tpu.dma_semaphore, #tpu.memory_space<semaphore_mem>>) src(%dma_wait3A_12 : memref<10112x32xf32, #tpu.memory_space<hbm>>) dst(%arg9 : memref<1024x32xf32, #tpu.memory_space<vmem>>)
    %dma_start3A_13 = arith.constant 1024 : i32
    %dma_start3A_14 = tpu.memref_slice %arg7[%dma_start3A_13] : memref<10240xi32, #tpu.memory_space<vmem>> -> memref<1024xi32, #tpu.memory_space<vmem>>
    %dma_start3A_15 = arith.constant 0 : i32
    %dma_start3A_16 = arith.constant 0 : i32
    %dma_start3A_17 = tpu.memref_slice %arg3[%dma_start3A_15, %dma_start3A_16] : memref<10112x32xf32, #tpu.memory_space<hbm>> -> memref<10112x32xf32, #tpu.memory_space<hbm>>
    tpu.enqueue_indirect_dma source(%dma_start3A_17 : memref<10112x32xf32, #tpu.memory_space<hbm>>) target(%arg10 : memref<1024x32xf32, #tpu.memory_space<vmem>>) offsets(%dma_start3A_14 : memref<1024xi32, #tpu.memory_space<vmem>>) semaphore(%arg13 : memref<!tpu.dma_semaphore, #tpu.memory_space<semaphore_mem>>)
    %run_scoped3A = arith.constant 0 : i32
    "tpu.region"() ({
      %run_scoped3A_117 = tpu.sem_alloc : memref<!tpu.dma_semaphore, #tpu.memory_space<semaphore_mem>>
      %dma_start3A_118 = arith.constant 0 : i32
      %dma_start3A_119 = arith.constant 0 : i32
      %dma_start3A_120 = tpu.memref_slice %arg9[%dma_start3A_118, %dma_start3A_119] : memref<1024x32xf32, #tpu.memory_space<vmem>> -> memref<1024x32xf32, #tpu.memory_space<vmem>>
      %dma_start3A_121 = arith.constant 0 : i32
      %dma_start3A_122 = tpu.memref_slice %arg8[%run_scoped3A, %dma_start3A_121] : memref<10x1024xi32, #tpu.memory_space<vmem>> -> memref<1x1024xi32, #tpu.memory_space<vmem>>
      %dma_start3A_123 = tpu.memref_squeeze %dma_start3A_122 : memref<1x1024xi32, #tpu.memory_space<vmem>> -> memref<1024xi32, #tpu.memory_space<vmem>>
      %dma_start3A_124 = arith.constant 0 : i32
      %dma_start3A_125 = arith.constant 0 : i32
      %dma_start3A_126 = tpu.memref_slice %arg11[%dma_start3A_124, %dma_start3A_125] : memref<10112x32xf32, #tpu.memory_space<vmem_shared>> -> memref<10112x32xf32, #tpu.memory_space<vmem_shared>>
      tpu.enqueue_indirect_dma source(%dma_start3A_120 : memref<1024x32xf32, #tpu.memory_space<vmem>>) target(%dma_start3A_126 : memref<10112x32xf32, #tpu.memory_space<vmem_shared>>) offsets(%dma_start3A_123 : memref<1024xi32, #tpu.memory_space<vmem>>) semaphore(%run_scoped3A_117 : memref<!tpu.dma_semaphore, #tpu.memory_space<semaphore_mem>>) {add = true}
      %dma_wait3A_127 = arith.constant 0 : i32
      %dma_wait3A_128 = arith.constant 0 : i32
      %dma_wait3A_129 = tpu.memref_slice %arg9[%dma_wait3A_127, %dma_wait3A_128] : memref<1024x32xf32, #tpu.memory_space<vmem>> -> memref<1024x32xf32, #tpu.memory_space<vmem>>
      %dma_wait3A_130 = arith.constant 0 : i32
      %dma_wait3A_131 = tpu.memref_slice %arg8[%run_scoped3A, %dma_wait3A_130] : memref<10x1024xi32, #tpu.memory_space<vmem>> -> memref<1x1024xi32, #tpu.memory_space<vmem>>
      %dma_wait3A_132 = tpu.memref_squeeze %dma_wait3A_131 : memref<1x1024xi32, #tpu.memory_space<vmem>> -> memref<1024xi32, #tpu.memory_space<vmem>>
      %dma_wait3A_133 = arith.constant 0 : i32
      %dma_wait3A_134 = arith.constant 0 : i32
      %dma_wait3A_135 = tpu.memref_slice %arg11[%dma_wait3A_133, %dma_wait3A_134] : memref<10112x32xf32, #tpu.memory_space<vmem_shared>> -> memref<10112x32xf32, #tpu.memory_space<vmem_shared>>
      tpu.wait_indirect_dma semaphore(%run_scoped3A_117 : memref<!tpu.dma_semaphore, #tpu.memory_space<semaphore_mem>>) src(%dma_wait3A_129 : memref<1024x32xf32, #tpu.memory_space<vmem>>) dst(%dma_wait3A_135 : memref<10112x32xf32, #tpu.memory_space<vmem_shared>>)
      tpu.yield
    }) : () -> ()
    %dma_wait3A_18 = arith.constant 1024 : i32
    %dma_wait3A_19 = tpu.memref_slice %arg7[%dma_wait3A_18] : memref<10240xi32, #tpu.memory_space<vmem>> -> memref<1024xi32, #tpu.memory_space<vmem>>
    %dma_wait3A_20 = arith.constant 0 : i32
    %dma_wait3A_21 = arith.constant 0 : i32
    %dma_wait3A_22 = tpu.memref_slice %arg3[%dma_wait3A_20, %dma_wait3A_21] : memref<10112x32xf32, #tpu.memory_space<hbm>> -> memref<10112x32xf32, #tpu.memory_space<hbm>>
    tpu.wait_indirect_dma semaphore(%arg13 : memref<!tpu.dma_semaphore, #tpu.memory_space<semaphore_mem>>) src(%dma_wait3A_22 : memref<10112x32xf32, #tpu.memory_space<hbm>>) dst(%arg10 : memref<1024x32xf32, #tpu.memory_space<vmem>>)
    %dma_start3A_23 = arith.constant 2048 : i32
    %dma_start3A_24 = tpu.memref_slice %arg7[%dma_start3A_23] : memref<10240xi32, #tpu.memory_space<vmem>> -> memref<1024xi32, #tpu.memory_space<vmem>>
    %dma_start3A_25 = arith.constant 0 : i32
    %dma_start3A_26 = arith.constant 0 : i32
    %dma_start3A_27 = tpu.memref_slice %arg3[%dma_start3A_25, %dma_start3A_26] : memref<10112x32xf32, #tpu.memory_space<hbm>> -> memref<10112x32xf32, #tpu.memory_space<hbm>>
    tpu.enqueue_indirect_dma source(%dma_start3A_27 : memref<10112x32xf32, #tpu.memory_space<hbm>>) target(%arg9 : memref<1024x32xf32, #tpu.memory_space<vmem>>) offsets(%dma_start3A_24 : memref<1024xi32, #tpu.memory_space<vmem>>) semaphore(%arg12 : memref<!tpu.dma_semaphore, #tpu.memory_space<semaphore_mem>>)
    %run_scoped3A_28 = arith.constant 1 : i32
    "tpu.region"() ({
      %run_scoped3A_117 = tpu.sem_alloc : memref<!tpu.dma_semaphore, #tpu.memory_space<semaphore_mem>>
      %dma_start3A_118 = arith.constant 0 : i32
      %dma_start3A_119 = arith.constant 0 : i32
      %dma_start3A_120 = tpu.memref_slice %arg10[%dma_start3A_118, %dma_start3A_119] : memref<1024x32xf32, #tpu.memory_space<vmem>> -> memref<1024x32xf32, #tpu.memory_space<vmem>>
      %dma_start3A_121 = arith.constant 0 : i32
      %dma_start3A_122 = tpu.memref_slice %arg8[%run_scoped3A_28, %dma_start3A_121] : memref<10x1024xi32, #tpu.memory_space<vmem>> -> memref<1x1024xi32, #tpu.memory_space<vmem>>
      %dma_start3A_123 = tpu.memref_squeeze %dma_start3A_122 : memref<1x1024xi32, #tpu.memory_space<vmem>> -> memref<1024xi32, #tpu.memory_space<vmem>>
      %dma_start3A_124 = arith.constant 0 : i32
      %dma_start3A_125 = arith.constant 0 : i32
      %dma_start3A_126 = tpu.memref_slice %arg11[%dma_start3A_124, %dma_start3A_125] : memref<10112x32xf32, #tpu.memory_space<vmem_shared>> -> memref<10112x32xf32, #tpu.memory_space<vmem_shared>>
      tpu.enqueue_indirect_dma source(%dma_start3A_120 : memref<1024x32xf32, #tpu.memory_space<vmem>>) target(%dma_start3A_126 : memref<10112x32xf32, #tpu.memory_space<vmem_shared>>) offsets(%dma_start3A_123 : memref<1024xi32, #tpu.memory_space<vmem>>) semaphore(%run_scoped3A_117 : memref<!tpu.dma_semaphore, #tpu.memory_space<semaphore_mem>>) {add = true}
      %dma_wait3A_127 = arith.constant 0 : i32
      %dma_wait3A_128 = arith.constant 0 : i32
      %dma_wait3A_129 = tpu.memref_slice %arg10[%dma_wait3A_127, %dma_wait3A_128] : memref<1024x32xf32, #tpu.memory_space<vmem>> -> memref<1024x32xf32, #tpu.memory_space<vmem>>
      %dma_wait3A_130 = arith.constant 0 : i32
      %dma_wait3A_131 = tpu.memref_slice %arg8[%run_scoped3A_28, %dma_wait3A_130] : memref<10x1024xi32, #tpu.memory_space<vmem>> -> memref<1x1024xi32, #tpu.memory_space<vmem>>
      %dma_wait3A_132 = tpu.memref_squeeze %dma_wait3A_131 : memref<1x1024xi32, #tpu.memory_space<vmem>> -> memref<1024xi32, #tpu.memory_space<vmem>>
      %dma_wait3A_133 = arith.constant 0 : i32
      %dma_wait3A_134 = arith.constant 0 : i32
      %dma_wait3A_135 = tpu.memref_slice %arg11[%dma_wait3A_133, %dma_wait3A_134] : memref<10112x32xf32, #tpu.memory_space<vmem_shared>> -> memref<10112x32xf32, #tpu.memory_space<vmem_shared>>
      tpu.wait_indirect_dma semaphore(%run_scoped3A_117 : memref<!tpu.dma_semaphore, #tpu.memory_space<semaphore_mem>>) src(%dma_wait3A_129 : memref<1024x32xf32, #tpu.memory_space<vmem>>) dst(%dma_wait3A_135 : memref<10112x32xf32, #tpu.memory_space<vmem_shared>>)
      tpu.yield
    }) : () -> ()
    %dma_wait3A_29 = arith.constant 2048 : i32
    %dma_wait3A_30 = tpu.memref_slice %arg7[%dma_wait3A_29] : memref<10240xi32, #tpu.memory_space<vmem>> -> memref<1024xi32, #tpu.memory_space<vmem>>
    %dma_wait3A_31 = arith.constant 0 : i32
    %dma_wait3A_32 = arith.constant 0 : i32
    %dma_wait3A_33 = tpu.memref_slice %arg3[%dma_wait3A_31, %dma_wait3A_32] : memref<10112x32xf32, #tpu.memory_space<hbm>> -> memref<10112x32xf32, #tpu.memory_space<hbm>>
    tpu.wait_indirect_dma semaphore(%arg12 : memref<!tpu.dma_semaphore, #tpu.memory_space<semaphore_mem>>) src(%dma_wait3A_33 : memref<10112x32xf32, #tpu.memory_space<hbm>>) dst(%arg9 : memref<1024x32xf32, #tpu.memory_space<vmem>>)
    %dma_start3A_34 = arith.constant 3072 : i32
    %dma_start3A_35 = tpu.memref_slice %arg7[%dma_start3A_34] : memref<10240xi32, #tpu.memory_space<vmem>> -> memref<1024xi32, #tpu.memory_space<vmem>>
    %dma_start3A_36 = arith.constant 0 : i32
    %dma_start3A_37 = arith.constant 0 : i32
    %dma_start3A_38 = tpu.memref_slice %arg3[%dma_start3A_36, %dma_start3A_37] : memref<10112x32xf32, #tpu.memory_space<hbm>> -> memref<10112x32xf32, #tpu.memory_space<hbm>>
    tpu.enqueue_indirect_dma source(%dma_start3A_38 : memref<10112x32xf32, #tpu.memory_space<hbm>>) target(%arg10 : memref<1024x32xf32, #tpu.memory_space<vmem>>) offsets(%dma_start3A_35 : memref<1024xi32, #tpu.memory_space<vmem>>) semaphore(%arg13 : memref<!tpu.dma_semaphore, #tpu.memory_space<semaphore_mem>>)
    %run_scoped3A_39 = arith.constant 2 : i32
    "tpu.region"() ({
      %run_scoped3A_117 = tpu.sem_alloc : memref<!tpu.dma_semaphore, #tpu.memory_space<semaphore_mem>>
      %dma_start3A_118 = arith.constant 0 : i32
      %dma_start3A_119 = arith.constant 0 : i32
      %dma_start3A_120 = tpu.memref_slice %arg9[%dma_start3A_118, %dma_start3A_119] : memref<1024x32xf32, #tpu.memory_space<vmem>> -> memref<1024x32xf32, #tpu.memory_space<vmem>>
      %dma_start3A_121 = arith.constant 0 : i32
      %dma_start3A_122 = tpu.memref_slice %arg8[%run_scoped3A_39, %dma_start3A_121] : memref<10x1024xi32, #tpu.memory_space<vmem>> -> memref<1x1024xi32, #tpu.memory_space<vmem>>
      %dma_start3A_123 = tpu.memref_squeeze %dma_start3A_122 : memref<1x1024xi32, #tpu.memory_space<vmem>> -> memref<1024xi32, #tpu.memory_space<vmem>>
      %dma_start3A_124 = arith.constant 0 : i32
      %dma_start3A_125 = arith.constant 0 : i32
      %dma_start3A_126 = tpu.memref_slice %arg11[%dma_start3A_124, %dma_start3A_125] : memref<10112x32xf32, #tpu.memory_space<vmem_shared>> -> memref<10112x32xf32, #tpu.memory_space<vmem_shared>>
      tpu.enqueue_indirect_dma source(%dma_start3A_120 : memref<1024x32xf32, #tpu.memory_space<vmem>>) target(%dma_start3A_126 : memref<10112x32xf32, #tpu.memory_space<vmem_shared>>) offsets(%dma_start3A_123 : memref<1024xi32, #tpu.memory_space<vmem>>) semaphore(%run_scoped3A_117 : memref<!tpu.dma_semaphore, #tpu.memory_space<semaphore_mem>>) {add = true}
      %dma_wait3A_127 = arith.constant 0 : i32
      %dma_wait3A_128 = arith.constant 0 : i32
      %dma_wait3A_129 = tpu.memref_slice %arg9[%dma_wait3A_127, %dma_wait3A_128] : memref<1024x32xf32, #tpu.memory_space<vmem>> -> memref<1024x32xf32, #tpu.memory_space<vmem>>
      %dma_wait3A_130 = arith.constant 0 : i32
      %dma_wait3A_131 = tpu.memref_slice %arg8[%run_scoped3A_39, %dma_wait3A_130] : memref<10x1024xi32, #tpu.memory_space<vmem>> -> memref<1x1024xi32, #tpu.memory_space<vmem>>
      %dma_wait3A_132 = tpu.memref_squeeze %dma_wait3A_131 : memref<1x1024xi32, #tpu.memory_space<vmem>> -> memref<1024xi32, #tpu.memory_space<vmem>>
      %dma_wait3A_133 = arith.constant 0 : i32
      %dma_wait3A_134 = arith.constant 0 : i32
      %dma_wait3A_135 = tpu.memref_slice %arg11[%dma_wait3A_133, %dma_wait3A_134] : memref<10112x32xf32, #tpu.memory_space<vmem_shared>> -> memref<10112x32xf32, #tpu.memory_space<vmem_shared>>
      tpu.wait_indirect_dma semaphore(%run_scoped3A_117 : memref<!tpu.dma_semaphore, #tpu.memory_space<semaphore_mem>>) src(%dma_wait3A_129 : memref<1024x32xf32, #tpu.memory_space<vmem>>) dst(%dma_wait3A_135 : memref<10112x32xf32, #tpu.memory_space<vmem_shared>>)
      tpu.yield
    }) : () -> ()
    %dma_wait3A_40 = arith.constant 3072 : i32
    %dma_wait3A_41 = tpu.memref_slice %arg7[%dma_wait3A_40] : memref<10240xi32, #tpu.memory_space<vmem>> -> memref<1024xi32, #tpu.memory_space<vmem>>
    %dma_wait3A_42 = arith.constant 0 : i32
    %dma_wait3A_43 = arith.constant 0 : i32
    %dma_wait3A_44 = tpu.memref_slice %arg3[%dma_wait3A_42, %dma_wait3A_43] : memref<10112x32xf32, #tpu.memory_space<hbm>> -> memref<10112x32xf32, #tpu.memory_space<hbm>>
    tpu.wait_indirect_dma semaphore(%arg13 : memref<!tpu.dma_semaphore, #tpu.memory_space<semaphore_mem>>) src(%dma_wait3A_44 : memref<10112x32xf32, #tpu.memory_space<hbm>>) dst(%arg10 : memref<1024x32xf32, #tpu.memory_space<vmem>>)
    %dma_start3A_45 = arith.constant 4096 : i32
    %dma_start3A_46 = tpu.memref_slice %arg7[%dma_start3A_45] : memref<10240xi32, #tpu.memory_space<vmem>> -> memref<1024xi32, #tpu.memory_space<vmem>>
    %dma_start3A_47 = arith.constant 0 : i32
    %dma_start3A_48 = arith.constant 0 : i32
    %dma_start3A_49 = tpu.memref_slice %arg3[%dma_start3A_47, %dma_start3A_48] : memref<10112x32xf32, #tpu.memory_space<hbm>> -> memref<10112x32xf32, #tpu.memory_space<hbm>>
    tpu.enqueue_indirect_dma source(%dma_start3A_49 : memref<10112x32xf32, #tpu.memory_space<hbm>>) target(%arg9 : memref<1024x32xf32, #tpu.memory_space<vmem>>) offsets(%dma_start3A_46 : memref<1024xi32, #tpu.memory_space<vmem>>) semaphore(%arg12 : memref<!tpu.dma_semaphore, #tpu.memory_space<semaphore_mem>>)
    %run_scoped3A_50 = arith.constant 3 : i32
    "tpu.region"() ({
      %run_scoped3A_117 = tpu.sem_alloc : memref<!tpu.dma_semaphore, #tpu.memory_space<semaphore_mem>>
      %dma_start3A_118 = arith.constant 0 : i32
      %dma_start3A_119 = arith.constant 0 : i32
      %dma_start3A_120 = tpu.memref_slice %arg10[%dma_start3A_118, %dma_start3A_119] : memref<1024x32xf32, #tpu.memory_space<vmem>> -> memref<1024x32xf32, #tpu.memory_space<vmem>>
      %dma_start3A_121 = arith.constant 0 : i32
      %dma_start3A_122 = tpu.memref_slice %arg8[%run_scoped3A_50, %dma_start3A_121] : memref<10x1024xi32, #tpu.memory_space<vmem>> -> memref<1x1024xi32, #tpu.memory_space<vmem>>
      %dma_start3A_123 = tpu.memref_squeeze %dma_start3A_122 : memref<1x1024xi32, #tpu.memory_space<vmem>> -> memref<1024xi32, #tpu.memory_space<vmem>>
      %dma_start3A_124 = arith.constant 0 : i32
      %dma_start3A_125 = arith.constant 0 : i32
      %dma_start3A_126 = tpu.memref_slice %arg11[%dma_start3A_124, %dma_start3A_125] : memref<10112x32xf32, #tpu.memory_space<vmem_shared>> -> memref<10112x32xf32, #tpu.memory_space<vmem_shared>>
      tpu.enqueue_indirect_dma source(%dma_start3A_120 : memref<1024x32xf32, #tpu.memory_space<vmem>>) target(%dma_start3A_126 : memref<10112x32xf32, #tpu.memory_space<vmem_shared>>) offsets(%dma_start3A_123 : memref<1024xi32, #tpu.memory_space<vmem>>) semaphore(%run_scoped3A_117 : memref<!tpu.dma_semaphore, #tpu.memory_space<semaphore_mem>>) {add = true}
      %dma_wait3A_127 = arith.constant 0 : i32
      %dma_wait3A_128 = arith.constant 0 : i32
      %dma_wait3A_129 = tpu.memref_slice %arg10[%dma_wait3A_127, %dma_wait3A_128] : memref<1024x32xf32, #tpu.memory_space<vmem>> -> memref<1024x32xf32, #tpu.memory_space<vmem>>
      %dma_wait3A_130 = arith.constant 0 : i32
      %dma_wait3A_131 = tpu.memref_slice %arg8[%run_scoped3A_50, %dma_wait3A_130] : memref<10x1024xi32, #tpu.memory_space<vmem>> -> memref<1x1024xi32, #tpu.memory_space<vmem>>
      %dma_wait3A_132 = tpu.memref_squeeze %dma_wait3A_131 : memref<1x1024xi32, #tpu.memory_space<vmem>> -> memref<1024xi32, #tpu.memory_space<vmem>>
      %dma_wait3A_133 = arith.constant 0 : i32
      %dma_wait3A_134 = arith.constant 0 : i32
      %dma_wait3A_135 = tpu.memref_slice %arg11[%dma_wait3A_133, %dma_wait3A_134] : memref<10112x32xf32, #tpu.memory_space<vmem_shared>> -> memref<10112x32xf32, #tpu.memory_space<vmem_shared>>
      tpu.wait_indirect_dma semaphore(%run_scoped3A_117 : memref<!tpu.dma_semaphore, #tpu.memory_space<semaphore_mem>>) src(%dma_wait3A_129 : memref<1024x32xf32, #tpu.memory_space<vmem>>) dst(%dma_wait3A_135 : memref<10112x32xf32, #tpu.memory_space<vmem_shared>>)
      tpu.yield
    }) : () -> ()
    %dma_wait3A_51 = arith.constant 4096 : i32
    %dma_wait3A_52 = tpu.memref_slice %arg7[%dma_wait3A_51] : memref<10240xi32, #tpu.memory_space<vmem>> -> memref<1024xi32, #tpu.memory_space<vmem>>
    %dma_wait3A_53 = arith.constant 0 : i32
    %dma_wait3A_54 = arith.constant 0 : i32
    %dma_wait3A_55 = tpu.memref_slice %arg3[%dma_wait3A_53, %dma_wait3A_54] : memref<10112x32xf32, #tpu.memory_space<hbm>> -> memref<10112x32xf32, #tpu.memory_space<hbm>>
    tpu.wait_indirect_dma semaphore(%arg12 : memref<!tpu.dma_semaphore, #tpu.memory_space<semaphore_mem>>) src(%dma_wait3A_55 : memref<10112x32xf32, #tpu.memory_space<hbm>>) dst(%arg9 : memref<1024x32xf32, #tpu.memory_space<vmem>>)
    %dma_start3A_56 = arith.constant 5120 : i32
    %dma_start3A_57 = tpu.memref_slice %arg7[%dma_start3A_56] : memref<10240xi32, #tpu.memory_space<vmem>> -> memref<1024xi32, #tpu.memory_space<vmem>>
    %dma_start3A_58 = arith.constant 0 : i32
    %dma_start3A_59 = arith.constant 0 : i32
    %dma_start3A_60 = tpu.memref_slice %arg3[%dma_start3A_58, %dma_start3A_59] : memref<10112x32xf32, #tpu.memory_space<hbm>> -> memref<10112x32xf32, #tpu.memory_space<hbm>>
    tpu.enqueue_indirect_dma source(%dma_start3A_60 : memref<10112x32xf32, #tpu.memory_space<hbm>>) target(%arg10 : memref<1024x32xf32, #tpu.memory_space<vmem>>) offsets(%dma_start3A_57 : memref<1024xi32, #tpu.memory_space<vmem>>) semaphore(%arg13 : memref<!tpu.dma_semaphore, #tpu.memory_space<semaphore_mem>>)
    %run_scoped3A_61 = arith.constant 4 : i32
    "tpu.region"() ({
      %run_scoped3A_117 = tpu.sem_alloc : memref<!tpu.dma_semaphore, #tpu.memory_space<semaphore_mem>>
      %dma_start3A_118 = arith.constant 0 : i32
      %dma_start3A_119 = arith.constant 0 : i32
      %dma_start3A_120 = tpu.memref_slice %arg9[%dma_start3A_118, %dma_start3A_119] : memref<1024x32xf32, #tpu.memory_space<vmem>> -> memref<1024x32xf32, #tpu.memory_space<vmem>>
      %dma_start3A_121 = arith.constant 0 : i32
      %dma_start3A_122 = tpu.memref_slice %arg8[%run_scoped3A_61, %dma_start3A_121] : memref<10x1024xi32, #tpu.memory_space<vmem>> -> memref<1x1024xi32, #tpu.memory_space<vmem>>
      %dma_start3A_123 = tpu.memref_squeeze %dma_start3A_122 : memref<1x1024xi32, #tpu.memory_space<vmem>> -> memref<1024xi32, #tpu.memory_space<vmem>>
      %dma_start3A_124 = arith.constant 0 : i32
      %dma_start3A_125 = arith.constant 0 : i32
      %dma_start3A_126 = tpu.memref_slice %arg11[%dma_start3A_124, %dma_start3A_125] : memref<10112x32xf32, #tpu.memory_space<vmem_shared>> -> memref<10112x32xf32, #tpu.memory_space<vmem_shared>>
      tpu.enqueue_indirect_dma source(%dma_start3A_120 : memref<1024x32xf32, #tpu.memory_space<vmem>>) target(%dma_start3A_126 : memref<10112x32xf32, #tpu.memory_space<vmem_shared>>) offsets(%dma_start3A_123 : memref<1024xi32, #tpu.memory_space<vmem>>) semaphore(%run_scoped3A_117 : memref<!tpu.dma_semaphore, #tpu.memory_space<semaphore_mem>>) {add = true}
      %dma_wait3A_127 = arith.constant 0 : i32
      %dma_wait3A_128 = arith.constant 0 : i32
      %dma_wait3A_129 = tpu.memref_slice %arg9[%dma_wait3A_127, %dma_wait3A_128] : memref<1024x32xf32, #tpu.memory_space<vmem>> -> memref<1024x32xf32, #tpu.memory_space<vmem>>
      %dma_wait3A_130 = arith.constant 0 : i32
      %dma_wait3A_131 = tpu.memref_slice %arg8[%run_scoped3A_61, %dma_wait3A_130] : memref<10x1024xi32, #tpu.memory_space<vmem>> -> memref<1x1024xi32, #tpu.memory_space<vmem>>
      %dma_wait3A_132 = tpu.memref_squeeze %dma_wait3A_131 : memref<1x1024xi32, #tpu.memory_space<vmem>> -> memref<1024xi32, #tpu.memory_space<vmem>>
      %dma_wait3A_133 = arith.constant 0 : i32
      %dma_wait3A_134 = arith.constant 0 : i32
      %dma_wait3A_135 = tpu.memref_slice %arg11[%dma_wait3A_133, %dma_wait3A_134] : memref<10112x32xf32, #tpu.memory_space<vmem_shared>> -> memref<10112x32xf32, #tpu.memory_space<vmem_shared>>
      tpu.wait_indirect_dma semaphore(%run_scoped3A_117 : memref<!tpu.dma_semaphore, #tpu.memory_space<semaphore_mem>>) src(%dma_wait3A_129 : memref<1024x32xf32, #tpu.memory_space<vmem>>) dst(%dma_wait3A_135 : memref<10112x32xf32, #tpu.memory_space<vmem_shared>>)
      tpu.yield
    }) : () -> ()
    %dma_wait3A_62 = arith.constant 5120 : i32
    %dma_wait3A_63 = tpu.memref_slice %arg7[%dma_wait3A_62] : memref<10240xi32, #tpu.memory_space<vmem>> -> memref<1024xi32, #tpu.memory_space<vmem>>
    %dma_wait3A_64 = arith.constant 0 : i32
    %dma_wait3A_65 = arith.constant 0 : i32
    %dma_wait3A_66 = tpu.memref_slice %arg3[%dma_wait3A_64, %dma_wait3A_65] : memref<10112x32xf32, #tpu.memory_space<hbm>> -> memref<10112x32xf32, #tpu.memory_space<hbm>>
    tpu.wait_indirect_dma semaphore(%arg13 : memref<!tpu.dma_semaphore, #tpu.memory_space<semaphore_mem>>) src(%dma_wait3A_66 : memref<10112x32xf32, #tpu.memory_space<hbm>>) dst(%arg10 : memref<1024x32xf32, #tpu.memory_space<vmem>>)
    %dma_start3A_67 = arith.constant 6144 : i32
    %dma_start3A_68 = tpu.memref_slice %arg7[%dma_start3A_67] : memref<10240xi32, #tpu.memory_space<vmem>> -> memref<1024xi32, #tpu.memory_space<vmem>>
    %dma_start3A_69 = arith.constant 0 : i32
    %dma_start3A_70 = arith.constant 0 : i32
    %dma_start3A_71 = tpu.memref_slice %arg3[%dma_start3A_69, %dma_start3A_70] : memref<10112x32xf32, #tpu.memory_space<hbm>> -> memref<10112x32xf32, #tpu.memory_space<hbm>>
    tpu.enqueue_indirect_dma source(%dma_start3A_71 : memref<10112x32xf32, #tpu.memory_space<hbm>>) target(%arg9 : memref<1024x32xf32, #tpu.memory_space<vmem>>) offsets(%dma_start3A_68 : memref<1024xi32, #tpu.memory_space<vmem>>) semaphore(%arg12 : memref<!tpu.dma_semaphore, #tpu.memory_space<semaphore_mem>>)
    %run_scoped3A_72 = arith.constant 5 : i32
    "tpu.region"() ({
      %run_scoped3A_117 = tpu.sem_alloc : memref<!tpu.dma_semaphore, #tpu.memory_space<semaphore_mem>>
      %dma_start3A_118 = arith.constant 0 : i32
      %dma_start3A_119 = arith.constant 0 : i32
      %dma_start3A_120 = tpu.memref_slice %arg10[%dma_start3A_118, %dma_start3A_119] : memref<1024x32xf32, #tpu.memory_space<vmem>> -> memref<1024x32xf32, #tpu.memory_space<vmem>>
      %dma_start3A_121 = arith.constant 0 : i32
      %dma_start3A_122 = tpu.memref_slice %arg8[%run_scoped3A_72, %dma_start3A_121] : memref<10x1024xi32, #tpu.memory_space<vmem>> -> memref<1x1024xi32, #tpu.memory_space<vmem>>
      %dma_start3A_123 = tpu.memref_squeeze %dma_start3A_122 : memref<1x1024xi32, #tpu.memory_space<vmem>> -> memref<1024xi32, #tpu.memory_space<vmem>>
      %dma_start3A_124 = arith.constant 0 : i32
      %dma_start3A_125 = arith.constant 0 : i32
      %dma_start3A_126 = tpu.memref_slice %arg11[%dma_start3A_124, %dma_start3A_125] : memref<10112x32xf32, #tpu.memory_space<vmem_shared>> -> memref<10112x32xf32, #tpu.memory_space<vmem_shared>>
      tpu.enqueue_indirect_dma source(%dma_start3A_120 : memref<1024x32xf32, #tpu.memory_space<vmem>>) target(%dma_start3A_126 : memref<10112x32xf32, #tpu.memory_space<vmem_shared>>) offsets(%dma_start3A_123 : memref<1024xi32, #tpu.memory_space<vmem>>) semaphore(%run_scoped3A_117 : memref<!tpu.dma_semaphore, #tpu.memory_space<semaphore_mem>>) {add = true}
      %dma_wait3A_127 = arith.constant 0 : i32
      %dma_wait3A_128 = arith.constant 0 : i32
      %dma_wait3A_129 = tpu.memref_slice %arg10[%dma_wait3A_127, %dma_wait3A_128] : memref<1024x32xf32, #tpu.memory_space<vmem>> -> memref<1024x32xf32, #tpu.memory_space<vmem>>
      %dma_wait3A_130 = arith.constant 0 : i32
      %dma_wait3A_131 = tpu.memref_slice %arg8[%run_scoped3A_72, %dma_wait3A_130] : memref<10x1024xi32, #tpu.memory_space<vmem>> -> memref<1x1024xi32, #tpu.memory_space<vmem>>
      %dma_wait3A_132 = tpu.memref_squeeze %dma_wait3A_131 : memref<1x1024xi32, #tpu.memory_space<vmem>> -> memref<1024xi32, #tpu.memory_space<vmem>>
      %dma_wait3A_133 = arith.constant 0 : i32
      %dma_wait3A_134 = arith.constant 0 : i32
      %dma_wait3A_135 = tpu.memref_slice %arg11[%dma_wait3A_133, %dma_wait3A_134] : memref<10112x32xf32, #tpu.memory_space<vmem_shared>> -> memref<10112x32xf32, #tpu.memory_space<vmem_shared>>
      tpu.wait_indirect_dma semaphore(%run_scoped3A_117 : memref<!tpu.dma_semaphore, #tpu.memory_space<semaphore_mem>>) src(%dma_wait3A_129 : memref<1024x32xf32, #tpu.memory_space<vmem>>) dst(%dma_wait3A_135 : memref<10112x32xf32, #tpu.memory_space<vmem_shared>>)
      tpu.yield
    }) : () -> ()
    %dma_wait3A_73 = arith.constant 6144 : i32
    %dma_wait3A_74 = tpu.memref_slice %arg7[%dma_wait3A_73] : memref<10240xi32, #tpu.memory_space<vmem>> -> memref<1024xi32, #tpu.memory_space<vmem>>
    %dma_wait3A_75 = arith.constant 0 : i32
    %dma_wait3A_76 = arith.constant 0 : i32
    %dma_wait3A_77 = tpu.memref_slice %arg3[%dma_wait3A_75, %dma_wait3A_76] : memref<10112x32xf32, #tpu.memory_space<hbm>> -> memref<10112x32xf32, #tpu.memory_space<hbm>>
    tpu.wait_indirect_dma semaphore(%arg12 : memref<!tpu.dma_semaphore, #tpu.memory_space<semaphore_mem>>) src(%dma_wait3A_77 : memref<10112x32xf32, #tpu.memory_space<hbm>>) dst(%arg9 : memref<1024x32xf32, #tpu.memory_space<vmem>>)
    %dma_start3A_78 = arith.constant 7168 : i32
    %dma_start3A_79 = tpu.memref_slice %arg7[%dma_start3A_78] : memref<10240xi32, #tpu.memory_space<vmem>> -> memref<1024xi32, #tpu.memory_space<vmem>>
    %dma_start3A_80 = arith.constant 0 : i32
    %dma_start3A_81 = arith.constant 0 : i32
    %dma_start3A_82 = tpu.memref_slice %arg3[%dma_start3A_80, %dma_start3A_81] : memref<10112x32xf32, #tpu.memory_space<hbm>> -> memref<10112x32xf32, #tpu.memory_space<hbm>>
    tpu.enqueue_indirect_dma source(%dma_start3A_82 : memref<10112x32xf32, #tpu.memory_space<hbm>>) target(%arg10 : memref<1024x32xf32, #tpu.memory_space<vmem>>) offsets(%dma_start3A_79 : memref<1024xi32, #tpu.memory_space<vmem>>) semaphore(%arg13 : memref<!tpu.dma_semaphore, #tpu.memory_space<semaphore_mem>>)
    %run_scoped3A_83 = arith.constant 6 : i32
    "tpu.region"() ({
      %run_scoped3A_117 = tpu.sem_alloc : memref<!tpu.dma_semaphore, #tpu.memory_space<semaphore_mem>>
      %dma_start3A_118 = arith.constant 0 : i32
      %dma_start3A_119 = arith.constant 0 : i32
      %dma_start3A_120 = tpu.memref_slice %arg9[%dma_start3A_118, %dma_start3A_119] : memref<1024x32xf32, #tpu.memory_space<vmem>> -> memref<1024x32xf32, #tpu.memory_space<vmem>>
      %dma_start3A_121 = arith.constant 0 : i32
      %dma_start3A_122 = tpu.memref_slice %arg8[%run_scoped3A_83, %dma_start3A_121] : memref<10x1024xi32, #tpu.memory_space<vmem>> -> memref<1x1024xi32, #tpu.memory_space<vmem>>
      %dma_start3A_123 = tpu.memref_squeeze %dma_start3A_122 : memref<1x1024xi32, #tpu.memory_space<vmem>> -> memref<1024xi32, #tpu.memory_space<vmem>>
      %dma_start3A_124 = arith.constant 0 : i32
      %dma_start3A_125 = arith.constant 0 : i32
      %dma_start3A_126 = tpu.memref_slice %arg11[%dma_start3A_124, %dma_start3A_125] : memref<10112x32xf32, #tpu.memory_space<vmem_shared>> -> memref<10112x32xf32, #tpu.memory_space<vmem_shared>>
      tpu.enqueue_indirect_dma source(%dma_start3A_120 : memref<1024x32xf32, #tpu.memory_space<vmem>>) target(%dma_start3A_126 : memref<10112x32xf32, #tpu.memory_space<vmem_shared>>) offsets(%dma_start3A_123 : memref<1024xi32, #tpu.memory_space<vmem>>) semaphore(%run_scoped3A_117 : memref<!tpu.dma_semaphore, #tpu.memory_space<semaphore_mem>>) {add = true}
      %dma_wait3A_127 = arith.constant 0 : i32
      %dma_wait3A_128 = arith.constant 0 : i32
      %dma_wait3A_129 = tpu.memref_slice %arg9[%dma_wait3A_127, %dma_wait3A_128] : memref<1024x32xf32, #tpu.memory_space<vmem>> -> memref<1024x32xf32, #tpu.memory_space<vmem>>
      %dma_wait3A_130 = arith.constant 0 : i32
      %dma_wait3A_131 = tpu.memref_slice %arg8[%run_scoped3A_83, %dma_wait3A_130] : memref<10x1024xi32, #tpu.memory_space<vmem>> -> memref<1x1024xi32, #tpu.memory_space<vmem>>
      %dma_wait3A_132 = tpu.memref_squeeze %dma_wait3A_131 : memref<1x1024xi32, #tpu.memory_space<vmem>> -> memref<1024xi32, #tpu.memory_space<vmem>>
      %dma_wait3A_133 = arith.constant 0 : i32
      %dma_wait3A_134 = arith.constant 0 : i32
      %dma_wait3A_135 = tpu.memref_slice %arg11[%dma_wait3A_133, %dma_wait3A_134] : memref<10112x32xf32, #tpu.memory_space<vmem_shared>> -> memref<10112x32xf32, #tpu.memory_space<vmem_shared>>
      tpu.wait_indirect_dma semaphore(%run_scoped3A_117 : memref<!tpu.dma_semaphore, #tpu.memory_space<semaphore_mem>>) src(%dma_wait3A_129 : memref<1024x32xf32, #tpu.memory_space<vmem>>) dst(%dma_wait3A_135 : memref<10112x32xf32, #tpu.memory_space<vmem_shared>>)
      tpu.yield
    }) : () -> ()
    %dma_wait3A_84 = arith.constant 7168 : i32
    %dma_wait3A_85 = tpu.memref_slice %arg7[%dma_wait3A_84] : memref<10240xi32, #tpu.memory_space<vmem>> -> memref<1024xi32, #tpu.memory_space<vmem>>
    %dma_wait3A_86 = arith.constant 0 : i32
    %dma_wait3A_87 = arith.constant 0 : i32
    %dma_wait3A_88 = tpu.memref_slice %arg3[%dma_wait3A_86, %dma_wait3A_87] : memref<10112x32xf32, #tpu.memory_space<hbm>> -> memref<10112x32xf32, #tpu.memory_space<hbm>>
    tpu.wait_indirect_dma semaphore(%arg13 : memref<!tpu.dma_semaphore, #tpu.memory_space<semaphore_mem>>) src(%dma_wait3A_88 : memref<10112x32xf32, #tpu.memory_space<hbm>>) dst(%arg10 : memref<1024x32xf32, #tpu.memory_space<vmem>>)
    %dma_start3A_89 = arith.constant 8192 : i32
    %dma_start3A_90 = tpu.memref_slice %arg7[%dma_start3A_89] : memref<10240xi32, #tpu.memory_space<vmem>> -> memref<1024xi32, #tpu.memory_space<vmem>>
    %dma_start3A_91 = arith.constant 0 : i32
    %dma_start3A_92 = arith.constant 0 : i32
    %dma_start3A_93 = tpu.memref_slice %arg3[%dma_start3A_91, %dma_start3A_92] : memref<10112x32xf32, #tpu.memory_space<hbm>> -> memref<10112x32xf32, #tpu.memory_space<hbm>>
    tpu.enqueue_indirect_dma source(%dma_start3A_93 : memref<10112x32xf32, #tpu.memory_space<hbm>>) target(%arg9 : memref<1024x32xf32, #tpu.memory_space<vmem>>) offsets(%dma_start3A_90 : memref<1024xi32, #tpu.memory_space<vmem>>) semaphore(%arg12 : memref<!tpu.dma_semaphore, #tpu.memory_space<semaphore_mem>>)
    %run_scoped3A_94 = arith.constant 7 : i32
    "tpu.region"() ({
      %run_scoped3A_117 = tpu.sem_alloc : memref<!tpu.dma_semaphore, #tpu.memory_space<semaphore_mem>>
      %dma_start3A_118 = arith.constant 0 : i32
      %dma_start3A_119 = arith.constant 0 : i32
      %dma_start3A_120 = tpu.memref_slice %arg10[%dma_start3A_118, %dma_start3A_119] : memref<1024x32xf32, #tpu.memory_space<vmem>> -> memref<1024x32xf32, #tpu.memory_space<vmem>>
      %dma_start3A_121 = arith.constant 0 : i32
      %dma_start3A_122 = tpu.memref_slice %arg8[%run_scoped3A_94, %dma_start3A_121] : memref<10x1024xi32, #tpu.memory_space<vmem>> -> memref<1x1024xi32, #tpu.memory_space<vmem>>
      %dma_start3A_123 = tpu.memref_squeeze %dma_start3A_122 : memref<1x1024xi32, #tpu.memory_space<vmem>> -> memref<1024xi32, #tpu.memory_space<vmem>>
      %dma_start3A_124 = arith.constant 0 : i32
      %dma_start3A_125 = arith.constant 0 : i32
      %dma_start3A_126 = tpu.memref_slice %arg11[%dma_start3A_124, %dma_start3A_125] : memref<10112x32xf32, #tpu.memory_space<vmem_shared>> -> memref<10112x32xf32, #tpu.memory_space<vmem_shared>>
      tpu.enqueue_indirect_dma source(%dma_start3A_120 : memref<1024x32xf32, #tpu.memory_space<vmem>>) target(%dma_start3A_126 : memref<10112x32xf32, #tpu.memory_space<vmem_shared>>) offsets(%dma_start3A_123 : memref<1024xi32, #tpu.memory_space<vmem>>) semaphore(%run_scoped3A_117 : memref<!tpu.dma_semaphore, #tpu.memory_space<semaphore_mem>>) {add = true}
      %dma_wait3A_127 = arith.constant 0 : i32
      %dma_wait3A_128 = arith.constant 0 : i32
      %dma_wait3A_129 = tpu.memref_slice %arg10[%dma_wait3A_127, %dma_wait3A_128] : memref<1024x32xf32, #tpu.memory_space<vmem>> -> memref<1024x32xf32, #tpu.memory_space<vmem>>
      %dma_wait3A_130 = arith.constant 0 : i32
      %dma_wait3A_131 = tpu.memref_slice %arg8[%run_scoped3A_94, %dma_wait3A_130] : memref<10x1024xi32, #tpu.memory_space<vmem>> -> memref<1x1024xi32, #tpu.memory_space<vmem>>
      %dma_wait3A_132 = tpu.memref_squeeze %dma_wait3A_131 : memref<1x1024xi32, #tpu.memory_space<vmem>> -> memref<1024xi32, #tpu.memory_space<vmem>>
      %dma_wait3A_133 = arith.constant 0 : i32
      %dma_wait3A_134 = arith.constant 0 : i32
      %dma_wait3A_135 = tpu.memref_slice %arg11[%dma_wait3A_133, %dma_wait3A_134] : memref<10112x32xf32, #tpu.memory_space<vmem_shared>> -> memref<10112x32xf32, #tpu.memory_space<vmem_shared>>
      tpu.wait_indirect_dma semaphore(%run_scoped3A_117 : memref<!tpu.dma_semaphore, #tpu.memory_space<semaphore_mem>>) src(%dma_wait3A_129 : memref<1024x32xf32, #tpu.memory_space<vmem>>) dst(%dma_wait3A_135 : memref<10112x32xf32, #tpu.memory_space<vmem_shared>>)
      tpu.yield
    }) : () -> ()
    %dma_wait3A_95 = arith.constant 8192 : i32
    %dma_wait3A_96 = tpu.memref_slice %arg7[%dma_wait3A_95] : memref<10240xi32, #tpu.memory_space<vmem>> -> memref<1024xi32, #tpu.memory_space<vmem>>
    %dma_wait3A_97 = arith.constant 0 : i32
    %dma_wait3A_98 = arith.constant 0 : i32
    %dma_wait3A_99 = tpu.memref_slice %arg3[%dma_wait3A_97, %dma_wait3A_98] : memref<10112x32xf32, #tpu.memory_space<hbm>> -> memref<10112x32xf32, #tpu.memory_space<hbm>>
    tpu.wait_indirect_dma semaphore(%arg12 : memref<!tpu.dma_semaphore, #tpu.memory_space<semaphore_mem>>) src(%dma_wait3A_99 : memref<10112x32xf32, #tpu.memory_space<hbm>>) dst(%arg9 : memref<1024x32xf32, #tpu.memory_space<vmem>>)
    %dma_start3A_100 = arith.constant 9216 : i32
    %dma_start3A_101 = tpu.memref_slice %arg7[%dma_start3A_100] : memref<10240xi32, #tpu.memory_space<vmem>> -> memref<1024xi32, #tpu.memory_space<vmem>>
    %dma_start3A_102 = arith.constant 0 : i32
    %dma_start3A_103 = arith.constant 0 : i32
    %dma_start3A_104 = tpu.memref_slice %arg3[%dma_start3A_102, %dma_start3A_103] : memref<10112x32xf32, #tpu.memory_space<hbm>> -> memref<10112x32xf32, #tpu.memory_space<hbm>>
    tpu.enqueue_indirect_dma source(%dma_start3A_104 : memref<10112x32xf32, #tpu.memory_space<hbm>>) target(%arg10 : memref<1024x32xf32, #tpu.memory_space<vmem>>) offsets(%dma_start3A_101 : memref<1024xi32, #tpu.memory_space<vmem>>) semaphore(%arg13 : memref<!tpu.dma_semaphore, #tpu.memory_space<semaphore_mem>>)
    %run_scoped3A_105 = arith.constant 8 : i32
    "tpu.region"() ({
      %run_scoped3A_117 = tpu.sem_alloc : memref<!tpu.dma_semaphore, #tpu.memory_space<semaphore_mem>>
      %dma_start3A_118 = arith.constant 0 : i32
      %dma_start3A_119 = arith.constant 0 : i32
      %dma_start3A_120 = tpu.memref_slice %arg9[%dma_start3A_118, %dma_start3A_119] : memref<1024x32xf32, #tpu.memory_space<vmem>> -> memref<1024x32xf32, #tpu.memory_space<vmem>>
      %dma_start3A_121 = arith.constant 0 : i32
      %dma_start3A_122 = tpu.memref_slice %arg8[%run_scoped3A_105, %dma_start3A_121] : memref<10x1024xi32, #tpu.memory_space<vmem>> -> memref<1x1024xi32, #tpu.memory_space<vmem>>
      %dma_start3A_123 = tpu.memref_squeeze %dma_start3A_122 : memref<1x1024xi32, #tpu.memory_space<vmem>> -> memref<1024xi32, #tpu.memory_space<vmem>>
      %dma_start3A_124 = arith.constant 0 : i32
      %dma_start3A_125 = arith.constant 0 : i32
      %dma_start3A_126 = tpu.memref_slice %arg11[%dma_start3A_124, %dma_start3A_125] : memref<10112x32xf32, #tpu.memory_space<vmem_shared>> -> memref<10112x32xf32, #tpu.memory_space<vmem_shared>>
      tpu.enqueue_indirect_dma source(%dma_start3A_120 : memref<1024x32xf32, #tpu.memory_space<vmem>>) target(%dma_start3A_126 : memref<10112x32xf32, #tpu.memory_space<vmem_shared>>) offsets(%dma_start3A_123 : memref<1024xi32, #tpu.memory_space<vmem>>) semaphore(%run_scoped3A_117 : memref<!tpu.dma_semaphore, #tpu.memory_space<semaphore_mem>>) {add = true}
      %dma_wait3A_127 = arith.constant 0 : i32
      %dma_wait3A_128 = arith.constant 0 : i32
      %dma_wait3A_129 = tpu.memref_slice %arg9[%dma_wait3A_127, %dma_wait3A_128] : memref<1024x32xf32, #tpu.memory_space<vmem>> -> memref<1024x32xf32, #tpu.memory_space<vmem>>
      %dma_wait3A_130 = arith.constant 0 : i32
      %dma_wait3A_131 = tpu.memref_slice %arg8[%run_scoped3A_105, %dma_wait3A_130] : memref<10x1024xi32, #tpu.memory_space<vmem>> -> memref<1x1024xi32, #tpu.memory_space<vmem>>
      %dma_wait3A_132 = tpu.memref_squeeze %dma_wait3A_131 : memref<1x1024xi32, #tpu.memory_space<vmem>> -> memref<1024xi32, #tpu.memory_space<vmem>>
      %dma_wait3A_133 = arith.constant 0 : i32
      %dma_wait3A_134 = arith.constant 0 : i32
      %dma_wait3A_135 = tpu.memref_slice %arg11[%dma_wait3A_133, %dma_wait3A_134] : memref<10112x32xf32, #tpu.memory_space<vmem_shared>> -> memref<10112x32xf32, #tpu.memory_space<vmem_shared>>
      tpu.wait_indirect_dma semaphore(%run_scoped3A_117 : memref<!tpu.dma_semaphore, #tpu.memory_space<semaphore_mem>>) src(%dma_wait3A_129 : memref<1024x32xf32, #tpu.memory_space<vmem>>) dst(%dma_wait3A_135 : memref<10112x32xf32, #tpu.memory_space<vmem_shared>>)
      tpu.yield
    }) : () -> ()
    %dma_wait3A_106 = arith.constant 9216 : i32
    %dma_wait3A_107 = tpu.memref_slice %arg7[%dma_wait3A_106] : memref<10240xi32, #tpu.memory_space<vmem>> -> memref<1024xi32, #tpu.memory_space<vmem>>
    %dma_wait3A_108 = arith.constant 0 : i32
    %dma_wait3A_109 = arith.constant 0 : i32
    %dma_wait3A_110 = tpu.memref_slice %arg3[%dma_wait3A_108, %dma_wait3A_109] : memref<10112x32xf32, #tpu.memory_space<hbm>> -> memref<10112x32xf32, #tpu.memory_space<hbm>>
    tpu.wait_indirect_dma semaphore(%arg13 : memref<!tpu.dma_semaphore, #tpu.memory_space<semaphore_mem>>) src(%dma_wait3A_110 : memref<10112x32xf32, #tpu.memory_space<hbm>>) dst(%arg10 : memref<1024x32xf32, #tpu.memory_space<vmem>>)
    %run_scoped3A_111 = arith.constant 9 : i32
    "tpu.region"() ({
      %run_scoped3A_117 = tpu.sem_alloc : memref<!tpu.dma_semaphore, #tpu.memory_space<semaphore_mem>>
      %dma_start3A_118 = arith.constant 0 : i32
      %dma_start3A_119 = arith.constant 0 : i32
      %dma_start3A_120 = tpu.memref_slice %arg10[%dma_start3A_118, %dma_start3A_119] : memref<1024x32xf32, #tpu.memory_space<vmem>> -> memref<1024x32xf32, #tpu.memory_space<vmem>>
      %dma_start3A_121 = arith.constant 0 : i32
      %dma_start3A_122 = tpu.memref_slice %arg8[%run_scoped3A_111, %dma_start3A_121] : memref<10x1024xi32, #tpu.memory_space<vmem>> -> memref<1x1024xi32, #tpu.memory_space<vmem>>
      %dma_start3A_123 = tpu.memref_squeeze %dma_start3A_122 : memref<1x1024xi32, #tpu.memory_space<vmem>> -> memref<1024xi32, #tpu.memory_space<vmem>>
      %dma_start3A_124 = arith.constant 0 : i32
      %dma_start3A_125 = arith.constant 0 : i32
      %dma_start3A_126 = tpu.memref_slice %arg11[%dma_start3A_124, %dma_start3A_125] : memref<10112x32xf32, #tpu.memory_space<vmem_shared>> -> memref<10112x32xf32, #tpu.memory_space<vmem_shared>>
      tpu.enqueue_indirect_dma source(%dma_start3A_120 : memref<1024x32xf32, #tpu.memory_space<vmem>>) target(%dma_start3A_126 : memref<10112x32xf32, #tpu.memory_space<vmem_shared>>) offsets(%dma_start3A_123 : memref<1024xi32, #tpu.memory_space<vmem>>) semaphore(%run_scoped3A_117 : memref<!tpu.dma_semaphore, #tpu.memory_space<semaphore_mem>>) {add = true}
      %dma_wait3A_127 = arith.constant 0 : i32
      %dma_wait3A_128 = arith.constant 0 : i32
      %dma_wait3A_129 = tpu.memref_slice %arg10[%dma_wait3A_127, %dma_wait3A_128] : memref<1024x32xf32, #tpu.memory_space<vmem>> -> memref<1024x32xf32, #tpu.memory_space<vmem>>
      %dma_wait3A_130 = arith.constant 0 : i32
      %dma_wait3A_131 = tpu.memref_slice %arg8[%run_scoped3A_111, %dma_wait3A_130] : memref<10x1024xi32, #tpu.memory_space<vmem>> -> memref<1x1024xi32, #tpu.memory_space<vmem>>
      %dma_wait3A_132 = tpu.memref_squeeze %dma_wait3A_131 : memref<1x1024xi32, #tpu.memory_space<vmem>> -> memref<1024xi32, #tpu.memory_space<vmem>>
      %dma_wait3A_133 = arith.constant 0 : i32
      %dma_wait3A_134 = arith.constant 0 : i32
      %dma_wait3A_135 = tpu.memref_slice %arg11[%dma_wait3A_133, %dma_wait3A_134] : memref<10112x32xf32, #tpu.memory_space<vmem_shared>> -> memref<10112x32xf32, #tpu.memory_space<vmem_shared>>
      tpu.wait_indirect_dma semaphore(%run_scoped3A_117 : memref<!tpu.dma_semaphore, #tpu.memory_space<semaphore_mem>>) src(%dma_wait3A_129 : memref<1024x32xf32, #tpu.memory_space<vmem>>) dst(%dma_wait3A_135 : memref<10112x32xf32, #tpu.memory_space<vmem_shared>>)
      tpu.yield
    }) : () -> ()
    %barrier3A_112 = arith.constant 0 : index
    tpu.barrier barrier_id(%barrier3A_112)
    %mul3A_113 = arith.constant 632 : i32
    %mul3A_114 = arith.muli %arg1, %mul3A_113 : i32
    %mul3A_115 = arith.constant 632 : i32
    %mul3A_116 = arith.muli %arg1, %mul3A_115 : i32
    "tpu.region"() ({
      %run_scoped3A_117 = tpu.sem_alloc : memref<!tpu.dma_semaphore, #tpu.memory_space<semaphore_mem>>
      %dma_start3A_118 = arith.constant 0 : i32
      %dma_start3A_119 = tpu.memref_slice %arg6[%arg0, %mul3A_116, %dma_start3A_118] : memref<2x10112x32xf32, #tpu.memory_space<hbm>> -> memref<1x632x32xf32, #tpu.memory_space<hbm>>
      %dma_start3A_120 = tpu.memref_squeeze %dma_start3A_119 : memref<1x632x32xf32, #tpu.memory_space<hbm>> -> memref<632x32xf32, #tpu.memory_space<hbm>>
      %dma_start3A_121 = arith.constant 0 : i32
      %dma_start3A_122 = tpu.memref_slice %arg11[%mul3A_114, %dma_start3A_121] : memref<10112x32xf32, #tpu.memory_space<vmem_shared>> -> memref<632x32xf32, #tpu.memory_space<vmem_shared>>
      tpu.enqueue_dma source(%dma_start3A_122 : memref<632x32xf32, #tpu.memory_space<vmem_shared>>) target(%dma_start3A_120 : memref<632x32xf32, #tpu.memory_space<hbm>>) target_semaphore(%run_scoped3A_117 : memref<!tpu.dma_semaphore, #tpu.memory_space<semaphore_mem>>)
      %dma_wait3A_123 = arith.constant 0 : i32
      %dma_wait3A_124 = tpu.memref_slice %arg6[%arg0, %mul3A_116, %dma_wait3A_123] : memref<2x10112x32xf32, #tpu.memory_space<hbm>> -> memref<1x632x32xf32, #tpu.memory_space<hbm>>
      %dma_wait3A_125 = tpu.memref_squeeze %dma_wait3A_124 : memref<1x632x32xf32, #tpu.memory_space<hbm>> -> memref<632x32xf32, #tpu.memory_space<hbm>>
      %dma_wait3A_126 = arith.constant 0 : i32
      %dma_wait3A_127 = tpu.memref_slice %arg11[%mul3A_114, %dma_wait3A_126] : memref<10112x32xf32, #tpu.memory_space<vmem_shared>> -> memref<632x32xf32, #tpu.memory_space<vmem_shared>>
      tpu.wait_dma2 semaphore(%run_scoped3A_117 : memref<!tpu.dma_semaphore, #tpu.memory_space<semaphore_mem>>) src(%dma_wait3A_127 : memref<632x32xf32, #tpu.memory_space<vmem_shared>>) dst(%dma_wait3A_125 : memref<632x32xf32, #tpu.memory_space<hbm>>)
      tpu.yield
    }) : () -> ()
    return
  }
}

#map = affine_map<(d0, d1) -> (0, 0)>
#map1 = affine_map<(d0, d1) -> (0, 0, 0)>
module attributes {stable_mosaic.version = 14 : i64} {
  func.func @_edge_sum_body(%arg0: i32, %arg1: i32, %arg2: memref<10112x32xf32, #tpu.memory_space<hbm>>, %arg3: memref<10112x32xf32, #tpu.memory_space<hbm>>, %arg4: memref<32x10240xi32, #tpu.memory_space<hbm>>, %arg5: memref<32x10x1024xi32, #tpu.memory_space<hbm>>, %arg6: memref<2x10112x32xf32, #tpu.memory_space<hbm>>, %arg7: memref<10240xi32, #tpu.memory_space<vmem>>, %arg8: memref<10x1024xi32, #tpu.memory_space<vmem>>, %arg9: memref<1024x32xf32, #tpu.memory_space<vmem>>, %arg10: memref<1024x32xf32, #tpu.memory_space<vmem>>, %arg11: memref<10112x32xf32, #tpu.memory_space<vmem_shared>>, %arg12: memref<!tpu.dma_semaphore, #tpu.memory_space<semaphore_mem>>, %arg13: memref<!tpu.dma_semaphore, #tpu.memory_space<semaphore_mem>>) attributes {dimension_semantics = [#tpu.dimension_semantics<core_parallel>, #tpu.dimension_semantics<subcore_parallel>], iteration_bounds = array<i64: 2, 16>, scalar_prefetch = 0 : i64, scratch_operands = 7 : i64, tpu.core_type = #tpu.core_type<sc_vector_subcore>, window_params = [{transform_indices = #map}, {transform_indices = #map}, {transform_indices = #map}, {transform_indices = #map1}, {transform_indices = #map1}]} {
    %mul3A = arith.constant 16 : i32
    %mul3A_0 = arith.muli %arg0, %mul3A : i32
    %add3A = arith.addi %mul3A_0, %arg1 : i32
    %mul3A_1 = arith.constant 632 : i32
    %mul3A_2 = arith.muli %arg1, %mul3A_1 : i32
    %mul3A_3 = arith.constant 632 : i32
    %mul3A_4 = arith.muli %arg1, %mul3A_3 : i32
    "tpu.region"() ({
      %run_scoped3A_117 = tpu.sem_alloc : memref<!tpu.dma_semaphore, #tpu.memory_space<semaphore_mem>>
      %dma_start3A_118 = arith.constant 0 : i32
      %dma_start3A_119 = tpu.memref_slice %arg11[%mul3A_4, %dma_start3A_118] : memref<10112x32xf32, #tpu.memory_space<vmem_shared>> -> memref<632x32xf32, #tpu.memory_space<vmem_shared>>
      %dma_start3A_120 = arith.constant 0 : i32
      %dma_start3A_121 = tpu.memref_slice %arg2[%mul3A_2, %dma_start3A_120] : memref<10112x32xf32, #tpu.memory_space<hbm>> -> memref<632x32xf32, #tpu.memory_space<hbm>>
      tpu.enqueue_dma source(%dma_start3A_121 : memref<632x32xf32, #tpu.memory_space<hbm>>) target(%dma_start3A_119 : memref<632x32xf32, #tpu.memory_space<vmem_shared>>) target_semaphore(%run_scoped3A_117 : memref<!tpu.dma_semaphore, #tpu.memory_space<semaphore_mem>>)
      %dma_wait3A_122 = arith.constant 0 : i32
      %dma_wait3A_123 = tpu.memref_slice %arg11[%mul3A_4, %dma_wait3A_122] : memref<10112x32xf32, #tpu.memory_space<vmem_shared>> -> memref<632x32xf32, #tpu.memory_space<vmem_shared>>
      %dma_wait3A_124 = arith.constant 0 : i32
      %dma_wait3A_125 = tpu.memref_slice %arg2[%mul3A_2, %dma_wait3A_124] : memref<10112x32xf32, #tpu.memory_space<hbm>> -> memref<632x32xf32, #tpu.memory_space<hbm>>
      tpu.wait_dma2 semaphore(%run_scoped3A_117 : memref<!tpu.dma_semaphore, #tpu.memory_space<semaphore_mem>>) src(%dma_wait3A_125 : memref<632x32xf32, #tpu.memory_space<hbm>>) dst(%dma_wait3A_123 : memref<632x32xf32, #tpu.memory_space<vmem_shared>>)
      tpu.yield
    }) : () -> ()
    "tpu.region"() ({
      %run_scoped3A_117 = tpu.sem_alloc : memref<!tpu.dma_semaphore, #tpu.memory_space<semaphore_mem>>
      %dma_start3A_118 = arith.constant 0 : i32
      %dma_start3A_119 = tpu.memref_slice %arg4[%add3A, %dma_start3A_118] : memref<32x10240xi32, #tpu.memory_space<hbm>> -> memref<1x10240xi32, #tpu.memory_space<hbm>>
      %dma_start3A_120 = tpu.memref_squeeze %dma_start3A_119 : memref<1x10240xi32, #tpu.memory_space<hbm>> -> memref<10240xi32, #tpu.memory_space<hbm>>
      %dma_start3A_121 = arith.constant 0 : i32
      %dma_start3A_122 = tpu.memref_slice %arg4[%add3A, %dma_start3A_121] : memref<32x10240xi32, #tpu.memory_space<hbm>> -> memref<1x10240xi32, #tpu.memory_space<hbm>>
      %dma_start3A_123 = tpu.memref_squeeze %dma_start3A_122 : memref<1x10240xi32, #tpu.memory_space<hbm>> -> memref<10240xi32, #tpu.memory_space<hbm>>
      tpu.enqueue_dma source(%dma_start3A_123 : memref<10240xi32, #tpu.memory_space<hbm>>) target(%arg7 : memref<10240xi32, #tpu.memory_space<vmem>>) target_semaphore(%run_scoped3A_117 : memref<!tpu.dma_semaphore, #tpu.memory_space<semaphore_mem>>)
      %dma_wait3A_124 = arith.constant 0 : i32
      %dma_wait3A_125 = tpu.memref_slice %arg4[%add3A, %dma_wait3A_124] : memref<32x10240xi32, #tpu.memory_space<hbm>> -> memref<1x10240xi32, #tpu.memory_space<hbm>>
      %dma_wait3A_126 = tpu.memref_squeeze %dma_wait3A_125 : memref<1x10240xi32, #tpu.memory_space<hbm>> -> memref<10240xi32, #tpu.memory_space<hbm>>
      %dma_wait3A_127 = arith.constant 0 : i32
      %dma_wait3A_128 = tpu.memref_slice %arg4[%add3A, %dma_wait3A_127] : memref<32x10240xi32, #tpu.memory_space<hbm>> -> memref<1x10240xi32, #tpu.memory_space<hbm>>
      %dma_wait3A_129 = tpu.memref_squeeze %dma_wait3A_128 : memref<1x10240xi32, #tpu.memory_space<hbm>> -> memref<10240xi32, #tpu.memory_space<hbm>>
      tpu.wait_dma2 semaphore(%run_scoped3A_117 : memref<!tpu.dma_semaphore, #tpu.memory_space<semaphore_mem>>) src(%dma_wait3A_129 : memref<10240xi32, #tpu.memory_space<hbm>>) dst(%arg7 : memref<10240xi32, #tpu.memory_space<vmem>>)
      tpu.yield
    }) : () -> ()
    "tpu.region"() ({
      %run_scoped3A_117 = tpu.sem_alloc : memref<!tpu.dma_semaphore, #tpu.memory_space<semaphore_mem>>
      %dma_start3A_118 = arith.constant 0 : i32
      %dma_start3A_119 = arith.constant 0 : i32
      %dma_start3A_120 = tpu.memref_slice %arg5[%add3A, %dma_start3A_118, %dma_start3A_119] : memref<32x10x1024xi32, #tpu.memory_space<hbm>> -> memref<1x10x1024xi32, #tpu.memory_space<hbm>>
      %dma_start3A_121 = tpu.memref_squeeze %dma_start3A_120 : memref<1x10x1024xi32, #tpu.memory_space<hbm>> -> memref<10x1024xi32, #tpu.memory_space<hbm>>
      %dma_start3A_122 = arith.constant 0 : i32
      %dma_start3A_123 = arith.constant 0 : i32
      %dma_start3A_124 = tpu.memref_slice %arg5[%add3A, %dma_start3A_122, %dma_start3A_123] : memref<32x10x1024xi32, #tpu.memory_space<hbm>> -> memref<1x10x1024xi32, #tpu.memory_space<hbm>>
      %dma_start3A_125 = tpu.memref_squeeze %dma_start3A_124 : memref<1x10x1024xi32, #tpu.memory_space<hbm>> -> memref<10x1024xi32, #tpu.memory_space<hbm>>
      tpu.enqueue_dma source(%dma_start3A_125 : memref<10x1024xi32, #tpu.memory_space<hbm>>) target(%arg8 : memref<10x1024xi32, #tpu.memory_space<vmem>>) target_semaphore(%run_scoped3A_117 : memref<!tpu.dma_semaphore, #tpu.memory_space<semaphore_mem>>)
      %dma_wait3A_126 = arith.constant 0 : i32
      %dma_wait3A_127 = arith.constant 0 : i32
      %dma_wait3A_128 = tpu.memref_slice %arg5[%add3A, %dma_wait3A_126, %dma_wait3A_127] : memref<32x10x1024xi32, #tpu.memory_space<hbm>> -> memref<1x10x1024xi32, #tpu.memory_space<hbm>>
      %dma_wait3A_129 = tpu.memref_squeeze %dma_wait3A_128 : memref<1x10x1024xi32, #tpu.memory_space<hbm>> -> memref<10x1024xi32, #tpu.memory_space<hbm>>
      %dma_wait3A_130 = arith.constant 0 : i32
      %dma_wait3A_131 = arith.constant 0 : i32
      %dma_wait3A_132 = tpu.memref_slice %arg5[%add3A, %dma_wait3A_130, %dma_wait3A_131] : memref<32x10x1024xi32, #tpu.memory_space<hbm>> -> memref<1x10x1024xi32, #tpu.memory_space<hbm>>
      %dma_wait3A_133 = tpu.memref_squeeze %dma_wait3A_132 : memref<1x10x1024xi32, #tpu.memory_space<hbm>> -> memref<10x1024xi32, #tpu.memory_space<hbm>>
      tpu.wait_dma2 semaphore(%run_scoped3A_117 : memref<!tpu.dma_semaphore, #tpu.memory_space<semaphore_mem>>) src(%dma_wait3A_133 : memref<10x1024xi32, #tpu.memory_space<hbm>>) dst(%arg8 : memref<10x1024xi32, #tpu.memory_space<vmem>>)
      tpu.yield
    }) : () -> ()
    %barrier3A = arith.constant 0 : index
    tpu.barrier barrier_id(%barrier3A)
    %dma_start3A = arith.constant 0 : i32
    %dma_start3A_5 = tpu.memref_slice %arg7[%dma_start3A] : memref<10240xi32, #tpu.memory_space<vmem>> -> memref<1024xi32, #tpu.memory_space<vmem>>
    %dma_start3A_6 = arith.constant 0 : i32
    %dma_start3A_7 = arith.constant 0 : i32
    %dma_start3A_8 = tpu.memref_slice %arg3[%dma_start3A_6, %dma_start3A_7] : memref<10112x32xf32, #tpu.memory_space<hbm>> -> memref<10112x32xf32, #tpu.memory_space<hbm>>
    tpu.enqueue_indirect_dma source(%dma_start3A_8 : memref<10112x32xf32, #tpu.memory_space<hbm>>) target(%arg9 : memref<1024x32xf32, #tpu.memory_space<vmem>>) offsets(%dma_start3A_5 : memref<1024xi32, #tpu.memory_space<vmem>>) semaphore(%arg12 : memref<!tpu.dma_semaphore, #tpu.memory_space<semaphore_mem>>)
    %dma_wait3A = arith.constant 0 : i32
    %dma_wait3A_9 = tpu.memref_slice %arg7[%dma_wait3A] : memref<10240xi32, #tpu.memory_space<vmem>> -> memref<1024xi32, #tpu.memory_space<vmem>>
    %dma_wait3A_10 = arith.constant 0 : i32
    %dma_wait3A_11 = arith.constant 0 : i32
    %dma_wait3A_12 = tpu.memref_slice %arg3[%dma_wait3A_10, %dma_wait3A_11] : memref<10112x32xf32, #tpu.memory_space<hbm>> -> memref<10112x32xf32, #tpu.memory_space<hbm>>
    tpu.wait_indirect_dma semaphore(%arg12 : memref<!tpu.dma_semaphore, #tpu.memory_space<semaphore_mem>>) src(%dma_wait3A_12 : memref<10112x32xf32, #tpu.memory_space<hbm>>) dst(%arg9 : memref<1024x32xf32, #tpu.memory_space<vmem>>)
    %dma_start3A_13 = arith.constant 1024 : i32
    %dma_start3A_14 = tpu.memref_slice %arg7[%dma_start3A_13] : memref<10240xi32, #tpu.memory_space<vmem>> -> memref<1024xi32, #tpu.memory_space<vmem>>
    %dma_start3A_15 = arith.constant 0 : i32
    %dma_start3A_16 = arith.constant 0 : i32
    %dma_start3A_17 = tpu.memref_slice %arg3[%dma_start3A_15, %dma_start3A_16] : memref<10112x32xf32, #tpu.memory_space<hbm>> -> memref<10112x32xf32, #tpu.memory_space<hbm>>
    tpu.enqueue_indirect_dma source(%dma_start3A_17 : memref<10112x32xf32, #tpu.memory_space<hbm>>) target(%arg10 : memref<1024x32xf32, #tpu.memory_space<vmem>>) offsets(%dma_start3A_14 : memref<1024xi32, #tpu.memory_space<vmem>>) semaphore(%arg13 : memref<!tpu.dma_semaphore, #tpu.memory_space<semaphore_mem>>)
    %run_scoped3A = arith.constant 0 : i32
    "tpu.region"() ({
      %run_scoped3A_117 = tpu.sem_alloc : memref<!tpu.dma_semaphore, #tpu.memory_space<semaphore_mem>>
      %dma_start3A_118 = arith.constant 0 : i32
      %dma_start3A_119 = arith.constant 0 : i32
      %dma_start3A_120 = tpu.memref_slice %arg9[%dma_start3A_118, %dma_start3A_119] : memref<1024x32xf32, #tpu.memory_space<vmem>> -> memref<1024x32xf32, #tpu.memory_space<vmem>>
      %dma_start3A_121 = arith.constant 0 : i32
      %dma_start3A_122 = tpu.memref_slice %arg8[%run_scoped3A, %dma_start3A_121] : memref<10x1024xi32, #tpu.memory_space<vmem>> -> memref<1x1024xi32, #tpu.memory_space<vmem>>
      %dma_start3A_123 = tpu.memref_squeeze %dma_start3A_122 : memref<1x1024xi32, #tpu.memory_space<vmem>> -> memref<1024xi32, #tpu.memory_space<vmem>>
      %dma_start3A_124 = arith.constant 0 : i32
      %dma_start3A_125 = arith.constant 0 : i32
      %dma_start3A_126 = tpu.memref_slice %arg11[%dma_start3A_124, %dma_start3A_125] : memref<10112x32xf32, #tpu.memory_space<vmem_shared>> -> memref<10112x32xf32, #tpu.memory_space<vmem_shared>>
      tpu.enqueue_indirect_dma source(%dma_start3A_120 : memref<1024x32xf32, #tpu.memory_space<vmem>>) target(%dma_start3A_126 : memref<10112x32xf32, #tpu.memory_space<vmem_shared>>) offsets(%dma_start3A_123 : memref<1024xi32, #tpu.memory_space<vmem>>) semaphore(%run_scoped3A_117 : memref<!tpu.dma_semaphore, #tpu.memory_space<semaphore_mem>>) {add = true}
      %dma_wait3A_127 = arith.constant 0 : i32
      %dma_wait3A_128 = arith.constant 0 : i32
      %dma_wait3A_129 = tpu.memref_slice %arg9[%dma_wait3A_127, %dma_wait3A_128] : memref<1024x32xf32, #tpu.memory_space<vmem>> -> memref<1024x32xf32, #tpu.memory_space<vmem>>
      %dma_wait3A_130 = arith.constant 0 : i32
      %dma_wait3A_131 = tpu.memref_slice %arg8[%run_scoped3A, %dma_wait3A_130] : memref<10x1024xi32, #tpu.memory_space<vmem>> -> memref<1x1024xi32, #tpu.memory_space<vmem>>
      %dma_wait3A_132 = tpu.memref_squeeze %dma_wait3A_131 : memref<1x1024xi32, #tpu.memory_space<vmem>> -> memref<1024xi32, #tpu.memory_space<vmem>>
      %dma_wait3A_133 = arith.constant 0 : i32
      %dma_wait3A_134 = arith.constant 0 : i32
      %dma_wait3A_135 = tpu.memref_slice %arg11[%dma_wait3A_133, %dma_wait3A_134] : memref<10112x32xf32, #tpu.memory_space<vmem_shared>> -> memref<10112x32xf32, #tpu.memory_space<vmem_shared>>
      tpu.wait_indirect_dma semaphore(%run_scoped3A_117 : memref<!tpu.dma_semaphore, #tpu.memory_space<semaphore_mem>>) src(%dma_wait3A_129 : memref<1024x32xf32, #tpu.memory_space<vmem>>) dst(%dma_wait3A_135 : memref<10112x32xf32, #tpu.memory_space<vmem_shared>>)
      tpu.yield
    }) : () -> ()
    %dma_wait3A_18 = arith.constant 1024 : i32
    %dma_wait3A_19 = tpu.memref_slice %arg7[%dma_wait3A_18] : memref<10240xi32, #tpu.memory_space<vmem>> -> memref<1024xi32, #tpu.memory_space<vmem>>
    %dma_wait3A_20 = arith.constant 0 : i32
    %dma_wait3A_21 = arith.constant 0 : i32
    %dma_wait3A_22 = tpu.memref_slice %arg3[%dma_wait3A_20, %dma_wait3A_21] : memref<10112x32xf32, #tpu.memory_space<hbm>> -> memref<10112x32xf32, #tpu.memory_space<hbm>>
    tpu.wait_indirect_dma semaphore(%arg13 : memref<!tpu.dma_semaphore, #tpu.memory_space<semaphore_mem>>) src(%dma_wait3A_22 : memref<10112x32xf32, #tpu.memory_space<hbm>>) dst(%arg10 : memref<1024x32xf32, #tpu.memory_space<vmem>>)
    %dma_start3A_23 = arith.constant 2048 : i32
    %dma_start3A_24 = tpu.memref_slice %arg7[%dma_start3A_23] : memref<10240xi32, #tpu.memory_space<vmem>> -> memref<1024xi32, #tpu.memory_space<vmem>>
    %dma_start3A_25 = arith.constant 0 : i32
    %dma_start3A_26 = arith.constant 0 : i32
    %dma_start3A_27 = tpu.memref_slice %arg3[%dma_start3A_25, %dma_start3A_26] : memref<10112x32xf32, #tpu.memory_space<hbm>> -> memref<10112x32xf32, #tpu.memory_space<hbm>>
    tpu.enqueue_indirect_dma source(%dma_start3A_27 : memref<10112x32xf32, #tpu.memory_space<hbm>>) target(%arg9 : memref<1024x32xf32, #tpu.memory_space<vmem>>) offsets(%dma_start3A_24 : memref<1024xi32, #tpu.memory_space<vmem>>) semaphore(%arg12 : memref<!tpu.dma_semaphore, #tpu.memory_space<semaphore_mem>>)
    %run_scoped3A_28 = arith.constant 1 : i32
    "tpu.region"() ({
      %run_scoped3A_117 = tpu.sem_alloc : memref<!tpu.dma_semaphore, #tpu.memory_space<semaphore_mem>>
      %dma_start3A_118 = arith.constant 0 : i32
      %dma_start3A_119 = arith.constant 0 : i32
      %dma_start3A_120 = tpu.memref_slice %arg10[%dma_start3A_118, %dma_start3A_119] : memref<1024x32xf32, #tpu.memory_space<vmem>> -> memref<1024x32xf32, #tpu.memory_space<vmem>>
      %dma_start3A_121 = arith.constant 0 : i32
      %dma_start3A_122 = tpu.memref_slice %arg8[%run_scoped3A_28, %dma_start3A_121] : memref<10x1024xi32, #tpu.memory_space<vmem>> -> memref<1x1024xi32, #tpu.memory_space<vmem>>
      %dma_start3A_123 = tpu.memref_squeeze %dma_start3A_122 : memref<1x1024xi32, #tpu.memory_space<vmem>> -> memref<1024xi32, #tpu.memory_space<vmem>>
      %dma_start3A_124 = arith.constant 0 : i32
      %dma_start3A_125 = arith.constant 0 : i32
      %dma_start3A_126 = tpu.memref_slice %arg11[%dma_start3A_124, %dma_start3A_125] : memref<10112x32xf32, #tpu.memory_space<vmem_shared>> -> memref<10112x32xf32, #tpu.memory_space<vmem_shared>>
      tpu.enqueue_indirect_dma source(%dma_start3A_120 : memref<1024x32xf32, #tpu.memory_space<vmem>>) target(%dma_start3A_126 : memref<10112x32xf32, #tpu.memory_space<vmem_shared>>) offsets(%dma_start3A_123 : memref<1024xi32, #tpu.memory_space<vmem>>) semaphore(%run_scoped3A_117 : memref<!tpu.dma_semaphore, #tpu.memory_space<semaphore_mem>>) {add = true}
      %dma_wait3A_127 = arith.constant 0 : i32
      %dma_wait3A_128 = arith.constant 0 : i32
      %dma_wait3A_129 = tpu.memref_slice %arg10[%dma_wait3A_127, %dma_wait3A_128] : memref<1024x32xf32, #tpu.memory_space<vmem>> -> memref<1024x32xf32, #tpu.memory_space<vmem>>
      %dma_wait3A_130 = arith.constant 0 : i32
      %dma_wait3A_131 = tpu.memref_slice %arg8[%run_scoped3A_28, %dma_wait3A_130] : memref<10x1024xi32, #tpu.memory_space<vmem>> -> memref<1x1024xi32, #tpu.memory_space<vmem>>
      %dma_wait3A_132 = tpu.memref_squeeze %dma_wait3A_131 : memref<1x1024xi32, #tpu.memory_space<vmem>> -> memref<1024xi32, #tpu.memory_space<vmem>>
      %dma_wait3A_133 = arith.constant 0 : i32
      %dma_wait3A_134 = arith.constant 0 : i32
      %dma_wait3A_135 = tpu.memref_slice %arg11[%dma_wait3A_133, %dma_wait3A_134] : memref<10112x32xf32, #tpu.memory_space<vmem_shared>> -> memref<10112x32xf32, #tpu.memory_space<vmem_shared>>
      tpu.wait_indirect_dma semaphore(%run_scoped3A_117 : memref<!tpu.dma_semaphore, #tpu.memory_space<semaphore_mem>>) src(%dma_wait3A_129 : memref<1024x32xf32, #tpu.memory_space<vmem>>) dst(%dma_wait3A_135 : memref<10112x32xf32, #tpu.memory_space<vmem_shared>>)
      tpu.yield
    }) : () -> ()
    %dma_wait3A_29 = arith.constant 2048 : i32
    %dma_wait3A_30 = tpu.memref_slice %arg7[%dma_wait3A_29] : memref<10240xi32, #tpu.memory_space<vmem>> -> memref<1024xi32, #tpu.memory_space<vmem>>
    %dma_wait3A_31 = arith.constant 0 : i32
    %dma_wait3A_32 = arith.constant 0 : i32
    %dma_wait3A_33 = tpu.memref_slice %arg3[%dma_wait3A_31, %dma_wait3A_32] : memref<10112x32xf32, #tpu.memory_space<hbm>> -> memref<10112x32xf32, #tpu.memory_space<hbm>>
    tpu.wait_indirect_dma semaphore(%arg12 : memref<!tpu.dma_semaphore, #tpu.memory_space<semaphore_mem>>) src(%dma_wait3A_33 : memref<10112x32xf32, #tpu.memory_space<hbm>>) dst(%arg9 : memref<1024x32xf32, #tpu.memory_space<vmem>>)
    %dma_start3A_34 = arith.constant 3072 : i32
    %dma_start3A_35 = tpu.memref_slice %arg7[%dma_start3A_34] : memref<10240xi32, #tpu.memory_space<vmem>> -> memref<1024xi32, #tpu.memory_space<vmem>>
    %dma_start3A_36 = arith.constant 0 : i32
    %dma_start3A_37 = arith.constant 0 : i32
    %dma_start3A_38 = tpu.memref_slice %arg3[%dma_start3A_36, %dma_start3A_37] : memref<10112x32xf32, #tpu.memory_space<hbm>> -> memref<10112x32xf32, #tpu.memory_space<hbm>>
    tpu.enqueue_indirect_dma source(%dma_start3A_38 : memref<10112x32xf32, #tpu.memory_space<hbm>>) target(%arg10 : memref<1024x32xf32, #tpu.memory_space<vmem>>) offsets(%dma_start3A_35 : memref<1024xi32, #tpu.memory_space<vmem>>) semaphore(%arg13 : memref<!tpu.dma_semaphore, #tpu.memory_space<semaphore_mem>>)
    %run_scoped3A_39 = arith.constant 2 : i32
    "tpu.region"() ({
      %run_scoped3A_117 = tpu.sem_alloc : memref<!tpu.dma_semaphore, #tpu.memory_space<semaphore_mem>>
      %dma_start3A_118 = arith.constant 0 : i32
      %dma_start3A_119 = arith.constant 0 : i32
      %dma_start3A_120 = tpu.memref_slice %arg9[%dma_start3A_118, %dma_start3A_119] : memref<1024x32xf32, #tpu.memory_space<vmem>> -> memref<1024x32xf32, #tpu.memory_space<vmem>>
      %dma_start3A_121 = arith.constant 0 : i32
      %dma_start3A_122 = tpu.memref_slice %arg8[%run_scoped3A_39, %dma_start3A_121] : memref<10x1024xi32, #tpu.memory_space<vmem>> -> memref<1x1024xi32, #tpu.memory_space<vmem>>
      %dma_start3A_123 = tpu.memref_squeeze %dma_start3A_122 : memref<1x1024xi32, #tpu.memory_space<vmem>> -> memref<1024xi32, #tpu.memory_space<vmem>>
      %dma_start3A_124 = arith.constant 0 : i32
      %dma_start3A_125 = arith.constant 0 : i32
      %dma_start3A_126 = tpu.memref_slice %arg11[%dma_start3A_124, %dma_start3A_125] : memref<10112x32xf32, #tpu.memory_space<vmem_shared>> -> memref<10112x32xf32, #tpu.memory_space<vmem_shared>>
      tpu.enqueue_indirect_dma source(%dma_start3A_120 : memref<1024x32xf32, #tpu.memory_space<vmem>>) target(%dma_start3A_126 : memref<10112x32xf32, #tpu.memory_space<vmem_shared>>) offsets(%dma_start3A_123 : memref<1024xi32, #tpu.memory_space<vmem>>) semaphore(%run_scoped3A_117 : memref<!tpu.dma_semaphore, #tpu.memory_space<semaphore_mem>>) {add = true}
      %dma_wait3A_127 = arith.constant 0 : i32
      %dma_wait3A_128 = arith.constant 0 : i32
      %dma_wait3A_129 = tpu.memref_slice %arg9[%dma_wait3A_127, %dma_wait3A_128] : memref<1024x32xf32, #tpu.memory_space<vmem>> -> memref<1024x32xf32, #tpu.memory_space<vmem>>
      %dma_wait3A_130 = arith.constant 0 : i32
      %dma_wait3A_131 = tpu.memref_slice %arg8[%run_scoped3A_39, %dma_wait3A_130] : memref<10x1024xi32, #tpu.memory_space<vmem>> -> memref<1x1024xi32, #tpu.memory_space<vmem>>
      %dma_wait3A_132 = tpu.memref_squeeze %dma_wait3A_131 : memref<1x1024xi32, #tpu.memory_space<vmem>> -> memref<1024xi32, #tpu.memory_space<vmem>>
      %dma_wait3A_133 = arith.constant 0 : i32
      %dma_wait3A_134 = arith.constant 0 : i32
      %dma_wait3A_135 = tpu.memref_slice %arg11[%dma_wait3A_133, %dma_wait3A_134] : memref<10112x32xf32, #tpu.memory_space<vmem_shared>> -> memref<10112x32xf32, #tpu.memory_space<vmem_shared>>
      tpu.wait_indirect_dma semaphore(%run_scoped3A_117 : memref<!tpu.dma_semaphore, #tpu.memory_space<semaphore_mem>>) src(%dma_wait3A_129 : memref<1024x32xf32, #tpu.memory_space<vmem>>) dst(%dma_wait3A_135 : memref<10112x32xf32, #tpu.memory_space<vmem_shared>>)
      tpu.yield
    }) : () -> ()
    %dma_wait3A_40 = arith.constant 3072 : i32
    %dma_wait3A_41 = tpu.memref_slice %arg7[%dma_wait3A_40] : memref<10240xi32, #tpu.memory_space<vmem>> -> memref<1024xi32, #tpu.memory_space<vmem>>
    %dma_wait3A_42 = arith.constant 0 : i32
    %dma_wait3A_43 = arith.constant 0 : i32
    %dma_wait3A_44 = tpu.memref_slice %arg3[%dma_wait3A_42, %dma_wait3A_43] : memref<10112x32xf32, #tpu.memory_space<hbm>> -> memref<10112x32xf32, #tpu.memory_space<hbm>>
    tpu.wait_indirect_dma semaphore(%arg13 : memref<!tpu.dma_semaphore, #tpu.memory_space<semaphore_mem>>) src(%dma_wait3A_44 : memref<10112x32xf32, #tpu.memory_space<hbm>>) dst(%arg10 : memref<1024x32xf32, #tpu.memory_space<vmem>>)
    %dma_start3A_45 = arith.constant 4096 : i32
    %dma_start3A_46 = tpu.memref_slice %arg7[%dma_start3A_45] : memref<10240xi32, #tpu.memory_space<vmem>> -> memref<1024xi32, #tpu.memory_space<vmem>>
    %dma_start3A_47 = arith.constant 0 : i32
    %dma_start3A_48 = arith.constant 0 : i32
    %dma_start3A_49 = tpu.memref_slice %arg3[%dma_start3A_47, %dma_start3A_48] : memref<10112x32xf32, #tpu.memory_space<hbm>> -> memref<10112x32xf32, #tpu.memory_space<hbm>>
    tpu.enqueue_indirect_dma source(%dma_start3A_49 : memref<10112x32xf32, #tpu.memory_space<hbm>>) target(%arg9 : memref<1024x32xf32, #tpu.memory_space<vmem>>) offsets(%dma_start3A_46 : memref<1024xi32, #tpu.memory_space<vmem>>) semaphore(%arg12 : memref<!tpu.dma_semaphore, #tpu.memory_space<semaphore_mem>>)
    %run_scoped3A_50 = arith.constant 3 : i32
    "tpu.region"() ({
      %run_scoped3A_117 = tpu.sem_alloc : memref<!tpu.dma_semaphore, #tpu.memory_space<semaphore_mem>>
      %dma_start3A_118 = arith.constant 0 : i32
      %dma_start3A_119 = arith.constant 0 : i32
      %dma_start3A_120 = tpu.memref_slice %arg10[%dma_start3A_118, %dma_start3A_119] : memref<1024x32xf32, #tpu.memory_space<vmem>> -> memref<1024x32xf32, #tpu.memory_space<vmem>>
      %dma_start3A_121 = arith.constant 0 : i32
      %dma_start3A_122 = tpu.memref_slice %arg8[%run_scoped3A_50, %dma_start3A_121] : memref<10x1024xi32, #tpu.memory_space<vmem>> -> memref<1x1024xi32, #tpu.memory_space<vmem>>
      %dma_start3A_123 = tpu.memref_squeeze %dma_start3A_122 : memref<1x1024xi32, #tpu.memory_space<vmem>> -> memref<1024xi32, #tpu.memory_space<vmem>>
      %dma_start3A_124 = arith.constant 0 : i32
      %dma_start3A_125 = arith.constant 0 : i32
      %dma_start3A_126 = tpu.memref_slice %arg11[%dma_start3A_124, %dma_start3A_125] : memref<10112x32xf32, #tpu.memory_space<vmem_shared>> -> memref<10112x32xf32, #tpu.memory_space<vmem_shared>>
      tpu.enqueue_indirect_dma source(%dma_start3A_120 : memref<1024x32xf32, #tpu.memory_space<vmem>>) target(%dma_start3A_126 : memref<10112x32xf32, #tpu.memory_space<vmem_shared>>) offsets(%dma_start3A_123 : memref<1024xi32, #tpu.memory_space<vmem>>) semaphore(%run_scoped3A_117 : memref<!tpu.dma_semaphore, #tpu.memory_space<semaphore_mem>>) {add = true}
      %dma_wait3A_127 = arith.constant 0 : i32
      %dma_wait3A_128 = arith.constant 0 : i32
      %dma_wait3A_129 = tpu.memref_slice %arg10[%dma_wait3A_127, %dma_wait3A_128] : memref<1024x32xf32, #tpu.memory_space<vmem>> -> memref<1024x32xf32, #tpu.memory_space<vmem>>
      %dma_wait3A_130 = arith.constant 0 : i32
      %dma_wait3A_131 = tpu.memref_slice %arg8[%run_scoped3A_50, %dma_wait3A_130] : memref<10x1024xi32, #tpu.memory_space<vmem>> -> memref<1x1024xi32, #tpu.memory_space<vmem>>
      %dma_wait3A_132 = tpu.memref_squeeze %dma_wait3A_131 : memref<1x1024xi32, #tpu.memory_space<vmem>> -> memref<1024xi32, #tpu.memory_space<vmem>>
      %dma_wait3A_133 = arith.constant 0 : i32
      %dma_wait3A_134 = arith.constant 0 : i32
      %dma_wait3A_135 = tpu.memref_slice %arg11[%dma_wait3A_133, %dma_wait3A_134] : memref<10112x32xf32, #tpu.memory_space<vmem_shared>> -> memref<10112x32xf32, #tpu.memory_space<vmem_shared>>
      tpu.wait_indirect_dma semaphore(%run_scoped3A_117 : memref<!tpu.dma_semaphore, #tpu.memory_space<semaphore_mem>>) src(%dma_wait3A_129 : memref<1024x32xf32, #tpu.memory_space<vmem>>) dst(%dma_wait3A_135 : memref<10112x32xf32, #tpu.memory_space<vmem_shared>>)
      tpu.yield
    }) : () -> ()
    %dma_wait3A_51 = arith.constant 4096 : i32
    %dma_wait3A_52 = tpu.memref_slice %arg7[%dma_wait3A_51] : memref<10240xi32, #tpu.memory_space<vmem>> -> memref<1024xi32, #tpu.memory_space<vmem>>
    %dma_wait3A_53 = arith.constant 0 : i32
    %dma_wait3A_54 = arith.constant 0 : i32
    %dma_wait3A_55 = tpu.memref_slice %arg3[%dma_wait3A_53, %dma_wait3A_54] : memref<10112x32xf32, #tpu.memory_space<hbm>> -> memref<10112x32xf32, #tpu.memory_space<hbm>>
    tpu.wait_indirect_dma semaphore(%arg12 : memref<!tpu.dma_semaphore, #tpu.memory_space<semaphore_mem>>) src(%dma_wait3A_55 : memref<10112x32xf32, #tpu.memory_space<hbm>>) dst(%arg9 : memref<1024x32xf32, #tpu.memory_space<vmem>>)
    %dma_start3A_56 = arith.constant 5120 : i32
    %dma_start3A_57 = tpu.memref_slice %arg7[%dma_start3A_56] : memref<10240xi32, #tpu.memory_space<vmem>> -> memref<1024xi32, #tpu.memory_space<vmem>>
    %dma_start3A_58 = arith.constant 0 : i32
    %dma_start3A_59 = arith.constant 0 : i32
    %dma_start3A_60 = tpu.memref_slice %arg3[%dma_start3A_58, %dma_start3A_59] : memref<10112x32xf32, #tpu.memory_space<hbm>> -> memref<10112x32xf32, #tpu.memory_space<hbm>>
    tpu.enqueue_indirect_dma source(%dma_start3A_60 : memref<10112x32xf32, #tpu.memory_space<hbm>>) target(%arg10 : memref<1024x32xf32, #tpu.memory_space<vmem>>) offsets(%dma_start3A_57 : memref<1024xi32, #tpu.memory_space<vmem>>) semaphore(%arg13 : memref<!tpu.dma_semaphore, #tpu.memory_space<semaphore_mem>>)
    %run_scoped3A_61 = arith.constant 4 : i32
    "tpu.region"() ({
      %run_scoped3A_117 = tpu.sem_alloc : memref<!tpu.dma_semaphore, #tpu.memory_space<semaphore_mem>>
      %dma_start3A_118 = arith.constant 0 : i32
      %dma_start3A_119 = arith.constant 0 : i32
      %dma_start3A_120 = tpu.memref_slice %arg9[%dma_start3A_118, %dma_start3A_119] : memref<1024x32xf32, #tpu.memory_space<vmem>> -> memref<1024x32xf32, #tpu.memory_space<vmem>>
      %dma_start3A_121 = arith.constant 0 : i32
      %dma_start3A_122 = tpu.memref_slice %arg8[%run_scoped3A_61, %dma_start3A_121] : memref<10x1024xi32, #tpu.memory_space<vmem>> -> memref<1x1024xi32, #tpu.memory_space<vmem>>
      %dma_start3A_123 = tpu.memref_squeeze %dma_start3A_122 : memref<1x1024xi32, #tpu.memory_space<vmem>> -> memref<1024xi32, #tpu.memory_space<vmem>>
      %dma_start3A_124 = arith.constant 0 : i32
      %dma_start3A_125 = arith.constant 0 : i32
      %dma_start3A_126 = tpu.memref_slice %arg11[%dma_start3A_124, %dma_start3A_125] : memref<10112x32xf32, #tpu.memory_space<vmem_shared>> -> memref<10112x32xf32, #tpu.memory_space<vmem_shared>>
      tpu.enqueue_indirect_dma source(%dma_start3A_120 : memref<1024x32xf32, #tpu.memory_space<vmem>>) target(%dma_start3A_126 : memref<10112x32xf32, #tpu.memory_space<vmem_shared>>) offsets(%dma_start3A_123 : memref<1024xi32, #tpu.memory_space<vmem>>) semaphore(%run_scoped3A_117 : memref<!tpu.dma_semaphore, #tpu.memory_space<semaphore_mem>>) {add = true}
      %dma_wait3A_127 = arith.constant 0 : i32
      %dma_wait3A_128 = arith.constant 0 : i32
      %dma_wait3A_129 = tpu.memref_slice %arg9[%dma_wait3A_127, %dma_wait3A_128] : memref<1024x32xf32, #tpu.memory_space<vmem>> -> memref<1024x32xf32, #tpu.memory_space<vmem>>
      %dma_wait3A_130 = arith.constant 0 : i32
      %dma_wait3A_131 = tpu.memref_slice %arg8[%run_scoped3A_61, %dma_wait3A_130] : memref<10x1024xi32, #tpu.memory_space<vmem>> -> memref<1x1024xi32, #tpu.memory_space<vmem>>
      %dma_wait3A_132 = tpu.memref_squeeze %dma_wait3A_131 : memref<1x1024xi32, #tpu.memory_space<vmem>> -> memref<1024xi32, #tpu.memory_space<vmem>>
      %dma_wait3A_133 = arith.constant 0 : i32
      %dma_wait3A_134 = arith.constant 0 : i32
      %dma_wait3A_135 = tpu.memref_slice %arg11[%dma_wait3A_133, %dma_wait3A_134] : memref<10112x32xf32, #tpu.memory_space<vmem_shared>> -> memref<10112x32xf32, #tpu.memory_space<vmem_shared>>
      tpu.wait_indirect_dma semaphore(%run_scoped3A_117 : memref<!tpu.dma_semaphore, #tpu.memory_space<semaphore_mem>>) src(%dma_wait3A_129 : memref<1024x32xf32, #tpu.memory_space<vmem>>) dst(%dma_wait3A_135 : memref<10112x32xf32, #tpu.memory_space<vmem_shared>>)
      tpu.yield
    }) : () -> ()
    %dma_wait3A_62 = arith.constant 5120 : i32
    %dma_wait3A_63 = tpu.memref_slice %arg7[%dma_wait3A_62] : memref<10240xi32, #tpu.memory_space<vmem>> -> memref<1024xi32, #tpu.memory_space<vmem>>
    %dma_wait3A_64 = arith.constant 0 : i32
    %dma_wait3A_65 = arith.constant 0 : i32
    %dma_wait3A_66 = tpu.memref_slice %arg3[%dma_wait3A_64, %dma_wait3A_65] : memref<10112x32xf32, #tpu.memory_space<hbm>> -> memref<10112x32xf32, #tpu.memory_space<hbm>>
    tpu.wait_indirect_dma semaphore(%arg13 : memref<!tpu.dma_semaphore, #tpu.memory_space<semaphore_mem>>) src(%dma_wait3A_66 : memref<10112x32xf32, #tpu.memory_space<hbm>>) dst(%arg10 : memref<1024x32xf32, #tpu.memory_space<vmem>>)
    %dma_start3A_67 = arith.constant 6144 : i32
    %dma_start3A_68 = tpu.memref_slice %arg7[%dma_start3A_67] : memref<10240xi32, #tpu.memory_space<vmem>> -> memref<1024xi32, #tpu.memory_space<vmem>>
    %dma_start3A_69 = arith.constant 0 : i32
    %dma_start3A_70 = arith.constant 0 : i32
    %dma_start3A_71 = tpu.memref_slice %arg3[%dma_start3A_69, %dma_start3A_70] : memref<10112x32xf32, #tpu.memory_space<hbm>> -> memref<10112x32xf32, #tpu.memory_space<hbm>>
    tpu.enqueue_indirect_dma source(%dma_start3A_71 : memref<10112x32xf32, #tpu.memory_space<hbm>>) target(%arg9 : memref<1024x32xf32, #tpu.memory_space<vmem>>) offsets(%dma_start3A_68 : memref<1024xi32, #tpu.memory_space<vmem>>) semaphore(%arg12 : memref<!tpu.dma_semaphore, #tpu.memory_space<semaphore_mem>>)
    %run_scoped3A_72 = arith.constant 5 : i32
    "tpu.region"() ({
      %run_scoped3A_117 = tpu.sem_alloc : memref<!tpu.dma_semaphore, #tpu.memory_space<semaphore_mem>>
      %dma_start3A_118 = arith.constant 0 : i32
      %dma_start3A_119 = arith.constant 0 : i32
      %dma_start3A_120 = tpu.memref_slice %arg10[%dma_start3A_118, %dma_start3A_119] : memref<1024x32xf32, #tpu.memory_space<vmem>> -> memref<1024x32xf32, #tpu.memory_space<vmem>>
      %dma_start3A_121 = arith.constant 0 : i32
      %dma_start3A_122 = tpu.memref_slice %arg8[%run_scoped3A_72, %dma_start3A_121] : memref<10x1024xi32, #tpu.memory_space<vmem>> -> memref<1x1024xi32, #tpu.memory_space<vmem>>
      %dma_start3A_123 = tpu.memref_squeeze %dma_start3A_122 : memref<1x1024xi32, #tpu.memory_space<vmem>> -> memref<1024xi32, #tpu.memory_space<vmem>>
      %dma_start3A_124 = arith.constant 0 : i32
      %dma_start3A_125 = arith.constant 0 : i32
      %dma_start3A_126 = tpu.memref_slice %arg11[%dma_start3A_124, %dma_start3A_125] : memref<10112x32xf32, #tpu.memory_space<vmem_shared>> -> memref<10112x32xf32, #tpu.memory_space<vmem_shared>>
      tpu.enqueue_indirect_dma source(%dma_start3A_120 : memref<1024x32xf32, #tpu.memory_space<vmem>>) target(%dma_start3A_126 : memref<10112x32xf32, #tpu.memory_space<vmem_shared>>) offsets(%dma_start3A_123 : memref<1024xi32, #tpu.memory_space<vmem>>) semaphore(%run_scoped3A_117 : memref<!tpu.dma_semaphore, #tpu.memory_space<semaphore_mem>>) {add = true}
      %dma_wait3A_127 = arith.constant 0 : i32
      %dma_wait3A_128 = arith.constant 0 : i32
      %dma_wait3A_129 = tpu.memref_slice %arg10[%dma_wait3A_127, %dma_wait3A_128] : memref<1024x32xf32, #tpu.memory_space<vmem>> -> memref<1024x32xf32, #tpu.memory_space<vmem>>
      %dma_wait3A_130 = arith.constant 0 : i32
      %dma_wait3A_131 = tpu.memref_slice %arg8[%run_scoped3A_72, %dma_wait3A_130] : memref<10x1024xi32, #tpu.memory_space<vmem>> -> memref<1x1024xi32, #tpu.memory_space<vmem>>
      %dma_wait3A_132 = tpu.memref_squeeze %dma_wait3A_131 : memref<1x1024xi32, #tpu.memory_space<vmem>> -> memref<1024xi32, #tpu.memory_space<vmem>>
      %dma_wait3A_133 = arith.constant 0 : i32
      %dma_wait3A_134 = arith.constant 0 : i32
      %dma_wait3A_135 = tpu.memref_slice %arg11[%dma_wait3A_133, %dma_wait3A_134] : memref<10112x32xf32, #tpu.memory_space<vmem_shared>> -> memref<10112x32xf32, #tpu.memory_space<vmem_shared>>
      tpu.wait_indirect_dma semaphore(%run_scoped3A_117 : memref<!tpu.dma_semaphore, #tpu.memory_space<semaphore_mem>>) src(%dma_wait3A_129 : memref<1024x32xf32, #tpu.memory_space<vmem>>) dst(%dma_wait3A_135 : memref<10112x32xf32, #tpu.memory_space<vmem_shared>>)
      tpu.yield
    }) : () -> ()
    %dma_wait3A_73 = arith.constant 6144 : i32
    %dma_wait3A_74 = tpu.memref_slice %arg7[%dma_wait3A_73] : memref<10240xi32, #tpu.memory_space<vmem>> -> memref<1024xi32, #tpu.memory_space<vmem>>
    %dma_wait3A_75 = arith.constant 0 : i32
    %dma_wait3A_76 = arith.constant 0 : i32
    %dma_wait3A_77 = tpu.memref_slice %arg3[%dma_wait3A_75, %dma_wait3A_76] : memref<10112x32xf32, #tpu.memory_space<hbm>> -> memref<10112x32xf32, #tpu.memory_space<hbm>>
    tpu.wait_indirect_dma semaphore(%arg12 : memref<!tpu.dma_semaphore, #tpu.memory_space<semaphore_mem>>) src(%dma_wait3A_77 : memref<10112x32xf32, #tpu.memory_space<hbm>>) dst(%arg9 : memref<1024x32xf32, #tpu.memory_space<vmem>>)
    %dma_start3A_78 = arith.constant 7168 : i32
    %dma_start3A_79 = tpu.memref_slice %arg7[%dma_start3A_78] : memref<10240xi32, #tpu.memory_space<vmem>> -> memref<1024xi32, #tpu.memory_space<vmem>>
    %dma_start3A_80 = arith.constant 0 : i32
    %dma_start3A_81 = arith.constant 0 : i32
    %dma_start3A_82 = tpu.memref_slice %arg3[%dma_start3A_80, %dma_start3A_81] : memref<10112x32xf32, #tpu.memory_space<hbm>> -> memref<10112x32xf32, #tpu.memory_space<hbm>>
    tpu.enqueue_indirect_dma source(%dma_start3A_82 : memref<10112x32xf32, #tpu.memory_space<hbm>>) target(%arg10 : memref<1024x32xf32, #tpu.memory_space<vmem>>) offsets(%dma_start3A_79 : memref<1024xi32, #tpu.memory_space<vmem>>) semaphore(%arg13 : memref<!tpu.dma_semaphore, #tpu.memory_space<semaphore_mem>>)
    %run_scoped3A_83 = arith.constant 6 : i32
    "tpu.region"() ({
      %run_scoped3A_117 = tpu.sem_alloc : memref<!tpu.dma_semaphore, #tpu.memory_space<semaphore_mem>>
      %dma_start3A_118 = arith.constant 0 : i32
      %dma_start3A_119 = arith.constant 0 : i32
      %dma_start3A_120 = tpu.memref_slice %arg9[%dma_start3A_118, %dma_start3A_119] : memref<1024x32xf32, #tpu.memory_space<vmem>> -> memref<1024x32xf32, #tpu.memory_space<vmem>>
      %dma_start3A_121 = arith.constant 0 : i32
      %dma_start3A_122 = tpu.memref_slice %arg8[%run_scoped3A_83, %dma_start3A_121] : memref<10x1024xi32, #tpu.memory_space<vmem>> -> memref<1x1024xi32, #tpu.memory_space<vmem>>
      %dma_start3A_123 = tpu.memref_squeeze %dma_start3A_122 : memref<1x1024xi32, #tpu.memory_space<vmem>> -> memref<1024xi32, #tpu.memory_space<vmem>>
      %dma_start3A_124 = arith.constant 0 : i32
      %dma_start3A_125 = arith.constant 0 : i32
      %dma_start3A_126 = tpu.memref_slice %arg11[%dma_start3A_124, %dma_start3A_125] : memref<10112x32xf32, #tpu.memory_space<vmem_shared>> -> memref<10112x32xf32, #tpu.memory_space<vmem_shared>>
      tpu.enqueue_indirect_dma source(%dma_start3A_120 : memref<1024x32xf32, #tpu.memory_space<vmem>>) target(%dma_start3A_126 : memref<10112x32xf32, #tpu.memory_space<vmem_shared>>) offsets(%dma_start3A_123 : memref<1024xi32, #tpu.memory_space<vmem>>) semaphore(%run_scoped3A_117 : memref<!tpu.dma_semaphore, #tpu.memory_space<semaphore_mem>>) {add = true}
      %dma_wait3A_127 = arith.constant 0 : i32
      %dma_wait3A_128 = arith.constant 0 : i32
      %dma_wait3A_129 = tpu.memref_slice %arg9[%dma_wait3A_127, %dma_wait3A_128] : memref<1024x32xf32, #tpu.memory_space<vmem>> -> memref<1024x32xf32, #tpu.memory_space<vmem>>
      %dma_wait3A_130 = arith.constant 0 : i32
      %dma_wait3A_131 = tpu.memref_slice %arg8[%run_scoped3A_83, %dma_wait3A_130] : memref<10x1024xi32, #tpu.memory_space<vmem>> -> memref<1x1024xi32, #tpu.memory_space<vmem>>
      %dma_wait3A_132 = tpu.memref_squeeze %dma_wait3A_131 : memref<1x1024xi32, #tpu.memory_space<vmem>> -> memref<1024xi32, #tpu.memory_space<vmem>>
      %dma_wait3A_133 = arith.constant 0 : i32
      %dma_wait3A_134 = arith.constant 0 : i32
      %dma_wait3A_135 = tpu.memref_slice %arg11[%dma_wait3A_133, %dma_wait3A_134] : memref<10112x32xf32, #tpu.memory_space<vmem_shared>> -> memref<10112x32xf32, #tpu.memory_space<vmem_shared>>
      tpu.wait_indirect_dma semaphore(%run_scoped3A_117 : memref<!tpu.dma_semaphore, #tpu.memory_space<semaphore_mem>>) src(%dma_wait3A_129 : memref<1024x32xf32, #tpu.memory_space<vmem>>) dst(%dma_wait3A_135 : memref<10112x32xf32, #tpu.memory_space<vmem_shared>>)
      tpu.yield
    }) : () -> ()
    %dma_wait3A_84 = arith.constant 7168 : i32
    %dma_wait3A_85 = tpu.memref_slice %arg7[%dma_wait3A_84] : memref<10240xi32, #tpu.memory_space<vmem>> -> memref<1024xi32, #tpu.memory_space<vmem>>
    %dma_wait3A_86 = arith.constant 0 : i32
    %dma_wait3A_87 = arith.constant 0 : i32
    %dma_wait3A_88 = tpu.memref_slice %arg3[%dma_wait3A_86, %dma_wait3A_87] : memref<10112x32xf32, #tpu.memory_space<hbm>> -> memref<10112x32xf32, #tpu.memory_space<hbm>>
    tpu.wait_indirect_dma semaphore(%arg13 : memref<!tpu.dma_semaphore, #tpu.memory_space<semaphore_mem>>) src(%dma_wait3A_88 : memref<10112x32xf32, #tpu.memory_space<hbm>>) dst(%arg10 : memref<1024x32xf32, #tpu.memory_space<vmem>>)
    %dma_start3A_89 = arith.constant 8192 : i32
    %dma_start3A_90 = tpu.memref_slice %arg7[%dma_start3A_89] : memref<10240xi32, #tpu.memory_space<vmem>> -> memref<1024xi32, #tpu.memory_space<vmem>>
    %dma_start3A_91 = arith.constant 0 : i32
    %dma_start3A_92 = arith.constant 0 : i32
    %dma_start3A_93 = tpu.memref_slice %arg3[%dma_start3A_91, %dma_start3A_92] : memref<10112x32xf32, #tpu.memory_space<hbm>> -> memref<10112x32xf32, #tpu.memory_space<hbm>>
    tpu.enqueue_indirect_dma source(%dma_start3A_93 : memref<10112x32xf32, #tpu.memory_space<hbm>>) target(%arg9 : memref<1024x32xf32, #tpu.memory_space<vmem>>) offsets(%dma_start3A_90 : memref<1024xi32, #tpu.memory_space<vmem>>) semaphore(%arg12 : memref<!tpu.dma_semaphore, #tpu.memory_space<semaphore_mem>>)
    %run_scoped3A_94 = arith.constant 7 : i32
    "tpu.region"() ({
      %run_scoped3A_117 = tpu.sem_alloc : memref<!tpu.dma_semaphore, #tpu.memory_space<semaphore_mem>>
      %dma_start3A_118 = arith.constant 0 : i32
      %dma_start3A_119 = arith.constant 0 : i32
      %dma_start3A_120 = tpu.memref_slice %arg10[%dma_start3A_118, %dma_start3A_119] : memref<1024x32xf32, #tpu.memory_space<vmem>> -> memref<1024x32xf32, #tpu.memory_space<vmem>>
      %dma_start3A_121 = arith.constant 0 : i32
      %dma_start3A_122 = tpu.memref_slice %arg8[%run_scoped3A_94, %dma_start3A_121] : memref<10x1024xi32, #tpu.memory_space<vmem>> -> memref<1x1024xi32, #tpu.memory_space<vmem>>
      %dma_start3A_123 = tpu.memref_squeeze %dma_start3A_122 : memref<1x1024xi32, #tpu.memory_space<vmem>> -> memref<1024xi32, #tpu.memory_space<vmem>>
      %dma_start3A_124 = arith.constant 0 : i32
      %dma_start3A_125 = arith.constant 0 : i32
      %dma_start3A_126 = tpu.memref_slice %arg11[%dma_start3A_124, %dma_start3A_125] : memref<10112x32xf32, #tpu.memory_space<vmem_shared>> -> memref<10112x32xf32, #tpu.memory_space<vmem_shared>>
      tpu.enqueue_indirect_dma source(%dma_start3A_120 : memref<1024x32xf32, #tpu.memory_space<vmem>>) target(%dma_start3A_126 : memref<10112x32xf32, #tpu.memory_space<vmem_shared>>) offsets(%dma_start3A_123 : memref<1024xi32, #tpu.memory_space<vmem>>) semaphore(%run_scoped3A_117 : memref<!tpu.dma_semaphore, #tpu.memory_space<semaphore_mem>>) {add = true}
      %dma_wait3A_127 = arith.constant 0 : i32
      %dma_wait3A_128 = arith.constant 0 : i32
      %dma_wait3A_129 = tpu.memref_slice %arg10[%dma_wait3A_127, %dma_wait3A_128] : memref<1024x32xf32, #tpu.memory_space<vmem>> -> memref<1024x32xf32, #tpu.memory_space<vmem>>
      %dma_wait3A_130 = arith.constant 0 : i32
      %dma_wait3A_131 = tpu.memref_slice %arg8[%run_scoped3A_94, %dma_wait3A_130] : memref<10x1024xi32, #tpu.memory_space<vmem>> -> memref<1x1024xi32, #tpu.memory_space<vmem>>
      %dma_wait3A_132 = tpu.memref_squeeze %dma_wait3A_131 : memref<1x1024xi32, #tpu.memory_space<vmem>> -> memref<1024xi32, #tpu.memory_space<vmem>>
      %dma_wait3A_133 = arith.constant 0 : i32
      %dma_wait3A_134 = arith.constant 0 : i32
      %dma_wait3A_135 = tpu.memref_slice %arg11[%dma_wait3A_133, %dma_wait3A_134] : memref<10112x32xf32, #tpu.memory_space<vmem_shared>> -> memref<10112x32xf32, #tpu.memory_space<vmem_shared>>
      tpu.wait_indirect_dma semaphore(%run_scoped3A_117 : memref<!tpu.dma_semaphore, #tpu.memory_space<semaphore_mem>>) src(%dma_wait3A_129 : memref<1024x32xf32, #tpu.memory_space<vmem>>) dst(%dma_wait3A_135 : memref<10112x32xf32, #tpu.memory_space<vmem_shared>>)
      tpu.yield
    }) : () -> ()
    %dma_wait3A_95 = arith.constant 8192 : i32
    %dma_wait3A_96 = tpu.memref_slice %arg7[%dma_wait3A_95] : memref<10240xi32, #tpu.memory_space<vmem>> -> memref<1024xi32, #tpu.memory_space<vmem>>
    %dma_wait3A_97 = arith.constant 0 : i32
    %dma_wait3A_98 = arith.constant 0 : i32
    %dma_wait3A_99 = tpu.memref_slice %arg3[%dma_wait3A_97, %dma_wait3A_98] : memref<10112x32xf32, #tpu.memory_space<hbm>> -> memref<10112x32xf32, #tpu.memory_space<hbm>>
    tpu.wait_indirect_dma semaphore(%arg12 : memref<!tpu.dma_semaphore, #tpu.memory_space<semaphore_mem>>) src(%dma_wait3A_99 : memref<10112x32xf32, #tpu.memory_space<hbm>>) dst(%arg9 : memref<1024x32xf32, #tpu.memory_space<vmem>>)
    %dma_start3A_100 = arith.constant 9216 : i32
    %dma_start3A_101 = tpu.memref_slice %arg7[%dma_start3A_100] : memref<10240xi32, #tpu.memory_space<vmem>> -> memref<1024xi32, #tpu.memory_space<vmem>>
    %dma_start3A_102 = arith.constant 0 : i32
    %dma_start3A_103 = arith.constant 0 : i32
    %dma_start3A_104 = tpu.memref_slice %arg3[%dma_start3A_102, %dma_start3A_103] : memref<10112x32xf32, #tpu.memory_space<hbm>> -> memref<10112x32xf32, #tpu.memory_space<hbm>>
    tpu.enqueue_indirect_dma source(%dma_start3A_104 : memref<10112x32xf32, #tpu.memory_space<hbm>>) target(%arg10 : memref<1024x32xf32, #tpu.memory_space<vmem>>) offsets(%dma_start3A_101 : memref<1024xi32, #tpu.memory_space<vmem>>) semaphore(%arg13 : memref<!tpu.dma_semaphore, #tpu.memory_space<semaphore_mem>>)
    %run_scoped3A_105 = arith.constant 8 : i32
    "tpu.region"() ({
      %run_scoped3A_117 = tpu.sem_alloc : memref<!tpu.dma_semaphore, #tpu.memory_space<semaphore_mem>>
      %dma_start3A_118 = arith.constant 0 : i32
      %dma_start3A_119 = arith.constant 0 : i32
      %dma_start3A_120 = tpu.memref_slice %arg9[%dma_start3A_118, %dma_start3A_119] : memref<1024x32xf32, #tpu.memory_space<vmem>> -> memref<1024x32xf32, #tpu.memory_space<vmem>>
      %dma_start3A_121 = arith.constant 0 : i32
      %dma_start3A_122 = tpu.memref_slice %arg8[%run_scoped3A_105, %dma_start3A_121] : memref<10x1024xi32, #tpu.memory_space<vmem>> -> memref<1x1024xi32, #tpu.memory_space<vmem>>
      %dma_start3A_123 = tpu.memref_squeeze %dma_start3A_122 : memref<1x1024xi32, #tpu.memory_space<vmem>> -> memref<1024xi32, #tpu.memory_space<vmem>>
      %dma_start3A_124 = arith.constant 0 : i32
      %dma_start3A_125 = arith.constant 0 : i32
      %dma_start3A_126 = tpu.memref_slice %arg11[%dma_start3A_124, %dma_start3A_125] : memref<10112x32xf32, #tpu.memory_space<vmem_shared>> -> memref<10112x32xf32, #tpu.memory_space<vmem_shared>>
      tpu.enqueue_indirect_dma source(%dma_start3A_120 : memref<1024x32xf32, #tpu.memory_space<vmem>>) target(%dma_start3A_126 : memref<10112x32xf32, #tpu.memory_space<vmem_shared>>) offsets(%dma_start3A_123 : memref<1024xi32, #tpu.memory_space<vmem>>) semaphore(%run_scoped3A_117 : memref<!tpu.dma_semaphore, #tpu.memory_space<semaphore_mem>>) {add = true}
      %dma_wait3A_127 = arith.constant 0 : i32
      %dma_wait3A_128 = arith.constant 0 : i32
      %dma_wait3A_129 = tpu.memref_slice %arg9[%dma_wait3A_127, %dma_wait3A_128] : memref<1024x32xf32, #tpu.memory_space<vmem>> -> memref<1024x32xf32, #tpu.memory_space<vmem>>
      %dma_wait3A_130 = arith.constant 0 : i32
      %dma_wait3A_131 = tpu.memref_slice %arg8[%run_scoped3A_105, %dma_wait3A_130] : memref<10x1024xi32, #tpu.memory_space<vmem>> -> memref<1x1024xi32, #tpu.memory_space<vmem>>
      %dma_wait3A_132 = tpu.memref_squeeze %dma_wait3A_131 : memref<1x1024xi32, #tpu.memory_space<vmem>> -> memref<1024xi32, #tpu.memory_space<vmem>>
      %dma_wait3A_133 = arith.constant 0 : i32
      %dma_wait3A_134 = arith.constant 0 : i32
      %dma_wait3A_135 = tpu.memref_slice %arg11[%dma_wait3A_133, %dma_wait3A_134] : memref<10112x32xf32, #tpu.memory_space<vmem_shared>> -> memref<10112x32xf32, #tpu.memory_space<vmem_shared>>
      tpu.wait_indirect_dma semaphore(%run_scoped3A_117 : memref<!tpu.dma_semaphore, #tpu.memory_space<semaphore_mem>>) src(%dma_wait3A_129 : memref<1024x32xf32, #tpu.memory_space<vmem>>) dst(%dma_wait3A_135 : memref<10112x32xf32, #tpu.memory_space<vmem_shared>>)
      tpu.yield
    }) : () -> ()
    %dma_wait3A_106 = arith.constant 9216 : i32
    %dma_wait3A_107 = tpu.memref_slice %arg7[%dma_wait3A_106] : memref<10240xi32, #tpu.memory_space<vmem>> -> memref<1024xi32, #tpu.memory_space<vmem>>
    %dma_wait3A_108 = arith.constant 0 : i32
    %dma_wait3A_109 = arith.constant 0 : i32
    %dma_wait3A_110 = tpu.memref_slice %arg3[%dma_wait3A_108, %dma_wait3A_109] : memref<10112x32xf32, #tpu.memory_space<hbm>> -> memref<10112x32xf32, #tpu.memory_space<hbm>>
    tpu.wait_indirect_dma semaphore(%arg13 : memref<!tpu.dma_semaphore, #tpu.memory_space<semaphore_mem>>) src(%dma_wait3A_110 : memref<10112x32xf32, #tpu.memory_space<hbm>>) dst(%arg10 : memref<1024x32xf32, #tpu.memory_space<vmem>>)
    %run_scoped3A_111 = arith.constant 9 : i32
    "tpu.region"() ({
      %run_scoped3A_117 = tpu.sem_alloc : memref<!tpu.dma_semaphore, #tpu.memory_space<semaphore_mem>>
      %dma_start3A_118 = arith.constant 0 : i32
      %dma_start3A_119 = arith.constant 0 : i32
      %dma_start3A_120 = tpu.memref_slice %arg10[%dma_start3A_118, %dma_start3A_119] : memref<1024x32xf32, #tpu.memory_space<vmem>> -> memref<1024x32xf32, #tpu.memory_space<vmem>>
      %dma_start3A_121 = arith.constant 0 : i32
      %dma_start3A_122 = tpu.memref_slice %arg8[%run_scoped3A_111, %dma_start3A_121] : memref<10x1024xi32, #tpu.memory_space<vmem>> -> memref<1x1024xi32, #tpu.memory_space<vmem>>
      %dma_start3A_123 = tpu.memref_squeeze %dma_start3A_122 : memref<1x1024xi32, #tpu.memory_space<vmem>> -> memref<1024xi32, #tpu.memory_space<vmem>>
      %dma_start3A_124 = arith.constant 0 : i32
      %dma_start3A_125 = arith.constant 0 : i32
      %dma_start3A_126 = tpu.memref_slice %arg11[%dma_start3A_124, %dma_start3A_125] : memref<10112x32xf32, #tpu.memory_space<vmem_shared>> -> memref<10112x32xf32, #tpu.memory_space<vmem_shared>>
      tpu.enqueue_indirect_dma source(%dma_start3A_120 : memref<1024x32xf32, #tpu.memory_space<vmem>>) target(%dma_start3A_126 : memref<10112x32xf32, #tpu.memory_space<vmem_shared>>) offsets(%dma_start3A_123 : memref<1024xi32, #tpu.memory_space<vmem>>) semaphore(%run_scoped3A_117 : memref<!tpu.dma_semaphore, #tpu.memory_space<semaphore_mem>>) {add = true}
      %dma_wait3A_127 = arith.constant 0 : i32
      %dma_wait3A_128 = arith.constant 0 : i32
      %dma_wait3A_129 = tpu.memref_slice %arg10[%dma_wait3A_127, %dma_wait3A_128] : memref<1024x32xf32, #tpu.memory_space<vmem>> -> memref<1024x32xf32, #tpu.memory_space<vmem>>
      %dma_wait3A_130 = arith.constant 0 : i32
      %dma_wait3A_131 = tpu.memref_slice %arg8[%run_scoped3A_111, %dma_wait3A_130] : memref<10x1024xi32, #tpu.memory_space<vmem>> -> memref<1x1024xi32, #tpu.memory_space<vmem>>
      %dma_wait3A_132 = tpu.memref_squeeze %dma_wait3A_131 : memref<1x1024xi32, #tpu.memory_space<vmem>> -> memref<1024xi32, #tpu.memory_space<vmem>>
      %dma_wait3A_133 = arith.constant 0 : i32
      %dma_wait3A_134 = arith.constant 0 : i32
      %dma_wait3A_135 = tpu.memref_slice %arg11[%dma_wait3A_133, %dma_wait3A_134] : memref<10112x32xf32, #tpu.memory_space<vmem_shared>> -> memref<10112x32xf32, #tpu.memory_space<vmem_shared>>
      tpu.wait_indirect_dma semaphore(%run_scoped3A_117 : memref<!tpu.dma_semaphore, #tpu.memory_space<semaphore_mem>>) src(%dma_wait3A_129 : memref<1024x32xf32, #tpu.memory_space<vmem>>) dst(%dma_wait3A_135 : memref<10112x32xf32, #tpu.memory_space<vmem_shared>>)
      tpu.yield
    }) : () -> ()
    %barrier3A_112 = arith.constant 0 : index
    tpu.barrier barrier_id(%barrier3A_112)
    %mul3A_113 = arith.constant 632 : i32
    %mul3A_114 = arith.muli %arg1, %mul3A_113 : i32
    %mul3A_115 = arith.constant 632 : i32
    %mul3A_116 = arith.muli %arg1, %mul3A_115 : i32
    "tpu.region"() ({
      %run_scoped3A_117 = tpu.sem_alloc : memref<!tpu.dma_semaphore, #tpu.memory_space<semaphore_mem>>
      %dma_start3A_118 = arith.constant 0 : i32
      %dma_start3A_119 = tpu.memref_slice %arg6[%arg0, %mul3A_116, %dma_start3A_118] : memref<2x10112x32xf32, #tpu.memory_space<hbm>> -> memref<1x632x32xf32, #tpu.memory_space<hbm>>
      %dma_start3A_120 = tpu.memref_squeeze %dma_start3A_119 : memref<1x632x32xf32, #tpu.memory_space<hbm>> -> memref<632x32xf32, #tpu.memory_space<hbm>>
      %dma_start3A_121 = arith.constant 0 : i32
      %dma_start3A_122 = tpu.memref_slice %arg11[%mul3A_114, %dma_start3A_121] : memref<10112x32xf32, #tpu.memory_space<vmem_shared>> -> memref<632x32xf32, #tpu.memory_space<vmem_shared>>
      tpu.enqueue_dma source(%dma_start3A_122 : memref<632x32xf32, #tpu.memory_space<vmem_shared>>) target(%dma_start3A_120 : memref<632x32xf32, #tpu.memory_space<hbm>>) target_semaphore(%run_scoped3A_117 : memref<!tpu.dma_semaphore, #tpu.memory_space<semaphore_mem>>)
      %dma_wait3A_123 = arith.constant 0 : i32
      %dma_wait3A_124 = tpu.memref_slice %arg6[%arg0, %mul3A_116, %dma_wait3A_123] : memref<2x10112x32xf32, #tpu.memory_space<hbm>> -> memref<1x632x32xf32, #tpu.memory_space<hbm>>
      %dma_wait3A_125 = tpu.memref_squeeze %dma_wait3A_124 : memref<1x632x32xf32, #tpu.memory_space<hbm>> -> memref<632x32xf32, #tpu.memory_space<hbm>>
      %dma_wait3A_126 = arith.constant 0 : i32
      %dma_wait3A_127 = tpu.memref_slice %arg11[%mul3A_114, %dma_wait3A_126] : memref<10112x32xf32, #tpu.memory_space<vmem_shared>> -> memref<632x32xf32, #tpu.memory_space<vmem_shared>>
      tpu.wait_dma2 semaphore(%run_scoped3A_117 : memref<!tpu.dma_semaphore, #tpu.memory_space<semaphore_mem>>) src(%dma_wait3A_127 : memref<632x32xf32, #tpu.memory_space<vmem_shared>>) dst(%dma_wait3A_125 : memref<632x32xf32, #tpu.memory_space<hbm>>)
      tpu.yield
    }) : () -> ()
    return
  }
}

#map = affine_map<(d0, d1) -> (0, 0)>
#map1 = affine_map<(d0, d1) -> (0, 0, 0)>
module attributes {stable_mosaic.version = 14 : i64} {
  func.func @_edge_sum_body(%arg0: i32, %arg1: i32, %arg2: memref<10112x32xf32, #tpu.memory_space<hbm>>, %arg3: memref<10112x32xf32, #tpu.memory_space<hbm>>, %arg4: memref<32x10240xi32, #tpu.memory_space<hbm>>, %arg5: memref<32x10x1024xi32, #tpu.memory_space<hbm>>, %arg6: memref<2x10112x32xf32, #tpu.memory_space<hbm>>, %arg7: memref<10240xi32, #tpu.memory_space<vmem>>, %arg8: memref<10x1024xi32, #tpu.memory_space<vmem>>, %arg9: memref<1024x32xf32, #tpu.memory_space<vmem>>, %arg10: memref<1024x32xf32, #tpu.memory_space<vmem>>, %arg11: memref<10112x32xf32, #tpu.memory_space<vmem_shared>>, %arg12: memref<!tpu.dma_semaphore, #tpu.memory_space<semaphore_mem>>, %arg13: memref<!tpu.dma_semaphore, #tpu.memory_space<semaphore_mem>>) attributes {dimension_semantics = [#tpu.dimension_semantics<core_parallel>, #tpu.dimension_semantics<subcore_parallel>], iteration_bounds = array<i64: 2, 16>, scalar_prefetch = 0 : i64, scratch_operands = 7 : i64, tpu.core_type = #tpu.core_type<sc_vector_subcore>, window_params = [{transform_indices = #map}, {transform_indices = #map}, {transform_indices = #map}, {transform_indices = #map1}, {transform_indices = #map1}]} {
    %mul3A = arith.constant 16 : i32
    %mul3A_0 = arith.muli %arg0, %mul3A : i32
    %add3A = arith.addi %mul3A_0, %arg1 : i32
    %mul3A_1 = arith.constant 632 : i32
    %mul3A_2 = arith.muli %arg1, %mul3A_1 : i32
    %mul3A_3 = arith.constant 632 : i32
    %mul3A_4 = arith.muli %arg1, %mul3A_3 : i32
    "tpu.region"() ({
      %run_scoped3A_117 = tpu.sem_alloc : memref<!tpu.dma_semaphore, #tpu.memory_space<semaphore_mem>>
      %dma_start3A_118 = arith.constant 0 : i32
      %dma_start3A_119 = tpu.memref_slice %arg11[%mul3A_4, %dma_start3A_118] : memref<10112x32xf32, #tpu.memory_space<vmem_shared>> -> memref<632x32xf32, #tpu.memory_space<vmem_shared>>
      %dma_start3A_120 = arith.constant 0 : i32
      %dma_start3A_121 = tpu.memref_slice %arg2[%mul3A_2, %dma_start3A_120] : memref<10112x32xf32, #tpu.memory_space<hbm>> -> memref<632x32xf32, #tpu.memory_space<hbm>>
      tpu.enqueue_dma source(%dma_start3A_121 : memref<632x32xf32, #tpu.memory_space<hbm>>) target(%dma_start3A_119 : memref<632x32xf32, #tpu.memory_space<vmem_shared>>) target_semaphore(%run_scoped3A_117 : memref<!tpu.dma_semaphore, #tpu.memory_space<semaphore_mem>>)
      %dma_wait3A_122 = arith.constant 0 : i32
      %dma_wait3A_123 = tpu.memref_slice %arg11[%mul3A_4, %dma_wait3A_122] : memref<10112x32xf32, #tpu.memory_space<vmem_shared>> -> memref<632x32xf32, #tpu.memory_space<vmem_shared>>
      %dma_wait3A_124 = arith.constant 0 : i32
      %dma_wait3A_125 = tpu.memref_slice %arg2[%mul3A_2, %dma_wait3A_124] : memref<10112x32xf32, #tpu.memory_space<hbm>> -> memref<632x32xf32, #tpu.memory_space<hbm>>
      tpu.wait_dma2 semaphore(%run_scoped3A_117 : memref<!tpu.dma_semaphore, #tpu.memory_space<semaphore_mem>>) src(%dma_wait3A_125 : memref<632x32xf32, #tpu.memory_space<hbm>>) dst(%dma_wait3A_123 : memref<632x32xf32, #tpu.memory_space<vmem_shared>>)
      tpu.yield
    }) : () -> ()
    "tpu.region"() ({
      %run_scoped3A_117 = tpu.sem_alloc : memref<!tpu.dma_semaphore, #tpu.memory_space<semaphore_mem>>
      %dma_start3A_118 = arith.constant 0 : i32
      %dma_start3A_119 = tpu.memref_slice %arg4[%add3A, %dma_start3A_118] : memref<32x10240xi32, #tpu.memory_space<hbm>> -> memref<1x10240xi32, #tpu.memory_space<hbm>>
      %dma_start3A_120 = tpu.memref_squeeze %dma_start3A_119 : memref<1x10240xi32, #tpu.memory_space<hbm>> -> memref<10240xi32, #tpu.memory_space<hbm>>
      %dma_start3A_121 = arith.constant 0 : i32
      %dma_start3A_122 = tpu.memref_slice %arg4[%add3A, %dma_start3A_121] : memref<32x10240xi32, #tpu.memory_space<hbm>> -> memref<1x10240xi32, #tpu.memory_space<hbm>>
      %dma_start3A_123 = tpu.memref_squeeze %dma_start3A_122 : memref<1x10240xi32, #tpu.memory_space<hbm>> -> memref<10240xi32, #tpu.memory_space<hbm>>
      tpu.enqueue_dma source(%dma_start3A_123 : memref<10240xi32, #tpu.memory_space<hbm>>) target(%arg7 : memref<10240xi32, #tpu.memory_space<vmem>>) target_semaphore(%run_scoped3A_117 : memref<!tpu.dma_semaphore, #tpu.memory_space<semaphore_mem>>)
      %dma_wait3A_124 = arith.constant 0 : i32
      %dma_wait3A_125 = tpu.memref_slice %arg4[%add3A, %dma_wait3A_124] : memref<32x10240xi32, #tpu.memory_space<hbm>> -> memref<1x10240xi32, #tpu.memory_space<hbm>>
      %dma_wait3A_126 = tpu.memref_squeeze %dma_wait3A_125 : memref<1x10240xi32, #tpu.memory_space<hbm>> -> memref<10240xi32, #tpu.memory_space<hbm>>
      %dma_wait3A_127 = arith.constant 0 : i32
      %dma_wait3A_128 = tpu.memref_slice %arg4[%add3A, %dma_wait3A_127] : memref<32x10240xi32, #tpu.memory_space<hbm>> -> memref<1x10240xi32, #tpu.memory_space<hbm>>
      %dma_wait3A_129 = tpu.memref_squeeze %dma_wait3A_128 : memref<1x10240xi32, #tpu.memory_space<hbm>> -> memref<10240xi32, #tpu.memory_space<hbm>>
      tpu.wait_dma2 semaphore(%run_scoped3A_117 : memref<!tpu.dma_semaphore, #tpu.memory_space<semaphore_mem>>) src(%dma_wait3A_129 : memref<10240xi32, #tpu.memory_space<hbm>>) dst(%arg7 : memref<10240xi32, #tpu.memory_space<vmem>>)
      tpu.yield
    }) : () -> ()
    "tpu.region"() ({
      %run_scoped3A_117 = tpu.sem_alloc : memref<!tpu.dma_semaphore, #tpu.memory_space<semaphore_mem>>
      %dma_start3A_118 = arith.constant 0 : i32
      %dma_start3A_119 = arith.constant 0 : i32
      %dma_start3A_120 = tpu.memref_slice %arg5[%add3A, %dma_start3A_118, %dma_start3A_119] : memref<32x10x1024xi32, #tpu.memory_space<hbm>> -> memref<1x10x1024xi32, #tpu.memory_space<hbm>>
      %dma_start3A_121 = tpu.memref_squeeze %dma_start3A_120 : memref<1x10x1024xi32, #tpu.memory_space<hbm>> -> memref<10x1024xi32, #tpu.memory_space<hbm>>
      %dma_start3A_122 = arith.constant 0 : i32
      %dma_start3A_123 = arith.constant 0 : i32
      %dma_start3A_124 = tpu.memref_slice %arg5[%add3A, %dma_start3A_122, %dma_start3A_123] : memref<32x10x1024xi32, #tpu.memory_space<hbm>> -> memref<1x10x1024xi32, #tpu.memory_space<hbm>>
      %dma_start3A_125 = tpu.memref_squeeze %dma_start3A_124 : memref<1x10x1024xi32, #tpu.memory_space<hbm>> -> memref<10x1024xi32, #tpu.memory_space<hbm>>
      tpu.enqueue_dma source(%dma_start3A_125 : memref<10x1024xi32, #tpu.memory_space<hbm>>) target(%arg8 : memref<10x1024xi32, #tpu.memory_space<vmem>>) target_semaphore(%run_scoped3A_117 : memref<!tpu.dma_semaphore, #tpu.memory_space<semaphore_mem>>)
      %dma_wait3A_126 = arith.constant 0 : i32
      %dma_wait3A_127 = arith.constant 0 : i32
      %dma_wait3A_128 = tpu.memref_slice %arg5[%add3A, %dma_wait3A_126, %dma_wait3A_127] : memref<32x10x1024xi32, #tpu.memory_space<hbm>> -> memref<1x10x1024xi32, #tpu.memory_space<hbm>>
      %dma_wait3A_129 = tpu.memref_squeeze %dma_wait3A_128 : memref<1x10x1024xi32, #tpu.memory_space<hbm>> -> memref<10x1024xi32, #tpu.memory_space<hbm>>
      %dma_wait3A_130 = arith.constant 0 : i32
      %dma_wait3A_131 = arith.constant 0 : i32
      %dma_wait3A_132 = tpu.memref_slice %arg5[%add3A, %dma_wait3A_130, %dma_wait3A_131] : memref<32x10x1024xi32, #tpu.memory_space<hbm>> -> memref<1x10x1024xi32, #tpu.memory_space<hbm>>
      %dma_wait3A_133 = tpu.memref_squeeze %dma_wait3A_132 : memref<1x10x1024xi32, #tpu.memory_space<hbm>> -> memref<10x1024xi32, #tpu.memory_space<hbm>>
      tpu.wait_dma2 semaphore(%run_scoped3A_117 : memref<!tpu.dma_semaphore, #tpu.memory_space<semaphore_mem>>) src(%dma_wait3A_133 : memref<10x1024xi32, #tpu.memory_space<hbm>>) dst(%arg8 : memref<10x1024xi32, #tpu.memory_space<vmem>>)
      tpu.yield
    }) : () -> ()
    %barrier3A = arith.constant 0 : index
    tpu.barrier barrier_id(%barrier3A)
    %dma_start3A = arith.constant 0 : i32
    %dma_start3A_5 = tpu.memref_slice %arg7[%dma_start3A] : memref<10240xi32, #tpu.memory_space<vmem>> -> memref<1024xi32, #tpu.memory_space<vmem>>
    %dma_start3A_6 = arith.constant 0 : i32
    %dma_start3A_7 = arith.constant 0 : i32
    %dma_start3A_8 = tpu.memref_slice %arg3[%dma_start3A_6, %dma_start3A_7] : memref<10112x32xf32, #tpu.memory_space<hbm>> -> memref<10112x32xf32, #tpu.memory_space<hbm>>
    tpu.enqueue_indirect_dma source(%dma_start3A_8 : memref<10112x32xf32, #tpu.memory_space<hbm>>) target(%arg9 : memref<1024x32xf32, #tpu.memory_space<vmem>>) offsets(%dma_start3A_5 : memref<1024xi32, #tpu.memory_space<vmem>>) semaphore(%arg12 : memref<!tpu.dma_semaphore, #tpu.memory_space<semaphore_mem>>)
    %dma_wait3A = arith.constant 0 : i32
    %dma_wait3A_9 = tpu.memref_slice %arg7[%dma_wait3A] : memref<10240xi32, #tpu.memory_space<vmem>> -> memref<1024xi32, #tpu.memory_space<vmem>>
    %dma_wait3A_10 = arith.constant 0 : i32
    %dma_wait3A_11 = arith.constant 0 : i32
    %dma_wait3A_12 = tpu.memref_slice %arg3[%dma_wait3A_10, %dma_wait3A_11] : memref<10112x32xf32, #tpu.memory_space<hbm>> -> memref<10112x32xf32, #tpu.memory_space<hbm>>
    tpu.wait_indirect_dma semaphore(%arg12 : memref<!tpu.dma_semaphore, #tpu.memory_space<semaphore_mem>>) src(%dma_wait3A_12 : memref<10112x32xf32, #tpu.memory_space<hbm>>) dst(%arg9 : memref<1024x32xf32, #tpu.memory_space<vmem>>)
    %dma_start3A_13 = arith.constant 1024 : i32
    %dma_start3A_14 = tpu.memref_slice %arg7[%dma_start3A_13] : memref<10240xi32, #tpu.memory_space<vmem>> -> memref<1024xi32, #tpu.memory_space<vmem>>
    %dma_start3A_15 = arith.constant 0 : i32
    %dma_start3A_16 = arith.constant 0 : i32
    %dma_start3A_17 = tpu.memref_slice %arg3[%dma_start3A_15, %dma_start3A_16] : memref<10112x32xf32, #tpu.memory_space<hbm>> -> memref<10112x32xf32, #tpu.memory_space<hbm>>
    tpu.enqueue_indirect_dma source(%dma_start3A_17 : memref<10112x32xf32, #tpu.memory_space<hbm>>) target(%arg10 : memref<1024x32xf32, #tpu.memory_space<vmem>>) offsets(%dma_start3A_14 : memref<1024xi32, #tpu.memory_space<vmem>>) semaphore(%arg13 : memref<!tpu.dma_semaphore, #tpu.memory_space<semaphore_mem>>)
    %run_scoped3A = arith.constant 0 : i32
    "tpu.region"() ({
      %run_scoped3A_117 = tpu.sem_alloc : memref<!tpu.dma_semaphore, #tpu.memory_space<semaphore_mem>>
      %dma_start3A_118 = arith.constant 0 : i32
      %dma_start3A_119 = arith.constant 0 : i32
      %dma_start3A_120 = tpu.memref_slice %arg9[%dma_start3A_118, %dma_start3A_119] : memref<1024x32xf32, #tpu.memory_space<vmem>> -> memref<1024x32xf32, #tpu.memory_space<vmem>>
      %dma_start3A_121 = arith.constant 0 : i32
      %dma_start3A_122 = tpu.memref_slice %arg8[%run_scoped3A, %dma_start3A_121] : memref<10x1024xi32, #tpu.memory_space<vmem>> -> memref<1x1024xi32, #tpu.memory_space<vmem>>
      %dma_start3A_123 = tpu.memref_squeeze %dma_start3A_122 : memref<1x1024xi32, #tpu.memory_space<vmem>> -> memref<1024xi32, #tpu.memory_space<vmem>>
      %dma_start3A_124 = arith.constant 0 : i32
      %dma_start3A_125 = arith.constant 0 : i32
      %dma_start3A_126 = tpu.memref_slice %arg11[%dma_start3A_124, %dma_start3A_125] : memref<10112x32xf32, #tpu.memory_space<vmem_shared>> -> memref<10112x32xf32, #tpu.memory_space<vmem_shared>>
      tpu.enqueue_indirect_dma source(%dma_start3A_120 : memref<1024x32xf32, #tpu.memory_space<vmem>>) target(%dma_start3A_126 : memref<10112x32xf32, #tpu.memory_space<vmem_shared>>) offsets(%dma_start3A_123 : memref<1024xi32, #tpu.memory_space<vmem>>) semaphore(%run_scoped3A_117 : memref<!tpu.dma_semaphore, #tpu.memory_space<semaphore_mem>>) {add = true}
      %dma_wait3A_127 = arith.constant 0 : i32
      %dma_wait3A_128 = arith.constant 0 : i32
      %dma_wait3A_129 = tpu.memref_slice %arg9[%dma_wait3A_127, %dma_wait3A_128] : memref<1024x32xf32, #tpu.memory_space<vmem>> -> memref<1024x32xf32, #tpu.memory_space<vmem>>
      %dma_wait3A_130 = arith.constant 0 : i32
      %dma_wait3A_131 = tpu.memref_slice %arg8[%run_scoped3A, %dma_wait3A_130] : memref<10x1024xi32, #tpu.memory_space<vmem>> -> memref<1x1024xi32, #tpu.memory_space<vmem>>
      %dma_wait3A_132 = tpu.memref_squeeze %dma_wait3A_131 : memref<1x1024xi32, #tpu.memory_space<vmem>> -> memref<1024xi32, #tpu.memory_space<vmem>>
      %dma_wait3A_133 = arith.constant 0 : i32
      %dma_wait3A_134 = arith.constant 0 : i32
      %dma_wait3A_135 = tpu.memref_slice %arg11[%dma_wait3A_133, %dma_wait3A_134] : memref<10112x32xf32, #tpu.memory_space<vmem_shared>> -> memref<10112x32xf32, #tpu.memory_space<vmem_shared>>
      tpu.wait_indirect_dma semaphore(%run_scoped3A_117 : memref<!tpu.dma_semaphore, #tpu.memory_space<semaphore_mem>>) src(%dma_wait3A_129 : memref<1024x32xf32, #tpu.memory_space<vmem>>) dst(%dma_wait3A_135 : memref<10112x32xf32, #tpu.memory_space<vmem_shared>>)
      tpu.yield
    }) : () -> ()
    %dma_wait3A_18 = arith.constant 1024 : i32
    %dma_wait3A_19 = tpu.memref_slice %arg7[%dma_wait3A_18] : memref<10240xi32, #tpu.memory_space<vmem>> -> memref<1024xi32, #tpu.memory_space<vmem>>
    %dma_wait3A_20 = arith.constant 0 : i32
    %dma_wait3A_21 = arith.constant 0 : i32
    %dma_wait3A_22 = tpu.memref_slice %arg3[%dma_wait3A_20, %dma_wait3A_21] : memref<10112x32xf32, #tpu.memory_space<hbm>> -> memref<10112x32xf32, #tpu.memory_space<hbm>>
    tpu.wait_indirect_dma semaphore(%arg13 : memref<!tpu.dma_semaphore, #tpu.memory_space<semaphore_mem>>) src(%dma_wait3A_22 : memref<10112x32xf32, #tpu.memory_space<hbm>>) dst(%arg10 : memref<1024x32xf32, #tpu.memory_space<vmem>>)
    %dma_start3A_23 = arith.constant 2048 : i32
    %dma_start3A_24 = tpu.memref_slice %arg7[%dma_start3A_23] : memref<10240xi32, #tpu.memory_space<vmem>> -> memref<1024xi32, #tpu.memory_space<vmem>>
    %dma_start3A_25 = arith.constant 0 : i32
    %dma_start3A_26 = arith.constant 0 : i32
    %dma_start3A_27 = tpu.memref_slice %arg3[%dma_start3A_25, %dma_start3A_26] : memref<10112x32xf32, #tpu.memory_space<hbm>> -> memref<10112x32xf32, #tpu.memory_space<hbm>>
    tpu.enqueue_indirect_dma source(%dma_start3A_27 : memref<10112x32xf32, #tpu.memory_space<hbm>>) target(%arg9 : memref<1024x32xf32, #tpu.memory_space<vmem>>) offsets(%dma_start3A_24 : memref<1024xi32, #tpu.memory_space<vmem>>) semaphore(%arg12 : memref<!tpu.dma_semaphore, #tpu.memory_space<semaphore_mem>>)
    %run_scoped3A_28 = arith.constant 1 : i32
    "tpu.region"() ({
      %run_scoped3A_117 = tpu.sem_alloc : memref<!tpu.dma_semaphore, #tpu.memory_space<semaphore_mem>>
      %dma_start3A_118 = arith.constant 0 : i32
      %dma_start3A_119 = arith.constant 0 : i32
      %dma_start3A_120 = tpu.memref_slice %arg10[%dma_start3A_118, %dma_start3A_119] : memref<1024x32xf32, #tpu.memory_space<vmem>> -> memref<1024x32xf32, #tpu.memory_space<vmem>>
      %dma_start3A_121 = arith.constant 0 : i32
      %dma_start3A_122 = tpu.memref_slice %arg8[%run_scoped3A_28, %dma_start3A_121] : memref<10x1024xi32, #tpu.memory_space<vmem>> -> memref<1x1024xi32, #tpu.memory_space<vmem>>
      %dma_start3A_123 = tpu.memref_squeeze %dma_start3A_122 : memref<1x1024xi32, #tpu.memory_space<vmem>> -> memref<1024xi32, #tpu.memory_space<vmem>>
      %dma_start3A_124 = arith.constant 0 : i32
      %dma_start3A_125 = arith.constant 0 : i32
      %dma_start3A_126 = tpu.memref_slice %arg11[%dma_start3A_124, %dma_start3A_125] : memref<10112x32xf32, #tpu.memory_space<vmem_shared>> -> memref<10112x32xf32, #tpu.memory_space<vmem_shared>>
      tpu.enqueue_indirect_dma source(%dma_start3A_120 : memref<1024x32xf32, #tpu.memory_space<vmem>>) target(%dma_start3A_126 : memref<10112x32xf32, #tpu.memory_space<vmem_shared>>) offsets(%dma_start3A_123 : memref<1024xi32, #tpu.memory_space<vmem>>) semaphore(%run_scoped3A_117 : memref<!tpu.dma_semaphore, #tpu.memory_space<semaphore_mem>>) {add = true}
      %dma_wait3A_127 = arith.constant 0 : i32
      %dma_wait3A_128 = arith.constant 0 : i32
      %dma_wait3A_129 = tpu.memref_slice %arg10[%dma_wait3A_127, %dma_wait3A_128] : memref<1024x32xf32, #tpu.memory_space<vmem>> -> memref<1024x32xf32, #tpu.memory_space<vmem>>
      %dma_wait3A_130 = arith.constant 0 : i32
      %dma_wait3A_131 = tpu.memref_slice %arg8[%run_scoped3A_28, %dma_wait3A_130] : memref<10x1024xi32, #tpu.memory_space<vmem>> -> memref<1x1024xi32, #tpu.memory_space<vmem>>
      %dma_wait3A_132 = tpu.memref_squeeze %dma_wait3A_131 : memref<1x1024xi32, #tpu.memory_space<vmem>> -> memref<1024xi32, #tpu.memory_space<vmem>>
      %dma_wait3A_133 = arith.constant 0 : i32
      %dma_wait3A_134 = arith.constant 0 : i32
      %dma_wait3A_135 = tpu.memref_slice %arg11[%dma_wait3A_133, %dma_wait3A_134] : memref<10112x32xf32, #tpu.memory_space<vmem_shared>> -> memref<10112x32xf32, #tpu.memory_space<vmem_shared>>
      tpu.wait_indirect_dma semaphore(%run_scoped3A_117 : memref<!tpu.dma_semaphore, #tpu.memory_space<semaphore_mem>>) src(%dma_wait3A_129 : memref<1024x32xf32, #tpu.memory_space<vmem>>) dst(%dma_wait3A_135 : memref<10112x32xf32, #tpu.memory_space<vmem_shared>>)
      tpu.yield
    }) : () -> ()
    %dma_wait3A_29 = arith.constant 2048 : i32
    %dma_wait3A_30 = tpu.memref_slice %arg7[%dma_wait3A_29] : memref<10240xi32, #tpu.memory_space<vmem>> -> memref<1024xi32, #tpu.memory_space<vmem>>
    %dma_wait3A_31 = arith.constant 0 : i32
    %dma_wait3A_32 = arith.constant 0 : i32
    %dma_wait3A_33 = tpu.memref_slice %arg3[%dma_wait3A_31, %dma_wait3A_32] : memref<10112x32xf32, #tpu.memory_space<hbm>> -> memref<10112x32xf32, #tpu.memory_space<hbm>>
    tpu.wait_indirect_dma semaphore(%arg12 : memref<!tpu.dma_semaphore, #tpu.memory_space<semaphore_mem>>) src(%dma_wait3A_33 : memref<10112x32xf32, #tpu.memory_space<hbm>>) dst(%arg9 : memref<1024x32xf32, #tpu.memory_space<vmem>>)
    %dma_start3A_34 = arith.constant 3072 : i32
    %dma_start3A_35 = tpu.memref_slice %arg7[%dma_start3A_34] : memref<10240xi32, #tpu.memory_space<vmem>> -> memref<1024xi32, #tpu.memory_space<vmem>>
    %dma_start3A_36 = arith.constant 0 : i32
    %dma_start3A_37 = arith.constant 0 : i32
    %dma_start3A_38 = tpu.memref_slice %arg3[%dma_start3A_36, %dma_start3A_37] : memref<10112x32xf32, #tpu.memory_space<hbm>> -> memref<10112x32xf32, #tpu.memory_space<hbm>>
    tpu.enqueue_indirect_dma source(%dma_start3A_38 : memref<10112x32xf32, #tpu.memory_space<hbm>>) target(%arg10 : memref<1024x32xf32, #tpu.memory_space<vmem>>) offsets(%dma_start3A_35 : memref<1024xi32, #tpu.memory_space<vmem>>) semaphore(%arg13 : memref<!tpu.dma_semaphore, #tpu.memory_space<semaphore_mem>>)
    %run_scoped3A_39 = arith.constant 2 : i32
    "tpu.region"() ({
      %run_scoped3A_117 = tpu.sem_alloc : memref<!tpu.dma_semaphore, #tpu.memory_space<semaphore_mem>>
      %dma_start3A_118 = arith.constant 0 : i32
      %dma_start3A_119 = arith.constant 0 : i32
      %dma_start3A_120 = tpu.memref_slice %arg9[%dma_start3A_118, %dma_start3A_119] : memref<1024x32xf32, #tpu.memory_space<vmem>> -> memref<1024x32xf32, #tpu.memory_space<vmem>>
      %dma_start3A_121 = arith.constant 0 : i32
      %dma_start3A_122 = tpu.memref_slice %arg8[%run_scoped3A_39, %dma_start3A_121] : memref<10x1024xi32, #tpu.memory_space<vmem>> -> memref<1x1024xi32, #tpu.memory_space<vmem>>
      %dma_start3A_123 = tpu.memref_squeeze %dma_start3A_122 : memref<1x1024xi32, #tpu.memory_space<vmem>> -> memref<1024xi32, #tpu.memory_space<vmem>>
      %dma_start3A_124 = arith.constant 0 : i32
      %dma_start3A_125 = arith.constant 0 : i32
      %dma_start3A_126 = tpu.memref_slice %arg11[%dma_start3A_124, %dma_start3A_125] : memref<10112x32xf32, #tpu.memory_space<vmem_shared>> -> memref<10112x32xf32, #tpu.memory_space<vmem_shared>>
      tpu.enqueue_indirect_dma source(%dma_start3A_120 : memref<1024x32xf32, #tpu.memory_space<vmem>>) target(%dma_start3A_126 : memref<10112x32xf32, #tpu.memory_space<vmem_shared>>) offsets(%dma_start3A_123 : memref<1024xi32, #tpu.memory_space<vmem>>) semaphore(%run_scoped3A_117 : memref<!tpu.dma_semaphore, #tpu.memory_space<semaphore_mem>>) {add = true}
      %dma_wait3A_127 = arith.constant 0 : i32
      %dma_wait3A_128 = arith.constant 0 : i32
      %dma_wait3A_129 = tpu.memref_slice %arg9[%dma_wait3A_127, %dma_wait3A_128] : memref<1024x32xf32, #tpu.memory_space<vmem>> -> memref<1024x32xf32, #tpu.memory_space<vmem>>
      %dma_wait3A_130 = arith.constant 0 : i32
      %dma_wait3A_131 = tpu.memref_slice %arg8[%run_scoped3A_39, %dma_wait3A_130] : memref<10x1024xi32, #tpu.memory_space<vmem>> -> memref<1x1024xi32, #tpu.memory_space<vmem>>
      %dma_wait3A_132 = tpu.memref_squeeze %dma_wait3A_131 : memref<1x1024xi32, #tpu.memory_space<vmem>> -> memref<1024xi32, #tpu.memory_space<vmem>>
      %dma_wait3A_133 = arith.constant 0 : i32
      %dma_wait3A_134 = arith.constant 0 : i32
      %dma_wait3A_135 = tpu.memref_slice %arg11[%dma_wait3A_133, %dma_wait3A_134] : memref<10112x32xf32, #tpu.memory_space<vmem_shared>> -> memref<10112x32xf32, #tpu.memory_space<vmem_shared>>
      tpu.wait_indirect_dma semaphore(%run_scoped3A_117 : memref<!tpu.dma_semaphore, #tpu.memory_space<semaphore_mem>>) src(%dma_wait3A_129 : memref<1024x32xf32, #tpu.memory_space<vmem>>) dst(%dma_wait3A_135 : memref<10112x32xf32, #tpu.memory_space<vmem_shared>>)
      tpu.yield
    }) : () -> ()
    %dma_wait3A_40 = arith.constant 3072 : i32
    %dma_wait3A_41 = tpu.memref_slice %arg7[%dma_wait3A_40] : memref<10240xi32, #tpu.memory_space<vmem>> -> memref<1024xi32, #tpu.memory_space<vmem>>
    %dma_wait3A_42 = arith.constant 0 : i32
    %dma_wait3A_43 = arith.constant 0 : i32
    %dma_wait3A_44 = tpu.memref_slice %arg3[%dma_wait3A_42, %dma_wait3A_43] : memref<10112x32xf32, #tpu.memory_space<hbm>> -> memref<10112x32xf32, #tpu.memory_space<hbm>>
    tpu.wait_indirect_dma semaphore(%arg13 : memref<!tpu.dma_semaphore, #tpu.memory_space<semaphore_mem>>) src(%dma_wait3A_44 : memref<10112x32xf32, #tpu.memory_space<hbm>>) dst(%arg10 : memref<1024x32xf32, #tpu.memory_space<vmem>>)
    %dma_start3A_45 = arith.constant 4096 : i32
    %dma_start3A_46 = tpu.memref_slice %arg7[%dma_start3A_45] : memref<10240xi32, #tpu.memory_space<vmem>> -> memref<1024xi32, #tpu.memory_space<vmem>>
    %dma_start3A_47 = arith.constant 0 : i32
    %dma_start3A_48 = arith.constant 0 : i32
    %dma_start3A_49 = tpu.memref_slice %arg3[%dma_start3A_47, %dma_start3A_48] : memref<10112x32xf32, #tpu.memory_space<hbm>> -> memref<10112x32xf32, #tpu.memory_space<hbm>>
    tpu.enqueue_indirect_dma source(%dma_start3A_49 : memref<10112x32xf32, #tpu.memory_space<hbm>>) target(%arg9 : memref<1024x32xf32, #tpu.memory_space<vmem>>) offsets(%dma_start3A_46 : memref<1024xi32, #tpu.memory_space<vmem>>) semaphore(%arg12 : memref<!tpu.dma_semaphore, #tpu.memory_space<semaphore_mem>>)
    %run_scoped3A_50 = arith.constant 3 : i32
    "tpu.region"() ({
      %run_scoped3A_117 = tpu.sem_alloc : memref<!tpu.dma_semaphore, #tpu.memory_space<semaphore_mem>>
      %dma_start3A_118 = arith.constant 0 : i32
      %dma_start3A_119 = arith.constant 0 : i32
      %dma_start3A_120 = tpu.memref_slice %arg10[%dma_start3A_118, %dma_start3A_119] : memref<1024x32xf32, #tpu.memory_space<vmem>> -> memref<1024x32xf32, #tpu.memory_space<vmem>>
      %dma_start3A_121 = arith.constant 0 : i32
      %dma_start3A_122 = tpu.memref_slice %arg8[%run_scoped3A_50, %dma_start3A_121] : memref<10x1024xi32, #tpu.memory_space<vmem>> -> memref<1x1024xi32, #tpu.memory_space<vmem>>
      %dma_start3A_123 = tpu.memref_squeeze %dma_start3A_122 : memref<1x1024xi32, #tpu.memory_space<vmem>> -> memref<1024xi32, #tpu.memory_space<vmem>>
      %dma_start3A_124 = arith.constant 0 : i32
      %dma_start3A_125 = arith.constant 0 : i32
      %dma_start3A_126 = tpu.memref_slice %arg11[%dma_start3A_124, %dma_start3A_125] : memref<10112x32xf32, #tpu.memory_space<vmem_shared>> -> memref<10112x32xf32, #tpu.memory_space<vmem_shared>>
      tpu.enqueue_indirect_dma source(%dma_start3A_120 : memref<1024x32xf32, #tpu.memory_space<vmem>>) target(%dma_start3A_126 : memref<10112x32xf32, #tpu.memory_space<vmem_shared>>) offsets(%dma_start3A_123 : memref<1024xi32, #tpu.memory_space<vmem>>) semaphore(%run_scoped3A_117 : memref<!tpu.dma_semaphore, #tpu.memory_space<semaphore_mem>>) {add = true}
      %dma_wait3A_127 = arith.constant 0 : i32
      %dma_wait3A_128 = arith.constant 0 : i32
      %dma_wait3A_129 = tpu.memref_slice %arg10[%dma_wait3A_127, %dma_wait3A_128] : memref<1024x32xf32, #tpu.memory_space<vmem>> -> memref<1024x32xf32, #tpu.memory_space<vmem>>
      %dma_wait3A_130 = arith.constant 0 : i32
      %dma_wait3A_131 = tpu.memref_slice %arg8[%run_scoped3A_50, %dma_wait3A_130] : memref<10x1024xi32, #tpu.memory_space<vmem>> -> memref<1x1024xi32, #tpu.memory_space<vmem>>
      %dma_wait3A_132 = tpu.memref_squeeze %dma_wait3A_131 : memref<1x1024xi32, #tpu.memory_space<vmem>> -> memref<1024xi32, #tpu.memory_space<vmem>>
      %dma_wait3A_133 = arith.constant 0 : i32
      %dma_wait3A_134 = arith.constant 0 : i32
      %dma_wait3A_135 = tpu.memref_slice %arg11[%dma_wait3A_133, %dma_wait3A_134] : memref<10112x32xf32, #tpu.memory_space<vmem_shared>> -> memref<10112x32xf32, #tpu.memory_space<vmem_shared>>
      tpu.wait_indirect_dma semaphore(%run_scoped3A_117 : memref<!tpu.dma_semaphore, #tpu.memory_space<semaphore_mem>>) src(%dma_wait3A_129 : memref<1024x32xf32, #tpu.memory_space<vmem>>) dst(%dma_wait3A_135 : memref<10112x32xf32, #tpu.memory_space<vmem_shared>>)
      tpu.yield
    }) : () -> ()
    %dma_wait3A_51 = arith.constant 4096 : i32
    %dma_wait3A_52 = tpu.memref_slice %arg7[%dma_wait3A_51] : memref<10240xi32, #tpu.memory_space<vmem>> -> memref<1024xi32, #tpu.memory_space<vmem>>
    %dma_wait3A_53 = arith.constant 0 : i32
    %dma_wait3A_54 = arith.constant 0 : i32
    %dma_wait3A_55 = tpu.memref_slice %arg3[%dma_wait3A_53, %dma_wait3A_54] : memref<10112x32xf32, #tpu.memory_space<hbm>> -> memref<10112x32xf32, #tpu.memory_space<hbm>>
    tpu.wait_indirect_dma semaphore(%arg12 : memref<!tpu.dma_semaphore, #tpu.memory_space<semaphore_mem>>) src(%dma_wait3A_55 : memref<10112x32xf32, #tpu.memory_space<hbm>>) dst(%arg9 : memref<1024x32xf32, #tpu.memory_space<vmem>>)
    %dma_start3A_56 = arith.constant 5120 : i32
    %dma_start3A_57 = tpu.memref_slice %arg7[%dma_start3A_56] : memref<10240xi32, #tpu.memory_space<vmem>> -> memref<1024xi32, #tpu.memory_space<vmem>>
    %dma_start3A_58 = arith.constant 0 : i32
    %dma_start3A_59 = arith.constant 0 : i32
    %dma_start3A_60 = tpu.memref_slice %arg3[%dma_start3A_58, %dma_start3A_59] : memref<10112x32xf32, #tpu.memory_space<hbm>> -> memref<10112x32xf32, #tpu.memory_space<hbm>>
    tpu.enqueue_indirect_dma source(%dma_start3A_60 : memref<10112x32xf32, #tpu.memory_space<hbm>>) target(%arg10 : memref<1024x32xf32, #tpu.memory_space<vmem>>) offsets(%dma_start3A_57 : memref<1024xi32, #tpu.memory_space<vmem>>) semaphore(%arg13 : memref<!tpu.dma_semaphore, #tpu.memory_space<semaphore_mem>>)
    %run_scoped3A_61 = arith.constant 4 : i32
    "tpu.region"() ({
      %run_scoped3A_117 = tpu.sem_alloc : memref<!tpu.dma_semaphore, #tpu.memory_space<semaphore_mem>>
      %dma_start3A_118 = arith.constant 0 : i32
      %dma_start3A_119 = arith.constant 0 : i32
      %dma_start3A_120 = tpu.memref_slice %arg9[%dma_start3A_118, %dma_start3A_119] : memref<1024x32xf32, #tpu.memory_space<vmem>> -> memref<1024x32xf32, #tpu.memory_space<vmem>>
      %dma_start3A_121 = arith.constant 0 : i32
      %dma_start3A_122 = tpu.memref_slice %arg8[%run_scoped3A_61, %dma_start3A_121] : memref<10x1024xi32, #tpu.memory_space<vmem>> -> memref<1x1024xi32, #tpu.memory_space<vmem>>
      %dma_start3A_123 = tpu.memref_squeeze %dma_start3A_122 : memref<1x1024xi32, #tpu.memory_space<vmem>> -> memref<1024xi32, #tpu.memory_space<vmem>>
      %dma_start3A_124 = arith.constant 0 : i32
      %dma_start3A_125 = arith.constant 0 : i32
      %dma_start3A_126 = tpu.memref_slice %arg11[%dma_start3A_124, %dma_start3A_125] : memref<10112x32xf32, #tpu.memory_space<vmem_shared>> -> memref<10112x32xf32, #tpu.memory_space<vmem_shared>>
      tpu.enqueue_indirect_dma source(%dma_start3A_120 : memref<1024x32xf32, #tpu.memory_space<vmem>>) target(%dma_start3A_126 : memref<10112x32xf32, #tpu.memory_space<vmem_shared>>) offsets(%dma_start3A_123 : memref<1024xi32, #tpu.memory_space<vmem>>) semaphore(%run_scoped3A_117 : memref<!tpu.dma_semaphore, #tpu.memory_space<semaphore_mem>>) {add = true}
      %dma_wait3A_127 = arith.constant 0 : i32
      %dma_wait3A_128 = arith.constant 0 : i32
      %dma_wait3A_129 = tpu.memref_slice %arg9[%dma_wait3A_127, %dma_wait3A_128] : memref<1024x32xf32, #tpu.memory_space<vmem>> -> memref<1024x32xf32, #tpu.memory_space<vmem>>
      %dma_wait3A_130 = arith.constant 0 : i32
      %dma_wait3A_131 = tpu.memref_slice %arg8[%run_scoped3A_61, %dma_wait3A_130] : memref<10x1024xi32, #tpu.memory_space<vmem>> -> memref<1x1024xi32, #tpu.memory_space<vmem>>
      %dma_wait3A_132 = tpu.memref_squeeze %dma_wait3A_131 : memref<1x1024xi32, #tpu.memory_space<vmem>> -> memref<1024xi32, #tpu.memory_space<vmem>>
      %dma_wait3A_133 = arith.constant 0 : i32
      %dma_wait3A_134 = arith.constant 0 : i32
      %dma_wait3A_135 = tpu.memref_slice %arg11[%dma_wait3A_133, %dma_wait3A_134] : memref<10112x32xf32, #tpu.memory_space<vmem_shared>> -> memref<10112x32xf32, #tpu.memory_space<vmem_shared>>
      tpu.wait_indirect_dma semaphore(%run_scoped3A_117 : memref<!tpu.dma_semaphore, #tpu.memory_space<semaphore_mem>>) src(%dma_wait3A_129 : memref<1024x32xf32, #tpu.memory_space<vmem>>) dst(%dma_wait3A_135 : memref<10112x32xf32, #tpu.memory_space<vmem_shared>>)
      tpu.yield
    }) : () -> ()
    %dma_wait3A_62 = arith.constant 5120 : i32
    %dma_wait3A_63 = tpu.memref_slice %arg7[%dma_wait3A_62] : memref<10240xi32, #tpu.memory_space<vmem>> -> memref<1024xi32, #tpu.memory_space<vmem>>
    %dma_wait3A_64 = arith.constant 0 : i32
    %dma_wait3A_65 = arith.constant 0 : i32
    %dma_wait3A_66 = tpu.memref_slice %arg3[%dma_wait3A_64, %dma_wait3A_65] : memref<10112x32xf32, #tpu.memory_space<hbm>> -> memref<10112x32xf32, #tpu.memory_space<hbm>>
    tpu.wait_indirect_dma semaphore(%arg13 : memref<!tpu.dma_semaphore, #tpu.memory_space<semaphore_mem>>) src(%dma_wait3A_66 : memref<10112x32xf32, #tpu.memory_space<hbm>>) dst(%arg10 : memref<1024x32xf32, #tpu.memory_space<vmem>>)
    %dma_start3A_67 = arith.constant 6144 : i32
    %dma_start3A_68 = tpu.memref_slice %arg7[%dma_start3A_67] : memref<10240xi32, #tpu.memory_space<vmem>> -> memref<1024xi32, #tpu.memory_space<vmem>>
    %dma_start3A_69 = arith.constant 0 : i32
    %dma_start3A_70 = arith.constant 0 : i32
    %dma_start3A_71 = tpu.memref_slice %arg3[%dma_start3A_69, %dma_start3A_70] : memref<10112x32xf32, #tpu.memory_space<hbm>> -> memref<10112x32xf32, #tpu.memory_space<hbm>>
    tpu.enqueue_indirect_dma source(%dma_start3A_71 : memref<10112x32xf32, #tpu.memory_space<hbm>>) target(%arg9 : memref<1024x32xf32, #tpu.memory_space<vmem>>) offsets(%dma_start3A_68 : memref<1024xi32, #tpu.memory_space<vmem>>) semaphore(%arg12 : memref<!tpu.dma_semaphore, #tpu.memory_space<semaphore_mem>>)
    %run_scoped3A_72 = arith.constant 5 : i32
    "tpu.region"() ({
      %run_scoped3A_117 = tpu.sem_alloc : memref<!tpu.dma_semaphore, #tpu.memory_space<semaphore_mem>>
      %dma_start3A_118 = arith.constant 0 : i32
      %dma_start3A_119 = arith.constant 0 : i32
      %dma_start3A_120 = tpu.memref_slice %arg10[%dma_start3A_118, %dma_start3A_119] : memref<1024x32xf32, #tpu.memory_space<vmem>> -> memref<1024x32xf32, #tpu.memory_space<vmem>>
      %dma_start3A_121 = arith.constant 0 : i32
      %dma_start3A_122 = tpu.memref_slice %arg8[%run_scoped3A_72, %dma_start3A_121] : memref<10x1024xi32, #tpu.memory_space<vmem>> -> memref<1x1024xi32, #tpu.memory_space<vmem>>
      %dma_start3A_123 = tpu.memref_squeeze %dma_start3A_122 : memref<1x1024xi32, #tpu.memory_space<vmem>> -> memref<1024xi32, #tpu.memory_space<vmem>>
      %dma_start3A_124 = arith.constant 0 : i32
      %dma_start3A_125 = arith.constant 0 : i32
      %dma_start3A_126 = tpu.memref_slice %arg11[%dma_start3A_124, %dma_start3A_125] : memref<10112x32xf32, #tpu.memory_space<vmem_shared>> -> memref<10112x32xf32, #tpu.memory_space<vmem_shared>>
      tpu.enqueue_indirect_dma source(%dma_start3A_120 : memref<1024x32xf32, #tpu.memory_space<vmem>>) target(%dma_start3A_126 : memref<10112x32xf32, #tpu.memory_space<vmem_shared>>) offsets(%dma_start3A_123 : memref<1024xi32, #tpu.memory_space<vmem>>) semaphore(%run_scoped3A_117 : memref<!tpu.dma_semaphore, #tpu.memory_space<semaphore_mem>>) {add = true}
      %dma_wait3A_127 = arith.constant 0 : i32
      %dma_wait3A_128 = arith.constant 0 : i32
      %dma_wait3A_129 = tpu.memref_slice %arg10[%dma_wait3A_127, %dma_wait3A_128] : memref<1024x32xf32, #tpu.memory_space<vmem>> -> memref<1024x32xf32, #tpu.memory_space<vmem>>
      %dma_wait3A_130 = arith.constant 0 : i32
      %dma_wait3A_131 = tpu.memref_slice %arg8[%run_scoped3A_72, %dma_wait3A_130] : memref<10x1024xi32, #tpu.memory_space<vmem>> -> memref<1x1024xi32, #tpu.memory_space<vmem>>
      %dma_wait3A_132 = tpu.memref_squeeze %dma_wait3A_131 : memref<1x1024xi32, #tpu.memory_space<vmem>> -> memref<1024xi32, #tpu.memory_space<vmem>>
      %dma_wait3A_133 = arith.constant 0 : i32
      %dma_wait3A_134 = arith.constant 0 : i32
      %dma_wait3A_135 = tpu.memref_slice %arg11[%dma_wait3A_133, %dma_wait3A_134] : memref<10112x32xf32, #tpu.memory_space<vmem_shared>> -> memref<10112x32xf32, #tpu.memory_space<vmem_shared>>
      tpu.wait_indirect_dma semaphore(%run_scoped3A_117 : memref<!tpu.dma_semaphore, #tpu.memory_space<semaphore_mem>>) src(%dma_wait3A_129 : memref<1024x32xf32, #tpu.memory_space<vmem>>) dst(%dma_wait3A_135 : memref<10112x32xf32, #tpu.memory_space<vmem_shared>>)
      tpu.yield
    }) : () -> ()
    %dma_wait3A_73 = arith.constant 6144 : i32
    %dma_wait3A_74 = tpu.memref_slice %arg7[%dma_wait3A_73] : memref<10240xi32, #tpu.memory_space<vmem>> -> memref<1024xi32, #tpu.memory_space<vmem>>
    %dma_wait3A_75 = arith.constant 0 : i32
    %dma_wait3A_76 = arith.constant 0 : i32
    %dma_wait3A_77 = tpu.memref_slice %arg3[%dma_wait3A_75, %dma_wait3A_76] : memref<10112x32xf32, #tpu.memory_space<hbm>> -> memref<10112x32xf32, #tpu.memory_space<hbm>>
    tpu.wait_indirect_dma semaphore(%arg12 : memref<!tpu.dma_semaphore, #tpu.memory_space<semaphore_mem>>) src(%dma_wait3A_77 : memref<10112x32xf32, #tpu.memory_space<hbm>>) dst(%arg9 : memref<1024x32xf32, #tpu.memory_space<vmem>>)
    %dma_start3A_78 = arith.constant 7168 : i32
    %dma_start3A_79 = tpu.memref_slice %arg7[%dma_start3A_78] : memref<10240xi32, #tpu.memory_space<vmem>> -> memref<1024xi32, #tpu.memory_space<vmem>>
    %dma_start3A_80 = arith.constant 0 : i32
    %dma_start3A_81 = arith.constant 0 : i32
    %dma_start3A_82 = tpu.memref_slice %arg3[%dma_start3A_80, %dma_start3A_81] : memref<10112x32xf32, #tpu.memory_space<hbm>> -> memref<10112x32xf32, #tpu.memory_space<hbm>>
    tpu.enqueue_indirect_dma source(%dma_start3A_82 : memref<10112x32xf32, #tpu.memory_space<hbm>>) target(%arg10 : memref<1024x32xf32, #tpu.memory_space<vmem>>) offsets(%dma_start3A_79 : memref<1024xi32, #tpu.memory_space<vmem>>) semaphore(%arg13 : memref<!tpu.dma_semaphore, #tpu.memory_space<semaphore_mem>>)
    %run_scoped3A_83 = arith.constant 6 : i32
    "tpu.region"() ({
      %run_scoped3A_117 = tpu.sem_alloc : memref<!tpu.dma_semaphore, #tpu.memory_space<semaphore_mem>>
      %dma_start3A_118 = arith.constant 0 : i32
      %dma_start3A_119 = arith.constant 0 : i32
      %dma_start3A_120 = tpu.memref_slice %arg9[%dma_start3A_118, %dma_start3A_119] : memref<1024x32xf32, #tpu.memory_space<vmem>> -> memref<1024x32xf32, #tpu.memory_space<vmem>>
      %dma_start3A_121 = arith.constant 0 : i32
      %dma_start3A_122 = tpu.memref_slice %arg8[%run_scoped3A_83, %dma_start3A_121] : memref<10x1024xi32, #tpu.memory_space<vmem>> -> memref<1x1024xi32, #tpu.memory_space<vmem>>
      %dma_start3A_123 = tpu.memref_squeeze %dma_start3A_122 : memref<1x1024xi32, #tpu.memory_space<vmem>> -> memref<1024xi32, #tpu.memory_space<vmem>>
      %dma_start3A_124 = arith.constant 0 : i32
      %dma_start3A_125 = arith.constant 0 : i32
      %dma_start3A_126 = tpu.memref_slice %arg11[%dma_start3A_124, %dma_start3A_125] : memref<10112x32xf32, #tpu.memory_space<vmem_shared>> -> memref<10112x32xf32, #tpu.memory_space<vmem_shared>>
      tpu.enqueue_indirect_dma source(%dma_start3A_120 : memref<1024x32xf32, #tpu.memory_space<vmem>>) target(%dma_start3A_126 : memref<10112x32xf32, #tpu.memory_space<vmem_shared>>) offsets(%dma_start3A_123 : memref<1024xi32, #tpu.memory_space<vmem>>) semaphore(%run_scoped3A_117 : memref<!tpu.dma_semaphore, #tpu.memory_space<semaphore_mem>>) {add = true}
      %dma_wait3A_127 = arith.constant 0 : i32
      %dma_wait3A_128 = arith.constant 0 : i32
      %dma_wait3A_129 = tpu.memref_slice %arg9[%dma_wait3A_127, %dma_wait3A_128] : memref<1024x32xf32, #tpu.memory_space<vmem>> -> memref<1024x32xf32, #tpu.memory_space<vmem>>
      %dma_wait3A_130 = arith.constant 0 : i32
      %dma_wait3A_131 = tpu.memref_slice %arg8[%run_scoped3A_83, %dma_wait3A_130] : memref<10x1024xi32, #tpu.memory_space<vmem>> -> memref<1x1024xi32, #tpu.memory_space<vmem>>
      %dma_wait3A_132 = tpu.memref_squeeze %dma_wait3A_131 : memref<1x1024xi32, #tpu.memory_space<vmem>> -> memref<1024xi32, #tpu.memory_space<vmem>>
      %dma_wait3A_133 = arith.constant 0 : i32
      %dma_wait3A_134 = arith.constant 0 : i32
      %dma_wait3A_135 = tpu.memref_slice %arg11[%dma_wait3A_133, %dma_wait3A_134] : memref<10112x32xf32, #tpu.memory_space<vmem_shared>> -> memref<10112x32xf32, #tpu.memory_space<vmem_shared>>
      tpu.wait_indirect_dma semaphore(%run_scoped3A_117 : memref<!tpu.dma_semaphore, #tpu.memory_space<semaphore_mem>>) src(%dma_wait3A_129 : memref<1024x32xf32, #tpu.memory_space<vmem>>) dst(%dma_wait3A_135 : memref<10112x32xf32, #tpu.memory_space<vmem_shared>>)
      tpu.yield
    }) : () -> ()
    %dma_wait3A_84 = arith.constant 7168 : i32
    %dma_wait3A_85 = tpu.memref_slice %arg7[%dma_wait3A_84] : memref<10240xi32, #tpu.memory_space<vmem>> -> memref<1024xi32, #tpu.memory_space<vmem>>
    %dma_wait3A_86 = arith.constant 0 : i32
    %dma_wait3A_87 = arith.constant 0 : i32
    %dma_wait3A_88 = tpu.memref_slice %arg3[%dma_wait3A_86, %dma_wait3A_87] : memref<10112x32xf32, #tpu.memory_space<hbm>> -> memref<10112x32xf32, #tpu.memory_space<hbm>>
    tpu.wait_indirect_dma semaphore(%arg13 : memref<!tpu.dma_semaphore, #tpu.memory_space<semaphore_mem>>) src(%dma_wait3A_88 : memref<10112x32xf32, #tpu.memory_space<hbm>>) dst(%arg10 : memref<1024x32xf32, #tpu.memory_space<vmem>>)
    %dma_start3A_89 = arith.constant 8192 : i32
    %dma_start3A_90 = tpu.memref_slice %arg7[%dma_start3A_89] : memref<10240xi32, #tpu.memory_space<vmem>> -> memref<1024xi32, #tpu.memory_space<vmem>>
    %dma_start3A_91 = arith.constant 0 : i32
    %dma_start3A_92 = arith.constant 0 : i32
    %dma_start3A_93 = tpu.memref_slice %arg3[%dma_start3A_91, %dma_start3A_92] : memref<10112x32xf32, #tpu.memory_space<hbm>> -> memref<10112x32xf32, #tpu.memory_space<hbm>>
    tpu.enqueue_indirect_dma source(%dma_start3A_93 : memref<10112x32xf32, #tpu.memory_space<hbm>>) target(%arg9 : memref<1024x32xf32, #tpu.memory_space<vmem>>) offsets(%dma_start3A_90 : memref<1024xi32, #tpu.memory_space<vmem>>) semaphore(%arg12 : memref<!tpu.dma_semaphore, #tpu.memory_space<semaphore_mem>>)
    %run_scoped3A_94 = arith.constant 7 : i32
    "tpu.region"() ({
      %run_scoped3A_117 = tpu.sem_alloc : memref<!tpu.dma_semaphore, #tpu.memory_space<semaphore_mem>>
      %dma_start3A_118 = arith.constant 0 : i32
      %dma_start3A_119 = arith.constant 0 : i32
      %dma_start3A_120 = tpu.memref_slice %arg10[%dma_start3A_118, %dma_start3A_119] : memref<1024x32xf32, #tpu.memory_space<vmem>> -> memref<1024x32xf32, #tpu.memory_space<vmem>>
      %dma_start3A_121 = arith.constant 0 : i32
      %dma_start3A_122 = tpu.memref_slice %arg8[%run_scoped3A_94, %dma_start3A_121] : memref<10x1024xi32, #tpu.memory_space<vmem>> -> memref<1x1024xi32, #tpu.memory_space<vmem>>
      %dma_start3A_123 = tpu.memref_squeeze %dma_start3A_122 : memref<1x1024xi32, #tpu.memory_space<vmem>> -> memref<1024xi32, #tpu.memory_space<vmem>>
      %dma_start3A_124 = arith.constant 0 : i32
      %dma_start3A_125 = arith.constant 0 : i32
      %dma_start3A_126 = tpu.memref_slice %arg11[%dma_start3A_124, %dma_start3A_125] : memref<10112x32xf32, #tpu.memory_space<vmem_shared>> -> memref<10112x32xf32, #tpu.memory_space<vmem_shared>>
      tpu.enqueue_indirect_dma source(%dma_start3A_120 : memref<1024x32xf32, #tpu.memory_space<vmem>>) target(%dma_start3A_126 : memref<10112x32xf32, #tpu.memory_space<vmem_shared>>) offsets(%dma_start3A_123 : memref<1024xi32, #tpu.memory_space<vmem>>) semaphore(%run_scoped3A_117 : memref<!tpu.dma_semaphore, #tpu.memory_space<semaphore_mem>>) {add = true}
      %dma_wait3A_127 = arith.constant 0 : i32
      %dma_wait3A_128 = arith.constant 0 : i32
      %dma_wait3A_129 = tpu.memref_slice %arg10[%dma_wait3A_127, %dma_wait3A_128] : memref<1024x32xf32, #tpu.memory_space<vmem>> -> memref<1024x32xf32, #tpu.memory_space<vmem>>
      %dma_wait3A_130 = arith.constant 0 : i32
      %dma_wait3A_131 = tpu.memref_slice %arg8[%run_scoped3A_94, %dma_wait3A_130] : memref<10x1024xi32, #tpu.memory_space<vmem>> -> memref<1x1024xi32, #tpu.memory_space<vmem>>
      %dma_wait3A_132 = tpu.memref_squeeze %dma_wait3A_131 : memref<1x1024xi32, #tpu.memory_space<vmem>> -> memref<1024xi32, #tpu.memory_space<vmem>>
      %dma_wait3A_133 = arith.constant 0 : i32
      %dma_wait3A_134 = arith.constant 0 : i32
      %dma_wait3A_135 = tpu.memref_slice %arg11[%dma_wait3A_133, %dma_wait3A_134] : memref<10112x32xf32, #tpu.memory_space<vmem_shared>> -> memref<10112x32xf32, #tpu.memory_space<vmem_shared>>
      tpu.wait_indirect_dma semaphore(%run_scoped3A_117 : memref<!tpu.dma_semaphore, #tpu.memory_space<semaphore_mem>>) src(%dma_wait3A_129 : memref<1024x32xf32, #tpu.memory_space<vmem>>) dst(%dma_wait3A_135 : memref<10112x32xf32, #tpu.memory_space<vmem_shared>>)
      tpu.yield
    }) : () -> ()
    %dma_wait3A_95 = arith.constant 8192 : i32
    %dma_wait3A_96 = tpu.memref_slice %arg7[%dma_wait3A_95] : memref<10240xi32, #tpu.memory_space<vmem>> -> memref<1024xi32, #tpu.memory_space<vmem>>
    %dma_wait3A_97 = arith.constant 0 : i32
    %dma_wait3A_98 = arith.constant 0 : i32
    %dma_wait3A_99 = tpu.memref_slice %arg3[%dma_wait3A_97, %dma_wait3A_98] : memref<10112x32xf32, #tpu.memory_space<hbm>> -> memref<10112x32xf32, #tpu.memory_space<hbm>>
    tpu.wait_indirect_dma semaphore(%arg12 : memref<!tpu.dma_semaphore, #tpu.memory_space<semaphore_mem>>) src(%dma_wait3A_99 : memref<10112x32xf32, #tpu.memory_space<hbm>>) dst(%arg9 : memref<1024x32xf32, #tpu.memory_space<vmem>>)
    %dma_start3A_100 = arith.constant 9216 : i32
    %dma_start3A_101 = tpu.memref_slice %arg7[%dma_start3A_100] : memref<10240xi32, #tpu.memory_space<vmem>> -> memref<1024xi32, #tpu.memory_space<vmem>>
    %dma_start3A_102 = arith.constant 0 : i32
    %dma_start3A_103 = arith.constant 0 : i32
    %dma_start3A_104 = tpu.memref_slice %arg3[%dma_start3A_102, %dma_start3A_103] : memref<10112x32xf32, #tpu.memory_space<hbm>> -> memref<10112x32xf32, #tpu.memory_space<hbm>>
    tpu.enqueue_indirect_dma source(%dma_start3A_104 : memref<10112x32xf32, #tpu.memory_space<hbm>>) target(%arg10 : memref<1024x32xf32, #tpu.memory_space<vmem>>) offsets(%dma_start3A_101 : memref<1024xi32, #tpu.memory_space<vmem>>) semaphore(%arg13 : memref<!tpu.dma_semaphore, #tpu.memory_space<semaphore_mem>>)
    %run_scoped3A_105 = arith.constant 8 : i32
    "tpu.region"() ({
      %run_scoped3A_117 = tpu.sem_alloc : memref<!tpu.dma_semaphore, #tpu.memory_space<semaphore_mem>>
      %dma_start3A_118 = arith.constant 0 : i32
      %dma_start3A_119 = arith.constant 0 : i32
      %dma_start3A_120 = tpu.memref_slice %arg9[%dma_start3A_118, %dma_start3A_119] : memref<1024x32xf32, #tpu.memory_space<vmem>> -> memref<1024x32xf32, #tpu.memory_space<vmem>>
      %dma_start3A_121 = arith.constant 0 : i32
      %dma_start3A_122 = tpu.memref_slice %arg8[%run_scoped3A_105, %dma_start3A_121] : memref<10x1024xi32, #tpu.memory_space<vmem>> -> memref<1x1024xi32, #tpu.memory_space<vmem>>
      %dma_start3A_123 = tpu.memref_squeeze %dma_start3A_122 : memref<1x1024xi32, #tpu.memory_space<vmem>> -> memref<1024xi32, #tpu.memory_space<vmem>>
      %dma_start3A_124 = arith.constant 0 : i32
      %dma_start3A_125 = arith.constant 0 : i32
      %dma_start3A_126 = tpu.memref_slice %arg11[%dma_start3A_124, %dma_start3A_125] : memref<10112x32xf32, #tpu.memory_space<vmem_shared>> -> memref<10112x32xf32, #tpu.memory_space<vmem_shared>>
      tpu.enqueue_indirect_dma source(%dma_start3A_120 : memref<1024x32xf32, #tpu.memory_space<vmem>>) target(%dma_start3A_126 : memref<10112x32xf32, #tpu.memory_space<vmem_shared>>) offsets(%dma_start3A_123 : memref<1024xi32, #tpu.memory_space<vmem>>) semaphore(%run_scoped3A_117 : memref<!tpu.dma_semaphore, #tpu.memory_space<semaphore_mem>>) {add = true}
      %dma_wait3A_127 = arith.constant 0 : i32
      %dma_wait3A_128 = arith.constant 0 : i32
      %dma_wait3A_129 = tpu.memref_slice %arg9[%dma_wait3A_127, %dma_wait3A_128] : memref<1024x32xf32, #tpu.memory_space<vmem>> -> memref<1024x32xf32, #tpu.memory_space<vmem>>
      %dma_wait3A_130 = arith.constant 0 : i32
      %dma_wait3A_131 = tpu.memref_slice %arg8[%run_scoped3A_105, %dma_wait3A_130] : memref<10x1024xi32, #tpu.memory_space<vmem>> -> memref<1x1024xi32, #tpu.memory_space<vmem>>
      %dma_wait3A_132 = tpu.memref_squeeze %dma_wait3A_131 : memref<1x1024xi32, #tpu.memory_space<vmem>> -> memref<1024xi32, #tpu.memory_space<vmem>>
      %dma_wait3A_133 = arith.constant 0 : i32
      %dma_wait3A_134 = arith.constant 0 : i32
      %dma_wait3A_135 = tpu.memref_slice %arg11[%dma_wait3A_133, %dma_wait3A_134] : memref<10112x32xf32, #tpu.memory_space<vmem_shared>> -> memref<10112x32xf32, #tpu.memory_space<vmem_shared>>
      tpu.wait_indirect_dma semaphore(%run_scoped3A_117 : memref<!tpu.dma_semaphore, #tpu.memory_space<semaphore_mem>>) src(%dma_wait3A_129 : memref<1024x32xf32, #tpu.memory_space<vmem>>) dst(%dma_wait3A_135 : memref<10112x32xf32, #tpu.memory_space<vmem_shared>>)
      tpu.yield
    }) : () -> ()
    %dma_wait3A_106 = arith.constant 9216 : i32
    %dma_wait3A_107 = tpu.memref_slice %arg7[%dma_wait3A_106] : memref<10240xi32, #tpu.memory_space<vmem>> -> memref<1024xi32, #tpu.memory_space<vmem>>
    %dma_wait3A_108 = arith.constant 0 : i32
    %dma_wait3A_109 = arith.constant 0 : i32
    %dma_wait3A_110 = tpu.memref_slice %arg3[%dma_wait3A_108, %dma_wait3A_109] : memref<10112x32xf32, #tpu.memory_space<hbm>> -> memref<10112x32xf32, #tpu.memory_space<hbm>>
    tpu.wait_indirect_dma semaphore(%arg13 : memref<!tpu.dma_semaphore, #tpu.memory_space<semaphore_mem>>) src(%dma_wait3A_110 : memref<10112x32xf32, #tpu.memory_space<hbm>>) dst(%arg10 : memref<1024x32xf32, #tpu.memory_space<vmem>>)
    %run_scoped3A_111 = arith.constant 9 : i32
    "tpu.region"() ({
      %run_scoped3A_117 = tpu.sem_alloc : memref<!tpu.dma_semaphore, #tpu.memory_space<semaphore_mem>>
      %dma_start3A_118 = arith.constant 0 : i32
      %dma_start3A_119 = arith.constant 0 : i32
      %dma_start3A_120 = tpu.memref_slice %arg10[%dma_start3A_118, %dma_start3A_119] : memref<1024x32xf32, #tpu.memory_space<vmem>> -> memref<1024x32xf32, #tpu.memory_space<vmem>>
      %dma_start3A_121 = arith.constant 0 : i32
      %dma_start3A_122 = tpu.memref_slice %arg8[%run_scoped3A_111, %dma_start3A_121] : memref<10x1024xi32, #tpu.memory_space<vmem>> -> memref<1x1024xi32, #tpu.memory_space<vmem>>
      %dma_start3A_123 = tpu.memref_squeeze %dma_start3A_122 : memref<1x1024xi32, #tpu.memory_space<vmem>> -> memref<1024xi32, #tpu.memory_space<vmem>>
      %dma_start3A_124 = arith.constant 0 : i32
      %dma_start3A_125 = arith.constant 0 : i32
      %dma_start3A_126 = tpu.memref_slice %arg11[%dma_start3A_124, %dma_start3A_125] : memref<10112x32xf32, #tpu.memory_space<vmem_shared>> -> memref<10112x32xf32, #tpu.memory_space<vmem_shared>>
      tpu.enqueue_indirect_dma source(%dma_start3A_120 : memref<1024x32xf32, #tpu.memory_space<vmem>>) target(%dma_start3A_126 : memref<10112x32xf32, #tpu.memory_space<vmem_shared>>) offsets(%dma_start3A_123 : memref<1024xi32, #tpu.memory_space<vmem>>) semaphore(%run_scoped3A_117 : memref<!tpu.dma_semaphore, #tpu.memory_space<semaphore_mem>>) {add = true}
      %dma_wait3A_127 = arith.constant 0 : i32
      %dma_wait3A_128 = arith.constant 0 : i32
      %dma_wait3A_129 = tpu.memref_slice %arg10[%dma_wait3A_127, %dma_wait3A_128] : memref<1024x32xf32, #tpu.memory_space<vmem>> -> memref<1024x32xf32, #tpu.memory_space<vmem>>
      %dma_wait3A_130 = arith.constant 0 : i32
      %dma_wait3A_131 = tpu.memref_slice %arg8[%run_scoped3A_111, %dma_wait3A_130] : memref<10x1024xi32, #tpu.memory_space<vmem>> -> memref<1x1024xi32, #tpu.memory_space<vmem>>
      %dma_wait3A_132 = tpu.memref_squeeze %dma_wait3A_131 : memref<1x1024xi32, #tpu.memory_space<vmem>> -> memref<1024xi32, #tpu.memory_space<vmem>>
      %dma_wait3A_133 = arith.constant 0 : i32
      %dma_wait3A_134 = arith.constant 0 : i32
      %dma_wait3A_135 = tpu.memref_slice %arg11[%dma_wait3A_133, %dma_wait3A_134] : memref<10112x32xf32, #tpu.memory_space<vmem_shared>> -> memref<10112x32xf32, #tpu.memory_space<vmem_shared>>
      tpu.wait_indirect_dma semaphore(%run_scoped3A_117 : memref<!tpu.dma_semaphore, #tpu.memory_space<semaphore_mem>>) src(%dma_wait3A_129 : memref<1024x32xf32, #tpu.memory_space<vmem>>) dst(%dma_wait3A_135 : memref<10112x32xf32, #tpu.memory_space<vmem_shared>>)
      tpu.yield
    }) : () -> ()
    %barrier3A_112 = arith.constant 0 : index
    tpu.barrier barrier_id(%barrier3A_112)
    %mul3A_113 = arith.constant 632 : i32
    %mul3A_114 = arith.muli %arg1, %mul3A_113 : i32
    %mul3A_115 = arith.constant 632 : i32
    %mul3A_116 = arith.muli %arg1, %mul3A_115 : i32
    "tpu.region"() ({
      %run_scoped3A_117 = tpu.sem_alloc : memref<!tpu.dma_semaphore, #tpu.memory_space<semaphore_mem>>
      %dma_start3A_118 = arith.constant 0 : i32
      %dma_start3A_119 = tpu.memref_slice %arg6[%arg0, %mul3A_116, %dma_start3A_118] : memref<2x10112x32xf32, #tpu.memory_space<hbm>> -> memref<1x632x32xf32, #tpu.memory_space<hbm>>
      %dma_start3A_120 = tpu.memref_squeeze %dma_start3A_119 : memref<1x632x32xf32, #tpu.memory_space<hbm>> -> memref<632x32xf32, #tpu.memory_space<hbm>>
      %dma_start3A_121 = arith.constant 0 : i32
      %dma_start3A_122 = tpu.memref_slice %arg11[%mul3A_114, %dma_start3A_121] : memref<10112x32xf32, #tpu.memory_space<vmem_shared>> -> memref<632x32xf32, #tpu.memory_space<vmem_shared>>
      tpu.enqueue_dma source(%dma_start3A_122 : memref<632x32xf32, #tpu.memory_space<vmem_shared>>) target(%dma_start3A_120 : memref<632x32xf32, #tpu.memory_space<hbm>>) target_semaphore(%run_scoped3A_117 : memref<!tpu.dma_semaphore, #tpu.memory_space<semaphore_mem>>)
      %dma_wait3A_123 = arith.constant 0 : i32
      %dma_wait3A_124 = tpu.memref_slice %arg6[%arg0, %mul3A_116, %dma_wait3A_123] : memref<2x10112x32xf32, #tpu.memory_space<hbm>> -> memref<1x632x32xf32, #tpu.memory_space<hbm>>
      %dma_wait3A_125 = tpu.memref_squeeze %dma_wait3A_124 : memref<1x632x32xf32, #tpu.memory_space<hbm>> -> memref<632x32xf32, #tpu.memory_space<hbm>>
      %dma_wait3A_126 = arith.constant 0 : i32
      %dma_wait3A_127 = tpu.memref_slice %arg11[%mul3A_114, %dma_wait3A_126] : memref<10112x32xf32, #tpu.memory_space<vmem_shared>> -> memref<632x32xf32, #tpu.memory_space<vmem_shared>>
      tpu.wait_dma2 semaphore(%run_scoped3A_117 : memref<!tpu.dma_semaphore, #tpu.memory_space<semaphore_mem>>) src(%dma_wait3A_127 : memref<632x32xf32, #tpu.memory_space<vmem_shared>>) dst(%dma_wait3A_125 : memref<632x32xf32, #tpu.memory_space<hbm>>)
      tpu.yield
    }) : () -> ()
    return
  }
}

#map = affine_map<(d0, d1) -> (0, 0)>
#map1 = affine_map<(d0, d1) -> (0, 0, 0)>
module attributes {stable_mosaic.version = 14 : i64} {
  func.func @_edge_sum_body(%arg0: i32, %arg1: i32, %arg2: memref<10112x32xf32, #tpu.memory_space<hbm>>, %arg3: memref<10112x32xf32, #tpu.memory_space<hbm>>, %arg4: memref<32x10240xi32, #tpu.memory_space<hbm>>, %arg5: memref<32x10x1024xi32, #tpu.memory_space<hbm>>, %arg6: memref<2x10112x32xf32, #tpu.memory_space<hbm>>, %arg7: memref<10240xi32, #tpu.memory_space<vmem>>, %arg8: memref<10x1024xi32, #tpu.memory_space<vmem>>, %arg9: memref<1024x32xf32, #tpu.memory_space<vmem>>, %arg10: memref<1024x32xf32, #tpu.memory_space<vmem>>, %arg11: memref<10112x32xf32, #tpu.memory_space<vmem_shared>>, %arg12: memref<!tpu.dma_semaphore, #tpu.memory_space<semaphore_mem>>, %arg13: memref<!tpu.dma_semaphore, #tpu.memory_space<semaphore_mem>>) attributes {dimension_semantics = [#tpu.dimension_semantics<core_parallel>, #tpu.dimension_semantics<subcore_parallel>], iteration_bounds = array<i64: 2, 16>, scalar_prefetch = 0 : i64, scratch_operands = 7 : i64, tpu.core_type = #tpu.core_type<sc_vector_subcore>, window_params = [{transform_indices = #map}, {transform_indices = #map}, {transform_indices = #map}, {transform_indices = #map1}, {transform_indices = #map1}]} {
    %mul3A = arith.constant 16 : i32
    %mul3A_0 = arith.muli %arg0, %mul3A : i32
    %add3A = arith.addi %mul3A_0, %arg1 : i32
    %mul3A_1 = arith.constant 632 : i32
    %mul3A_2 = arith.muli %arg1, %mul3A_1 : i32
    %mul3A_3 = arith.constant 632 : i32
    %mul3A_4 = arith.muli %arg1, %mul3A_3 : i32
    "tpu.region"() ({
      %run_scoped3A_117 = tpu.sem_alloc : memref<!tpu.dma_semaphore, #tpu.memory_space<semaphore_mem>>
      %dma_start3A_118 = arith.constant 0 : i32
      %dma_start3A_119 = tpu.memref_slice %arg11[%mul3A_4, %dma_start3A_118] : memref<10112x32xf32, #tpu.memory_space<vmem_shared>> -> memref<632x32xf32, #tpu.memory_space<vmem_shared>>
      %dma_start3A_120 = arith.constant 0 : i32
      %dma_start3A_121 = tpu.memref_slice %arg2[%mul3A_2, %dma_start3A_120] : memref<10112x32xf32, #tpu.memory_space<hbm>> -> memref<632x32xf32, #tpu.memory_space<hbm>>
      tpu.enqueue_dma source(%dma_start3A_121 : memref<632x32xf32, #tpu.memory_space<hbm>>) target(%dma_start3A_119 : memref<632x32xf32, #tpu.memory_space<vmem_shared>>) target_semaphore(%run_scoped3A_117 : memref<!tpu.dma_semaphore, #tpu.memory_space<semaphore_mem>>)
      %dma_wait3A_122 = arith.constant 0 : i32
      %dma_wait3A_123 = tpu.memref_slice %arg11[%mul3A_4, %dma_wait3A_122] : memref<10112x32xf32, #tpu.memory_space<vmem_shared>> -> memref<632x32xf32, #tpu.memory_space<vmem_shared>>
      %dma_wait3A_124 = arith.constant 0 : i32
      %dma_wait3A_125 = tpu.memref_slice %arg2[%mul3A_2, %dma_wait3A_124] : memref<10112x32xf32, #tpu.memory_space<hbm>> -> memref<632x32xf32, #tpu.memory_space<hbm>>
      tpu.wait_dma2 semaphore(%run_scoped3A_117 : memref<!tpu.dma_semaphore, #tpu.memory_space<semaphore_mem>>) src(%dma_wait3A_125 : memref<632x32xf32, #tpu.memory_space<hbm>>) dst(%dma_wait3A_123 : memref<632x32xf32, #tpu.memory_space<vmem_shared>>)
      tpu.yield
    }) : () -> ()
    "tpu.region"() ({
      %run_scoped3A_117 = tpu.sem_alloc : memref<!tpu.dma_semaphore, #tpu.memory_space<semaphore_mem>>
      %dma_start3A_118 = arith.constant 0 : i32
      %dma_start3A_119 = tpu.memref_slice %arg4[%add3A, %dma_start3A_118] : memref<32x10240xi32, #tpu.memory_space<hbm>> -> memref<1x10240xi32, #tpu.memory_space<hbm>>
      %dma_start3A_120 = tpu.memref_squeeze %dma_start3A_119 : memref<1x10240xi32, #tpu.memory_space<hbm>> -> memref<10240xi32, #tpu.memory_space<hbm>>
      %dma_start3A_121 = arith.constant 0 : i32
      %dma_start3A_122 = tpu.memref_slice %arg4[%add3A, %dma_start3A_121] : memref<32x10240xi32, #tpu.memory_space<hbm>> -> memref<1x10240xi32, #tpu.memory_space<hbm>>
      %dma_start3A_123 = tpu.memref_squeeze %dma_start3A_122 : memref<1x10240xi32, #tpu.memory_space<hbm>> -> memref<10240xi32, #tpu.memory_space<hbm>>
      tpu.enqueue_dma source(%dma_start3A_123 : memref<10240xi32, #tpu.memory_space<hbm>>) target(%arg7 : memref<10240xi32, #tpu.memory_space<vmem>>) target_semaphore(%run_scoped3A_117 : memref<!tpu.dma_semaphore, #tpu.memory_space<semaphore_mem>>)
      %dma_wait3A_124 = arith.constant 0 : i32
      %dma_wait3A_125 = tpu.memref_slice %arg4[%add3A, %dma_wait3A_124] : memref<32x10240xi32, #tpu.memory_space<hbm>> -> memref<1x10240xi32, #tpu.memory_space<hbm>>
      %dma_wait3A_126 = tpu.memref_squeeze %dma_wait3A_125 : memref<1x10240xi32, #tpu.memory_space<hbm>> -> memref<10240xi32, #tpu.memory_space<hbm>>
      %dma_wait3A_127 = arith.constant 0 : i32
      %dma_wait3A_128 = tpu.memref_slice %arg4[%add3A, %dma_wait3A_127] : memref<32x10240xi32, #tpu.memory_space<hbm>> -> memref<1x10240xi32, #tpu.memory_space<hbm>>
      %dma_wait3A_129 = tpu.memref_squeeze %dma_wait3A_128 : memref<1x10240xi32, #tpu.memory_space<hbm>> -> memref<10240xi32, #tpu.memory_space<hbm>>
      tpu.wait_dma2 semaphore(%run_scoped3A_117 : memref<!tpu.dma_semaphore, #tpu.memory_space<semaphore_mem>>) src(%dma_wait3A_129 : memref<10240xi32, #tpu.memory_space<hbm>>) dst(%arg7 : memref<10240xi32, #tpu.memory_space<vmem>>)
      tpu.yield
    }) : () -> ()
    "tpu.region"() ({
      %run_scoped3A_117 = tpu.sem_alloc : memref<!tpu.dma_semaphore, #tpu.memory_space<semaphore_mem>>
      %dma_start3A_118 = arith.constant 0 : i32
      %dma_start3A_119 = arith.constant 0 : i32
      %dma_start3A_120 = tpu.memref_slice %arg5[%add3A, %dma_start3A_118, %dma_start3A_119] : memref<32x10x1024xi32, #tpu.memory_space<hbm>> -> memref<1x10x1024xi32, #tpu.memory_space<hbm>>
      %dma_start3A_121 = tpu.memref_squeeze %dma_start3A_120 : memref<1x10x1024xi32, #tpu.memory_space<hbm>> -> memref<10x1024xi32, #tpu.memory_space<hbm>>
      %dma_start3A_122 = arith.constant 0 : i32
      %dma_start3A_123 = arith.constant 0 : i32
      %dma_start3A_124 = tpu.memref_slice %arg5[%add3A, %dma_start3A_122, %dma_start3A_123] : memref<32x10x1024xi32, #tpu.memory_space<hbm>> -> memref<1x10x1024xi32, #tpu.memory_space<hbm>>
      %dma_start3A_125 = tpu.memref_squeeze %dma_start3A_124 : memref<1x10x1024xi32, #tpu.memory_space<hbm>> -> memref<10x1024xi32, #tpu.memory_space<hbm>>
      tpu.enqueue_dma source(%dma_start3A_125 : memref<10x1024xi32, #tpu.memory_space<hbm>>) target(%arg8 : memref<10x1024xi32, #tpu.memory_space<vmem>>) target_semaphore(%run_scoped3A_117 : memref<!tpu.dma_semaphore, #tpu.memory_space<semaphore_mem>>)
      %dma_wait3A_126 = arith.constant 0 : i32
      %dma_wait3A_127 = arith.constant 0 : i32
      %dma_wait3A_128 = tpu.memref_slice %arg5[%add3A, %dma_wait3A_126, %dma_wait3A_127] : memref<32x10x1024xi32, #tpu.memory_space<hbm>> -> memref<1x10x1024xi32, #tpu.memory_space<hbm>>
      %dma_wait3A_129 = tpu.memref_squeeze %dma_wait3A_128 : memref<1x10x1024xi32, #tpu.memory_space<hbm>> -> memref<10x1024xi32, #tpu.memory_space<hbm>>
      %dma_wait3A_130 = arith.constant 0 : i32
      %dma_wait3A_131 = arith.constant 0 : i32
      %dma_wait3A_132 = tpu.memref_slice %arg5[%add3A, %dma_wait3A_130, %dma_wait3A_131] : memref<32x10x1024xi32, #tpu.memory_space<hbm>> -> memref<1x10x1024xi32, #tpu.memory_space<hbm>>
      %dma_wait3A_133 = tpu.memref_squeeze %dma_wait3A_132 : memref<1x10x1024xi32, #tpu.memory_space<hbm>> -> memref<10x1024xi32, #tpu.memory_space<hbm>>
      tpu.wait_dma2 semaphore(%run_scoped3A_117 : memref<!tpu.dma_semaphore, #tpu.memory_space<semaphore_mem>>) src(%dma_wait3A_133 : memref<10x1024xi32, #tpu.memory_space<hbm>>) dst(%arg8 : memref<10x1024xi32, #tpu.memory_space<vmem>>)
      tpu.yield
    }) : () -> ()
    %barrier3A = arith.constant 0 : index
    tpu.barrier barrier_id(%barrier3A)
    %dma_start3A = arith.constant 0 : i32
    %dma_start3A_5 = tpu.memref_slice %arg7[%dma_start3A] : memref<10240xi32, #tpu.memory_space<vmem>> -> memref<1024xi32, #tpu.memory_space<vmem>>
    %dma_start3A_6 = arith.constant 0 : i32
    %dma_start3A_7 = arith.constant 0 : i32
    %dma_start3A_8 = tpu.memref_slice %arg3[%dma_start3A_6, %dma_start3A_7] : memref<10112x32xf32, #tpu.memory_space<hbm>> -> memref<10112x32xf32, #tpu.memory_space<hbm>>
    tpu.enqueue_indirect_dma source(%dma_start3A_8 : memref<10112x32xf32, #tpu.memory_space<hbm>>) target(%arg9 : memref<1024x32xf32, #tpu.memory_space<vmem>>) offsets(%dma_start3A_5 : memref<1024xi32, #tpu.memory_space<vmem>>) semaphore(%arg12 : memref<!tpu.dma_semaphore, #tpu.memory_space<semaphore_mem>>)
    %dma_wait3A = arith.constant 0 : i32
    %dma_wait3A_9 = tpu.memref_slice %arg7[%dma_wait3A] : memref<10240xi32, #tpu.memory_space<vmem>> -> memref<1024xi32, #tpu.memory_space<vmem>>
    %dma_wait3A_10 = arith.constant 0 : i32
    %dma_wait3A_11 = arith.constant 0 : i32
    %dma_wait3A_12 = tpu.memref_slice %arg3[%dma_wait3A_10, %dma_wait3A_11] : memref<10112x32xf32, #tpu.memory_space<hbm>> -> memref<10112x32xf32, #tpu.memory_space<hbm>>
    tpu.wait_indirect_dma semaphore(%arg12 : memref<!tpu.dma_semaphore, #tpu.memory_space<semaphore_mem>>) src(%dma_wait3A_12 : memref<10112x32xf32, #tpu.memory_space<hbm>>) dst(%arg9 : memref<1024x32xf32, #tpu.memory_space<vmem>>)
    %dma_start3A_13 = arith.constant 1024 : i32
    %dma_start3A_14 = tpu.memref_slice %arg7[%dma_start3A_13] : memref<10240xi32, #tpu.memory_space<vmem>> -> memref<1024xi32, #tpu.memory_space<vmem>>
    %dma_start3A_15 = arith.constant 0 : i32
    %dma_start3A_16 = arith.constant 0 : i32
    %dma_start3A_17 = tpu.memref_slice %arg3[%dma_start3A_15, %dma_start3A_16] : memref<10112x32xf32, #tpu.memory_space<hbm>> -> memref<10112x32xf32, #tpu.memory_space<hbm>>
    tpu.enqueue_indirect_dma source(%dma_start3A_17 : memref<10112x32xf32, #tpu.memory_space<hbm>>) target(%arg10 : memref<1024x32xf32, #tpu.memory_space<vmem>>) offsets(%dma_start3A_14 : memref<1024xi32, #tpu.memory_space<vmem>>) semaphore(%arg13 : memref<!tpu.dma_semaphore, #tpu.memory_space<semaphore_mem>>)
    %run_scoped3A = arith.constant 0 : i32
    "tpu.region"() ({
      %run_scoped3A_117 = tpu.sem_alloc : memref<!tpu.dma_semaphore, #tpu.memory_space<semaphore_mem>>
      %dma_start3A_118 = arith.constant 0 : i32
      %dma_start3A_119 = arith.constant 0 : i32
      %dma_start3A_120 = tpu.memref_slice %arg9[%dma_start3A_118, %dma_start3A_119] : memref<1024x32xf32, #tpu.memory_space<vmem>> -> memref<1024x32xf32, #tpu.memory_space<vmem>>
      %dma_start3A_121 = arith.constant 0 : i32
      %dma_start3A_122 = tpu.memref_slice %arg8[%run_scoped3A, %dma_start3A_121] : memref<10x1024xi32, #tpu.memory_space<vmem>> -> memref<1x1024xi32, #tpu.memory_space<vmem>>
      %dma_start3A_123 = tpu.memref_squeeze %dma_start3A_122 : memref<1x1024xi32, #tpu.memory_space<vmem>> -> memref<1024xi32, #tpu.memory_space<vmem>>
      %dma_start3A_124 = arith.constant 0 : i32
      %dma_start3A_125 = arith.constant 0 : i32
      %dma_start3A_126 = tpu.memref_slice %arg11[%dma_start3A_124, %dma_start3A_125] : memref<10112x32xf32, #tpu.memory_space<vmem_shared>> -> memref<10112x32xf32, #tpu.memory_space<vmem_shared>>
      tpu.enqueue_indirect_dma source(%dma_start3A_120 : memref<1024x32xf32, #tpu.memory_space<vmem>>) target(%dma_start3A_126 : memref<10112x32xf32, #tpu.memory_space<vmem_shared>>) offsets(%dma_start3A_123 : memref<1024xi32, #tpu.memory_space<vmem>>) semaphore(%run_scoped3A_117 : memref<!tpu.dma_semaphore, #tpu.memory_space<semaphore_mem>>) {add = true}
      %dma_wait3A_127 = arith.constant 0 : i32
      %dma_wait3A_128 = arith.constant 0 : i32
      %dma_wait3A_129 = tpu.memref_slice %arg9[%dma_wait3A_127, %dma_wait3A_128] : memref<1024x32xf32, #tpu.memory_space<vmem>> -> memref<1024x32xf32, #tpu.memory_space<vmem>>
      %dma_wait3A_130 = arith.constant 0 : i32
      %dma_wait3A_131 = tpu.memref_slice %arg8[%run_scoped3A, %dma_wait3A_130] : memref<10x1024xi32, #tpu.memory_space<vmem>> -> memref<1x1024xi32, #tpu.memory_space<vmem>>
      %dma_wait3A_132 = tpu.memref_squeeze %dma_wait3A_131 : memref<1x1024xi32, #tpu.memory_space<vmem>> -> memref<1024xi32, #tpu.memory_space<vmem>>
      %dma_wait3A_133 = arith.constant 0 : i32
      %dma_wait3A_134 = arith.constant 0 : i32
      %dma_wait3A_135 = tpu.memref_slice %arg11[%dma_wait3A_133, %dma_wait3A_134] : memref<10112x32xf32, #tpu.memory_space<vmem_shared>> -> memref<10112x32xf32, #tpu.memory_space<vmem_shared>>
      tpu.wait_indirect_dma semaphore(%run_scoped3A_117 : memref<!tpu.dma_semaphore, #tpu.memory_space<semaphore_mem>>) src(%dma_wait3A_129 : memref<1024x32xf32, #tpu.memory_space<vmem>>) dst(%dma_wait3A_135 : memref<10112x32xf32, #tpu.memory_space<vmem_shared>>)
      tpu.yield
    }) : () -> ()
    %dma_wait3A_18 = arith.constant 1024 : i32
    %dma_wait3A_19 = tpu.memref_slice %arg7[%dma_wait3A_18] : memref<10240xi32, #tpu.memory_space<vmem>> -> memref<1024xi32, #tpu.memory_space<vmem>>
    %dma_wait3A_20 = arith.constant 0 : i32
    %dma_wait3A_21 = arith.constant 0 : i32
    %dma_wait3A_22 = tpu.memref_slice %arg3[%dma_wait3A_20, %dma_wait3A_21] : memref<10112x32xf32, #tpu.memory_space<hbm>> -> memref<10112x32xf32, #tpu.memory_space<hbm>>
    tpu.wait_indirect_dma semaphore(%arg13 : memref<!tpu.dma_semaphore, #tpu.memory_space<semaphore_mem>>) src(%dma_wait3A_22 : memref<10112x32xf32, #tpu.memory_space<hbm>>) dst(%arg10 : memref<1024x32xf32, #tpu.memory_space<vmem>>)
    %dma_start3A_23 = arith.constant 2048 : i32
    %dma_start3A_24 = tpu.memref_slice %arg7[%dma_start3A_23] : memref<10240xi32, #tpu.memory_space<vmem>> -> memref<1024xi32, #tpu.memory_space<vmem>>
    %dma_start3A_25 = arith.constant 0 : i32
    %dma_start3A_26 = arith.constant 0 : i32
    %dma_start3A_27 = tpu.memref_slice %arg3[%dma_start3A_25, %dma_start3A_26] : memref<10112x32xf32, #tpu.memory_space<hbm>> -> memref<10112x32xf32, #tpu.memory_space<hbm>>
    tpu.enqueue_indirect_dma source(%dma_start3A_27 : memref<10112x32xf32, #tpu.memory_space<hbm>>) target(%arg9 : memref<1024x32xf32, #tpu.memory_space<vmem>>) offsets(%dma_start3A_24 : memref<1024xi32, #tpu.memory_space<vmem>>) semaphore(%arg12 : memref<!tpu.dma_semaphore, #tpu.memory_space<semaphore_mem>>)
    %run_scoped3A_28 = arith.constant 1 : i32
    "tpu.region"() ({
      %run_scoped3A_117 = tpu.sem_alloc : memref<!tpu.dma_semaphore, #tpu.memory_space<semaphore_mem>>
      %dma_start3A_118 = arith.constant 0 : i32
      %dma_start3A_119 = arith.constant 0 : i32
      %dma_start3A_120 = tpu.memref_slice %arg10[%dma_start3A_118, %dma_start3A_119] : memref<1024x32xf32, #tpu.memory_space<vmem>> -> memref<1024x32xf32, #tpu.memory_space<vmem>>
      %dma_start3A_121 = arith.constant 0 : i32
      %dma_start3A_122 = tpu.memref_slice %arg8[%run_scoped3A_28, %dma_start3A_121] : memref<10x1024xi32, #tpu.memory_space<vmem>> -> memref<1x1024xi32, #tpu.memory_space<vmem>>
      %dma_start3A_123 = tpu.memref_squeeze %dma_start3A_122 : memref<1x1024xi32, #tpu.memory_space<vmem>> -> memref<1024xi32, #tpu.memory_space<vmem>>
      %dma_start3A_124 = arith.constant 0 : i32
      %dma_start3A_125 = arith.constant 0 : i32
      %dma_start3A_126 = tpu.memref_slice %arg11[%dma_start3A_124, %dma_start3A_125] : memref<10112x32xf32, #tpu.memory_space<vmem_shared>> -> memref<10112x32xf32, #tpu.memory_space<vmem_shared>>
      tpu.enqueue_indirect_dma source(%dma_start3A_120 : memref<1024x32xf32, #tpu.memory_space<vmem>>) target(%dma_start3A_126 : memref<10112x32xf32, #tpu.memory_space<vmem_shared>>) offsets(%dma_start3A_123 : memref<1024xi32, #tpu.memory_space<vmem>>) semaphore(%run_scoped3A_117 : memref<!tpu.dma_semaphore, #tpu.memory_space<semaphore_mem>>) {add = true}
      %dma_wait3A_127 = arith.constant 0 : i32
      %dma_wait3A_128 = arith.constant 0 : i32
      %dma_wait3A_129 = tpu.memref_slice %arg10[%dma_wait3A_127, %dma_wait3A_128] : memref<1024x32xf32, #tpu.memory_space<vmem>> -> memref<1024x32xf32, #tpu.memory_space<vmem>>
      %dma_wait3A_130 = arith.constant 0 : i32
      %dma_wait3A_131 = tpu.memref_slice %arg8[%run_scoped3A_28, %dma_wait3A_130] : memref<10x1024xi32, #tpu.memory_space<vmem>> -> memref<1x1024xi32, #tpu.memory_space<vmem>>
      %dma_wait3A_132 = tpu.memref_squeeze %dma_wait3A_131 : memref<1x1024xi32, #tpu.memory_space<vmem>> -> memref<1024xi32, #tpu.memory_space<vmem>>
      %dma_wait3A_133 = arith.constant 0 : i32
      %dma_wait3A_134 = arith.constant 0 : i32
      %dma_wait3A_135 = tpu.memref_slice %arg11[%dma_wait3A_133, %dma_wait3A_134] : memref<10112x32xf32, #tpu.memory_space<vmem_shared>> -> memref<10112x32xf32, #tpu.memory_space<vmem_shared>>
      tpu.wait_indirect_dma semaphore(%run_scoped3A_117 : memref<!tpu.dma_semaphore, #tpu.memory_space<semaphore_mem>>) src(%dma_wait3A_129 : memref<1024x32xf32, #tpu.memory_space<vmem>>) dst(%dma_wait3A_135 : memref<10112x32xf32, #tpu.memory_space<vmem_shared>>)
      tpu.yield
    }) : () -> ()
    %dma_wait3A_29 = arith.constant 2048 : i32
    %dma_wait3A_30 = tpu.memref_slice %arg7[%dma_wait3A_29] : memref<10240xi32, #tpu.memory_space<vmem>> -> memref<1024xi32, #tpu.memory_space<vmem>>
    %dma_wait3A_31 = arith.constant 0 : i32
    %dma_wait3A_32 = arith.constant 0 : i32
    %dma_wait3A_33 = tpu.memref_slice %arg3[%dma_wait3A_31, %dma_wait3A_32] : memref<10112x32xf32, #tpu.memory_space<hbm>> -> memref<10112x32xf32, #tpu.memory_space<hbm>>
    tpu.wait_indirect_dma semaphore(%arg12 : memref<!tpu.dma_semaphore, #tpu.memory_space<semaphore_mem>>) src(%dma_wait3A_33 : memref<10112x32xf32, #tpu.memory_space<hbm>>) dst(%arg9 : memref<1024x32xf32, #tpu.memory_space<vmem>>)
    %dma_start3A_34 = arith.constant 3072 : i32
    %dma_start3A_35 = tpu.memref_slice %arg7[%dma_start3A_34] : memref<10240xi32, #tpu.memory_space<vmem>> -> memref<1024xi32, #tpu.memory_space<vmem>>
    %dma_start3A_36 = arith.constant 0 : i32
    %dma_start3A_37 = arith.constant 0 : i32
    %dma_start3A_38 = tpu.memref_slice %arg3[%dma_start3A_36, %dma_start3A_37] : memref<10112x32xf32, #tpu.memory_space<hbm>> -> memref<10112x32xf32, #tpu.memory_space<hbm>>
    tpu.enqueue_indirect_dma source(%dma_start3A_38 : memref<10112x32xf32, #tpu.memory_space<hbm>>) target(%arg10 : memref<1024x32xf32, #tpu.memory_space<vmem>>) offsets(%dma_start3A_35 : memref<1024xi32, #tpu.memory_space<vmem>>) semaphore(%arg13 : memref<!tpu.dma_semaphore, #tpu.memory_space<semaphore_mem>>)
    %run_scoped3A_39 = arith.constant 2 : i32
    "tpu.region"() ({
      %run_scoped3A_117 = tpu.sem_alloc : memref<!tpu.dma_semaphore, #tpu.memory_space<semaphore_mem>>
      %dma_start3A_118 = arith.constant 0 : i32
      %dma_start3A_119 = arith.constant 0 : i32
      %dma_start3A_120 = tpu.memref_slice %arg9[%dma_start3A_118, %dma_start3A_119] : memref<1024x32xf32, #tpu.memory_space<vmem>> -> memref<1024x32xf32, #tpu.memory_space<vmem>>
      %dma_start3A_121 = arith.constant 0 : i32
      %dma_start3A_122 = tpu.memref_slice %arg8[%run_scoped3A_39, %dma_start3A_121] : memref<10x1024xi32, #tpu.memory_space<vmem>> -> memref<1x1024xi32, #tpu.memory_space<vmem>>
      %dma_start3A_123 = tpu.memref_squeeze %dma_start3A_122 : memref<1x1024xi32, #tpu.memory_space<vmem>> -> memref<1024xi32, #tpu.memory_space<vmem>>
      %dma_start3A_124 = arith.constant 0 : i32
      %dma_start3A_125 = arith.constant 0 : i32
      %dma_start3A_126 = tpu.memref_slice %arg11[%dma_start3A_124, %dma_start3A_125] : memref<10112x32xf32, #tpu.memory_space<vmem_shared>> -> memref<10112x32xf32, #tpu.memory_space<vmem_shared>>
      tpu.enqueue_indirect_dma source(%dma_start3A_120 : memref<1024x32xf32, #tpu.memory_space<vmem>>) target(%dma_start3A_126 : memref<10112x32xf32, #tpu.memory_space<vmem_shared>>) offsets(%dma_start3A_123 : memref<1024xi32, #tpu.memory_space<vmem>>) semaphore(%run_scoped3A_117 : memref<!tpu.dma_semaphore, #tpu.memory_space<semaphore_mem>>) {add = true}
      %dma_wait3A_127 = arith.constant 0 : i32
      %dma_wait3A_128 = arith.constant 0 : i32
      %dma_wait3A_129 = tpu.memref_slice %arg9[%dma_wait3A_127, %dma_wait3A_128] : memref<1024x32xf32, #tpu.memory_space<vmem>> -> memref<1024x32xf32, #tpu.memory_space<vmem>>
      %dma_wait3A_130 = arith.constant 0 : i32
      %dma_wait3A_131 = tpu.memref_slice %arg8[%run_scoped3A_39, %dma_wait3A_130] : memref<10x1024xi32, #tpu.memory_space<vmem>> -> memref<1x1024xi32, #tpu.memory_space<vmem>>
      %dma_wait3A_132 = tpu.memref_squeeze %dma_wait3A_131 : memref<1x1024xi32, #tpu.memory_space<vmem>> -> memref<1024xi32, #tpu.memory_space<vmem>>
      %dma_wait3A_133 = arith.constant 0 : i32
      %dma_wait3A_134 = arith.constant 0 : i32
      %dma_wait3A_135 = tpu.memref_slice %arg11[%dma_wait3A_133, %dma_wait3A_134] : memref<10112x32xf32, #tpu.memory_space<vmem_shared>> -> memref<10112x32xf32, #tpu.memory_space<vmem_shared>>
      tpu.wait_indirect_dma semaphore(%run_scoped3A_117 : memref<!tpu.dma_semaphore, #tpu.memory_space<semaphore_mem>>) src(%dma_wait3A_129 : memref<1024x32xf32, #tpu.memory_space<vmem>>) dst(%dma_wait3A_135 : memref<10112x32xf32, #tpu.memory_space<vmem_shared>>)
      tpu.yield
    }) : () -> ()
    %dma_wait3A_40 = arith.constant 3072 : i32
    %dma_wait3A_41 = tpu.memref_slice %arg7[%dma_wait3A_40] : memref<10240xi32, #tpu.memory_space<vmem>> -> memref<1024xi32, #tpu.memory_space<vmem>>
    %dma_wait3A_42 = arith.constant 0 : i32
    %dma_wait3A_43 = arith.constant 0 : i32
    %dma_wait3A_44 = tpu.memref_slice %arg3[%dma_wait3A_42, %dma_wait3A_43] : memref<10112x32xf32, #tpu.memory_space<hbm>> -> memref<10112x32xf32, #tpu.memory_space<hbm>>
    tpu.wait_indirect_dma semaphore(%arg13 : memref<!tpu.dma_semaphore, #tpu.memory_space<semaphore_mem>>) src(%dma_wait3A_44 : memref<10112x32xf32, #tpu.memory_space<hbm>>) dst(%arg10 : memref<1024x32xf32, #tpu.memory_space<vmem>>)
    %dma_start3A_45 = arith.constant 4096 : i32
    %dma_start3A_46 = tpu.memref_slice %arg7[%dma_start3A_45] : memref<10240xi32, #tpu.memory_space<vmem>> -> memref<1024xi32, #tpu.memory_space<vmem>>
    %dma_start3A_47 = arith.constant 0 : i32
    %dma_start3A_48 = arith.constant 0 : i32
    %dma_start3A_49 = tpu.memref_slice %arg3[%dma_start3A_47, %dma_start3A_48] : memref<10112x32xf32, #tpu.memory_space<hbm>> -> memref<10112x32xf32, #tpu.memory_space<hbm>>
    tpu.enqueue_indirect_dma source(%dma_start3A_49 : memref<10112x32xf32, #tpu.memory_space<hbm>>) target(%arg9 : memref<1024x32xf32, #tpu.memory_space<vmem>>) offsets(%dma_start3A_46 : memref<1024xi32, #tpu.memory_space<vmem>>) semaphore(%arg12 : memref<!tpu.dma_semaphore, #tpu.memory_space<semaphore_mem>>)
    %run_scoped3A_50 = arith.constant 3 : i32
    "tpu.region"() ({
      %run_scoped3A_117 = tpu.sem_alloc : memref<!tpu.dma_semaphore, #tpu.memory_space<semaphore_mem>>
      %dma_start3A_118 = arith.constant 0 : i32
      %dma_start3A_119 = arith.constant 0 : i32
      %dma_start3A_120 = tpu.memref_slice %arg10[%dma_start3A_118, %dma_start3A_119] : memref<1024x32xf32, #tpu.memory_space<vmem>> -> memref<1024x32xf32, #tpu.memory_space<vmem>>
      %dma_start3A_121 = arith.constant 0 : i32
      %dma_start3A_122 = tpu.memref_slice %arg8[%run_scoped3A_50, %dma_start3A_121] : memref<10x1024xi32, #tpu.memory_space<vmem>> -> memref<1x1024xi32, #tpu.memory_space<vmem>>
      %dma_start3A_123 = tpu.memref_squeeze %dma_start3A_122 : memref<1x1024xi32, #tpu.memory_space<vmem>> -> memref<1024xi32, #tpu.memory_space<vmem>>
      %dma_start3A_124 = arith.constant 0 : i32
      %dma_start3A_125 = arith.constant 0 : i32
      %dma_start3A_126 = tpu.memref_slice %arg11[%dma_start3A_124, %dma_start3A_125] : memref<10112x32xf32, #tpu.memory_space<vmem_shared>> -> memref<10112x32xf32, #tpu.memory_space<vmem_shared>>
      tpu.enqueue_indirect_dma source(%dma_start3A_120 : memref<1024x32xf32, #tpu.memory_space<vmem>>) target(%dma_start3A_126 : memref<10112x32xf32, #tpu.memory_space<vmem_shared>>) offsets(%dma_start3A_123 : memref<1024xi32, #tpu.memory_space<vmem>>) semaphore(%run_scoped3A_117 : memref<!tpu.dma_semaphore, #tpu.memory_space<semaphore_mem>>) {add = true}
      %dma_wait3A_127 = arith.constant 0 : i32
      %dma_wait3A_128 = arith.constant 0 : i32
      %dma_wait3A_129 = tpu.memref_slice %arg10[%dma_wait3A_127, %dma_wait3A_128] : memref<1024x32xf32, #tpu.memory_space<vmem>> -> memref<1024x32xf32, #tpu.memory_space<vmem>>
      %dma_wait3A_130 = arith.constant 0 : i32
      %dma_wait3A_131 = tpu.memref_slice %arg8[%run_scoped3A_50, %dma_wait3A_130] : memref<10x1024xi32, #tpu.memory_space<vmem>> -> memref<1x1024xi32, #tpu.memory_space<vmem>>
      %dma_wait3A_132 = tpu.memref_squeeze %dma_wait3A_131 : memref<1x1024xi32, #tpu.memory_space<vmem>> -> memref<1024xi32, #tpu.memory_space<vmem>>
      %dma_wait3A_133 = arith.constant 0 : i32
      %dma_wait3A_134 = arith.constant 0 : i32
      %dma_wait3A_135 = tpu.memref_slice %arg11[%dma_wait3A_133, %dma_wait3A_134] : memref<10112x32xf32, #tpu.memory_space<vmem_shared>> -> memref<10112x32xf32, #tpu.memory_space<vmem_shared>>
      tpu.wait_indirect_dma semaphore(%run_scoped3A_117 : memref<!tpu.dma_semaphore, #tpu.memory_space<semaphore_mem>>) src(%dma_wait3A_129 : memref<1024x32xf32, #tpu.memory_space<vmem>>) dst(%dma_wait3A_135 : memref<10112x32xf32, #tpu.memory_space<vmem_shared>>)
      tpu.yield
    }) : () -> ()
    %dma_wait3A_51 = arith.constant 4096 : i32
    %dma_wait3A_52 = tpu.memref_slice %arg7[%dma_wait3A_51] : memref<10240xi32, #tpu.memory_space<vmem>> -> memref<1024xi32, #tpu.memory_space<vmem>>
    %dma_wait3A_53 = arith.constant 0 : i32
    %dma_wait3A_54 = arith.constant 0 : i32
    %dma_wait3A_55 = tpu.memref_slice %arg3[%dma_wait3A_53, %dma_wait3A_54] : memref<10112x32xf32, #tpu.memory_space<hbm>> -> memref<10112x32xf32, #tpu.memory_space<hbm>>
    tpu.wait_indirect_dma semaphore(%arg12 : memref<!tpu.dma_semaphore, #tpu.memory_space<semaphore_mem>>) src(%dma_wait3A_55 : memref<10112x32xf32, #tpu.memory_space<hbm>>) dst(%arg9 : memref<1024x32xf32, #tpu.memory_space<vmem>>)
    %dma_start3A_56 = arith.constant 5120 : i32
    %dma_start3A_57 = tpu.memref_slice %arg7[%dma_start3A_56] : memref<10240xi32, #tpu.memory_space<vmem>> -> memref<1024xi32, #tpu.memory_space<vmem>>
    %dma_start3A_58 = arith.constant 0 : i32
    %dma_start3A_59 = arith.constant 0 : i32
    %dma_start3A_60 = tpu.memref_slice %arg3[%dma_start3A_58, %dma_start3A_59] : memref<10112x32xf32, #tpu.memory_space<hbm>> -> memref<10112x32xf32, #tpu.memory_space<hbm>>
    tpu.enqueue_indirect_dma source(%dma_start3A_60 : memref<10112x32xf32, #tpu.memory_space<hbm>>) target(%arg10 : memref<1024x32xf32, #tpu.memory_space<vmem>>) offsets(%dma_start3A_57 : memref<1024xi32, #tpu.memory_space<vmem>>) semaphore(%arg13 : memref<!tpu.dma_semaphore, #tpu.memory_space<semaphore_mem>>)
    %run_scoped3A_61 = arith.constant 4 : i32
    "tpu.region"() ({
      %run_scoped3A_117 = tpu.sem_alloc : memref<!tpu.dma_semaphore, #tpu.memory_space<semaphore_mem>>
      %dma_start3A_118 = arith.constant 0 : i32
      %dma_start3A_119 = arith.constant 0 : i32
      %dma_start3A_120 = tpu.memref_slice %arg9[%dma_start3A_118, %dma_start3A_119] : memref<1024x32xf32, #tpu.memory_space<vmem>> -> memref<1024x32xf32, #tpu.memory_space<vmem>>
      %dma_start3A_121 = arith.constant 0 : i32
      %dma_start3A_122 = tpu.memref_slice %arg8[%run_scoped3A_61, %dma_start3A_121] : memref<10x1024xi32, #tpu.memory_space<vmem>> -> memref<1x1024xi32, #tpu.memory_space<vmem>>
      %dma_start3A_123 = tpu.memref_squeeze %dma_start3A_122 : memref<1x1024xi32, #tpu.memory_space<vmem>> -> memref<1024xi32, #tpu.memory_space<vmem>>
      %dma_start3A_124 = arith.constant 0 : i32
      %dma_start3A_125 = arith.constant 0 : i32
      %dma_start3A_126 = tpu.memref_slice %arg11[%dma_start3A_124, %dma_start3A_125] : memref<10112x32xf32, #tpu.memory_space<vmem_shared>> -> memref<10112x32xf32, #tpu.memory_space<vmem_shared>>
      tpu.enqueue_indirect_dma source(%dma_start3A_120 : memref<1024x32xf32, #tpu.memory_space<vmem>>) target(%dma_start3A_126 : memref<10112x32xf32, #tpu.memory_space<vmem_shared>>) offsets(%dma_start3A_123 : memref<1024xi32, #tpu.memory_space<vmem>>) semaphore(%run_scoped3A_117 : memref<!tpu.dma_semaphore, #tpu.memory_space<semaphore_mem>>) {add = true}
      %dma_wait3A_127 = arith.constant 0 : i32
      %dma_wait3A_128 = arith.constant 0 : i32
      %dma_wait3A_129 = tpu.memref_slice %arg9[%dma_wait3A_127, %dma_wait3A_128] : memref<1024x32xf32, #tpu.memory_space<vmem>> -> memref<1024x32xf32, #tpu.memory_space<vmem>>
      %dma_wait3A_130 = arith.constant 0 : i32
      %dma_wait3A_131 = tpu.memref_slice %arg8[%run_scoped3A_61, %dma_wait3A_130] : memref<10x1024xi32, #tpu.memory_space<vmem>> -> memref<1x1024xi32, #tpu.memory_space<vmem>>
      %dma_wait3A_132 = tpu.memref_squeeze %dma_wait3A_131 : memref<1x1024xi32, #tpu.memory_space<vmem>> -> memref<1024xi32, #tpu.memory_space<vmem>>
      %dma_wait3A_133 = arith.constant 0 : i32
      %dma_wait3A_134 = arith.constant 0 : i32
      %dma_wait3A_135 = tpu.memref_slice %arg11[%dma_wait3A_133, %dma_wait3A_134] : memref<10112x32xf32, #tpu.memory_space<vmem_shared>> -> memref<10112x32xf32, #tpu.memory_space<vmem_shared>>
      tpu.wait_indirect_dma semaphore(%run_scoped3A_117 : memref<!tpu.dma_semaphore, #tpu.memory_space<semaphore_mem>>) src(%dma_wait3A_129 : memref<1024x32xf32, #tpu.memory_space<vmem>>) dst(%dma_wait3A_135 : memref<10112x32xf32, #tpu.memory_space<vmem_shared>>)
      tpu.yield
    }) : () -> ()
    %dma_wait3A_62 = arith.constant 5120 : i32
    %dma_wait3A_63 = tpu.memref_slice %arg7[%dma_wait3A_62] : memref<10240xi32, #tpu.memory_space<vmem>> -> memref<1024xi32, #tpu.memory_space<vmem>>
    %dma_wait3A_64 = arith.constant 0 : i32
    %dma_wait3A_65 = arith.constant 0 : i32
    %dma_wait3A_66 = tpu.memref_slice %arg3[%dma_wait3A_64, %dma_wait3A_65] : memref<10112x32xf32, #tpu.memory_space<hbm>> -> memref<10112x32xf32, #tpu.memory_space<hbm>>
    tpu.wait_indirect_dma semaphore(%arg13 : memref<!tpu.dma_semaphore, #tpu.memory_space<semaphore_mem>>) src(%dma_wait3A_66 : memref<10112x32xf32, #tpu.memory_space<hbm>>) dst(%arg10 : memref<1024x32xf32, #tpu.memory_space<vmem>>)
    %dma_start3A_67 = arith.constant 6144 : i32
    %dma_start3A_68 = tpu.memref_slice %arg7[%dma_start3A_67] : memref<10240xi32, #tpu.memory_space<vmem>> -> memref<1024xi32, #tpu.memory_space<vmem>>
    %dma_start3A_69 = arith.constant 0 : i32
    %dma_start3A_70 = arith.constant 0 : i32
    %dma_start3A_71 = tpu.memref_slice %arg3[%dma_start3A_69, %dma_start3A_70] : memref<10112x32xf32, #tpu.memory_space<hbm>> -> memref<10112x32xf32, #tpu.memory_space<hbm>>
    tpu.enqueue_indirect_dma source(%dma_start3A_71 : memref<10112x32xf32, #tpu.memory_space<hbm>>) target(%arg9 : memref<1024x32xf32, #tpu.memory_space<vmem>>) offsets(%dma_start3A_68 : memref<1024xi32, #tpu.memory_space<vmem>>) semaphore(%arg12 : memref<!tpu.dma_semaphore, #tpu.memory_space<semaphore_mem>>)
    %run_scoped3A_72 = arith.constant 5 : i32
    "tpu.region"() ({
      %run_scoped3A_117 = tpu.sem_alloc : memref<!tpu.dma_semaphore, #tpu.memory_space<semaphore_mem>>
      %dma_start3A_118 = arith.constant 0 : i32
      %dma_start3A_119 = arith.constant 0 : i32
      %dma_start3A_120 = tpu.memref_slice %arg10[%dma_start3A_118, %dma_start3A_119] : memref<1024x32xf32, #tpu.memory_space<vmem>> -> memref<1024x32xf32, #tpu.memory_space<vmem>>
      %dma_start3A_121 = arith.constant 0 : i32
      %dma_start3A_122 = tpu.memref_slice %arg8[%run_scoped3A_72, %dma_start3A_121] : memref<10x1024xi32, #tpu.memory_space<vmem>> -> memref<1x1024xi32, #tpu.memory_space<vmem>>
      %dma_start3A_123 = tpu.memref_squeeze %dma_start3A_122 : memref<1x1024xi32, #tpu.memory_space<vmem>> -> memref<1024xi32, #tpu.memory_space<vmem>>
      %dma_start3A_124 = arith.constant 0 : i32
      %dma_start3A_125 = arith.constant 0 : i32
      %dma_start3A_126 = tpu.memref_slice %arg11[%dma_start3A_124, %dma_start3A_125] : memref<10112x32xf32, #tpu.memory_space<vmem_shared>> -> memref<10112x32xf32, #tpu.memory_space<vmem_shared>>
      tpu.enqueue_indirect_dma source(%dma_start3A_120 : memref<1024x32xf32, #tpu.memory_space<vmem>>) target(%dma_start3A_126 : memref<10112x32xf32, #tpu.memory_space<vmem_shared>>) offsets(%dma_start3A_123 : memref<1024xi32, #tpu.memory_space<vmem>>) semaphore(%run_scoped3A_117 : memref<!tpu.dma_semaphore, #tpu.memory_space<semaphore_mem>>) {add = true}
      %dma_wait3A_127 = arith.constant 0 : i32
      %dma_wait3A_128 = arith.constant 0 : i32
      %dma_wait3A_129 = tpu.memref_slice %arg10[%dma_wait3A_127, %dma_wait3A_128] : memref<1024x32xf32, #tpu.memory_space<vmem>> -> memref<1024x32xf32, #tpu.memory_space<vmem>>
      %dma_wait3A_130 = arith.constant 0 : i32
      %dma_wait3A_131 = tpu.memref_slice %arg8[%run_scoped3A_72, %dma_wait3A_130] : memref<10x1024xi32, #tpu.memory_space<vmem>> -> memref<1x1024xi32, #tpu.memory_space<vmem>>
      %dma_wait3A_132 = tpu.memref_squeeze %dma_wait3A_131 : memref<1x1024xi32, #tpu.memory_space<vmem>> -> memref<1024xi32, #tpu.memory_space<vmem>>
      %dma_wait3A_133 = arith.constant 0 : i32
      %dma_wait3A_134 = arith.constant 0 : i32
      %dma_wait3A_135 = tpu.memref_slice %arg11[%dma_wait3A_133, %dma_wait3A_134] : memref<10112x32xf32, #tpu.memory_space<vmem_shared>> -> memref<10112x32xf32, #tpu.memory_space<vmem_shared>>
      tpu.wait_indirect_dma semaphore(%run_scoped3A_117 : memref<!tpu.dma_semaphore, #tpu.memory_space<semaphore_mem>>) src(%dma_wait3A_129 : memref<1024x32xf32, #tpu.memory_space<vmem>>) dst(%dma_wait3A_135 : memref<10112x32xf32, #tpu.memory_space<vmem_shared>>)
      tpu.yield
    }) : () -> ()
    %dma_wait3A_73 = arith.constant 6144 : i32
    %dma_wait3A_74 = tpu.memref_slice %arg7[%dma_wait3A_73] : memref<10240xi32, #tpu.memory_space<vmem>> -> memref<1024xi32, #tpu.memory_space<vmem>>
    %dma_wait3A_75 = arith.constant 0 : i32
    %dma_wait3A_76 = arith.constant 0 : i32
    %dma_wait3A_77 = tpu.memref_slice %arg3[%dma_wait3A_75, %dma_wait3A_76] : memref<10112x32xf32, #tpu.memory_space<hbm>> -> memref<10112x32xf32, #tpu.memory_space<hbm>>
    tpu.wait_indirect_dma semaphore(%arg12 : memref<!tpu.dma_semaphore, #tpu.memory_space<semaphore_mem>>) src(%dma_wait3A_77 : memref<10112x32xf32, #tpu.memory_space<hbm>>) dst(%arg9 : memref<1024x32xf32, #tpu.memory_space<vmem>>)
    %dma_start3A_78 = arith.constant 7168 : i32
    %dma_start3A_79 = tpu.memref_slice %arg7[%dma_start3A_78] : memref<10240xi32, #tpu.memory_space<vmem>> -> memref<1024xi32, #tpu.memory_space<vmem>>
    %dma_start3A_80 = arith.constant 0 : i32
    %dma_start3A_81 = arith.constant 0 : i32
    %dma_start3A_82 = tpu.memref_slice %arg3[%dma_start3A_80, %dma_start3A_81] : memref<10112x32xf32, #tpu.memory_space<hbm>> -> memref<10112x32xf32, #tpu.memory_space<hbm>>
    tpu.enqueue_indirect_dma source(%dma_start3A_82 : memref<10112x32xf32, #tpu.memory_space<hbm>>) target(%arg10 : memref<1024x32xf32, #tpu.memory_space<vmem>>) offsets(%dma_start3A_79 : memref<1024xi32, #tpu.memory_space<vmem>>) semaphore(%arg13 : memref<!tpu.dma_semaphore, #tpu.memory_space<semaphore_mem>>)
    %run_scoped3A_83 = arith.constant 6 : i32
    "tpu.region"() ({
      %run_scoped3A_117 = tpu.sem_alloc : memref<!tpu.dma_semaphore, #tpu.memory_space<semaphore_mem>>
      %dma_start3A_118 = arith.constant 0 : i32
      %dma_start3A_119 = arith.constant 0 : i32
      %dma_start3A_120 = tpu.memref_slice %arg9[%dma_start3A_118, %dma_start3A_119] : memref<1024x32xf32, #tpu.memory_space<vmem>> -> memref<1024x32xf32, #tpu.memory_space<vmem>>
      %dma_start3A_121 = arith.constant 0 : i32
      %dma_start3A_122 = tpu.memref_slice %arg8[%run_scoped3A_83, %dma_start3A_121] : memref<10x1024xi32, #tpu.memory_space<vmem>> -> memref<1x1024xi32, #tpu.memory_space<vmem>>
      %dma_start3A_123 = tpu.memref_squeeze %dma_start3A_122 : memref<1x1024xi32, #tpu.memory_space<vmem>> -> memref<1024xi32, #tpu.memory_space<vmem>>
      %dma_start3A_124 = arith.constant 0 : i32
      %dma_start3A_125 = arith.constant 0 : i32
      %dma_start3A_126 = tpu.memref_slice %arg11[%dma_start3A_124, %dma_start3A_125] : memref<10112x32xf32, #tpu.memory_space<vmem_shared>> -> memref<10112x32xf32, #tpu.memory_space<vmem_shared>>
      tpu.enqueue_indirect_dma source(%dma_start3A_120 : memref<1024x32xf32, #tpu.memory_space<vmem>>) target(%dma_start3A_126 : memref<10112x32xf32, #tpu.memory_space<vmem_shared>>) offsets(%dma_start3A_123 : memref<1024xi32, #tpu.memory_space<vmem>>) semaphore(%run_scoped3A_117 : memref<!tpu.dma_semaphore, #tpu.memory_space<semaphore_mem>>) {add = true}
      %dma_wait3A_127 = arith.constant 0 : i32
      %dma_wait3A_128 = arith.constant 0 : i32
      %dma_wait3A_129 = tpu.memref_slice %arg9[%dma_wait3A_127, %dma_wait3A_128] : memref<1024x32xf32, #tpu.memory_space<vmem>> -> memref<1024x32xf32, #tpu.memory_space<vmem>>
      %dma_wait3A_130 = arith.constant 0 : i32
      %dma_wait3A_131 = tpu.memref_slice %arg8[%run_scoped3A_83, %dma_wait3A_130] : memref<10x1024xi32, #tpu.memory_space<vmem>> -> memref<1x1024xi32, #tpu.memory_space<vmem>>
      %dma_wait3A_132 = tpu.memref_squeeze %dma_wait3A_131 : memref<1x1024xi32, #tpu.memory_space<vmem>> -> memref<1024xi32, #tpu.memory_space<vmem>>
      %dma_wait3A_133 = arith.constant 0 : i32
      %dma_wait3A_134 = arith.constant 0 : i32
      %dma_wait3A_135 = tpu.memref_slice %arg11[%dma_wait3A_133, %dma_wait3A_134] : memref<10112x32xf32, #tpu.memory_space<vmem_shared>> -> memref<10112x32xf32, #tpu.memory_space<vmem_shared>>
      tpu.wait_indirect_dma semaphore(%run_scoped3A_117 : memref<!tpu.dma_semaphore, #tpu.memory_space<semaphore_mem>>) src(%dma_wait3A_129 : memref<1024x32xf32, #tpu.memory_space<vmem>>) dst(%dma_wait3A_135 : memref<10112x32xf32, #tpu.memory_space<vmem_shared>>)
      tpu.yield
    }) : () -> ()
    %dma_wait3A_84 = arith.constant 7168 : i32
    %dma_wait3A_85 = tpu.memref_slice %arg7[%dma_wait3A_84] : memref<10240xi32, #tpu.memory_space<vmem>> -> memref<1024xi32, #tpu.memory_space<vmem>>
    %dma_wait3A_86 = arith.constant 0 : i32
    %dma_wait3A_87 = arith.constant 0 : i32
    %dma_wait3A_88 = tpu.memref_slice %arg3[%dma_wait3A_86, %dma_wait3A_87] : memref<10112x32xf32, #tpu.memory_space<hbm>> -> memref<10112x32xf32, #tpu.memory_space<hbm>>
    tpu.wait_indirect_dma semaphore(%arg13 : memref<!tpu.dma_semaphore, #tpu.memory_space<semaphore_mem>>) src(%dma_wait3A_88 : memref<10112x32xf32, #tpu.memory_space<hbm>>) dst(%arg10 : memref<1024x32xf32, #tpu.memory_space<vmem>>)
    %dma_start3A_89 = arith.constant 8192 : i32
    %dma_start3A_90 = tpu.memref_slice %arg7[%dma_start3A_89] : memref<10240xi32, #tpu.memory_space<vmem>> -> memref<1024xi32, #tpu.memory_space<vmem>>
    %dma_start3A_91 = arith.constant 0 : i32
    %dma_start3A_92 = arith.constant 0 : i32
    %dma_start3A_93 = tpu.memref_slice %arg3[%dma_start3A_91, %dma_start3A_92] : memref<10112x32xf32, #tpu.memory_space<hbm>> -> memref<10112x32xf32, #tpu.memory_space<hbm>>
    tpu.enqueue_indirect_dma source(%dma_start3A_93 : memref<10112x32xf32, #tpu.memory_space<hbm>>) target(%arg9 : memref<1024x32xf32, #tpu.memory_space<vmem>>) offsets(%dma_start3A_90 : memref<1024xi32, #tpu.memory_space<vmem>>) semaphore(%arg12 : memref<!tpu.dma_semaphore, #tpu.memory_space<semaphore_mem>>)
    %run_scoped3A_94 = arith.constant 7 : i32
    "tpu.region"() ({
      %run_scoped3A_117 = tpu.sem_alloc : memref<!tpu.dma_semaphore, #tpu.memory_space<semaphore_mem>>
      %dma_start3A_118 = arith.constant 0 : i32
      %dma_start3A_119 = arith.constant 0 : i32
      %dma_start3A_120 = tpu.memref_slice %arg10[%dma_start3A_118, %dma_start3A_119] : memref<1024x32xf32, #tpu.memory_space<vmem>> -> memref<1024x32xf32, #tpu.memory_space<vmem>>
      %dma_start3A_121 = arith.constant 0 : i32
      %dma_start3A_122 = tpu.memref_slice %arg8[%run_scoped3A_94, %dma_start3A_121] : memref<10x1024xi32, #tpu.memory_space<vmem>> -> memref<1x1024xi32, #tpu.memory_space<vmem>>
      %dma_start3A_123 = tpu.memref_squeeze %dma_start3A_122 : memref<1x1024xi32, #tpu.memory_space<vmem>> -> memref<1024xi32, #tpu.memory_space<vmem>>
      %dma_start3A_124 = arith.constant 0 : i32
      %dma_start3A_125 = arith.constant 0 : i32
      %dma_start3A_126 = tpu.memref_slice %arg11[%dma_start3A_124, %dma_start3A_125] : memref<10112x32xf32, #tpu.memory_space<vmem_shared>> -> memref<10112x32xf32, #tpu.memory_space<vmem_shared>>
      tpu.enqueue_indirect_dma source(%dma_start3A_120 : memref<1024x32xf32, #tpu.memory_space<vmem>>) target(%dma_start3A_126 : memref<10112x32xf32, #tpu.memory_space<vmem_shared>>) offsets(%dma_start3A_123 : memref<1024xi32, #tpu.memory_space<vmem>>) semaphore(%run_scoped3A_117 : memref<!tpu.dma_semaphore, #tpu.memory_space<semaphore_mem>>) {add = true}
      %dma_wait3A_127 = arith.constant 0 : i32
      %dma_wait3A_128 = arith.constant 0 : i32
      %dma_wait3A_129 = tpu.memref_slice %arg10[%dma_wait3A_127, %dma_wait3A_128] : memref<1024x32xf32, #tpu.memory_space<vmem>> -> memref<1024x32xf32, #tpu.memory_space<vmem>>
      %dma_wait3A_130 = arith.constant 0 : i32
      %dma_wait3A_131 = tpu.memref_slice %arg8[%run_scoped3A_94, %dma_wait3A_130] : memref<10x1024xi32, #tpu.memory_space<vmem>> -> memref<1x1024xi32, #tpu.memory_space<vmem>>
      %dma_wait3A_132 = tpu.memref_squeeze %dma_wait3A_131 : memref<1x1024xi32, #tpu.memory_space<vmem>> -> memref<1024xi32, #tpu.memory_space<vmem>>
      %dma_wait3A_133 = arith.constant 0 : i32
      %dma_wait3A_134 = arith.constant 0 : i32
      %dma_wait3A_135 = tpu.memref_slice %arg11[%dma_wait3A_133, %dma_wait3A_134] : memref<10112x32xf32, #tpu.memory_space<vmem_shared>> -> memref<10112x32xf32, #tpu.memory_space<vmem_shared>>
      tpu.wait_indirect_dma semaphore(%run_scoped3A_117 : memref<!tpu.dma_semaphore, #tpu.memory_space<semaphore_mem>>) src(%dma_wait3A_129 : memref<1024x32xf32, #tpu.memory_space<vmem>>) dst(%dma_wait3A_135 : memref<10112x32xf32, #tpu.memory_space<vmem_shared>>)
      tpu.yield
    }) : () -> ()
    %dma_wait3A_95 = arith.constant 8192 : i32
    %dma_wait3A_96 = tpu.memref_slice %arg7[%dma_wait3A_95] : memref<10240xi32, #tpu.memory_space<vmem>> -> memref<1024xi32, #tpu.memory_space<vmem>>
    %dma_wait3A_97 = arith.constant 0 : i32
    %dma_wait3A_98 = arith.constant 0 : i32
    %dma_wait3A_99 = tpu.memref_slice %arg3[%dma_wait3A_97, %dma_wait3A_98] : memref<10112x32xf32, #tpu.memory_space<hbm>> -> memref<10112x32xf32, #tpu.memory_space<hbm>>
    tpu.wait_indirect_dma semaphore(%arg12 : memref<!tpu.dma_semaphore, #tpu.memory_space<semaphore_mem>>) src(%dma_wait3A_99 : memref<10112x32xf32, #tpu.memory_space<hbm>>) dst(%arg9 : memref<1024x32xf32, #tpu.memory_space<vmem>>)
    %dma_start3A_100 = arith.constant 9216 : i32
    %dma_start3A_101 = tpu.memref_slice %arg7[%dma_start3A_100] : memref<10240xi32, #tpu.memory_space<vmem>> -> memref<1024xi32, #tpu.memory_space<vmem>>
    %dma_start3A_102 = arith.constant 0 : i32
    %dma_start3A_103 = arith.constant 0 : i32
    %dma_start3A_104 = tpu.memref_slice %arg3[%dma_start3A_102, %dma_start3A_103] : memref<10112x32xf32, #tpu.memory_space<hbm>> -> memref<10112x32xf32, #tpu.memory_space<hbm>>
    tpu.enqueue_indirect_dma source(%dma_start3A_104 : memref<10112x32xf32, #tpu.memory_space<hbm>>) target(%arg10 : memref<1024x32xf32, #tpu.memory_space<vmem>>) offsets(%dma_start3A_101 : memref<1024xi32, #tpu.memory_space<vmem>>) semaphore(%arg13 : memref<!tpu.dma_semaphore, #tpu.memory_space<semaphore_mem>>)
    %run_scoped3A_105 = arith.constant 8 : i32
    "tpu.region"() ({
      %run_scoped3A_117 = tpu.sem_alloc : memref<!tpu.dma_semaphore, #tpu.memory_space<semaphore_mem>>
      %dma_start3A_118 = arith.constant 0 : i32
      %dma_start3A_119 = arith.constant 0 : i32
      %dma_start3A_120 = tpu.memref_slice %arg9[%dma_start3A_118, %dma_start3A_119] : memref<1024x32xf32, #tpu.memory_space<vmem>> -> memref<1024x32xf32, #tpu.memory_space<vmem>>
      %dma_start3A_121 = arith.constant 0 : i32
      %dma_start3A_122 = tpu.memref_slice %arg8[%run_scoped3A_105, %dma_start3A_121] : memref<10x1024xi32, #tpu.memory_space<vmem>> -> memref<1x1024xi32, #tpu.memory_space<vmem>>
      %dma_start3A_123 = tpu.memref_squeeze %dma_start3A_122 : memref<1x1024xi32, #tpu.memory_space<vmem>> -> memref<1024xi32, #tpu.memory_space<vmem>>
      %dma_start3A_124 = arith.constant 0 : i32
      %dma_start3A_125 = arith.constant 0 : i32
      %dma_start3A_126 = tpu.memref_slice %arg11[%dma_start3A_124, %dma_start3A_125] : memref<10112x32xf32, #tpu.memory_space<vmem_shared>> -> memref<10112x32xf32, #tpu.memory_space<vmem_shared>>
      tpu.enqueue_indirect_dma source(%dma_start3A_120 : memref<1024x32xf32, #tpu.memory_space<vmem>>) target(%dma_start3A_126 : memref<10112x32xf32, #tpu.memory_space<vmem_shared>>) offsets(%dma_start3A_123 : memref<1024xi32, #tpu.memory_space<vmem>>) semaphore(%run_scoped3A_117 : memref<!tpu.dma_semaphore, #tpu.memory_space<semaphore_mem>>) {add = true}
      %dma_wait3A_127 = arith.constant 0 : i32
      %dma_wait3A_128 = arith.constant 0 : i32
      %dma_wait3A_129 = tpu.memref_slice %arg9[%dma_wait3A_127, %dma_wait3A_128] : memref<1024x32xf32, #tpu.memory_space<vmem>> -> memref<1024x32xf32, #tpu.memory_space<vmem>>
      %dma_wait3A_130 = arith.constant 0 : i32
      %dma_wait3A_131 = tpu.memref_slice %arg8[%run_scoped3A_105, %dma_wait3A_130] : memref<10x1024xi32, #tpu.memory_space<vmem>> -> memref<1x1024xi32, #tpu.memory_space<vmem>>
      %dma_wait3A_132 = tpu.memref_squeeze %dma_wait3A_131 : memref<1x1024xi32, #tpu.memory_space<vmem>> -> memref<1024xi32, #tpu.memory_space<vmem>>
      %dma_wait3A_133 = arith.constant 0 : i32
      %dma_wait3A_134 = arith.constant 0 : i32
      %dma_wait3A_135 = tpu.memref_slice %arg11[%dma_wait3A_133, %dma_wait3A_134] : memref<10112x32xf32, #tpu.memory_space<vmem_shared>> -> memref<10112x32xf32, #tpu.memory_space<vmem_shared>>
      tpu.wait_indirect_dma semaphore(%run_scoped3A_117 : memref<!tpu.dma_semaphore, #tpu.memory_space<semaphore_mem>>) src(%dma_wait3A_129 : memref<1024x32xf32, #tpu.memory_space<vmem>>) dst(%dma_wait3A_135 : memref<10112x32xf32, #tpu.memory_space<vmem_shared>>)
      tpu.yield
    }) : () -> ()
    %dma_wait3A_106 = arith.constant 9216 : i32
    %dma_wait3A_107 = tpu.memref_slice %arg7[%dma_wait3A_106] : memref<10240xi32, #tpu.memory_space<vmem>> -> memref<1024xi32, #tpu.memory_space<vmem>>
    %dma_wait3A_108 = arith.constant 0 : i32
    %dma_wait3A_109 = arith.constant 0 : i32
    %dma_wait3A_110 = tpu.memref_slice %arg3[%dma_wait3A_108, %dma_wait3A_109] : memref<10112x32xf32, #tpu.memory_space<hbm>> -> memref<10112x32xf32, #tpu.memory_space<hbm>>
    tpu.wait_indirect_dma semaphore(%arg13 : memref<!tpu.dma_semaphore, #tpu.memory_space<semaphore_mem>>) src(%dma_wait3A_110 : memref<10112x32xf32, #tpu.memory_space<hbm>>) dst(%arg10 : memref<1024x32xf32, #tpu.memory_space<vmem>>)
    %run_scoped3A_111 = arith.constant 9 : i32
    "tpu.region"() ({
      %run_scoped3A_117 = tpu.sem_alloc : memref<!tpu.dma_semaphore, #tpu.memory_space<semaphore_mem>>
      %dma_start3A_118 = arith.constant 0 : i32
      %dma_start3A_119 = arith.constant 0 : i32
      %dma_start3A_120 = tpu.memref_slice %arg10[%dma_start3A_118, %dma_start3A_119] : memref<1024x32xf32, #tpu.memory_space<vmem>> -> memref<1024x32xf32, #tpu.memory_space<vmem>>
      %dma_start3A_121 = arith.constant 0 : i32
      %dma_start3A_122 = tpu.memref_slice %arg8[%run_scoped3A_111, %dma_start3A_121] : memref<10x1024xi32, #tpu.memory_space<vmem>> -> memref<1x1024xi32, #tpu.memory_space<vmem>>
      %dma_start3A_123 = tpu.memref_squeeze %dma_start3A_122 : memref<1x1024xi32, #tpu.memory_space<vmem>> -> memref<1024xi32, #tpu.memory_space<vmem>>
      %dma_start3A_124 = arith.constant 0 : i32
      %dma_start3A_125 = arith.constant 0 : i32
      %dma_start3A_126 = tpu.memref_slice %arg11[%dma_start3A_124, %dma_start3A_125] : memref<10112x32xf32, #tpu.memory_space<vmem_shared>> -> memref<10112x32xf32, #tpu.memory_space<vmem_shared>>
      tpu.enqueue_indirect_dma source(%dma_start3A_120 : memref<1024x32xf32, #tpu.memory_space<vmem>>) target(%dma_start3A_126 : memref<10112x32xf32, #tpu.memory_space<vmem_shared>>) offsets(%dma_start3A_123 : memref<1024xi32, #tpu.memory_space<vmem>>) semaphore(%run_scoped3A_117 : memref<!tpu.dma_semaphore, #tpu.memory_space<semaphore_mem>>) {add = true}
      %dma_wait3A_127 = arith.constant 0 : i32
      %dma_wait3A_128 = arith.constant 0 : i32
      %dma_wait3A_129 = tpu.memref_slice %arg10[%dma_wait3A_127, %dma_wait3A_128] : memref<1024x32xf32, #tpu.memory_space<vmem>> -> memref<1024x32xf32, #tpu.memory_space<vmem>>
      %dma_wait3A_130 = arith.constant 0 : i32
      %dma_wait3A_131 = tpu.memref_slice %arg8[%run_scoped3A_111, %dma_wait3A_130] : memref<10x1024xi32, #tpu.memory_space<vmem>> -> memref<1x1024xi32, #tpu.memory_space<vmem>>
      %dma_wait3A_132 = tpu.memref_squeeze %dma_wait3A_131 : memref<1x1024xi32, #tpu.memory_space<vmem>> -> memref<1024xi32, #tpu.memory_space<vmem>>
      %dma_wait3A_133 = arith.constant 0 : i32
      %dma_wait3A_134 = arith.constant 0 : i32
      %dma_wait3A_135 = tpu.memref_slice %arg11[%dma_wait3A_133, %dma_wait3A_134] : memref<10112x32xf32, #tpu.memory_space<vmem_shared>> -> memref<10112x32xf32, #tpu.memory_space<vmem_shared>>
      tpu.wait_indirect_dma semaphore(%run_scoped3A_117 : memref<!tpu.dma_semaphore, #tpu.memory_space<semaphore_mem>>) src(%dma_wait3A_129 : memref<1024x32xf32, #tpu.memory_space<vmem>>) dst(%dma_wait3A_135 : memref<10112x32xf32, #tpu.memory_space<vmem_shared>>)
      tpu.yield
    }) : () -> ()
    %barrier3A_112 = arith.constant 0 : index
    tpu.barrier barrier_id(%barrier3A_112)
    %mul3A_113 = arith.constant 632 : i32
    %mul3A_114 = arith.muli %arg1, %mul3A_113 : i32
    %mul3A_115 = arith.constant 632 : i32
    %mul3A_116 = arith.muli %arg1, %mul3A_115 : i32
    "tpu.region"() ({
      %run_scoped3A_117 = tpu.sem_alloc : memref<!tpu.dma_semaphore, #tpu.memory_space<semaphore_mem>>
      %dma_start3A_118 = arith.constant 0 : i32
      %dma_start3A_119 = tpu.memref_slice %arg6[%arg0, %mul3A_116, %dma_start3A_118] : memref<2x10112x32xf32, #tpu.memory_space<hbm>> -> memref<1x632x32xf32, #tpu.memory_space<hbm>>
      %dma_start3A_120 = tpu.memref_squeeze %dma_start3A_119 : memref<1x632x32xf32, #tpu.memory_space<hbm>> -> memref<632x32xf32, #tpu.memory_space<hbm>>
      %dma_start3A_121 = arith.constant 0 : i32
      %dma_start3A_122 = tpu.memref_slice %arg11[%mul3A_114, %dma_start3A_121] : memref<10112x32xf32, #tpu.memory_space<vmem_shared>> -> memref<632x32xf32, #tpu.memory_space<vmem_shared>>
      tpu.enqueue_dma source(%dma_start3A_122 : memref<632x32xf32, #tpu.memory_space<vmem_shared>>) target(%dma_start3A_120 : memref<632x32xf32, #tpu.memory_space<hbm>>) target_semaphore(%run_scoped3A_117 : memref<!tpu.dma_semaphore, #tpu.memory_space<semaphore_mem>>)
      %dma_wait3A_123 = arith.constant 0 : i32
      %dma_wait3A_124 = tpu.memref_slice %arg6[%arg0, %mul3A_116, %dma_wait3A_123] : memref<2x10112x32xf32, #tpu.memory_space<hbm>> -> memref<1x632x32xf32, #tpu.memory_space<hbm>>
      %dma_wait3A_125 = tpu.memref_squeeze %dma_wait3A_124 : memref<1x632x32xf32, #tpu.memory_space<hbm>> -> memref<632x32xf32, #tpu.memory_space<hbm>>
      %dma_wait3A_126 = arith.constant 0 : i32
      %dma_wait3A_127 = tpu.memref_slice %arg11[%mul3A_114, %dma_wait3A_126] : memref<10112x32xf32, #tpu.memory_space<vmem_shared>> -> memref<632x32xf32, #tpu.memory_space<vmem_shared>>
      tpu.wait_dma2 semaphore(%run_scoped3A_117 : memref<!tpu.dma_semaphore, #tpu.memory_space<semaphore_mem>>) src(%dma_wait3A_127 : memref<632x32xf32, #tpu.memory_space<vmem_shared>>) dst(%dma_wait3A_125 : memref<632x32xf32, #tpu.memory_space<hbm>>)
      tpu.yield
    }) : () -> ()
    return
  }
}

#map = affine_map<(d0, d1) -> (0, 0)>
#map1 = affine_map<(d0, d1) -> (0, 0, 0)>
module attributes {stable_mosaic.version = 14 : i64} {
  func.func @_edge_sum_body(%arg0: i32, %arg1: i32, %arg2: memref<10112x32xf32, #tpu.memory_space<hbm>>, %arg3: memref<10112x32xf32, #tpu.memory_space<hbm>>, %arg4: memref<32x10240xi32, #tpu.memory_space<hbm>>, %arg5: memref<32x10x1024xi32, #tpu.memory_space<hbm>>, %arg6: memref<2x10112x32xf32, #tpu.memory_space<hbm>>, %arg7: memref<10240xi32, #tpu.memory_space<vmem>>, %arg8: memref<10x1024xi32, #tpu.memory_space<vmem>>, %arg9: memref<1024x32xf32, #tpu.memory_space<vmem>>, %arg10: memref<1024x32xf32, #tpu.memory_space<vmem>>, %arg11: memref<10112x32xf32, #tpu.memory_space<vmem_shared>>, %arg12: memref<!tpu.dma_semaphore, #tpu.memory_space<semaphore_mem>>, %arg13: memref<!tpu.dma_semaphore, #tpu.memory_space<semaphore_mem>>) attributes {dimension_semantics = [#tpu.dimension_semantics<core_parallel>, #tpu.dimension_semantics<subcore_parallel>], iteration_bounds = array<i64: 2, 16>, scalar_prefetch = 0 : i64, scratch_operands = 7 : i64, tpu.core_type = #tpu.core_type<sc_vector_subcore>, window_params = [{transform_indices = #map}, {transform_indices = #map}, {transform_indices = #map}, {transform_indices = #map1}, {transform_indices = #map1}]} {
    %mul3A = arith.constant 16 : i32
    %mul3A_0 = arith.muli %arg0, %mul3A : i32
    %add3A = arith.addi %mul3A_0, %arg1 : i32
    %mul3A_1 = arith.constant 632 : i32
    %mul3A_2 = arith.muli %arg1, %mul3A_1 : i32
    %mul3A_3 = arith.constant 632 : i32
    %mul3A_4 = arith.muli %arg1, %mul3A_3 : i32
    "tpu.region"() ({
      %run_scoped3A_117 = tpu.sem_alloc : memref<!tpu.dma_semaphore, #tpu.memory_space<semaphore_mem>>
      %dma_start3A_118 = arith.constant 0 : i32
      %dma_start3A_119 = tpu.memref_slice %arg11[%mul3A_4, %dma_start3A_118] : memref<10112x32xf32, #tpu.memory_space<vmem_shared>> -> memref<632x32xf32, #tpu.memory_space<vmem_shared>>
      %dma_start3A_120 = arith.constant 0 : i32
      %dma_start3A_121 = tpu.memref_slice %arg2[%mul3A_2, %dma_start3A_120] : memref<10112x32xf32, #tpu.memory_space<hbm>> -> memref<632x32xf32, #tpu.memory_space<hbm>>
      tpu.enqueue_dma source(%dma_start3A_121 : memref<632x32xf32, #tpu.memory_space<hbm>>) target(%dma_start3A_119 : memref<632x32xf32, #tpu.memory_space<vmem_shared>>) target_semaphore(%run_scoped3A_117 : memref<!tpu.dma_semaphore, #tpu.memory_space<semaphore_mem>>)
      %dma_wait3A_122 = arith.constant 0 : i32
      %dma_wait3A_123 = tpu.memref_slice %arg11[%mul3A_4, %dma_wait3A_122] : memref<10112x32xf32, #tpu.memory_space<vmem_shared>> -> memref<632x32xf32, #tpu.memory_space<vmem_shared>>
      %dma_wait3A_124 = arith.constant 0 : i32
      %dma_wait3A_125 = tpu.memref_slice %arg2[%mul3A_2, %dma_wait3A_124] : memref<10112x32xf32, #tpu.memory_space<hbm>> -> memref<632x32xf32, #tpu.memory_space<hbm>>
      tpu.wait_dma2 semaphore(%run_scoped3A_117 : memref<!tpu.dma_semaphore, #tpu.memory_space<semaphore_mem>>) src(%dma_wait3A_125 : memref<632x32xf32, #tpu.memory_space<hbm>>) dst(%dma_wait3A_123 : memref<632x32xf32, #tpu.memory_space<vmem_shared>>)
      tpu.yield
    }) : () -> ()
    "tpu.region"() ({
      %run_scoped3A_117 = tpu.sem_alloc : memref<!tpu.dma_semaphore, #tpu.memory_space<semaphore_mem>>
      %dma_start3A_118 = arith.constant 0 : i32
      %dma_start3A_119 = tpu.memref_slice %arg4[%add3A, %dma_start3A_118] : memref<32x10240xi32, #tpu.memory_space<hbm>> -> memref<1x10240xi32, #tpu.memory_space<hbm>>
      %dma_start3A_120 = tpu.memref_squeeze %dma_start3A_119 : memref<1x10240xi32, #tpu.memory_space<hbm>> -> memref<10240xi32, #tpu.memory_space<hbm>>
      %dma_start3A_121 = arith.constant 0 : i32
      %dma_start3A_122 = tpu.memref_slice %arg4[%add3A, %dma_start3A_121] : memref<32x10240xi32, #tpu.memory_space<hbm>> -> memref<1x10240xi32, #tpu.memory_space<hbm>>
      %dma_start3A_123 = tpu.memref_squeeze %dma_start3A_122 : memref<1x10240xi32, #tpu.memory_space<hbm>> -> memref<10240xi32, #tpu.memory_space<hbm>>
      tpu.enqueue_dma source(%dma_start3A_123 : memref<10240xi32, #tpu.memory_space<hbm>>) target(%arg7 : memref<10240xi32, #tpu.memory_space<vmem>>) target_semaphore(%run_scoped3A_117 : memref<!tpu.dma_semaphore, #tpu.memory_space<semaphore_mem>>)
      %dma_wait3A_124 = arith.constant 0 : i32
      %dma_wait3A_125 = tpu.memref_slice %arg4[%add3A, %dma_wait3A_124] : memref<32x10240xi32, #tpu.memory_space<hbm>> -> memref<1x10240xi32, #tpu.memory_space<hbm>>
      %dma_wait3A_126 = tpu.memref_squeeze %dma_wait3A_125 : memref<1x10240xi32, #tpu.memory_space<hbm>> -> memref<10240xi32, #tpu.memory_space<hbm>>
      %dma_wait3A_127 = arith.constant 0 : i32
      %dma_wait3A_128 = tpu.memref_slice %arg4[%add3A, %dma_wait3A_127] : memref<32x10240xi32, #tpu.memory_space<hbm>> -> memref<1x10240xi32, #tpu.memory_space<hbm>>
      %dma_wait3A_129 = tpu.memref_squeeze %dma_wait3A_128 : memref<1x10240xi32, #tpu.memory_space<hbm>> -> memref<10240xi32, #tpu.memory_space<hbm>>
      tpu.wait_dma2 semaphore(%run_scoped3A_117 : memref<!tpu.dma_semaphore, #tpu.memory_space<semaphore_mem>>) src(%dma_wait3A_129 : memref<10240xi32, #tpu.memory_space<hbm>>) dst(%arg7 : memref<10240xi32, #tpu.memory_space<vmem>>)
      tpu.yield
    }) : () -> ()
    "tpu.region"() ({
      %run_scoped3A_117 = tpu.sem_alloc : memref<!tpu.dma_semaphore, #tpu.memory_space<semaphore_mem>>
      %dma_start3A_118 = arith.constant 0 : i32
      %dma_start3A_119 = arith.constant 0 : i32
      %dma_start3A_120 = tpu.memref_slice %arg5[%add3A, %dma_start3A_118, %dma_start3A_119] : memref<32x10x1024xi32, #tpu.memory_space<hbm>> -> memref<1x10x1024xi32, #tpu.memory_space<hbm>>
      %dma_start3A_121 = tpu.memref_squeeze %dma_start3A_120 : memref<1x10x1024xi32, #tpu.memory_space<hbm>> -> memref<10x1024xi32, #tpu.memory_space<hbm>>
      %dma_start3A_122 = arith.constant 0 : i32
      %dma_start3A_123 = arith.constant 0 : i32
      %dma_start3A_124 = tpu.memref_slice %arg5[%add3A, %dma_start3A_122, %dma_start3A_123] : memref<32x10x1024xi32, #tpu.memory_space<hbm>> -> memref<1x10x1024xi32, #tpu.memory_space<hbm>>
      %dma_start3A_125 = tpu.memref_squeeze %dma_start3A_124 : memref<1x10x1024xi32, #tpu.memory_space<hbm>> -> memref<10x1024xi32, #tpu.memory_space<hbm>>
      tpu.enqueue_dma source(%dma_start3A_125 : memref<10x1024xi32, #tpu.memory_space<hbm>>) target(%arg8 : memref<10x1024xi32, #tpu.memory_space<vmem>>) target_semaphore(%run_scoped3A_117 : memref<!tpu.dma_semaphore, #tpu.memory_space<semaphore_mem>>)
      %dma_wait3A_126 = arith.constant 0 : i32
      %dma_wait3A_127 = arith.constant 0 : i32
      %dma_wait3A_128 = tpu.memref_slice %arg5[%add3A, %dma_wait3A_126, %dma_wait3A_127] : memref<32x10x1024xi32, #tpu.memory_space<hbm>> -> memref<1x10x1024xi32, #tpu.memory_space<hbm>>
      %dma_wait3A_129 = tpu.memref_squeeze %dma_wait3A_128 : memref<1x10x1024xi32, #tpu.memory_space<hbm>> -> memref<10x1024xi32, #tpu.memory_space<hbm>>
      %dma_wait3A_130 = arith.constant 0 : i32
      %dma_wait3A_131 = arith.constant 0 : i32
      %dma_wait3A_132 = tpu.memref_slice %arg5[%add3A, %dma_wait3A_130, %dma_wait3A_131] : memref<32x10x1024xi32, #tpu.memory_space<hbm>> -> memref<1x10x1024xi32, #tpu.memory_space<hbm>>
      %dma_wait3A_133 = tpu.memref_squeeze %dma_wait3A_132 : memref<1x10x1024xi32, #tpu.memory_space<hbm>> -> memref<10x1024xi32, #tpu.memory_space<hbm>>
      tpu.wait_dma2 semaphore(%run_scoped3A_117 : memref<!tpu.dma_semaphore, #tpu.memory_space<semaphore_mem>>) src(%dma_wait3A_133 : memref<10x1024xi32, #tpu.memory_space<hbm>>) dst(%arg8 : memref<10x1024xi32, #tpu.memory_space<vmem>>)
      tpu.yield
    }) : () -> ()
    %barrier3A = arith.constant 0 : index
    tpu.barrier barrier_id(%barrier3A)
    %dma_start3A = arith.constant 0 : i32
    %dma_start3A_5 = tpu.memref_slice %arg7[%dma_start3A] : memref<10240xi32, #tpu.memory_space<vmem>> -> memref<1024xi32, #tpu.memory_space<vmem>>
    %dma_start3A_6 = arith.constant 0 : i32
    %dma_start3A_7 = arith.constant 0 : i32
    %dma_start3A_8 = tpu.memref_slice %arg3[%dma_start3A_6, %dma_start3A_7] : memref<10112x32xf32, #tpu.memory_space<hbm>> -> memref<10112x32xf32, #tpu.memory_space<hbm>>
    tpu.enqueue_indirect_dma source(%dma_start3A_8 : memref<10112x32xf32, #tpu.memory_space<hbm>>) target(%arg9 : memref<1024x32xf32, #tpu.memory_space<vmem>>) offsets(%dma_start3A_5 : memref<1024xi32, #tpu.memory_space<vmem>>) semaphore(%arg12 : memref<!tpu.dma_semaphore, #tpu.memory_space<semaphore_mem>>)
    %dma_wait3A = arith.constant 0 : i32
    %dma_wait3A_9 = tpu.memref_slice %arg7[%dma_wait3A] : memref<10240xi32, #tpu.memory_space<vmem>> -> memref<1024xi32, #tpu.memory_space<vmem>>
    %dma_wait3A_10 = arith.constant 0 : i32
    %dma_wait3A_11 = arith.constant 0 : i32
    %dma_wait3A_12 = tpu.memref_slice %arg3[%dma_wait3A_10, %dma_wait3A_11] : memref<10112x32xf32, #tpu.memory_space<hbm>> -> memref<10112x32xf32, #tpu.memory_space<hbm>>
    tpu.wait_indirect_dma semaphore(%arg12 : memref<!tpu.dma_semaphore, #tpu.memory_space<semaphore_mem>>) src(%dma_wait3A_12 : memref<10112x32xf32, #tpu.memory_space<hbm>>) dst(%arg9 : memref<1024x32xf32, #tpu.memory_space<vmem>>)
    %dma_start3A_13 = arith.constant 1024 : i32
    %dma_start3A_14 = tpu.memref_slice %arg7[%dma_start3A_13] : memref<10240xi32, #tpu.memory_space<vmem>> -> memref<1024xi32, #tpu.memory_space<vmem>>
    %dma_start3A_15 = arith.constant 0 : i32
    %dma_start3A_16 = arith.constant 0 : i32
    %dma_start3A_17 = tpu.memref_slice %arg3[%dma_start3A_15, %dma_start3A_16] : memref<10112x32xf32, #tpu.memory_space<hbm>> -> memref<10112x32xf32, #tpu.memory_space<hbm>>
    tpu.enqueue_indirect_dma source(%dma_start3A_17 : memref<10112x32xf32, #tpu.memory_space<hbm>>) target(%arg10 : memref<1024x32xf32, #tpu.memory_space<vmem>>) offsets(%dma_start3A_14 : memref<1024xi32, #tpu.memory_space<vmem>>) semaphore(%arg13 : memref<!tpu.dma_semaphore, #tpu.memory_space<semaphore_mem>>)
    %run_scoped3A = arith.constant 0 : i32
    "tpu.region"() ({
      %run_scoped3A_117 = tpu.sem_alloc : memref<!tpu.dma_semaphore, #tpu.memory_space<semaphore_mem>>
      %dma_start3A_118 = arith.constant 0 : i32
      %dma_start3A_119 = arith.constant 0 : i32
      %dma_start3A_120 = tpu.memref_slice %arg9[%dma_start3A_118, %dma_start3A_119] : memref<1024x32xf32, #tpu.memory_space<vmem>> -> memref<1024x32xf32, #tpu.memory_space<vmem>>
      %dma_start3A_121 = arith.constant 0 : i32
      %dma_start3A_122 = tpu.memref_slice %arg8[%run_scoped3A, %dma_start3A_121] : memref<10x1024xi32, #tpu.memory_space<vmem>> -> memref<1x1024xi32, #tpu.memory_space<vmem>>
      %dma_start3A_123 = tpu.memref_squeeze %dma_start3A_122 : memref<1x1024xi32, #tpu.memory_space<vmem>> -> memref<1024xi32, #tpu.memory_space<vmem>>
      %dma_start3A_124 = arith.constant 0 : i32
      %dma_start3A_125 = arith.constant 0 : i32
      %dma_start3A_126 = tpu.memref_slice %arg11[%dma_start3A_124, %dma_start3A_125] : memref<10112x32xf32, #tpu.memory_space<vmem_shared>> -> memref<10112x32xf32, #tpu.memory_space<vmem_shared>>
      tpu.enqueue_indirect_dma source(%dma_start3A_120 : memref<1024x32xf32, #tpu.memory_space<vmem>>) target(%dma_start3A_126 : memref<10112x32xf32, #tpu.memory_space<vmem_shared>>) offsets(%dma_start3A_123 : memref<1024xi32, #tpu.memory_space<vmem>>) semaphore(%run_scoped3A_117 : memref<!tpu.dma_semaphore, #tpu.memory_space<semaphore_mem>>) {add = true}
      %dma_wait3A_127 = arith.constant 0 : i32
      %dma_wait3A_128 = arith.constant 0 : i32
      %dma_wait3A_129 = tpu.memref_slice %arg9[%dma_wait3A_127, %dma_wait3A_128] : memref<1024x32xf32, #tpu.memory_space<vmem>> -> memref<1024x32xf32, #tpu.memory_space<vmem>>
      %dma_wait3A_130 = arith.constant 0 : i32
      %dma_wait3A_131 = tpu.memref_slice %arg8[%run_scoped3A, %dma_wait3A_130] : memref<10x1024xi32, #tpu.memory_space<vmem>> -> memref<1x1024xi32, #tpu.memory_space<vmem>>
      %dma_wait3A_132 = tpu.memref_squeeze %dma_wait3A_131 : memref<1x1024xi32, #tpu.memory_space<vmem>> -> memref<1024xi32, #tpu.memory_space<vmem>>
      %dma_wait3A_133 = arith.constant 0 : i32
      %dma_wait3A_134 = arith.constant 0 : i32
      %dma_wait3A_135 = tpu.memref_slice %arg11[%dma_wait3A_133, %dma_wait3A_134] : memref<10112x32xf32, #tpu.memory_space<vmem_shared>> -> memref<10112x32xf32, #tpu.memory_space<vmem_shared>>
      tpu.wait_indirect_dma semaphore(%run_scoped3A_117 : memref<!tpu.dma_semaphore, #tpu.memory_space<semaphore_mem>>) src(%dma_wait3A_129 : memref<1024x32xf32, #tpu.memory_space<vmem>>) dst(%dma_wait3A_135 : memref<10112x32xf32, #tpu.memory_space<vmem_shared>>)
      tpu.yield
    }) : () -> ()
    %dma_wait3A_18 = arith.constant 1024 : i32
    %dma_wait3A_19 = tpu.memref_slice %arg7[%dma_wait3A_18] : memref<10240xi32, #tpu.memory_space<vmem>> -> memref<1024xi32, #tpu.memory_space<vmem>>
    %dma_wait3A_20 = arith.constant 0 : i32
    %dma_wait3A_21 = arith.constant 0 : i32
    %dma_wait3A_22 = tpu.memref_slice %arg3[%dma_wait3A_20, %dma_wait3A_21] : memref<10112x32xf32, #tpu.memory_space<hbm>> -> memref<10112x32xf32, #tpu.memory_space<hbm>>
    tpu.wait_indirect_dma semaphore(%arg13 : memref<!tpu.dma_semaphore, #tpu.memory_space<semaphore_mem>>) src(%dma_wait3A_22 : memref<10112x32xf32, #tpu.memory_space<hbm>>) dst(%arg10 : memref<1024x32xf32, #tpu.memory_space<vmem>>)
    %dma_start3A_23 = arith.constant 2048 : i32
    %dma_start3A_24 = tpu.memref_slice %arg7[%dma_start3A_23] : memref<10240xi32, #tpu.memory_space<vmem>> -> memref<1024xi32, #tpu.memory_space<vmem>>
    %dma_start3A_25 = arith.constant 0 : i32
    %dma_start3A_26 = arith.constant 0 : i32
    %dma_start3A_27 = tpu.memref_slice %arg3[%dma_start3A_25, %dma_start3A_26] : memref<10112x32xf32, #tpu.memory_space<hbm>> -> memref<10112x32xf32, #tpu.memory_space<hbm>>
    tpu.enqueue_indirect_dma source(%dma_start3A_27 : memref<10112x32xf32, #tpu.memory_space<hbm>>) target(%arg9 : memref<1024x32xf32, #tpu.memory_space<vmem>>) offsets(%dma_start3A_24 : memref<1024xi32, #tpu.memory_space<vmem>>) semaphore(%arg12 : memref<!tpu.dma_semaphore, #tpu.memory_space<semaphore_mem>>)
    %run_scoped3A_28 = arith.constant 1 : i32
    "tpu.region"() ({
      %run_scoped3A_117 = tpu.sem_alloc : memref<!tpu.dma_semaphore, #tpu.memory_space<semaphore_mem>>
      %dma_start3A_118 = arith.constant 0 : i32
      %dma_start3A_119 = arith.constant 0 : i32
      %dma_start3A_120 = tpu.memref_slice %arg10[%dma_start3A_118, %dma_start3A_119] : memref<1024x32xf32, #tpu.memory_space<vmem>> -> memref<1024x32xf32, #tpu.memory_space<vmem>>
      %dma_start3A_121 = arith.constant 0 : i32
      %dma_start3A_122 = tpu.memref_slice %arg8[%run_scoped3A_28, %dma_start3A_121] : memref<10x1024xi32, #tpu.memory_space<vmem>> -> memref<1x1024xi32, #tpu.memory_space<vmem>>
      %dma_start3A_123 = tpu.memref_squeeze %dma_start3A_122 : memref<1x1024xi32, #tpu.memory_space<vmem>> -> memref<1024xi32, #tpu.memory_space<vmem>>
      %dma_start3A_124 = arith.constant 0 : i32
      %dma_start3A_125 = arith.constant 0 : i32
      %dma_start3A_126 = tpu.memref_slice %arg11[%dma_start3A_124, %dma_start3A_125] : memref<10112x32xf32, #tpu.memory_space<vmem_shared>> -> memref<10112x32xf32, #tpu.memory_space<vmem_shared>>
      tpu.enqueue_indirect_dma source(%dma_start3A_120 : memref<1024x32xf32, #tpu.memory_space<vmem>>) target(%dma_start3A_126 : memref<10112x32xf32, #tpu.memory_space<vmem_shared>>) offsets(%dma_start3A_123 : memref<1024xi32, #tpu.memory_space<vmem>>) semaphore(%run_scoped3A_117 : memref<!tpu.dma_semaphore, #tpu.memory_space<semaphore_mem>>) {add = true}
      %dma_wait3A_127 = arith.constant 0 : i32
      %dma_wait3A_128 = arith.constant 0 : i32
      %dma_wait3A_129 = tpu.memref_slice %arg10[%dma_wait3A_127, %dma_wait3A_128] : memref<1024x32xf32, #tpu.memory_space<vmem>> -> memref<1024x32xf32, #tpu.memory_space<vmem>>
      %dma_wait3A_130 = arith.constant 0 : i32
      %dma_wait3A_131 = tpu.memref_slice %arg8[%run_scoped3A_28, %dma_wait3A_130] : memref<10x1024xi32, #tpu.memory_space<vmem>> -> memref<1x1024xi32, #tpu.memory_space<vmem>>
      %dma_wait3A_132 = tpu.memref_squeeze %dma_wait3A_131 : memref<1x1024xi32, #tpu.memory_space<vmem>> -> memref<1024xi32, #tpu.memory_space<vmem>>
      %dma_wait3A_133 = arith.constant 0 : i32
      %dma_wait3A_134 = arith.constant 0 : i32
      %dma_wait3A_135 = tpu.memref_slice %arg11[%dma_wait3A_133, %dma_wait3A_134] : memref<10112x32xf32, #tpu.memory_space<vmem_shared>> -> memref<10112x32xf32, #tpu.memory_space<vmem_shared>>
      tpu.wait_indirect_dma semaphore(%run_scoped3A_117 : memref<!tpu.dma_semaphore, #tpu.memory_space<semaphore_mem>>) src(%dma_wait3A_129 : memref<1024x32xf32, #tpu.memory_space<vmem>>) dst(%dma_wait3A_135 : memref<10112x32xf32, #tpu.memory_space<vmem_shared>>)
      tpu.yield
    }) : () -> ()
    %dma_wait3A_29 = arith.constant 2048 : i32
    %dma_wait3A_30 = tpu.memref_slice %arg7[%dma_wait3A_29] : memref<10240xi32, #tpu.memory_space<vmem>> -> memref<1024xi32, #tpu.memory_space<vmem>>
    %dma_wait3A_31 = arith.constant 0 : i32
    %dma_wait3A_32 = arith.constant 0 : i32
    %dma_wait3A_33 = tpu.memref_slice %arg3[%dma_wait3A_31, %dma_wait3A_32] : memref<10112x32xf32, #tpu.memory_space<hbm>> -> memref<10112x32xf32, #tpu.memory_space<hbm>>
    tpu.wait_indirect_dma semaphore(%arg12 : memref<!tpu.dma_semaphore, #tpu.memory_space<semaphore_mem>>) src(%dma_wait3A_33 : memref<10112x32xf32, #tpu.memory_space<hbm>>) dst(%arg9 : memref<1024x32xf32, #tpu.memory_space<vmem>>)
    %dma_start3A_34 = arith.constant 3072 : i32
    %dma_start3A_35 = tpu.memref_slice %arg7[%dma_start3A_34] : memref<10240xi32, #tpu.memory_space<vmem>> -> memref<1024xi32, #tpu.memory_space<vmem>>
    %dma_start3A_36 = arith.constant 0 : i32
    %dma_start3A_37 = arith.constant 0 : i32
    %dma_start3A_38 = tpu.memref_slice %arg3[%dma_start3A_36, %dma_start3A_37] : memref<10112x32xf32, #tpu.memory_space<hbm>> -> memref<10112x32xf32, #tpu.memory_space<hbm>>
    tpu.enqueue_indirect_dma source(%dma_start3A_38 : memref<10112x32xf32, #tpu.memory_space<hbm>>) target(%arg10 : memref<1024x32xf32, #tpu.memory_space<vmem>>) offsets(%dma_start3A_35 : memref<1024xi32, #tpu.memory_space<vmem>>) semaphore(%arg13 : memref<!tpu.dma_semaphore, #tpu.memory_space<semaphore_mem>>)
    %run_scoped3A_39 = arith.constant 2 : i32
    "tpu.region"() ({
      %run_scoped3A_117 = tpu.sem_alloc : memref<!tpu.dma_semaphore, #tpu.memory_space<semaphore_mem>>
      %dma_start3A_118 = arith.constant 0 : i32
      %dma_start3A_119 = arith.constant 0 : i32
      %dma_start3A_120 = tpu.memref_slice %arg9[%dma_start3A_118, %dma_start3A_119] : memref<1024x32xf32, #tpu.memory_space<vmem>> -> memref<1024x32xf32, #tpu.memory_space<vmem>>
      %dma_start3A_121 = arith.constant 0 : i32
      %dma_start3A_122 = tpu.memref_slice %arg8[%run_scoped3A_39, %dma_start3A_121] : memref<10x1024xi32, #tpu.memory_space<vmem>> -> memref<1x1024xi32, #tpu.memory_space<vmem>>
      %dma_start3A_123 = tpu.memref_squeeze %dma_start3A_122 : memref<1x1024xi32, #tpu.memory_space<vmem>> -> memref<1024xi32, #tpu.memory_space<vmem>>
      %dma_start3A_124 = arith.constant 0 : i32
      %dma_start3A_125 = arith.constant 0 : i32
      %dma_start3A_126 = tpu.memref_slice %arg11[%dma_start3A_124, %dma_start3A_125] : memref<10112x32xf32, #tpu.memory_space<vmem_shared>> -> memref<10112x32xf32, #tpu.memory_space<vmem_shared>>
      tpu.enqueue_indirect_dma source(%dma_start3A_120 : memref<1024x32xf32, #tpu.memory_space<vmem>>) target(%dma_start3A_126 : memref<10112x32xf32, #tpu.memory_space<vmem_shared>>) offsets(%dma_start3A_123 : memref<1024xi32, #tpu.memory_space<vmem>>) semaphore(%run_scoped3A_117 : memref<!tpu.dma_semaphore, #tpu.memory_space<semaphore_mem>>) {add = true}
      %dma_wait3A_127 = arith.constant 0 : i32
      %dma_wait3A_128 = arith.constant 0 : i32
      %dma_wait3A_129 = tpu.memref_slice %arg9[%dma_wait3A_127, %dma_wait3A_128] : memref<1024x32xf32, #tpu.memory_space<vmem>> -> memref<1024x32xf32, #tpu.memory_space<vmem>>
      %dma_wait3A_130 = arith.constant 0 : i32
      %dma_wait3A_131 = tpu.memref_slice %arg8[%run_scoped3A_39, %dma_wait3A_130] : memref<10x1024xi32, #tpu.memory_space<vmem>> -> memref<1x1024xi32, #tpu.memory_space<vmem>>
      %dma_wait3A_132 = tpu.memref_squeeze %dma_wait3A_131 : memref<1x1024xi32, #tpu.memory_space<vmem>> -> memref<1024xi32, #tpu.memory_space<vmem>>
      %dma_wait3A_133 = arith.constant 0 : i32
      %dma_wait3A_134 = arith.constant 0 : i32
      %dma_wait3A_135 = tpu.memref_slice %arg11[%dma_wait3A_133, %dma_wait3A_134] : memref<10112x32xf32, #tpu.memory_space<vmem_shared>> -> memref<10112x32xf32, #tpu.memory_space<vmem_shared>>
      tpu.wait_indirect_dma semaphore(%run_scoped3A_117 : memref<!tpu.dma_semaphore, #tpu.memory_space<semaphore_mem>>) src(%dma_wait3A_129 : memref<1024x32xf32, #tpu.memory_space<vmem>>) dst(%dma_wait3A_135 : memref<10112x32xf32, #tpu.memory_space<vmem_shared>>)
      tpu.yield
    }) : () -> ()
    %dma_wait3A_40 = arith.constant 3072 : i32
    %dma_wait3A_41 = tpu.memref_slice %arg7[%dma_wait3A_40] : memref<10240xi32, #tpu.memory_space<vmem>> -> memref<1024xi32, #tpu.memory_space<vmem>>
    %dma_wait3A_42 = arith.constant 0 : i32
    %dma_wait3A_43 = arith.constant 0 : i32
    %dma_wait3A_44 = tpu.memref_slice %arg3[%dma_wait3A_42, %dma_wait3A_43] : memref<10112x32xf32, #tpu.memory_space<hbm>> -> memref<10112x32xf32, #tpu.memory_space<hbm>>
    tpu.wait_indirect_dma semaphore(%arg13 : memref<!tpu.dma_semaphore, #tpu.memory_space<semaphore_mem>>) src(%dma_wait3A_44 : memref<10112x32xf32, #tpu.memory_space<hbm>>) dst(%arg10 : memref<1024x32xf32, #tpu.memory_space<vmem>>)
    %dma_start3A_45 = arith.constant 4096 : i32
    %dma_start3A_46 = tpu.memref_slice %arg7[%dma_start3A_45] : memref<10240xi32, #tpu.memory_space<vmem>> -> memref<1024xi32, #tpu.memory_space<vmem>>
    %dma_start3A_47 = arith.constant 0 : i32
    %dma_start3A_48 = arith.constant 0 : i32
    %dma_start3A_49 = tpu.memref_slice %arg3[%dma_start3A_47, %dma_start3A_48] : memref<10112x32xf32, #tpu.memory_space<hbm>> -> memref<10112x32xf32, #tpu.memory_space<hbm>>
    tpu.enqueue_indirect_dma source(%dma_start3A_49 : memref<10112x32xf32, #tpu.memory_space<hbm>>) target(%arg9 : memref<1024x32xf32, #tpu.memory_space<vmem>>) offsets(%dma_start3A_46 : memref<1024xi32, #tpu.memory_space<vmem>>) semaphore(%arg12 : memref<!tpu.dma_semaphore, #tpu.memory_space<semaphore_mem>>)
    %run_scoped3A_50 = arith.constant 3 : i32
    "tpu.region"() ({
      %run_scoped3A_117 = tpu.sem_alloc : memref<!tpu.dma_semaphore, #tpu.memory_space<semaphore_mem>>
      %dma_start3A_118 = arith.constant 0 : i32
      %dma_start3A_119 = arith.constant 0 : i32
      %dma_start3A_120 = tpu.memref_slice %arg10[%dma_start3A_118, %dma_start3A_119] : memref<1024x32xf32, #tpu.memory_space<vmem>> -> memref<1024x32xf32, #tpu.memory_space<vmem>>
      %dma_start3A_121 = arith.constant 0 : i32
      %dma_start3A_122 = tpu.memref_slice %arg8[%run_scoped3A_50, %dma_start3A_121] : memref<10x1024xi32, #tpu.memory_space<vmem>> -> memref<1x1024xi32, #tpu.memory_space<vmem>>
      %dma_start3A_123 = tpu.memref_squeeze %dma_start3A_122 : memref<1x1024xi32, #tpu.memory_space<vmem>> -> memref<1024xi32, #tpu.memory_space<vmem>>
      %dma_start3A_124 = arith.constant 0 : i32
      %dma_start3A_125 = arith.constant 0 : i32
      %dma_start3A_126 = tpu.memref_slice %arg11[%dma_start3A_124, %dma_start3A_125] : memref<10112x32xf32, #tpu.memory_space<vmem_shared>> -> memref<10112x32xf32, #tpu.memory_space<vmem_shared>>
      tpu.enqueue_indirect_dma source(%dma_start3A_120 : memref<1024x32xf32, #tpu.memory_space<vmem>>) target(%dma_start3A_126 : memref<10112x32xf32, #tpu.memory_space<vmem_shared>>) offsets(%dma_start3A_123 : memref<1024xi32, #tpu.memory_space<vmem>>) semaphore(%run_scoped3A_117 : memref<!tpu.dma_semaphore, #tpu.memory_space<semaphore_mem>>) {add = true}
      %dma_wait3A_127 = arith.constant 0 : i32
      %dma_wait3A_128 = arith.constant 0 : i32
      %dma_wait3A_129 = tpu.memref_slice %arg10[%dma_wait3A_127, %dma_wait3A_128] : memref<1024x32xf32, #tpu.memory_space<vmem>> -> memref<1024x32xf32, #tpu.memory_space<vmem>>
      %dma_wait3A_130 = arith.constant 0 : i32
      %dma_wait3A_131 = tpu.memref_slice %arg8[%run_scoped3A_50, %dma_wait3A_130] : memref<10x1024xi32, #tpu.memory_space<vmem>> -> memref<1x1024xi32, #tpu.memory_space<vmem>>
      %dma_wait3A_132 = tpu.memref_squeeze %dma_wait3A_131 : memref<1x1024xi32, #tpu.memory_space<vmem>> -> memref<1024xi32, #tpu.memory_space<vmem>>
      %dma_wait3A_133 = arith.constant 0 : i32
      %dma_wait3A_134 = arith.constant 0 : i32
      %dma_wait3A_135 = tpu.memref_slice %arg11[%dma_wait3A_133, %dma_wait3A_134] : memref<10112x32xf32, #tpu.memory_space<vmem_shared>> -> memref<10112x32xf32, #tpu.memory_space<vmem_shared>>
      tpu.wait_indirect_dma semaphore(%run_scoped3A_117 : memref<!tpu.dma_semaphore, #tpu.memory_space<semaphore_mem>>) src(%dma_wait3A_129 : memref<1024x32xf32, #tpu.memory_space<vmem>>) dst(%dma_wait3A_135 : memref<10112x32xf32, #tpu.memory_space<vmem_shared>>)
      tpu.yield
    }) : () -> ()
    %dma_wait3A_51 = arith.constant 4096 : i32
    %dma_wait3A_52 = tpu.memref_slice %arg7[%dma_wait3A_51] : memref<10240xi32, #tpu.memory_space<vmem>> -> memref<1024xi32, #tpu.memory_space<vmem>>
    %dma_wait3A_53 = arith.constant 0 : i32
    %dma_wait3A_54 = arith.constant 0 : i32
    %dma_wait3A_55 = tpu.memref_slice %arg3[%dma_wait3A_53, %dma_wait3A_54] : memref<10112x32xf32, #tpu.memory_space<hbm>> -> memref<10112x32xf32, #tpu.memory_space<hbm>>
    tpu.wait_indirect_dma semaphore(%arg12 : memref<!tpu.dma_semaphore, #tpu.memory_space<semaphore_mem>>) src(%dma_wait3A_55 : memref<10112x32xf32, #tpu.memory_space<hbm>>) dst(%arg9 : memref<1024x32xf32, #tpu.memory_space<vmem>>)
    %dma_start3A_56 = arith.constant 5120 : i32
    %dma_start3A_57 = tpu.memref_slice %arg7[%dma_start3A_56] : memref<10240xi32, #tpu.memory_space<vmem>> -> memref<1024xi32, #tpu.memory_space<vmem>>
    %dma_start3A_58 = arith.constant 0 : i32
    %dma_start3A_59 = arith.constant 0 : i32
    %dma_start3A_60 = tpu.memref_slice %arg3[%dma_start3A_58, %dma_start3A_59] : memref<10112x32xf32, #tpu.memory_space<hbm>> -> memref<10112x32xf32, #tpu.memory_space<hbm>>
    tpu.enqueue_indirect_dma source(%dma_start3A_60 : memref<10112x32xf32, #tpu.memory_space<hbm>>) target(%arg10 : memref<1024x32xf32, #tpu.memory_space<vmem>>) offsets(%dma_start3A_57 : memref<1024xi32, #tpu.memory_space<vmem>>) semaphore(%arg13 : memref<!tpu.dma_semaphore, #tpu.memory_space<semaphore_mem>>)
    %run_scoped3A_61 = arith.constant 4 : i32
    "tpu.region"() ({
      %run_scoped3A_117 = tpu.sem_alloc : memref<!tpu.dma_semaphore, #tpu.memory_space<semaphore_mem>>
      %dma_start3A_118 = arith.constant 0 : i32
      %dma_start3A_119 = arith.constant 0 : i32
      %dma_start3A_120 = tpu.memref_slice %arg9[%dma_start3A_118, %dma_start3A_119] : memref<1024x32xf32, #tpu.memory_space<vmem>> -> memref<1024x32xf32, #tpu.memory_space<vmem>>
      %dma_start3A_121 = arith.constant 0 : i32
      %dma_start3A_122 = tpu.memref_slice %arg8[%run_scoped3A_61, %dma_start3A_121] : memref<10x1024xi32, #tpu.memory_space<vmem>> -> memref<1x1024xi32, #tpu.memory_space<vmem>>
      %dma_start3A_123 = tpu.memref_squeeze %dma_start3A_122 : memref<1x1024xi32, #tpu.memory_space<vmem>> -> memref<1024xi32, #tpu.memory_space<vmem>>
      %dma_start3A_124 = arith.constant 0 : i32
      %dma_start3A_125 = arith.constant 0 : i32
      %dma_start3A_126 = tpu.memref_slice %arg11[%dma_start3A_124, %dma_start3A_125] : memref<10112x32xf32, #tpu.memory_space<vmem_shared>> -> memref<10112x32xf32, #tpu.memory_space<vmem_shared>>
      tpu.enqueue_indirect_dma source(%dma_start3A_120 : memref<1024x32xf32, #tpu.memory_space<vmem>>) target(%dma_start3A_126 : memref<10112x32xf32, #tpu.memory_space<vmem_shared>>) offsets(%dma_start3A_123 : memref<1024xi32, #tpu.memory_space<vmem>>) semaphore(%run_scoped3A_117 : memref<!tpu.dma_semaphore, #tpu.memory_space<semaphore_mem>>) {add = true}
      %dma_wait3A_127 = arith.constant 0 : i32
      %dma_wait3A_128 = arith.constant 0 : i32
      %dma_wait3A_129 = tpu.memref_slice %arg9[%dma_wait3A_127, %dma_wait3A_128] : memref<1024x32xf32, #tpu.memory_space<vmem>> -> memref<1024x32xf32, #tpu.memory_space<vmem>>
      %dma_wait3A_130 = arith.constant 0 : i32
      %dma_wait3A_131 = tpu.memref_slice %arg8[%run_scoped3A_61, %dma_wait3A_130] : memref<10x1024xi32, #tpu.memory_space<vmem>> -> memref<1x1024xi32, #tpu.memory_space<vmem>>
      %dma_wait3A_132 = tpu.memref_squeeze %dma_wait3A_131 : memref<1x1024xi32, #tpu.memory_space<vmem>> -> memref<1024xi32, #tpu.memory_space<vmem>>
      %dma_wait3A_133 = arith.constant 0 : i32
      %dma_wait3A_134 = arith.constant 0 : i32
      %dma_wait3A_135 = tpu.memref_slice %arg11[%dma_wait3A_133, %dma_wait3A_134] : memref<10112x32xf32, #tpu.memory_space<vmem_shared>> -> memref<10112x32xf32, #tpu.memory_space<vmem_shared>>
      tpu.wait_indirect_dma semaphore(%run_scoped3A_117 : memref<!tpu.dma_semaphore, #tpu.memory_space<semaphore_mem>>) src(%dma_wait3A_129 : memref<1024x32xf32, #tpu.memory_space<vmem>>) dst(%dma_wait3A_135 : memref<10112x32xf32, #tpu.memory_space<vmem_shared>>)
      tpu.yield
    }) : () -> ()
    %dma_wait3A_62 = arith.constant 5120 : i32
    %dma_wait3A_63 = tpu.memref_slice %arg7[%dma_wait3A_62] : memref<10240xi32, #tpu.memory_space<vmem>> -> memref<1024xi32, #tpu.memory_space<vmem>>
    %dma_wait3A_64 = arith.constant 0 : i32
    %dma_wait3A_65 = arith.constant 0 : i32
    %dma_wait3A_66 = tpu.memref_slice %arg3[%dma_wait3A_64, %dma_wait3A_65] : memref<10112x32xf32, #tpu.memory_space<hbm>> -> memref<10112x32xf32, #tpu.memory_space<hbm>>
    tpu.wait_indirect_dma semaphore(%arg13 : memref<!tpu.dma_semaphore, #tpu.memory_space<semaphore_mem>>) src(%dma_wait3A_66 : memref<10112x32xf32, #tpu.memory_space<hbm>>) dst(%arg10 : memref<1024x32xf32, #tpu.memory_space<vmem>>)
    %dma_start3A_67 = arith.constant 6144 : i32
    %dma_start3A_68 = tpu.memref_slice %arg7[%dma_start3A_67] : memref<10240xi32, #tpu.memory_space<vmem>> -> memref<1024xi32, #tpu.memory_space<vmem>>
    %dma_start3A_69 = arith.constant 0 : i32
    %dma_start3A_70 = arith.constant 0 : i32
    %dma_start3A_71 = tpu.memref_slice %arg3[%dma_start3A_69, %dma_start3A_70] : memref<10112x32xf32, #tpu.memory_space<hbm>> -> memref<10112x32xf32, #tpu.memory_space<hbm>>
    tpu.enqueue_indirect_dma source(%dma_start3A_71 : memref<10112x32xf32, #tpu.memory_space<hbm>>) target(%arg9 : memref<1024x32xf32, #tpu.memory_space<vmem>>) offsets(%dma_start3A_68 : memref<1024xi32, #tpu.memory_space<vmem>>) semaphore(%arg12 : memref<!tpu.dma_semaphore, #tpu.memory_space<semaphore_mem>>)
    %run_scoped3A_72 = arith.constant 5 : i32
    "tpu.region"() ({
      %run_scoped3A_117 = tpu.sem_alloc : memref<!tpu.dma_semaphore, #tpu.memory_space<semaphore_mem>>
      %dma_start3A_118 = arith.constant 0 : i32
      %dma_start3A_119 = arith.constant 0 : i32
      %dma_start3A_120 = tpu.memref_slice %arg10[%dma_start3A_118, %dma_start3A_119] : memref<1024x32xf32, #tpu.memory_space<vmem>> -> memref<1024x32xf32, #tpu.memory_space<vmem>>
      %dma_start3A_121 = arith.constant 0 : i32
      %dma_start3A_122 = tpu.memref_slice %arg8[%run_scoped3A_72, %dma_start3A_121] : memref<10x1024xi32, #tpu.memory_space<vmem>> -> memref<1x1024xi32, #tpu.memory_space<vmem>>
      %dma_start3A_123 = tpu.memref_squeeze %dma_start3A_122 : memref<1x1024xi32, #tpu.memory_space<vmem>> -> memref<1024xi32, #tpu.memory_space<vmem>>
      %dma_start3A_124 = arith.constant 0 : i32
      %dma_start3A_125 = arith.constant 0 : i32
      %dma_start3A_126 = tpu.memref_slice %arg11[%dma_start3A_124, %dma_start3A_125] : memref<10112x32xf32, #tpu.memory_space<vmem_shared>> -> memref<10112x32xf32, #tpu.memory_space<vmem_shared>>
      tpu.enqueue_indirect_dma source(%dma_start3A_120 : memref<1024x32xf32, #tpu.memory_space<vmem>>) target(%dma_start3A_126 : memref<10112x32xf32, #tpu.memory_space<vmem_shared>>) offsets(%dma_start3A_123 : memref<1024xi32, #tpu.memory_space<vmem>>) semaphore(%run_scoped3A_117 : memref<!tpu.dma_semaphore, #tpu.memory_space<semaphore_mem>>) {add = true}
      %dma_wait3A_127 = arith.constant 0 : i32
      %dma_wait3A_128 = arith.constant 0 : i32
      %dma_wait3A_129 = tpu.memref_slice %arg10[%dma_wait3A_127, %dma_wait3A_128] : memref<1024x32xf32, #tpu.memory_space<vmem>> -> memref<1024x32xf32, #tpu.memory_space<vmem>>
      %dma_wait3A_130 = arith.constant 0 : i32
      %dma_wait3A_131 = tpu.memref_slice %arg8[%run_scoped3A_72, %dma_wait3A_130] : memref<10x1024xi32, #tpu.memory_space<vmem>> -> memref<1x1024xi32, #tpu.memory_space<vmem>>
      %dma_wait3A_132 = tpu.memref_squeeze %dma_wait3A_131 : memref<1x1024xi32, #tpu.memory_space<vmem>> -> memref<1024xi32, #tpu.memory_space<vmem>>
      %dma_wait3A_133 = arith.constant 0 : i32
      %dma_wait3A_134 = arith.constant 0 : i32
      %dma_wait3A_135 = tpu.memref_slice %arg11[%dma_wait3A_133, %dma_wait3A_134] : memref<10112x32xf32, #tpu.memory_space<vmem_shared>> -> memref<10112x32xf32, #tpu.memory_space<vmem_shared>>
      tpu.wait_indirect_dma semaphore(%run_scoped3A_117 : memref<!tpu.dma_semaphore, #tpu.memory_space<semaphore_mem>>) src(%dma_wait3A_129 : memref<1024x32xf32, #tpu.memory_space<vmem>>) dst(%dma_wait3A_135 : memref<10112x32xf32, #tpu.memory_space<vmem_shared>>)
      tpu.yield
    }) : () -> ()
    %dma_wait3A_73 = arith.constant 6144 : i32
    %dma_wait3A_74 = tpu.memref_slice %arg7[%dma_wait3A_73] : memref<10240xi32, #tpu.memory_space<vmem>> -> memref<1024xi32, #tpu.memory_space<vmem>>
    %dma_wait3A_75 = arith.constant 0 : i32
    %dma_wait3A_76 = arith.constant 0 : i32
    %dma_wait3A_77 = tpu.memref_slice %arg3[%dma_wait3A_75, %dma_wait3A_76] : memref<10112x32xf32, #tpu.memory_space<hbm>> -> memref<10112x32xf32, #tpu.memory_space<hbm>>
    tpu.wait_indirect_dma semaphore(%arg12 : memref<!tpu.dma_semaphore, #tpu.memory_space<semaphore_mem>>) src(%dma_wait3A_77 : memref<10112x32xf32, #tpu.memory_space<hbm>>) dst(%arg9 : memref<1024x32xf32, #tpu.memory_space<vmem>>)
    %dma_start3A_78 = arith.constant 7168 : i32
    %dma_start3A_79 = tpu.memref_slice %arg7[%dma_start3A_78] : memref<10240xi32, #tpu.memory_space<vmem>> -> memref<1024xi32, #tpu.memory_space<vmem>>
    %dma_start3A_80 = arith.constant 0 : i32
    %dma_start3A_81 = arith.constant 0 : i32
    %dma_start3A_82 = tpu.memref_slice %arg3[%dma_start3A_80, %dma_start3A_81] : memref<10112x32xf32, #tpu.memory_space<hbm>> -> memref<10112x32xf32, #tpu.memory_space<hbm>>
    tpu.enqueue_indirect_dma source(%dma_start3A_82 : memref<10112x32xf32, #tpu.memory_space<hbm>>) target(%arg10 : memref<1024x32xf32, #tpu.memory_space<vmem>>) offsets(%dma_start3A_79 : memref<1024xi32, #tpu.memory_space<vmem>>) semaphore(%arg13 : memref<!tpu.dma_semaphore, #tpu.memory_space<semaphore_mem>>)
    %run_scoped3A_83 = arith.constant 6 : i32
    "tpu.region"() ({
      %run_scoped3A_117 = tpu.sem_alloc : memref<!tpu.dma_semaphore, #tpu.memory_space<semaphore_mem>>
      %dma_start3A_118 = arith.constant 0 : i32
      %dma_start3A_119 = arith.constant 0 : i32
      %dma_start3A_120 = tpu.memref_slice %arg9[%dma_start3A_118, %dma_start3A_119] : memref<1024x32xf32, #tpu.memory_space<vmem>> -> memref<1024x32xf32, #tpu.memory_space<vmem>>
      %dma_start3A_121 = arith.constant 0 : i32
      %dma_start3A_122 = tpu.memref_slice %arg8[%run_scoped3A_83, %dma_start3A_121] : memref<10x1024xi32, #tpu.memory_space<vmem>> -> memref<1x1024xi32, #tpu.memory_space<vmem>>
      %dma_start3A_123 = tpu.memref_squeeze %dma_start3A_122 : memref<1x1024xi32, #tpu.memory_space<vmem>> -> memref<1024xi32, #tpu.memory_space<vmem>>
      %dma_start3A_124 = arith.constant 0 : i32
      %dma_start3A_125 = arith.constant 0 : i32
      %dma_start3A_126 = tpu.memref_slice %arg11[%dma_start3A_124, %dma_start3A_125] : memref<10112x32xf32, #tpu.memory_space<vmem_shared>> -> memref<10112x32xf32, #tpu.memory_space<vmem_shared>>
      tpu.enqueue_indirect_dma source(%dma_start3A_120 : memref<1024x32xf32, #tpu.memory_space<vmem>>) target(%dma_start3A_126 : memref<10112x32xf32, #tpu.memory_space<vmem_shared>>) offsets(%dma_start3A_123 : memref<1024xi32, #tpu.memory_space<vmem>>) semaphore(%run_scoped3A_117 : memref<!tpu.dma_semaphore, #tpu.memory_space<semaphore_mem>>) {add = true}
      %dma_wait3A_127 = arith.constant 0 : i32
      %dma_wait3A_128 = arith.constant 0 : i32
      %dma_wait3A_129 = tpu.memref_slice %arg9[%dma_wait3A_127, %dma_wait3A_128] : memref<1024x32xf32, #tpu.memory_space<vmem>> -> memref<1024x32xf32, #tpu.memory_space<vmem>>
      %dma_wait3A_130 = arith.constant 0 : i32
      %dma_wait3A_131 = tpu.memref_slice %arg8[%run_scoped3A_83, %dma_wait3A_130] : memref<10x1024xi32, #tpu.memory_space<vmem>> -> memref<1x1024xi32, #tpu.memory_space<vmem>>
      %dma_wait3A_132 = tpu.memref_squeeze %dma_wait3A_131 : memref<1x1024xi32, #tpu.memory_space<vmem>> -> memref<1024xi32, #tpu.memory_space<vmem>>
      %dma_wait3A_133 = arith.constant 0 : i32
      %dma_wait3A_134 = arith.constant 0 : i32
      %dma_wait3A_135 = tpu.memref_slice %arg11[%dma_wait3A_133, %dma_wait3A_134] : memref<10112x32xf32, #tpu.memory_space<vmem_shared>> -> memref<10112x32xf32, #tpu.memory_space<vmem_shared>>
      tpu.wait_indirect_dma semaphore(%run_scoped3A_117 : memref<!tpu.dma_semaphore, #tpu.memory_space<semaphore_mem>>) src(%dma_wait3A_129 : memref<1024x32xf32, #tpu.memory_space<vmem>>) dst(%dma_wait3A_135 : memref<10112x32xf32, #tpu.memory_space<vmem_shared>>)
      tpu.yield
    }) : () -> ()
    %dma_wait3A_84 = arith.constant 7168 : i32
    %dma_wait3A_85 = tpu.memref_slice %arg7[%dma_wait3A_84] : memref<10240xi32, #tpu.memory_space<vmem>> -> memref<1024xi32, #tpu.memory_space<vmem>>
    %dma_wait3A_86 = arith.constant 0 : i32
    %dma_wait3A_87 = arith.constant 0 : i32
    %dma_wait3A_88 = tpu.memref_slice %arg3[%dma_wait3A_86, %dma_wait3A_87] : memref<10112x32xf32, #tpu.memory_space<hbm>> -> memref<10112x32xf32, #tpu.memory_space<hbm>>
    tpu.wait_indirect_dma semaphore(%arg13 : memref<!tpu.dma_semaphore, #tpu.memory_space<semaphore_mem>>) src(%dma_wait3A_88 : memref<10112x32xf32, #tpu.memory_space<hbm>>) dst(%arg10 : memref<1024x32xf32, #tpu.memory_space<vmem>>)
    %dma_start3A_89 = arith.constant 8192 : i32
    %dma_start3A_90 = tpu.memref_slice %arg7[%dma_start3A_89] : memref<10240xi32, #tpu.memory_space<vmem>> -> memref<1024xi32, #tpu.memory_space<vmem>>
    %dma_start3A_91 = arith.constant 0 : i32
    %dma_start3A_92 = arith.constant 0 : i32
    %dma_start3A_93 = tpu.memref_slice %arg3[%dma_start3A_91, %dma_start3A_92] : memref<10112x32xf32, #tpu.memory_space<hbm>> -> memref<10112x32xf32, #tpu.memory_space<hbm>>
    tpu.enqueue_indirect_dma source(%dma_start3A_93 : memref<10112x32xf32, #tpu.memory_space<hbm>>) target(%arg9 : memref<1024x32xf32, #tpu.memory_space<vmem>>) offsets(%dma_start3A_90 : memref<1024xi32, #tpu.memory_space<vmem>>) semaphore(%arg12 : memref<!tpu.dma_semaphore, #tpu.memory_space<semaphore_mem>>)
    %run_scoped3A_94 = arith.constant 7 : i32
    "tpu.region"() ({
      %run_scoped3A_117 = tpu.sem_alloc : memref<!tpu.dma_semaphore, #tpu.memory_space<semaphore_mem>>
      %dma_start3A_118 = arith.constant 0 : i32
      %dma_start3A_119 = arith.constant 0 : i32
      %dma_start3A_120 = tpu.memref_slice %arg10[%dma_start3A_118, %dma_start3A_119] : memref<1024x32xf32, #tpu.memory_space<vmem>> -> memref<1024x32xf32, #tpu.memory_space<vmem>>
      %dma_start3A_121 = arith.constant 0 : i32
      %dma_start3A_122 = tpu.memref_slice %arg8[%run_scoped3A_94, %dma_start3A_121] : memref<10x1024xi32, #tpu.memory_space<vmem>> -> memref<1x1024xi32, #tpu.memory_space<vmem>>
      %dma_start3A_123 = tpu.memref_squeeze %dma_start3A_122 : memref<1x1024xi32, #tpu.memory_space<vmem>> -> memref<1024xi32, #tpu.memory_space<vmem>>
      %dma_start3A_124 = arith.constant 0 : i32
      %dma_start3A_125 = arith.constant 0 : i32
      %dma_start3A_126 = tpu.memref_slice %arg11[%dma_start3A_124, %dma_start3A_125] : memref<10112x32xf32, #tpu.memory_space<vmem_shared>> -> memref<10112x32xf32, #tpu.memory_space<vmem_shared>>
      tpu.enqueue_indirect_dma source(%dma_start3A_120 : memref<1024x32xf32, #tpu.memory_space<vmem>>) target(%dma_start3A_126 : memref<10112x32xf32, #tpu.memory_space<vmem_shared>>) offsets(%dma_start3A_123 : memref<1024xi32, #tpu.memory_space<vmem>>) semaphore(%run_scoped3A_117 : memref<!tpu.dma_semaphore, #tpu.memory_space<semaphore_mem>>) {add = true}
      %dma_wait3A_127 = arith.constant 0 : i32
      %dma_wait3A_128 = arith.constant 0 : i32
      %dma_wait3A_129 = tpu.memref_slice %arg10[%dma_wait3A_127, %dma_wait3A_128] : memref<1024x32xf32, #tpu.memory_space<vmem>> -> memref<1024x32xf32, #tpu.memory_space<vmem>>
      %dma_wait3A_130 = arith.constant 0 : i32
      %dma_wait3A_131 = tpu.memref_slice %arg8[%run_scoped3A_94, %dma_wait3A_130] : memref<10x1024xi32, #tpu.memory_space<vmem>> -> memref<1x1024xi32, #tpu.memory_space<vmem>>
      %dma_wait3A_132 = tpu.memref_squeeze %dma_wait3A_131 : memref<1x1024xi32, #tpu.memory_space<vmem>> -> memref<1024xi32, #tpu.memory_space<vmem>>
      %dma_wait3A_133 = arith.constant 0 : i32
      %dma_wait3A_134 = arith.constant 0 : i32
      %dma_wait3A_135 = tpu.memref_slice %arg11[%dma_wait3A_133, %dma_wait3A_134] : memref<10112x32xf32, #tpu.memory_space<vmem_shared>> -> memref<10112x32xf32, #tpu.memory_space<vmem_shared>>
      tpu.wait_indirect_dma semaphore(%run_scoped3A_117 : memref<!tpu.dma_semaphore, #tpu.memory_space<semaphore_mem>>) src(%dma_wait3A_129 : memref<1024x32xf32, #tpu.memory_space<vmem>>) dst(%dma_wait3A_135 : memref<10112x32xf32, #tpu.memory_space<vmem_shared>>)
      tpu.yield
    }) : () -> ()
    %dma_wait3A_95 = arith.constant 8192 : i32
    %dma_wait3A_96 = tpu.memref_slice %arg7[%dma_wait3A_95] : memref<10240xi32, #tpu.memory_space<vmem>> -> memref<1024xi32, #tpu.memory_space<vmem>>
    %dma_wait3A_97 = arith.constant 0 : i32
    %dma_wait3A_98 = arith.constant 0 : i32
    %dma_wait3A_99 = tpu.memref_slice %arg3[%dma_wait3A_97, %dma_wait3A_98] : memref<10112x32xf32, #tpu.memory_space<hbm>> -> memref<10112x32xf32, #tpu.memory_space<hbm>>
    tpu.wait_indirect_dma semaphore(%arg12 : memref<!tpu.dma_semaphore, #tpu.memory_space<semaphore_mem>>) src(%dma_wait3A_99 : memref<10112x32xf32, #tpu.memory_space<hbm>>) dst(%arg9 : memref<1024x32xf32, #tpu.memory_space<vmem>>)
    %dma_start3A_100 = arith.constant 9216 : i32
    %dma_start3A_101 = tpu.memref_slice %arg7[%dma_start3A_100] : memref<10240xi32, #tpu.memory_space<vmem>> -> memref<1024xi32, #tpu.memory_space<vmem>>
    %dma_start3A_102 = arith.constant 0 : i32
    %dma_start3A_103 = arith.constant 0 : i32
    %dma_start3A_104 = tpu.memref_slice %arg3[%dma_start3A_102, %dma_start3A_103] : memref<10112x32xf32, #tpu.memory_space<hbm>> -> memref<10112x32xf32, #tpu.memory_space<hbm>>
    tpu.enqueue_indirect_dma source(%dma_start3A_104 : memref<10112x32xf32, #tpu.memory_space<hbm>>) target(%arg10 : memref<1024x32xf32, #tpu.memory_space<vmem>>) offsets(%dma_start3A_101 : memref<1024xi32, #tpu.memory_space<vmem>>) semaphore(%arg13 : memref<!tpu.dma_semaphore, #tpu.memory_space<semaphore_mem>>)
    %run_scoped3A_105 = arith.constant 8 : i32
    "tpu.region"() ({
      %run_scoped3A_117 = tpu.sem_alloc : memref<!tpu.dma_semaphore, #tpu.memory_space<semaphore_mem>>
      %dma_start3A_118 = arith.constant 0 : i32
      %dma_start3A_119 = arith.constant 0 : i32
      %dma_start3A_120 = tpu.memref_slice %arg9[%dma_start3A_118, %dma_start3A_119] : memref<1024x32xf32, #tpu.memory_space<vmem>> -> memref<1024x32xf32, #tpu.memory_space<vmem>>
      %dma_start3A_121 = arith.constant 0 : i32
      %dma_start3A_122 = tpu.memref_slice %arg8[%run_scoped3A_105, %dma_start3A_121] : memref<10x1024xi32, #tpu.memory_space<vmem>> -> memref<1x1024xi32, #tpu.memory_space<vmem>>
      %dma_start3A_123 = tpu.memref_squeeze %dma_start3A_122 : memref<1x1024xi32, #tpu.memory_space<vmem>> -> memref<1024xi32, #tpu.memory_space<vmem>>
      %dma_start3A_124 = arith.constant 0 : i32
      %dma_start3A_125 = arith.constant 0 : i32
      %dma_start3A_126 = tpu.memref_slice %arg11[%dma_start3A_124, %dma_start3A_125] : memref<10112x32xf32, #tpu.memory_space<vmem_shared>> -> memref<10112x32xf32, #tpu.memory_space<vmem_shared>>
      tpu.enqueue_indirect_dma source(%dma_start3A_120 : memref<1024x32xf32, #tpu.memory_space<vmem>>) target(%dma_start3A_126 : memref<10112x32xf32, #tpu.memory_space<vmem_shared>>) offsets(%dma_start3A_123 : memref<1024xi32, #tpu.memory_space<vmem>>) semaphore(%run_scoped3A_117 : memref<!tpu.dma_semaphore, #tpu.memory_space<semaphore_mem>>) {add = true}
      %dma_wait3A_127 = arith.constant 0 : i32
      %dma_wait3A_128 = arith.constant 0 : i32
      %dma_wait3A_129 = tpu.memref_slice %arg9[%dma_wait3A_127, %dma_wait3A_128] : memref<1024x32xf32, #tpu.memory_space<vmem>> -> memref<1024x32xf32, #tpu.memory_space<vmem>>
      %dma_wait3A_130 = arith.constant 0 : i32
      %dma_wait3A_131 = tpu.memref_slice %arg8[%run_scoped3A_105, %dma_wait3A_130] : memref<10x1024xi32, #tpu.memory_space<vmem>> -> memref<1x1024xi32, #tpu.memory_space<vmem>>
      %dma_wait3A_132 = tpu.memref_squeeze %dma_wait3A_131 : memref<1x1024xi32, #tpu.memory_space<vmem>> -> memref<1024xi32, #tpu.memory_space<vmem>>
      %dma_wait3A_133 = arith.constant 0 : i32
      %dma_wait3A_134 = arith.constant 0 : i32
      %dma_wait3A_135 = tpu.memref_slice %arg11[%dma_wait3A_133, %dma_wait3A_134] : memref<10112x32xf32, #tpu.memory_space<vmem_shared>> -> memref<10112x32xf32, #tpu.memory_space<vmem_shared>>
      tpu.wait_indirect_dma semaphore(%run_scoped3A_117 : memref<!tpu.dma_semaphore, #tpu.memory_space<semaphore_mem>>) src(%dma_wait3A_129 : memref<1024x32xf32, #tpu.memory_space<vmem>>) dst(%dma_wait3A_135 : memref<10112x32xf32, #tpu.memory_space<vmem_shared>>)
      tpu.yield
    }) : () -> ()
    %dma_wait3A_106 = arith.constant 9216 : i32
    %dma_wait3A_107 = tpu.memref_slice %arg7[%dma_wait3A_106] : memref<10240xi32, #tpu.memory_space<vmem>> -> memref<1024xi32, #tpu.memory_space<vmem>>
    %dma_wait3A_108 = arith.constant 0 : i32
    %dma_wait3A_109 = arith.constant 0 : i32
    %dma_wait3A_110 = tpu.memref_slice %arg3[%dma_wait3A_108, %dma_wait3A_109] : memref<10112x32xf32, #tpu.memory_space<hbm>> -> memref<10112x32xf32, #tpu.memory_space<hbm>>
    tpu.wait_indirect_dma semaphore(%arg13 : memref<!tpu.dma_semaphore, #tpu.memory_space<semaphore_mem>>) src(%dma_wait3A_110 : memref<10112x32xf32, #tpu.memory_space<hbm>>) dst(%arg10 : memref<1024x32xf32, #tpu.memory_space<vmem>>)
    %run_scoped3A_111 = arith.constant 9 : i32
    "tpu.region"() ({
      %run_scoped3A_117 = tpu.sem_alloc : memref<!tpu.dma_semaphore, #tpu.memory_space<semaphore_mem>>
      %dma_start3A_118 = arith.constant 0 : i32
      %dma_start3A_119 = arith.constant 0 : i32
      %dma_start3A_120 = tpu.memref_slice %arg10[%dma_start3A_118, %dma_start3A_119] : memref<1024x32xf32, #tpu.memory_space<vmem>> -> memref<1024x32xf32, #tpu.memory_space<vmem>>
      %dma_start3A_121 = arith.constant 0 : i32
      %dma_start3A_122 = tpu.memref_slice %arg8[%run_scoped3A_111, %dma_start3A_121] : memref<10x1024xi32, #tpu.memory_space<vmem>> -> memref<1x1024xi32, #tpu.memory_space<vmem>>
      %dma_start3A_123 = tpu.memref_squeeze %dma_start3A_122 : memref<1x1024xi32, #tpu.memory_space<vmem>> -> memref<1024xi32, #tpu.memory_space<vmem>>
      %dma_start3A_124 = arith.constant 0 : i32
      %dma_start3A_125 = arith.constant 0 : i32
      %dma_start3A_126 = tpu.memref_slice %arg11[%dma_start3A_124, %dma_start3A_125] : memref<10112x32xf32, #tpu.memory_space<vmem_shared>> -> memref<10112x32xf32, #tpu.memory_space<vmem_shared>>
      tpu.enqueue_indirect_dma source(%dma_start3A_120 : memref<1024x32xf32, #tpu.memory_space<vmem>>) target(%dma_start3A_126 : memref<10112x32xf32, #tpu.memory_space<vmem_shared>>) offsets(%dma_start3A_123 : memref<1024xi32, #tpu.memory_space<vmem>>) semaphore(%run_scoped3A_117 : memref<!tpu.dma_semaphore, #tpu.memory_space<semaphore_mem>>) {add = true}
      %dma_wait3A_127 = arith.constant 0 : i32
      %dma_wait3A_128 = arith.constant 0 : i32
      %dma_wait3A_129 = tpu.memref_slice %arg10[%dma_wait3A_127, %dma_wait3A_128] : memref<1024x32xf32, #tpu.memory_space<vmem>> -> memref<1024x32xf32, #tpu.memory_space<vmem>>
      %dma_wait3A_130 = arith.constant 0 : i32
      %dma_wait3A_131 = tpu.memref_slice %arg8[%run_scoped3A_111, %dma_wait3A_130] : memref<10x1024xi32, #tpu.memory_space<vmem>> -> memref<1x1024xi32, #tpu.memory_space<vmem>>
      %dma_wait3A_132 = tpu.memref_squeeze %dma_wait3A_131 : memref<1x1024xi32, #tpu.memory_space<vmem>> -> memref<1024xi32, #tpu.memory_space<vmem>>
      %dma_wait3A_133 = arith.constant 0 : i32
      %dma_wait3A_134 = arith.constant 0 : i32
      %dma_wait3A_135 = tpu.memref_slice %arg11[%dma_wait3A_133, %dma_wait3A_134] : memref<10112x32xf32, #tpu.memory_space<vmem_shared>> -> memref<10112x32xf32, #tpu.memory_space<vmem_shared>>
      tpu.wait_indirect_dma semaphore(%run_scoped3A_117 : memref<!tpu.dma_semaphore, #tpu.memory_space<semaphore_mem>>) src(%dma_wait3A_129 : memref<1024x32xf32, #tpu.memory_space<vmem>>) dst(%dma_wait3A_135 : memref<10112x32xf32, #tpu.memory_space<vmem_shared>>)
      tpu.yield
    }) : () -> ()
    %barrier3A_112 = arith.constant 0 : index
    tpu.barrier barrier_id(%barrier3A_112)
    %mul3A_113 = arith.constant 632 : i32
    %mul3A_114 = arith.muli %arg1, %mul3A_113 : i32
    %mul3A_115 = arith.constant 632 : i32
    %mul3A_116 = arith.muli %arg1, %mul3A_115 : i32
    "tpu.region"() ({
      %run_scoped3A_117 = tpu.sem_alloc : memref<!tpu.dma_semaphore, #tpu.memory_space<semaphore_mem>>
      %dma_start3A_118 = arith.constant 0 : i32
      %dma_start3A_119 = tpu.memref_slice %arg6[%arg0, %mul3A_116, %dma_start3A_118] : memref<2x10112x32xf32, #tpu.memory_space<hbm>> -> memref<1x632x32xf32, #tpu.memory_space<hbm>>
      %dma_start3A_120 = tpu.memref_squeeze %dma_start3A_119 : memref<1x632x32xf32, #tpu.memory_space<hbm>> -> memref<632x32xf32, #tpu.memory_space<hbm>>
      %dma_start3A_121 = arith.constant 0 : i32
      %dma_start3A_122 = tpu.memref_slice %arg11[%mul3A_114, %dma_start3A_121] : memref<10112x32xf32, #tpu.memory_space<vmem_shared>> -> memref<632x32xf32, #tpu.memory_space<vmem_shared>>
      tpu.enqueue_dma source(%dma_start3A_122 : memref<632x32xf32, #tpu.memory_space<vmem_shared>>) target(%dma_start3A_120 : memref<632x32xf32, #tpu.memory_space<hbm>>) target_semaphore(%run_scoped3A_117 : memref<!tpu.dma_semaphore, #tpu.memory_space<semaphore_mem>>)
      %dma_wait3A_123 = arith.constant 0 : i32
      %dma_wait3A_124 = tpu.memref_slice %arg6[%arg0, %mul3A_116, %dma_wait3A_123] : memref<2x10112x32xf32, #tpu.memory_space<hbm>> -> memref<1x632x32xf32, #tpu.memory_space<hbm>>
      %dma_wait3A_125 = tpu.memref_squeeze %dma_wait3A_124 : memref<1x632x32xf32, #tpu.memory_space<hbm>> -> memref<632x32xf32, #tpu.memory_space<hbm>>
      %dma_wait3A_126 = arith.constant 0 : i32
      %dma_wait3A_127 = tpu.memref_slice %arg11[%mul3A_114, %dma_wait3A_126] : memref<10112x32xf32, #tpu.memory_space<vmem_shared>> -> memref<632x32xf32, #tpu.memory_space<vmem_shared>>
      tpu.wait_dma2 semaphore(%run_scoped3A_117 : memref<!tpu.dma_semaphore, #tpu.memory_space<semaphore_mem>>) src(%dma_wait3A_127 : memref<632x32xf32, #tpu.memory_space<vmem_shared>>) dst(%dma_wait3A_125 : memref<632x32xf32, #tpu.memory_space<hbm>>)
      tpu.yield
    }) : () -> ()
    return
  }
}

module attributes {stable_mosaic.version = 14 : i64} {
  func.func @_proj_body(%arg0: memref<10112x128xf32, #tpu.memory_space<vmem>>, %arg1: memref<128x32xf32, #tpu.memory_space<vmem>>, %arg2: memref<10112x32xf32, #tpu.memory_space<vmem>>) attributes {dimension_semantics = [], scalar_prefetch = 0 : i64, scratch_operands = 0 : i64, tpu.core_type = #tpu.core_type<tc>} {
    %get3A = arith.constant 0 : index
    %get3A_0 = arith.constant 0 : index
    %get3A_1 = vector.load %arg0[%get3A, %get3A_0] : memref<10112x128xf32, #tpu.memory_space<vmem>>, vector<10112x128xf32>
    %get3A_2 = arith.constant 0 : index
    %get3A_3 = arith.constant 0 : index
    %get3A_4 = vector.load %arg1[%get3A_2, %get3A_3] : memref<128x32xf32, #tpu.memory_space<vmem>>, vector<128x32xf32>
    %dot_general3A = arith.constant dense<0.000000e+00> : vector<10112x32xf32>
    %dot_general3A_5 = tpu.matmul %get3A_1, %get3A_4, %dot_general3A {dimension_numbers = #tpu.dot_dimension_numbers<[1], [0], [0], [1], [0, 0, 1, 1], [], []>, transpose_lhs_hint = false} : vector<10112x128xf32>, vector<128x32xf32>, vector<10112x32xf32> -> vector<10112x32xf32>
    %swap3A = arith.constant 0 : index
    %swap3A_6 = arith.constant 0 : index
    %swap3A_7 = vector.load %arg2[%swap3A, %swap3A_6] : memref<10112x32xf32, #tpu.memory_space<vmem>>, vector<10112x32xf32>
    tpu.vector_store %arg2[%swap3A, %swap3A_6], %dot_general3A_5 {strides = array<i32>} : memref<10112x32xf32, #tpu.memory_space<vmem>>, vector<10112x32xf32>,
    return
  }
}

module attributes {stable_mosaic.version = 14 : i64} {
  func.func @_mlp_body(%arg0: memref<2x10112x32xf32, #tpu.memory_space<vmem>>, %arg1: memref<10112x32xf32, #tpu.memory_space<vmem>>, %arg2: memref<32x32xf32, #tpu.memory_space<vmem>>, %arg3: memref<1x32xf32, #tpu.memory_space<vmem>>, %arg4: memref<32x32xf32, #tpu.memory_space<vmem>>, %arg5: memref<1x32xf32, #tpu.memory_space<vmem>>, %arg6: memref<1x32xf32, #tpu.memory_space<vmem>>, %arg7: memref<1x32xf32, #tpu.memory_space<vmem>>, %arg8: memref<10112x32xf32, #tpu.memory_space<vmem>>) attributes {dimension_semantics = [], scalar_prefetch = 0 : i64, scratch_operands = 0 : i64, tpu.core_type = #tpu.core_type<tc>} {
    %get3A = arith.constant 0 : index
    %get3A_0 = arith.constant 0 : index
    %get3A_1 = vector.load %arg1[%get3A, %get3A_0] : memref<10112x32xf32, #tpu.memory_space<vmem>>, vector<10112x32xf32>
    %get3A_2 = arith.constant 0 : index
    %get3A_3 = arith.constant 0 : index
    %get3A_4 = arith.constant 0 : index
    %get3A_5 = vector.load %arg0[%get3A_2, %get3A_3, %get3A_4] : memref<2x10112x32xf32, #tpu.memory_space<vmem>>, vector<1x10112x32xf32>
    %get3A_6 = vector.shape_cast %get3A_5 : vector<1x10112x32xf32> to vector<10112x32xf32>
    %add3A = arith.addf %get3A_1, %get3A_6 : vector<10112x32xf32>
    %get3A_7 = arith.constant 1 : index
    %get3A_8 = arith.constant 0 : index
    %get3A_9 = arith.constant 0 : index
    %get3A_10 = vector.load %arg0[%get3A_7, %get3A_8, %get3A_9] : memref<2x10112x32xf32, #tpu.memory_space<vmem>>, vector<1x10112x32xf32>
    %get3A_11 = vector.shape_cast %get3A_10 : vector<1x10112x32xf32> to vector<10112x32xf32>
    %add3A_12 = arith.addf %add3A, %get3A_11 : vector<10112x32xf32>
    %get3A_13 = arith.constant 0 : index
    %get3A_14 = arith.constant 0 : index
    %get3A_15 = vector.load %arg2[%get3A_13, %get3A_14] : memref<32x32xf32, #tpu.memory_space<vmem>>, vector<32x32xf32>
    %dot_general3A = arith.constant dense<0.000000e+00> : vector<10112x32xf32>
    %dot_general3A_16 = tpu.matmul %add3A_12, %get3A_15, %dot_general3A {dimension_numbers = #tpu.dot_dimension_numbers<[1], [0], [0], [1], [0, 0, 1, 1], [], []>, transpose_lhs_hint = false} : vector<10112x32xf32>, vector<32x32xf32>, vector<10112x32xf32> -> vector<10112x32xf32>
    %get3A_17 = arith.constant 0 : index
    %get3A_18 = arith.constant 0 : index
    %get3A_19 = vector.load %arg3[%get3A_17, %get3A_18] : memref<1x32xf32, #tpu.memory_space<vmem>>, vector<1x32xf32>
    %add3A_20 = vector.broadcast %get3A_19 : vector<1x32xf32> to vector<10112x32xf32>
    %add3A_21 = arith.addf %dot_general3A_16, %add3A_20 : vector<10112x32xf32>
    %max3A = arith.constant 0.000000e+00 : f32
    %max3A_22 = vector.broadcast %max3A : f32 to vector<10112x32xf32>
    %max3A_23 = arith.maximumf %add3A_21, %max3A_22 : vector<10112x32xf32>
    %get3A_24 = arith.constant 0 : index
    %get3A_25 = arith.constant 0 : index
    %get3A_26 = vector.load %arg4[%get3A_24, %get3A_25] : memref<32x32xf32, #tpu.memory_space<vmem>>, vector<32x32xf32>
    %dot_general3A_27 = arith.constant dense<0.000000e+00> : vector<10112x32xf32>
    %dot_general3A_28 = tpu.matmul %max3A_23, %get3A_26, %dot_general3A_27 {dimension_numbers = #tpu.dot_dimension_numbers<[1], [0], [0], [1], [0, 0, 1, 1], [], []>, transpose_lhs_hint = false} : vector<10112x32xf32>, vector<32x32xf32>, vector<10112x32xf32> -> vector<10112x32xf32>
    %get3A_29 = arith.constant 0 : index
    %get3A_30 = arith.constant 0 : index
    %get3A_31 = vector.load %arg5[%get3A_29, %get3A_30] : memref<1x32xf32, #tpu.memory_space<vmem>>, vector<1x32xf32>
    %add3A_32 = vector.broadcast %get3A_31 : vector<1x32xf32> to vector<10112x32xf32>
    %add3A_33 = arith.addf %dot_general3A_28, %add3A_32 : vector<10112x32xf32>
    %max3A_34 = arith.constant 0.000000e+00 : f32
    %max3A_35 = vector.broadcast %max3A_34 : f32 to vector<10112x32xf32>
    %max3A_36 = arith.maximumf %add3A_33, %max3A_35 : vector<10112x32xf32>
    %get3A_37 = arith.constant 0 : index
    %get3A_38 = arith.constant 0 : index
    %get3A_39 = vector.load %arg6[%get3A_37, %get3A_38] : memref<1x32xf32, #tpu.memory_space<vmem>>, vector<1x32xf32>
    %mul3A = arith.constant 0.999994993 : f32
    %mul3A_40 = vector.broadcast %mul3A : f32 to vector<10112x32xf32>
    %mul3A_41 = arith.mulf %max3A_36, %mul3A_40 : vector<10112x32xf32>
    %mul3A_42 = vector.broadcast %get3A_39 : vector<1x32xf32> to vector<10112x32xf32>
    %mul3A_43 = arith.mulf %mul3A_42, %mul3A_41 : vector<10112x32xf32>
    %get3A_44 = arith.constant 0 : index
    %get3A_45 = arith.constant 0 : index
    %get3A_46 = vector.load %arg7[%get3A_44, %get3A_45] : memref<1x32xf32, #tpu.memory_space<vmem>>, vector<1x32xf32>
    %add3A_47 = vector.broadcast %get3A_46 : vector<1x32xf32> to vector<10112x32xf32>
    %add3A_48 = arith.addf %mul3A_43, %add3A_47 : vector<10112x32xf32>
    %swap3A = arith.constant 0 : index
    %swap3A_49 = arith.constant 0 : index
    %swap3A_50 = vector.load %arg8[%swap3A, %swap3A_49] : memref<10112x32xf32, #tpu.memory_space<vmem>>, vector<10112x32xf32>
    tpu.vector_store %arg8[%swap3A, %swap3A_49], %add3A_48 {strides = array<i32>} : memref<10112x32xf32, #tpu.memory_space<vmem>>, vector<10112x32xf32>,
    return
  }
}

module attributes {stable_mosaic.version = 14 : i64} {
  func.func @_head_body(%arg0: memref<2x10112x32xf32, #tpu.memory_space<vmem>>, %arg1: memref<10112x32xf32, #tpu.memory_space<vmem>>, %arg2: memref<32x32xf32, #tpu.memory_space<vmem>>, %arg3: memref<1x32xf32, #tpu.memory_space<vmem>>, %arg4: memref<32x32xf32, #tpu.memory_space<vmem>>, %arg5: memref<1x32xf32, #tpu.memory_space<vmem>>, %arg6: memref<1x32xf32, #tpu.memory_space<vmem>>, %arg7: memref<1x32xf32, #tpu.memory_space<vmem>>, %arg8: memref<1x10112xi32, #tpu.memory_space<vmem>>, %arg9: memref<32x32xf32, #tpu.memory_space<vmem>>, %arg10: memref<1x32xf32, #tpu.memory_space<vmem>>, %arg11: memref<32x10xf32, #tpu.memory_space<vmem>>, %arg12: memref<1x10xf32, #tpu.memory_space<vmem>>, %arg13: memref<64x10xf32, #tpu.memory_space<vmem>>) attributes {dimension_semantics = [], scalar_prefetch = 0 : i64, scratch_operands = 0 : i64, tpu.core_type = #tpu.core_type<tc>} {
    %get3A = arith.constant 0 : index
    %get3A_0 = arith.constant 0 : index
    %get3A_1 = vector.load %arg1[%get3A, %get3A_0] : memref<10112x32xf32, #tpu.memory_space<vmem>>, vector<10112x32xf32>
    %get3A_2 = arith.constant 0 : index
    %get3A_3 = arith.constant 0 : index
    %get3A_4 = arith.constant 0 : index
    %get3A_5 = vector.load %arg0[%get3A_2, %get3A_3, %get3A_4] : memref<2x10112x32xf32, #tpu.memory_space<vmem>>, vector<1x10112x32xf32>
    %get3A_6 = vector.shape_cast %get3A_5 : vector<1x10112x32xf32> to vector<10112x32xf32>
    %add3A = arith.addf %get3A_1, %get3A_6 : vector<10112x32xf32>
    %get3A_7 = arith.constant 1 : index
    %get3A_8 = arith.constant 0 : index
    %get3A_9 = arith.constant 0 : index
    %get3A_10 = vector.load %arg0[%get3A_7, %get3A_8, %get3A_9] : memref<2x10112x32xf32, #tpu.memory_space<vmem>>, vector<1x10112x32xf32>
    %get3A_11 = vector.shape_cast %get3A_10 : vector<1x10112x32xf32> to vector<10112x32xf32>
    %add3A_12 = arith.addf %add3A, %get3A_11 : vector<10112x32xf32>
    %get3A_13 = arith.constant 0 : index
    %get3A_14 = arith.constant 0 : index
    %get3A_15 = vector.load %arg2[%get3A_13, %get3A_14] : memref<32x32xf32, #tpu.memory_space<vmem>>, vector<32x32xf32>
    %dot_general3A = arith.constant dense<0.000000e+00> : vector<10112x32xf32>
    %dot_general3A_16 = tpu.matmul %add3A_12, %get3A_15, %dot_general3A {dimension_numbers = #tpu.dot_dimension_numbers<[1], [0], [0], [1], [0, 0, 1, 1], [], []>, transpose_lhs_hint = false} : vector<10112x32xf32>, vector<32x32xf32>, vector<10112x32xf32> -> vector<10112x32xf32>
    %get3A_17 = arith.constant 0 : index
    %get3A_18 = arith.constant 0 : index
    %get3A_19 = vector.load %arg3[%get3A_17, %get3A_18] : memref<1x32xf32, #tpu.memory_space<vmem>>, vector<1x32xf32>
    %add3A_20 = vector.broadcast %get3A_19 : vector<1x32xf32> to vector<10112x32xf32>
    %add3A_21 = arith.addf %dot_general3A_16, %add3A_20 : vector<10112x32xf32>
    %max3A = arith.constant 0.000000e+00 : f32
    %max3A_22 = vector.broadcast %max3A : f32 to vector<10112x32xf32>
    %max3A_23 = arith.maximumf %add3A_21, %max3A_22 : vector<10112x32xf32>
    %get3A_24 = arith.constant 0 : index
    %get3A_25 = arith.constant 0 : index
    %get3A_26 = vector.load %arg4[%get3A_24, %get3A_25] : memref<32x32xf32, #tpu.memory_space<vmem>>, vector<32x32xf32>
    %dot_general3A_27 = arith.constant dense<0.000000e+00> : vector<10112x32xf32>
    %dot_general3A_28 = tpu.matmul %max3A_23, %get3A_26, %dot_general3A_27 {dimension_numbers = #tpu.dot_dimension_numbers<[1], [0], [0], [1], [0, 0, 1, 1], [], []>, transpose_lhs_hint = false} : vector<10112x32xf32>, vector<32x32xf32>, vector<10112x32xf32> -> vector<10112x32xf32>
    %get3A_29 = arith.constant 0 : index
    %get3A_30 = arith.constant 0 : index
    %get3A_31 = vector.load %arg5[%get3A_29, %get3A_30] : memref<1x32xf32, #tpu.memory_space<vmem>>, vector<1x32xf32>
    %add3A_32 = vector.broadcast %get3A_31 : vector<1x32xf32> to vector<10112x32xf32>
    %add3A_33 = arith.addf %dot_general3A_28, %add3A_32 : vector<10112x32xf32>
    %max3A_34 = arith.constant 0.000000e+00 : f32
    %max3A_35 = vector.broadcast %max3A_34 : f32 to vector<10112x32xf32>
    %max3A_36 = arith.maximumf %add3A_33, %max3A_35 : vector<10112x32xf32>
    %get3A_37 = arith.constant 0 : index
    %get3A_38 = arith.constant 0 : index
    %get3A_39 = vector.load %arg6[%get3A_37, %get3A_38] : memref<1x32xf32, #tpu.memory_space<vmem>>, vector<1x32xf32>
    %mul3A = arith.constant 0.999994993 : f32
    %mul3A_40 = vector.broadcast %mul3A : f32 to vector<10112x32xf32>
    %mul3A_41 = arith.mulf %max3A_36, %mul3A_40 : vector<10112x32xf32>
    %mul3A_42 = vector.broadcast %get3A_39 : vector<1x32xf32> to vector<10112x32xf32>
    %mul3A_43 = arith.mulf %mul3A_42, %mul3A_41 : vector<10112x32xf32>
    %get3A_44 = arith.constant 0 : index
    %get3A_45 = arith.constant 0 : index
    %get3A_46 = vector.load %arg7[%get3A_44, %get3A_45] : memref<1x32xf32, #tpu.memory_space<vmem>>, vector<1x32xf32>
    %add3A_47 = vector.broadcast %get3A_46 : vector<1x32xf32> to vector<10112x32xf32>
    %add3A_48 = arith.addf %mul3A_43, %add3A_47 : vector<10112x32xf32>
    %iota3A = tpu.iota {dimensions = array<i32: 0>} : vector<64x10112xi32>
    %get3A_49 = arith.constant 0 : index
    %get3A_50 = arith.constant 0 : index
    %get3A_51 = vector.load %arg8[%get3A_49, %get3A_50] : memref<1x10112xi32, #tpu.memory_space<vmem>>, vector<1x10112xi32>
    %eq3A = vector.broadcast %get3A_51 : vector<1x10112xi32> to vector<64x10112xi32>
    %eq3A_52 = arith.cmpi eq, %iota3A, %eq3A : vector<64x10112xi32>
    %convert_element_type3A = arith.extui %eq3A_52 : vector<64x10112xi1> to vector<64x10112xi32>
    %convert_element_type3A_53 = arith.sitofp %convert_element_type3A : vector<64x10112xi32> to vector<64x10112xf32>
    %dot_general3A_54 = arith.constant dense<0.000000e+00> : vector<64x32xf32>
    %dot_general3A_55 = tpu.matmul %convert_element_type3A_53, %add3A_48, %dot_general3A_54 {dimension_numbers = #tpu.dot_dimension_numbers<[1], [0], [0], [1], [0, 0, 1, 1], [], []>, transpose_lhs_hint = false} : vector<64x10112xf32>, vector<10112x32xf32>, vector<64x32xf32> -> vector<64x32xf32>
    %get3A_56 = arith.constant 0 : index
    %get3A_57 = arith.constant 0 : index
    %get3A_58 = vector.load %arg9[%get3A_56, %get3A_57] : memref<32x32xf32, #tpu.memory_space<vmem>>, vector<32x32xf32>
    %dot_general3A_59 = arith.constant dense<0.000000e+00> : vector<64x32xf32>
    %dot_general3A_60 = tpu.matmul %dot_general3A_55, %get3A_58, %dot_general3A_59 {dimension_numbers = #tpu.dot_dimension_numbers<[1], [0], [0], [1], [0, 0, 1, 1], [], []>, transpose_lhs_hint = false} : vector<64x32xf32>, vector<32x32xf32>, vector<64x32xf32> -> vector<64x32xf32>
    %get3A_61 = arith.constant 0 : index
    %get3A_62 = arith.constant 0 : index
    %get3A_63 = vector.load %arg10[%get3A_61, %get3A_62] : memref<1x32xf32, #tpu.memory_space<vmem>>, vector<1x32xf32>
    %add3A_64 = vector.broadcast %get3A_63 : vector<1x32xf32> to vector<64x32xf32>
    %add3A_65 = arith.addf %dot_general3A_60, %add3A_64 : vector<64x32xf32>
    %max3A_66 = arith.constant 0.000000e+00 : f32
    %max3A_67 = vector.broadcast %max3A_66 : f32 to vector<64x32xf32>
    %max3A_68 = arith.maximumf %add3A_65, %max3A_67 : vector<64x32xf32>
    %get3A_69 = arith.constant 0 : index
    %get3A_70 = arith.constant 0 : index
    %get3A_71 = vector.load %arg11[%get3A_69, %get3A_70] : memref<32x10xf32, #tpu.memory_space<vmem>>, vector<32x10xf32>
    %dot_general3A_72 = arith.constant dense<0.000000e+00> : vector<64x10xf32>
    %dot_general3A_73 = tpu.matmul %max3A_68, %get3A_71, %dot_general3A_72 {dimension_numbers = #tpu.dot_dimension_numbers<[1], [0], [0], [1], [0, 0, 1, 1], [], []>, transpose_lhs_hint = false} : vector<64x32xf32>, vector<32x10xf32>, vector<64x10xf32> -> vector<64x10xf32>
    %get3A_74 = arith.constant 0 : index
    %get3A_75 = arith.constant 0 : index
    %get3A_76 = vector.load %arg12[%get3A_74, %get3A_75] : memref<1x10xf32, #tpu.memory_space<vmem>>, vector<1x10xf32>
    %add3A_77 = vector.broadcast %get3A_76 : vector<1x10xf32> to vector<64x10xf32>
    %add3A_78 = arith.addf %dot_general3A_73, %add3A_77 : vector<64x10xf32>
    %reduce_max3A = arith.constant dense<0xFF800000> : vector<64xf32>
    %reduce_max3A_79 = vector.multi_reduction <maximumf>, %add3A_78, %reduce_max3A [1] : vector<64x10xf32> to vector<64xf32>
    %broadcast_in_dim3A = vector.shape_cast %reduce_max3A_79 : vector<64xf32> to vector<64x1xf32>
    %sub3A = vector.broadcast %broadcast_in_dim3A : vector<64x1xf32> to vector<64x10xf32>
    %sub3A_80 = arith.subf %add3A_78, %sub3A : vector<64x10xf32>
    %exp3A = math.exp %sub3A_80 : vector<64x10xf32>
    %reduce_sum3A = arith.constant dense<0.000000e+00> : vector<64xf32>
    %reduce_sum3A_81 = vector.multi_reduction <add>, %exp3A, %reduce_sum3A [1] : vector<64x10xf32> to vector<64xf32>
    %broadcast_in_dim3A_82 = vector.shape_cast %reduce_sum3A_81 : vector<64xf32> to vector<64x1xf32>
    %log3A = math.log %broadcast_in_dim3A_82 : vector<64x1xf32>
    %add3A_83 = arith.addf %log3A, %broadcast_in_dim3A : vector<64x1xf32>
    %sub3A_84 = vector.broadcast %add3A_83 : vector<64x1xf32> to vector<64x10xf32>
    %sub3A_85 = arith.subf %add3A_78, %sub3A_84 : vector<64x10xf32>
    %swap3A = arith.constant 0 : index
    %swap3A_86 = arith.constant 0 : index
    %swap3A_87 = vector.load %arg13[%swap3A, %swap3A_86] : memref<64x10xf32, #tpu.memory_space<vmem>>, vector<64x10xf32>
    tpu.vector_store %arg13[%swap3A, %swap3A_86], %sub3A_85 {strides = array<i32>} : memref<64x10xf32, #tpu.memory_space<vmem>>, vector<64x10xf32>,
    return
  }
}

</mosaic_0001>

<sc_bundles>
// kernel: kernel.13.cloned.1.call-start
scs
__scs_entry_jumppad:
0x0: {  	(pc) =	sbr.rel $0x88, $3  }
0x1: {  	(tag) =	ssettag $0x0;
	lr =	simm.s32 $0x1  }
0x2: {  	[smem:$0x3F90] =	sst lr;
	_ =	strace $0xD0000000  }
0x3: {  	_ = 	snop  }
0x4: {  	_ = 	snop  }
0x5: {  	_ = 	snop  }
0x6: {  	_ = 	snop  }
0x7: {  	_ = 	snop  }
__scs_overlays_trampoline_lowered:
0x8: {  	[smem:$0x3F9F] =	sst s0  }
0x9: {  	[smem:$0x3FA0] =	sst s1  }
0xa: {  	[smem:$0x3FA1] =	sst s2  }
0xb: {  	[smem:$0x3FA2] =	sst s3  }
0xc: {  	[smem:$0x3FA3] =	sst s4  }
0xd: {  	[smem:$0x3FA4] =	sst s5  }
0xe: {  	[smem:$0x3FA5] =	sst s6  }
0xf: {  	[smem:$0x3FA6] =	sst s7  }
0x10: {  	[smem:$0x3FA7] =	sst s8  }
0x11: {  	[smem:$0x3FA8] =	sst s9;
	s0 =	simm.s32 @!p0 $0x0  }
0x12: {  	s1 =	sld [smem:$0x3F8E];
	s0 =	simm.s32 @p0 $0x1  }
0x13: {  	[smem:$0x3FA9] =	sst s0;
	s0 =	simm.s32 @!p1 $0x0  }
0x14: {  	s2 =	sld [smem:$0x3F8D];
	s0 =	simm.s32 @p1 $0x1  }
0x15: {  	[smem:$0x3FAA] =	sst s0;
	s0 =	simm.s32 @!p2 $0x0  }
0x16: {  	s3 =	sld [smem:$0x3FDB];
	s0 =	simm.s32 @p2 $0x1  }
0x17: {  	s4 =	simm.s32 $0x1BF5;
	[smem:$0x3FAC] =	sst s0  }
0x18: {  	s0 =	sld [smem:$0x3F8F];
	_ =	swait.ge [sflag:s4], $0x0  }
0x19: {  	s7 =	sld [smem:$0x3F90]  }
0x1a: {  	s8 =	sadd.s32 $0xFFFFE003, lr  }
0x1b: {  	s9 =	sadd.s32 $0xFFFFFEF7, lr;
	s5 =	simm.s32 $0xFFFFFFFF;
	p2 =	slt.u32 s8, $0xFFFFF086  }
0x1c: {  	p1 =	slt.u32 s9, $0xF7A;
	s5 =	simm.s32 @!p2 $0x0  }
0x1d: {  	s5 =	simm.s32 @p1 $0x1;
	p0 =	seq.s32 s7, s2  }
0x1e: {  	s7 =	smul.u32 @!p0 $0xF7A, s2;
	p2 =	seq.s32 @!p0 s5, $0x0  }
0x1f: {  	s9 =	smul.u32 $0xF7A, s1;
	s8 =	simm.s32 @!p0 $0x1BF5;
	p2 =	por !p2, p0  }
0x20: {  	[sflag:s8] =	ssyncset.s32 @!p0 $0xFFFFF086;
	s6 =	sadd.s32 @!p0 s3, s7;
	s7 =	simm.s32 @!p0 $0x108  }
0x21: {  	s3 =	sadd.s32 s3, s9;
	s6 =	sadd.s32 @!p0 $0x88, s6;
	s7 =	simm.s32 @p2 $0x1082  }
0x22: {  	[simem:s7], [sflag:s8] =	dma.local @!p0 [hbm:s6], $0xF7A  }
0x23: {  	s9 =	sor.u32 $0xD0000000, s2;
	s6 =	simm.s32 $0x108;
	_ =	swait.ge @!p0 [sflag:s8], $0x0  }
0x24: {  	s3 =	sadd.s32 $0x88, s3;
	s6 =	simm.s32 @!p1 $0x1082;
	[sflag:s4] =	ssyncset.s32 $0xFFFFF086  }
0x25: {  	[simem:s6], [sflag:s4] =	dma.local [hbm:s3], $0xF7A  }
0x26: {  	[smem:$0x3F90] =	sst s1;
	(tag) =	ssettag s2;
	_ =	strace s9  }
0x27: {  	s1 =	sld [smem:$0x3FA0]  }
0x28: {  	s2 =	sld [smem:$0x3FA1]  }
0x29: {  	s4 =	sld [smem:$0x3FA3]  }
0x2a: {  	p0 =	seq.s32 s5, $0x0;
	s5 =	sld [smem:$0x3FA4]  }
0x2b: {  	s6 =	sld [smem:$0x3FA5]  }
0x2c: {  	s7 =	sld [smem:$0x3FA6]  }
0x2d: {  	s3 =	simm.s32 $0x108;
	s8 =	sld [smem:$0x3FA7]  }
0x2e: {  	s3 =	simm.s32 @!p0 $0x1082;
	s9 =	sld [smem:$0x3FA8]  }
0x2f: {  	lr =	sadd.s32 s0, s3;
	s0 =	sld [smem:$0x3F9F]  }
0x30: {  	s3 =	sld [smem:$0x3FA2]  }
0x31: {  	[smem:$0x3FAB] =	sst s10  }
0x32: {  	s10 =	sld [smem:$0x3FA9];
	_ =	sdelay $0x3  }
0x33: {  	p0 =	seq.s32 s10, $0x1;
	s10 =	sld [smem:$0x3FAB];
	_ =	sdelay $0x3  }
0x34: {  	[smem:$0x3FAB] =	sst s10  }
0x35: {  	s10 =	sld [smem:$0x3FAA];
	_ =	sdelay $0x3  }
0x36: {  	p1 =	seq.s32 s10, $0x1;
	s10 =	sld [smem:$0x3FAB];
	_ =	sdelay $0x3  }
0x37: {  	[smem:$0x3FAB] =	sst s10  }
0x38: {  	s10 =	sld [smem:$0x3FAC]  }
0x39: {  	_ = 	snop;
	(pc) =	sbr.ind lr, $3  }
0x3a: {  	_ = 	snop  }
0x3b: {  	_ = 	snop  }
0x3c: {  	p2 =	seq.s32 s10, $0x1;
	s10 =	sld [smem:$0x3FAB]  }
0x3d: {  	_ =	shalt  }
0x3e: {  	_ =	shalt  }
0x3f: {  	_ =	shalt  }
0x40: {  	_ =	shalt  }
0x41: {  	_ =	shalt  }
0x42: {  	_ =	shalt  }
0x43: {  	_ =	shalt  }
0x44: {  	_ =	shalt  }
0x45: {  	_ =	shalt  }
0x46: {  	_ =	shalt  }
0x47: {  	_ =	shalt  }
0x48: {  	_ =	shalt  }
0x49: {  	_ =	shalt  }
0x4a: {  	_ =	shalt  }
0x4b: {  	_ =	shalt  }
0x4c: {  	_ =	shalt  }
0x4d: {  	_ =	shalt  }
0x4e: {  	_ =	shalt  }
0x4f: {  	_ =	shalt  }
0x50: {  	_ =	shalt  }
0x51: {  	_ =	shalt  }
0x52: {  	_ =	shalt  }
0x53: {  	_ =	shalt  }
0x54: {  	_ =	shalt  }
0x55: {  	_ =	shalt  }
0x56: {  	_ =	shalt  }
0x57: {  	_ =	shalt  }
0x58: {  	_ =	shalt  }
0x59: {  	_ =	shalt  }
0x5a: {  	_ =	shalt  }
0x5b: {  	_ =	shalt  }
0x5c: {  	_ =	shalt  }
0x5d: {  	_ =	shalt  }
0x5e: {  	_ =	shalt  }
0x5f: {  	_ =	shalt  }
0x60: {  	_ =	shalt  }
0x61: {  	_ =	shalt  }
0x62: {  	_ =	shalt  }
0x63: {  	_ =	shalt  }
0x64: {  	_ =	shalt  }
0x65: {  	_ =	shalt  }
0x66: {  	_ =	shalt  }
0x67: {  	_ =	shalt  }
0x68: {  	_ =	shalt  }
0x69: {  	_ =	shalt  }
0x6a: {  	_ =	shalt  }
0x6b: {  	_ =	shalt  }
0x6c: {  	_ =	shalt  }
0x6d: {  	_ =	shalt  }
0x6e: {  	_ =	shalt  }
0x6f: {  	_ =	shalt  }
0x70: {  	_ =	shalt  }
0x71: {  	_ =	shalt  }
0x72: {  	_ =	shalt  }
0x73: {  	_ =	shalt  }
0x74: {  	_ =	shalt  }
0x75: {  	_ =	shalt  }
0x76: {  	_ =	shalt  }
0x77: {  	_ =	shalt  }
0x78: {  	_ =	shalt  }
0x79: {  	_ =	shalt  }
0x7a: {  	_ =	shalt  }
0x7b: {  	_ =	shalt  }
0x7c: {  	_ =	shalt  }
0x7d: {  	_ =	shalt  }
0x7e: {  	_ =	shalt  }
0x7f: {  	_ =	shalt  }
0x80: {  	_ =	shalt  }
0x81: {  	_ =	shalt  }
0x82: {  	_ =	shalt  }
0x83: {  	_ =	shalt  }
0x84: {  	_ =	shalt  }
0x85: {  	_ =	shalt  }
0x86: {  	_ =	shalt  }
0x87: {  	_ =	shalt  }
.Lfunc_end0:
.L_simem_size_0:
called_computation_lowered:
.L_overlay_start_0:
0x88: {  	s2 =	sld [smem:$0x3FD9]  }
0x89: {  	s3 =	sld [smem:$0x3FFE];
	_ =	sdelay $0x1  }
0x8a: {  	s1 =	srdreg.scid  }
0x8b: {  	s0 =	sand.u32 $0x1, s1  }
0x8c: {  	s16 =	sshll.u32 s0, $0xA;
	s2 =	sadd.s32 s3, s2  }
0x8d: {  	s2 =	sadd.s32 s2, s16  }
0x8e: {  	[smem:$0x3FB7] =	sst s2  }
0x8f: {  	_ = 	snop  }
0x90: {  	(tm) =	ssettm $0x1  }
0x91: {  	s17 =	sld [smem:$0x3FFB];
	_ =	sdelay $0x3  }
0x92: {  	_ =	strace s17  }
0x93: {  	s2 =	sld [smem:$0x3FFC];
	_ =	sdelay $0x3  }
0x94: {  	_ =	strace s2  }
0x95: {  	s2 =	sld [smem:$0x3FFD];
	_ =	sdelay $0x3  }
0x96: {  	_ =	strace s2  }
0x97: {  	_ =	strace $0x8FFFFFFF  }
0x98: {  	s18 =	sld [smem:$0x3FDB];
	_ =	sdelay $0x1  }
0x99: {  	s19 =	simm.s32 $_scs_section_size  }
0x9a: {  	s4 =	simm.s32 $_size__tile_overlayer_lowered;
	s5 =	simm.s32 $_tile_overlayer_lowered  }
0x9b: {  	s22 =	simm.s32 $0x1BFF;
	s21 =	sshll.u32 s5, $0x1;
	s2 =	sadd.s32 s19, s18  }
0x9c: {  	s6 =	simm.s32 $0x0;
	s20 =	sshll.u32 s4, $0x1;
	s4 =	sadd.s32 s21, s2  }
0x9d: {  	[timem:s6], [sflag:s22] =	dma.local [hbm:s4], s20  }
0x9e: {  	_ =	swait.ge [sflag:s22], s20  }
0x9f: {  	s3 =	ssub.s32 $0x0, s20;
	[sflag:s22] =	ssyncset.done $0x0  }
0xa0: {  	[sflag:s22] =	ssyncadd.s32 s3;
	_ =	sdelay $0x1  }
0xa1: {  	s23 =	simm.s32 $0x1B8B  }
0xa2: {  	_ =	swait.ge [sflag:s23], $0x1  }
0xa3: {  	[sflag:s23] =	ssyncset.done $0x0  }
0xa4: {  	s25 =	simm.s32 $0x1B8E;
	s24 =	sld [smem:$0x3FFE];
	[sflag:s23] =	ssyncadd.s32 $0xFFFFFFFF  }
0xa5: {  	s26 =	simm.s32 $execute0_lowered;
	[smem:$0x3FD2] =	sst s25  }
0xa6: {  	s4 =	sshll.u32 s26, $0x1;
	_ =	strace $0x80000046;
	[dreg:$0x1] =	wrdreg $0xFFFFFFFF  }
0xa7: {  	s28 =	simm.s32 $_size_execute0_lowered;
	s2 =	sadd.s32 s2, s4;
	[dreg:$0x0] =	wrdreg $0x0  }
0xa8: {  	s4 =	sshll.u32 s28, $0x1;
	[dreg:$0x2] =	wrdreg s2  }
0xa9: {  	[dreg:$0x3] =	wrdreg s4  }
0xaa: {  	[dreg:$0x4] =	wrdreg $0xC0  }
0xab: {  	_ =	task [dreg:s6], $0x5FFFF  }
0xac: {  	[dreg:$0x1] =	wrdreg $0xFFFFFFFF  }
0xad: {  	[dreg:$0x0] =	wrdreg $0x60  }
0xae: {  	[dreg:$0x2] =	wrdreg s24  }
0xaf: {  	[dreg:$0x3] =	wrdreg $0x150000  }
0xb0: {  	[dreg:$0x4] =	wrdreg $0x9  }
0xb1: {  	_ =	task.clear_ibuf [dreg:s6], $0x5FFFF;
	_ =	strace $0x90000046  }
0xb2: {  	s29 =	simm.s32 $0x9;
	_ =	strace $0x80000048  }
0xb3: {  	_ =	swait.ge [sflag:s29], $0x1  }
0xb4: {  	[sflag:s29] =	ssyncadd.s32 $0xFFFFFFFF  }
0xb5: {  	_ =	strace $0x90000048  }
0xb6: {  	_ =	sfence  }
0xb7: {  	s30 =	sld [smem:$0x0];
	_ =	sdelay $0x2  }
0xb8: {  	s31 =	sshll.u32 s1, $0xD;
	s1 =	sshrl.u32 s1, $0x2  }
0xb9: {  	s3 =	sand.u32 $0x4000, s31;
	s1 =	sadd.s32 s1, s30  }
0xba: {  	s0 =	sor.u32 s3, s0;
	s1 =	sshll.u32 s1, $0x11  }
0xbb: {  	s0 =	sor.u32 s1, s0  }
0xbc: {  	s0 =	sadd.s32 $0x8F2B, s0  }
0xbd: {  	[sflag:s0] =	ssyncadd.remote.s32 $0x1  }
0xbe: {  	_ =	sfence.sel $0xFFFF  }
0xbf: {  	[dreg:$0x0] =	wrdreg $0xFFFFFFFF;
	(pc) =	sbr.abs _section_cstart, $3  }
0xc0: {  	[dreg:$0x1] =	wrdreg $0xFFFFFFFF  }
0xc1: {  	_ =	task.clear_ibuf [dreg:s6], $0x2FFFF;
	_ =	strace $0x9FFFFFFF  }
0xc2: {  	(tm) =	ssettm $0x7FFFFFFF  }
0xc3: {  	_ =	shalt  }
tec
execute0_lowered:
.L_overlay_start_1:
0x0: {  	(tag) =	ssettag $0x1  }
0x1: {  	s0 =	rddreg [dreg:$0x0];
	s1 =	srdreg.scid  }
0x2: {  	s2 =	rddreg [dreg:$0x1];
	s8 =	stileid.u32;
	s19 =	simm.s32 $0x0  }
0x3: {  	s31 =	simm.s32 $0x2800;
	s10 =	simm.s32 $0x5000;
	s11 =	simm.s32 $0x1  }
0x4: {  	s9 =	simm.s32 $0x2;
	s29 =	simm.s32 $0x800;
	s30 =	simm.s32 $0x2C00  }
0x5: {  	s26 =	simm.s32 $0xC00;
	s28 =	simm.s32 $0x3000;
	s24 =	simm.s32 $0x1000  }
0x6: {  	s25 =	simm.s32 $0x3400;
	s22 =	simm.s32 $0x1400;
	s23 =	simm.s32 $0x3800  }
0x7: {  	s20 =	simm.s32 $0x1800;
	s21 =	simm.s32 $0x3C00;
	p0 =	por $0x0, $0x0  }
0x8: {  	s1 =	sand.u32 $0x1, s1;
	s4 =	smul.u32 $0x4F00, s8;
	[smem:$0x7FF] =	sst s19  }
0x9: {  	s16 =	sshll.u32 s8, $0x6;
	s3 =	sshll.u32 s1, $0x4;
	s5 =	smul.u32 $0x4F000, s1  }
0xa: {  	_ =	strace $0x80000047;
	s1 =	ssub.s32 $0x2, s1;
	s3 =	sor.u32 s8, s3  }
0xb: {  	s6 =	sshrl.u32 s4, $0x3;
	s13 =	sshrl.u32 s1, $0x1;
	s17 =	sadd.s32 s4, s2  }
0xc: {  	s8 =	simm.s32 $0xD000;
	s7 =	smul.u32 $0x500, s3;
	s6 =	sadd.s32 s6, s0  }
0xd: {  	s5 =	sadd.s32 s4, s5;
	s3 =	sadd.s32 $0x3200, s0;
	s1 =	ssub.s32 s1, s13  }
0xe: {  	s4 =	sor.u32 $0x1C03, s16;
	s16 =	simm.s32 $0x4400;
	s13 =	simm.s32 $0x2400  }
0xf: {  	s5 =	sshrl.u32 s5, $0x3;
	s12 =	sadd.s32 $0x21000, s6;
	s18 =	smax.u32 s1, $0x1  }
0x10: {  	s6 =	sshrl.u32 s17, $0x3;
	s17 =	simm.s32 $0x1C00;
	s7 =	sadd.s32 s7, s0  }
0x11: {  	s0 =	sadd.s32 s5, s0;
	[dreg:$0x3] =	wrdreg s12;
	p1 =	sne.s32 s18, $0x1  }
.Ltmp0:
0x12: {  	s14 =	sadd.s32 $0x17000, s7;
	s1 =	rddreg [dreg:$0x3];
	(pc) =	sbr.rel @!p1 .LBB2_3-.Ltmp0, $4  }
0x13: {  	s5 =	simm.s32 $0x3;
	s15 =	sadd.s32 $0xD000, s7;
	[dreg:$0x4] =	wrdreg s14  }
0x14: {  	s12 =	simm.s32 $0x4C00;
	s0 =	sadd.s32 $0x2AE00, s0;
	[dreg:$0x5] =	wrdreg s15  }
0x15: {  	s7 =	simm.s32 $0x400;
	[dreg:$0x6] =	wrdreg s0;
	s0 =	sadd.s32 $0xFFFFFFFF, s18  }
0x16: {  	s18 =	simm.s32 $0x4000;
	s15 =	simm.s32 $0x2000;
	s14 =	simm.s32 $0x4800  }
0x17: {  	[spmem:s6], [sflag:s4] =	dma.local [hbm:s1], $0x9E0  }
0x18: {  	_ =	swait.ge [sflag:s5], $0x9E0  }
0x19: {  	[sflag:s5] =	ssyncset.done $0x0  }
0x1a: {  	s1 =	rddreg [dreg:$0x4];
	[sflag:s5] =	ssyncadd.s32 $0xFFFFF620  }
0x1b: {  	[tilespmem:s19], [sflag:$0x3] =	stream.linear.gather [hbm4b:s1+s19], $0x2800, $0x38;
	[tilespmem:$0x19F00] =	vst v63  }
0x1c: {  	_ =	swait.ge [sflag:s5], $0x2800  }
0x1d: {  	[sflag:s5] =	ssyncset.done $0x0  }
0x1e: {  	s1 =	rddreg [dreg:$0x5];
	[sflag:s5] =	ssyncadd.s32 $0xFFFFD800  }
0x1f: {  	[tilespmem:s31], [sflag:$0x3] =	stream.linear.gather [hbm4b:s1+s19], $0x2800, $0x38;
	[tilespmem:$0x19F00] =	vst v63  }
0x20: {  	_ =	swait.ge [sflag:s5], $0x2800  }
0x21: {  	[sflag:s5] =	ssyncset.done $0x0  }
0x22: {  	[sflag:s5] =	ssyncadd.s32 $0xFFFFD800  }
0x23: {  	[bflag:$0x0] =	sbarrier.arrive $0xFFFF  }
0x24: {  	[tilespmem:s10], [sflag:$0x1] =	stream.indirect.gather [hbm4b:s3+s7], $0x20, s19, s7, $0xb8;
	[tilespmem:$0x19F00] =	vst v63  }
0x25: {  	_ =	swait.ge [sflag:s11], $0x8000  }
0x26: {  	[sflag:s11] =	ssyncset.done $0x0  }
0x27: {  	[sflag:s11] =	ssyncadd.s32 $0xFFFF8000  }
0x28: {  	[tilespmem:s8], [sflag:$0x2] =	stream.indirect.gather [hbm4b:s3+s7], $0x20, s7, s7, $0xb8;
	[tilespmem:$0x19F00] =	vst v63  }
0x29: {  	_ = 	snop  }
0x2a: {  	[spmem:s2] =	stream.indirect.scatter.add.f32 [tilespmem:s10], [sflag:$0x3], $0x20, s31, s7, $0xb8;
	[tilespmem:$0x19F00] =	vst v63  }
0x2b: {  	_ =	swait.ge [sflag:s5], $0x8000  }
0x2c: {  	[sflag:s5] =	ssyncset.done $0x0  }
0x2d: {  	[sflag:s5] =	ssyncadd.s32 $0xFFFF8000  }
0x2e: {  	_ =	swait.ge [sflag:s9], $0x8000  }
0x2f: {  	[sflag:s9] =	ssyncset.done $0x0  }
0x30: {  	[sflag:s9] =	ssyncadd.s32 $0xFFFF8000  }
0x31: {  	[tilespmem:s10], [sflag:$0x1] =	stream.indirect.gather [hbm4b:s3+s7], $0x20, s29, s7, $0xb8;
	[tilespmem:$0x19F00] =	vst v63  }
0x32: {  	_ = 	snop  }
0x33: {  	[spmem:s2] =	stream.indirect.scatter.add.f32 [tilespmem:s8], [sflag:$0x3], $0x20, s30, s7, $0xb8;
	[tilespmem:$0x19F00] =	vst v63  }
0x34: {  	_ =	swait.ge [sflag:s5], $0x8000  }
0x35: {  	[sflag:s5] =	ssyncset.done $0x0  }
0x36: {  	[sflag:s5] =	ssyncadd.s32 $0xFFFF8000  }
0x37: {  	_ =	swait.ge [sflag:s11], $0x8000  }
0x38: {  	[sflag:s11] =	ssyncset.done $0x0  }
0x39: {  	[sflag:s11] =	ssyncadd.s32 $0xFFFF8000  }
0x3a: {  	[tilespmem:s8], [sflag:$0x2] =	stream.indirect.gather [hbm4b:s3+s7], $0x20, s26, s7, $0xb8;
	[tilespmem:$0x19F00] =	vst v63  }
0x3b: {  	_ = 	snop  }
0x3c: {  	[spmem:s2] =	stream.indirect.scatter.add.f32 [tilespmem:s10], [sflag:$0x3], $0x20, s28, s7, $0xb8;
	[tilespmem:$0x19F00] =	vst v63  }
0x3d: {  	_ =	swait.ge [sflag:s5], $0x8000  }
0x3e: {  	[sflag:s5] =	ssyncset.done $0x0  }
0x3f: {  	[sflag:s5] =	ssyncadd.s32 $0xFFFF8000  }
0x40: {  	_ =	swait.ge [sflag:s9], $0x8000  }
0x41: {  	[sflag:s9] =	ssyncset.done $0x0  }
0x42: {  	[sflag:s9] =	ssyncadd.s32 $0xFFFF8000  }
0x43: {  	[tilespmem:s10], [sflag:$0x1] =	stream.indirect.gather [hbm4b:s3+s7], $0x20, s24, s7, $0xb8;
	[tilespmem:$0x19F00] =	vst v63  }
0x44: {  	_ = 	snop  }
0x45: {  	[spmem:s2] =	stream.indirect.scatter.add.f32 [tilespmem:s8], [sflag:$0x3], $0x20, s25, s7, $0xb8;
	[tilespmem:$0x19F00] =	vst v63  }
0x46: {  	_ =	swait.ge [sflag:s5], $0x8000  }
0x47: {  	[sflag:s5] =	ssyncset.done $0x0  }
0x48: {  	[sflag:s5] =	ssyncadd.s32 $0xFFFF8000  }
0x49: {  	_ =	swait.ge [sflag:s11], $0x8000  }
0x4a: {  	[sflag:s11] =	ssyncset.done $0x0  }
0x4b: {  	[sflag:s11] =	ssyncadd.s32 $0xFFFF8000  }
0x4c: {  	[tilespmem:s8], [sflag:$0x2] =	stream.indirect.gather [hbm4b:s3+s7], $0x20, s22, s7, $0xb8;
	[tilespmem:$0x19F00] =	vst v63  }
0x4d: {  	_ = 	snop  }
0x4e: {  	[spmem:s2] =	stream.indirect.scatter.add.f32 [tilespmem:s10], [sflag:$0x3], $0x20, s23, s7, $0xb8;
	[tilespmem:$0x19F00] =	vst v63  }
0x4f: {  	_ =	swait.ge [sflag:s5], $0x8000  }
0x50: {  	[sflag:s5] =	ssyncset.done $0x0  }
0x51: {  	[sflag:s5] =	ssyncadd.s32 $0xFFFF8000  }
0x52: {  	_ =	swait.ge [sflag:s9], $0x8000  }
0x53: {  	[sflag:s9] =	ssyncset.done $0x0  }
0x54: {  	[sflag:s9] =	ssyncadd.s32 $0xFFFF8000  }
0x55: {  	[tilespmem:s10], [sflag:$0x1] =	stream.indirect.gather [hbm4b:s3+s7], $0x20, s20, s7, $0xb8;
	[tilespmem:$0x19F00] =	vst v63  }
0x56: {  	_ = 	snop  }
0x57: {  	[spmem:s2] =	stream.indirect.scatter.add.f32 [tilespmem:s8], [sflag:$0x3], $0x20, s21, s7, $0xb8;
	[tilespmem:$0x19F00] =	vst v63  }
0x58: {  	_ =	swait.ge [sflag:s5], $0x8000  }
0x59: {  	[sflag:s5] =	ssyncset.done $0x0  }
0x5a: {  	[sflag:s5] =	ssyncadd.s32 $0xFFFF8000  }
0x5b: {  	_ =	swait.ge [sflag:s11], $0x8000  }
0x5c: {  	[sflag:s11] =	ssyncset.done $0x0  }
0x5d: {  	[sflag:s11] =	ssyncadd.s32 $0xFFFF8000  }
0x5e: {  	[tilespmem:s8], [sflag:$0x2] =	stream.indirect.gather [hbm4b:s3+s7], $0x20, s17, s7, $0xb8;
	[tilespmem:$0x19F00] =	vst v63  }
0x5f: {  	_ = 	snop  }
0x60: {  	[spmem:s2] =	stream.indirect.scatter.add.f32 [tilespmem:s10], [sflag:$0x3], $0x20, s18, s7, $0xb8;
	[tilespmem:$0x19F00] =	vst v63  }
0x61: {  	_ =	swait.ge [sflag:s5], $0x8000  }
0x62: {  	[sflag:s5] =	ssyncset.done $0x0  }
0x63: {  	[sflag:s5] =	ssyncadd.s32 $0xFFFF8000  }
0x64: {  	_ =	swait.ge [sflag:s9], $0x8000  }
0x65: {  	[sflag:s9] =	ssyncset.done $0x0  }
0x66: {  	[sflag:s9] =	ssyncadd.s32 $0xFFFF8000  }
0x67: {  	[tilespmem:s10], [sflag:$0x1] =	stream.indirect.gather [hbm4b:s3+s7], $0x20, s15, s7, $0xb8;
	[tilespmem:$0x19F00] =	vst v63  }
0x68: {  	_ = 	snop  }
0x69: {  	[spmem:s2] =	stream.indirect.scatter.add.f32 [tilespmem:s8], [sflag:$0x3], $0x20, s16, s7, $0xb8;
	[tilespmem:$0x19F00] =	vst v63  }
0x6a: {  	_ =	swait.ge [sflag:s5], $0x8000  }
0x6b: {  	[sflag:s5] =	ssyncset.done $0x0  }
0x6c: {  	[sflag:s5] =	ssyncadd.s32 $0xFFFF8000  }
0x6d: {  	_ =	swait.ge [sflag:s11], $0x8000  }
0x6e: {  	[sflag:s11] =	ssyncset.done $0x0  }
0x6f: {  	[sflag:s11] =	ssyncadd.s32 $0xFFFF8000  }
0x70: {  	[tilespmem:s8], [sflag:$0x2] =	stream.indirect.gather [hbm4b:s3+s7], $0x20, s13, s7, $0xb8;
	[tilespmem:$0x19F00] =	vst v63  }
0x71: {  	_ = 	snop  }
0x72: {  	[spmem:s2] =	stream.indirect.scatter.add.f32 [tilespmem:s10], [sflag:$0x3], $0x20, s14, s7, $0xb8;
	[tilespmem:$0x19F00] =	vst v63  }
0x73: {  	_ =	swait.ge [sflag:s5], $0x8000  }
0x74: {  	[sflag:s5] =	ssyncset.done $0x0  }
0x75: {  	[sflag:s5] =	ssyncadd.s32 $0xFFFF8000  }
0x76: {  	_ =	swait.ge [sflag:s9], $0x8000  }
0x77: {  	[sflag:s9] =	ssyncset.done $0x0  }
0x78: {  	[sflag:s9] =	ssyncadd.s32 $0xFFFF8000  }
0x79: {  	[spmem:s2] =	stream.indirect.scatter.add.f32 [tilespmem:s8], [sflag:$0x3], $0x20, s12, s7, $0xb8;
	[tilespmem:$0x19F00] =	vst v63  }
0x7a: {  	_ =	swait.ge [sflag:s5], $0x8000  }
0x7b: {  	[sflag:s5] =	ssyncset.done $0x0  }
0x7c: {  	p1 =	sne.s32 s0, $0x1;
	[sflag:s5] =	ssyncadd.s32 $0xFFFF8000  }
.Ltmp1:
0x7d: {  	[bflag:$0x0] =	sbarrier.arrive $0xFFFF;
	(pc) =	sbr.rel @!p1 .LBB2_3-.Ltmp1, $4  }
0x7e: {  	s1 =	rddreg [dreg:$0x6]  }
0x7f: {  	[hbm:s1], [sflag:s4] =	dma.local [spmem:s6], $0x9E0  }
0x80: {  	s0 =	sadd.s32 $0xFFFFFFFF, s0;
	_ =	swait.ge [sflag:s5], $0x9E0  }
0x81: {  	p0 =	por $0x1, $0x1;
	s1 =	rddreg [dreg:$0x3];
	[sflag:s5] =	ssyncset.done $0x0  }
.LBB2_2:
0x82: {  	[sflag:s5] =	ssyncadd.s32 $0xFFFFF620  }
0x83: {  	[spmem:s6], [sflag:s4] =	dma.local [hbm:s1], $0x9E0  }
0x84: {  	_ =	swait.ge [sflag:s5], $0x9E0  }
0x85: {  	[sflag:s5] =	ssyncset.done $0x0  }
0x86: {  	s1 =	rddreg [dreg:$0x4];
	[sflag:s5] =	ssyncadd.s32 $0xFFFFF620  }
0x87: {  	[tilespmem:s19], [sflag:$0x3] =	stream.linear.gather [hbm4b:s1+s19], $0x2800, $0x38;
	[tilespmem:$0x19F00] =	vst v63  }
0x88: {  	_ =	swait.ge [sflag:s5], $0x2800  }
0x89: {  	[sflag:s5] =	ssyncset.done $0x0  }
0x8a: {  	s1 =	rddreg [dreg:$0x5];
	[sflag:s5] =	ssyncadd.s32 $0xFFFFD800  }
0x8b: {  	[tilespmem:s31], [sflag:$0x3] =	stream.linear.gather [hbm4b:s1+s19], $0x2800, $0x38;
	[tilespmem:$0x19F00] =	vst v63  }
0x8c: {  	_ =	swait.ge [sflag:s5], $0x2800  }
0x8d: {  	[sflag:s5] =	ssyncset.done $0x0  }
0x8e: {  	[sflag:s5] =	ssyncadd.s32 $0xFFFFD800  }
0x8f: {  	[bflag:$0x0] =	sbarrier.arrive $0xFFFF  }
0x90: {  	[tilespmem:s10], [sflag:$0x1] =	stream.indirect.gather [hbm4b:s3+s7], $0x20, s19, s7, $0xb8;
	[tilespmem:$0x19F00] =	vst v63  }
0x91: {  	_ =	swait.ge [sflag:s11], $0x8000  }
0x92: {  	[sflag:s11] =	ssyncset.done $0x0  }
0x93: {  	[sflag:s11] =	ssyncadd.s32 $0xFFFF8000  }
0x94: {  	[tilespmem:s8], [sflag:$0x2] =	stream.indirect.gather [hbm4b:s3+s7], $0x20, s7, s7, $0xb8;
	[tilespmem:$0x19F00] =	vst v63  }
0x95: {  	_ = 	snop  }
0x96: {  	[spmem:s2] =	stream.indirect.scatter.add.f32 [tilespmem:s10], [sflag:$0x3], $0x20, s31, s7, $0xb8;
	[tilespmem:$0x19F00] =	vst v63  }
0x97: {  	_ =	swait.ge [sflag:s5], $0x8000  }
0x98: {  	[sflag:s5] =	ssyncset.done $0x0  }
0x99: {  	[sflag:s5] =	ssyncadd.s32 $0xFFFF8000  }
0x9a: {  	_ =	swait.ge [sflag:s9], $0x8000  }
0x9b: {  	[sflag:s9] =	ssyncset.done $0x0  }
0x9c: {  	[sflag:s9] =	ssyncadd.s32 $0xFFFF8000  }
0x9d: {  	[tilespmem:s10], [sflag:$0x1] =	stream.indirect.gather [hbm4b:s3+s7], $0x20, s29, s7, $0xb8;
	[tilespmem:$0x19F00] =	vst v63  }
0x9e: {  	_ = 	snop  }
0x9f: {  	[spmem:s2] =	stream.indirect.scatter.add.f32 [tilespmem:s8], [sflag:$0x3], $0x20, s30, s7, $0xb8;
	[tilespmem:$0x19F00] =	vst v63  }
0xa0: {  	_ =	swait.ge [sflag:s5], $0x8000  }
0xa1: {  	[sflag:s5] =	ssyncset.done $0x0  }
0xa2: {  	[sflag:s5] =	ssyncadd.s32 $0xFFFF8000  }
0xa3: {  	_ =	swait.ge [sflag:s11], $0x8000  }
0xa4: {  	[sflag:s11] =	ssyncset.done $0x0  }
0xa5: {  	[sflag:s11] =	ssyncadd.s32 $0xFFFF8000  }
0xa6: {  	[tilespmem:s8], [sflag:$0x2] =	stream.indirect.gather [hbm4b:s3+s7], $0x20, s26, s7, $0xb8;
	[tilespmem:$0x19F00] =	vst v63  }
0xa7: {  	_ = 	snop  }
0xa8: {  	[spmem:s2] =	stream.indirect.scatter.add.f32 [tilespmem:s10], [sflag:$0x3], $0x20, s28, s7, $0xb8;
	[tilespmem:$0x19F00] =	vst v63  }
0xa9: {  	_ =	swait.ge [sflag:s5], $0x8000  }
0xaa: {  	[sflag:s5] =	ssyncset.done $0x0  }
0xab: {  	[sflag:s5] =	ssyncadd.s32 $0xFFFF8000  }
0xac: {  	_ =	swait.ge [sflag:s9], $0x8000  }
0xad: {  	[sflag:s9] =	ssyncset.done $0x0  }
0xae: {  	[sflag:s9] =	ssyncadd.s32 $0xFFFF8000  }
0xaf: {  	[tilespmem:s10], [sflag:$0x1] =	stream.indirect.gather [hbm4b:s3+s7], $0x20, s24, s7, $0xb8;
	[tilespmem:$0x19F00] =	vst v63  }
0xb0: {  	_ = 	snop  }
0xb1: {  	[spmem:s2] =	stream.indirect.scatter.add.f32 [tilespmem:s8], [sflag:$0x3], $0x20, s25, s7, $0xb8;
	[tilespmem:$0x19F00] =	vst v63  }
0xb2: {  	_ =	swait.ge [sflag:s5], $0x8000  }
0xb3: {  	[sflag:s5] =	ssyncset.done $0x0  }
0xb4: {  	[sflag:s5] =	ssyncadd.s32 $0xFFFF8000  }
0xb5: {  	_ =	swait.ge [sflag:s11], $0x8000  }
0xb6: {  	[sflag:s11] =	ssyncset.done $0x0  }
0xb7: {  	[sflag:s11] =	ssyncadd.s32 $0xFFFF8000  }
0xb8: {  	[tilespmem:s8], [sflag:$0x2] =	stream.indirect.gather [hbm4b:s3+s7], $0x20, s22, s7, $0xb8;
	[tilespmem:$0x19F00] =	vst v63  }
0xb9: {  	_ = 	snop  }
0xba: {  	[spmem:s2] =	stream.indirect.scatter.add.f32 [tilespmem:s10], [sflag:$0x3], $0x20, s23, s7, $0xb8;
	[tilespmem:$0x19F00] =	vst v63  }
0xbb: {  	_ =	swait.ge [sflag:s5], $0x8000  }
0xbc: {  	[sflag:s5] =	ssyncset.done $0x0  }
0xbd: {  	[sflag:s5] =	ssyncadd.s32 $0xFFFF8000  }
0xbe: {  	_ =	swait.ge [sflag:s9], $0x8000  }
0xbf: {  	[sflag:s9] =	ssyncset.done $0x0  }
0xc0: {  	[sflag:s9] =	ssyncadd.s32 $0xFFFF8000  }
0xc1: {  	[tilespmem:s10], [sflag:$0x1] =	stream.indirect.gather [hbm4b:s3+s7], $0x20, s20, s7, $0xb8;
	[tilespmem:$0x19F00] =	vst v63  }
0xc2: {  	_ = 	snop  }
0xc3: {  	[spmem:s2] =	stream.indirect.scatter.add.f32 [tilespmem:s8], [sflag:$0x3], $0x20, s21, s7, $0xb8;
	[tilespmem:$0x19F00] =	vst v63  }
0xc4: {  	_ =	swait.ge [sflag:s5], $0x8000  }
0xc5: {  	[sflag:s5] =	ssyncset.done $0x0  }
0xc6: {  	[sflag:s5] =	ssyncadd.s32 $0xFFFF8000  }
0xc7: {  	_ =	swait.ge [sflag:s11], $0x8000  }
0xc8: {  	[sflag:s11] =	ssyncset.done $0x0  }
0xc9: {  	[sflag:s11] =	ssyncadd.s32 $0xFFFF8000  }
0xca: {  	[tilespmem:s8], [sflag:$0x2] =	stream.indirect.gather [hbm4b:s3+s7], $0x20, s17, s7, $0xb8;
	[tilespmem:$0x19F00] =	vst v63  }
0xcb: {  	_ = 	snop  }
0xcc: {  	[spmem:s2] =	stream.indirect.scatter.add.f32 [tilespmem:s10], [sflag:$0x3], $0x20, s18, s7, $0xb8;
	[tilespmem:$0x19F00] =	vst v63  }
0xcd: {  	_ =	swait.ge [sflag:s5], $0x8000  }
0xce: {  	[sflag:s5] =	ssyncset.done $0x0  }
0xcf: {  	[sflag:s5] =	ssyncadd.s32 $0xFFFF8000  }
0xd0: {  	_ =	swait.ge [sflag:s9], $0x8000  }
0xd1: {  	[sflag:s9] =	ssyncset.done $0x0  }
0xd2: {  	[sflag:s9] =	ssyncadd.s32 $0xFFFF8000  }
0xd3: {  	[tilespmem:s10], [sflag:$0x1] =	stream.indirect.gather [hbm4b:s3+s7], $0x20, s15, s7, $0xb8;
	[tilespmem:$0x19F00] =	vst v63  }
0xd4: {  	_ = 	snop  }
0xd5: {  	[spmem:s2] =	stream.indirect.scatter.add.f32 [tilespmem:s8], [sflag:$0x3], $0x20, s16, s7, $0xb8;
	[tilespmem:$0x19F00] =	vst v63  }
0xd6: {  	_ =	swait.ge [sflag:s5], $0x8000  }
0xd7: {  	[sflag:s5] =	ssyncset.done $0x0  }
0xd8: {  	[sflag:s5] =	ssyncadd.s32 $0xFFFF8000  }
0xd9: {  	_ =	swait.ge [sflag:s11], $0x8000  }
0xda: {  	[sflag:s11] =	ssyncset.done $0x0  }
0xdb: {  	[sflag:s11] =	ssyncadd.s32 $0xFFFF8000  }
0xdc: {  	[tilespmem:s8], [sflag:$0x2] =	stream.indirect.gather [hbm4b:s3+s7], $0x20, s13, s7, $0xb8;
	[tilespmem:$0x19F00] =	vst v63  }
0xdd: {  	_ = 	snop  }
0xde: {  	[spmem:s2] =	stream.indirect.scatter.add.f32 [tilespmem:s10], [sflag:$0x3], $0x20, s14, s7, $0xb8;
	[tilespmem:$0x19F00] =	vst v63  }
0xdf: {  	_ =	swait.ge [sflag:s5], $0x8000  }
0xe0: {  	[sflag:s5] =	ssyncset.done $0x0  }
0xe1: {  	[sflag:s5] =	ssyncadd.s32 $0xFFFF8000  }
0xe2: {  	_ =	swait.ge [sflag:s9], $0x8000  }
0xe3: {  	[sflag:s9] =	ssyncset.done $0x0  }
0xe4: {  	[sflag:s9] =	ssyncadd.s32 $0xFFFF8000  }
0xe5: {  	[spmem:s2] =	stream.indirect.scatter.add.f32 [tilespmem:s8], [sflag:$0x3], $0x20, s12, s7, $0xb8;
	[tilespmem:$0x19F00] =	vst v63  }
0xe6: {  	_ =	swait.ge [sflag:s5], $0x8000  }
0xe7: {  	[sflag:s5] =	ssyncset.done $0x0  }
0xe8: {  	p1 =	sne.s32 s0, $0x1;
	[sflag:s5] =	ssyncadd.s32 $0xFFFF8000  }
.Ltmp2:
0xe9: {  	[bflag:$0x0] =	sbarrier.arrive $0xFFFF;
	(pc) =	sbr.rel @p1 .LBB2_2-.Ltmp2, $4  }
0xea: {  	s1 =	rddreg [dreg:$0x6]  }
0xeb: {  	[hbm:s1], [sflag:s4] =	dma.local [spmem:s6], $0x9E0  }
0xec: {  	_ =	swait.ge [sflag:s5], $0x9E0  }
0xed: {  	s0 =	sadd.s32 $0xFFFFFFFF, s0;
	s1 =	rddreg [dreg:$0x3];
	[sflag:s5] =	ssyncset.done $0x0  }
.LBB2_3:
0xee: {  	[sflag:s5] =	ssyncadd.s32 @p0 $0xFFFFF620  }
0xef: {  	[spmem:s6], [sflag:s4] =	dma.local [hbm:s1], $0x9E0  }
0xf0: {  	_ =	swait.ge [sflag:s5], $0x9E0  }
0xf1: {  	[sflag:s5] =	ssyncset.done $0x0  }
0xf2: {  	s0 =	rddreg [dreg:$0x4];
	[sflag:s5] =	ssyncadd.s32 $0xFFFFF620  }
0xf3: {  	[tilespmem:s19], [sflag:$0x3] =	stream.linear.gather [hbm4b:s0+s19], $0x2800, $0x38;
	[tilespmem:$0x19F00] =	vst v63  }
0xf4: {  	_ =	swait.ge [sflag:s5], $0x2800  }
0xf5: {  	[sflag:s5] =	ssyncset.done $0x0  }
0xf6: {  	s1 =	rddreg [dreg:$0x5];
	[sflag:s5] =	ssyncadd.s32 $0xFFFFD800  }
0xf7: {  	[tilespmem:s31], [sflag:$0x3] =	stream.linear.gather [hbm4b:s1+s19], $0x2800, $0x38;
	[tilespmem:$0x19F00] =	vst v63  }
0xf8: {  	_ =	swait.ge [sflag:s5], $0x2800  }
0xf9: {  	[sflag:s5] =	ssyncset.done $0x0  }
0xfa: {  	[sflag:s5] =	ssyncadd.s32 $0xFFFFD800  }
0xfb: {  	[bflag:$0x0] =	sbarrier.arrive $0xFFFF  }
0xfc: {  	[tilespmem:s10], [sflag:$0x1] =	stream.indirect.gather [hbm4b:s3+s7], $0x20, s19, s7, $0xb8;
	[tilespmem:$0x19F00] =	vst v63  }
0xfd: {  	_ =	swait.ge [sflag:s11], $0x8000  }
0xfe: {  	[sflag:s11] =	ssyncset.done $0x0  }
0xff: {  	[sflag:s11] =	ssyncadd.s32 $0xFFFF8000  }
0x100: {  	[tilespmem:s8], [sflag:$0x2] =	stream.indirect.gather [hbm4b:s3+s7], $0x20, s7, s7, $0xb8;
	[tilespmem:$0x19F00] =	vst v63  }
0x101: {  	_ = 	snop  }
0x102: {  	[spmem:s2] =	stream.indirect.scatter.add.f32 [tilespmem:s10], [sflag:$0x3], $0x20, s31, s7, $0xb8;
	[tilespmem:$0x19F00] =	vst v63  }
0x103: {  	_ =	swait.ge [sflag:s5], $0x8000  }
0x104: {  	[sflag:s5] =	ssyncset.done $0x0  }
0x105: {  	[sflag:s5] =	ssyncadd.s32 $0xFFFF8000  }
0x106: {  	_ =	swait.ge [sflag:s9], $0x8000  }
0x107: {  	[sflag:s9] =	ssyncset.done $0x0  }
0x108: {  	[sflag:s9] =	ssyncadd.s32 $0xFFFF8000  }
0x109: {  	[tilespmem:s10], [sflag:$0x1] =	stream.indirect.gather [hbm4b:s3+s7], $0x20, s29, s7, $0xb8;
	[tilespmem:$0x19F00] =	vst v63  }
0x10a: {  	_ = 	snop  }
0x10b: {  	[spmem:s2] =	stream.indirect.scatter.add.f32 [tilespmem:s8], [sflag:$0x3], $0x20, s30, s7, $0xb8;
	[tilespmem:$0x19F00] =	vst v63  }
0x10c: {  	_ =	swait.ge [sflag:s5], $0x8000  }
0x10d: {  	[sflag:s5] =	ssyncset.done $0x0  }
0x10e: {  	[sflag:s5] =	ssyncadd.s32 $0xFFFF8000  }
0x10f: {  	_ =	swait.ge [sflag:s11], $0x8000  }
0x110: {  	[sflag:s11] =	ssyncset.done $0x0  }
0x111: {  	[sflag:s11] =	ssyncadd.s32 $0xFFFF8000  }
0x112: {  	[tilespmem:s8], [sflag:$0x2] =	stream.indirect.gather [hbm4b:s3+s7], $0x20, s26, s7, $0xb8;
	[tilespmem:$0x19F00] =	vst v63  }
0x113: {  	_ = 	snop  }
0x114: {  	[spmem:s2] =	stream.indirect.scatter.add.f32 [tilespmem:s10], [sflag:$0x3], $0x20, s28, s7, $0xb8;
	[tilespmem:$0x19F00] =	vst v63  }
0x115: {  	_ =	swait.ge [sflag:s5], $0x8000  }
0x116: {  	[sflag:s5] =	ssyncset.done $0x0  }
0x117: {  	[sflag:s5] =	ssyncadd.s32 $0xFFFF8000  }
0x118: {  	_ =	swait.ge [sflag:s9], $0x8000  }
0x119: {  	[sflag:s9] =	ssyncset.done $0x0  }
0x11a: {  	[sflag:s9] =	ssyncadd.s32 $0xFFFF8000  }
0x11b: {  	[tilespmem:s10], [sflag:$0x1] =	stream.indirect.gather [hbm4b:s3+s7], $0x20, s24, s7, $0xb8;
	[tilespmem:$0x19F00] =	vst v63  }
0x11c: {  	_ = 	snop  }
0x11d: {  	[spmem:s2] =	stream.indirect.scatter.add.f32 [tilespmem:s8], [sflag:$0x3], $0x20, s25, s7, $0xb8;
	[tilespmem:$0x19F00] =	vst v63  }
0x11e: {  	_ =	swait.ge [sflag:s5], $0x8000  }
0x11f: {  	[sflag:s5] =	ssyncset.done $0x0  }
0x120: {  	[sflag:s5] =	ssyncadd.s32 $0xFFFF8000  }
0x121: {  	_ =	swait.ge [sflag:s11], $0x8000  }
0x122: {  	[sflag:s11] =	ssyncset.done $0x0  }
0x123: {  	[sflag:s11] =	ssyncadd.s32 $0xFFFF8000  }
0x124: {  	[tilespmem:s8], [sflag:$0x2] =	stream.indirect.gather [hbm4b:s3+s7], $0x20, s22, s7, $0xb8;
	[tilespmem:$0x19F00] =	vst v63  }
0x125: {  	_ = 	snop  }
0x126: {  	[spmem:s2] =	stream.indirect.scatter.add.f32 [tilespmem:s10], [sflag:$0x3], $0x20, s23, s7, $0xb8;
	[tilespmem:$0x19F00] =	vst v63  }
0x127: {  	_ =	swait.ge [sflag:s5], $0x8000  }
0x128: {  	[sflag:s5] =	ssyncset.done $0x0  }
0x129: {  	[sflag:s5] =	ssyncadd.s32 $0xFFFF8000  }
0x12a: {  	_ =	swait.ge [sflag:s9], $0x8000  }
0x12b: {  	[sflag:s9] =	ssyncset.done $0x0  }
0x12c: {  	[sflag:s9] =	ssyncadd.s32 $0xFFFF8000  }
0x12d: {  	[tilespmem:s10], [sflag:$0x1] =	stream.indirect.gather [hbm4b:s3+s7], $0x20, s20, s7, $0xb8;
	[tilespmem:$0x19F00] =	vst v63  }
0x12e: {  	_ = 	snop  }
0x12f: {  	[spmem:s2] =	stream.indirect.scatter.add.f32 [tilespmem:s8], [sflag:$0x3], $0x20, s21, s7, $0xb8;
	[tilespmem:$0x19F00] =	vst v63  }
0x130: {  	_ =	swait.ge [sflag:s5], $0x8000  }
0x131: {  	[sflag:s5] =	ssyncset.done $0x0  }
0x132: {  	[sflag:s5] =	ssyncadd.s32 $0xFFFF8000  }
0x133: {  	_ =	swait.ge [sflag:s11], $0x8000  }
0x134: {  	[sflag:s11] =	ssyncset.done $0x0  }
0x135: {  	[sflag:s11] =	ssyncadd.s32 $0xFFFF8000  }
0x136: {  	[tilespmem:s8], [sflag:$0x2] =	stream.indirect.gather [hbm4b:s3+s7], $0x20, s17, s7, $0xb8;
	[tilespmem:$0x19F00] =	vst v63  }
0x137: {  	_ = 	snop  }
0x138: {  	[spmem:s2] =	stream.indirect.scatter.add.f32 [tilespmem:s10], [sflag:$0x3], $0x20, s18, s7, $0xb8;
	[tilespmem:$0x19F00] =	vst v63  }
0x139: {  	_ =	swait.ge [sflag:s5], $0x8000  }
0x13a: {  	[sflag:s5] =	ssyncset.done $0x0  }
0x13b: {  	[sflag:s5] =	ssyncadd.s32 $0xFFFF8000  }
0x13c: {  	_ =	swait.ge [sflag:s9], $0x8000  }
0x13d: {  	[sflag:s9] =	ssyncset.done $0x0  }
0x13e: {  	[sflag:s9] =	ssyncadd.s32 $0xFFFF8000  }
0x13f: {  	[tilespmem:s10], [sflag:$0x1] =	stream.indirect.gather [hbm4b:s3+s7], $0x20, s15, s7, $0xb8;
	[tilespmem:$0x19F00] =	vst v63  }
0x140: {  	_ = 	snop  }
0x141: {  	[spmem:s2] =	stream.indirect.scatter.add.f32 [tilespmem:s8], [sflag:$0x3], $0x20, s16, s7, $0xb8;
	[tilespmem:$0x19F00] =	vst v63  }
0x142: {  	_ =	swait.ge [sflag:s5], $0x8000  }
0x143: {  	[sflag:s5] =	ssyncset.done $0x0  }
0x144: {  	[sflag:s5] =	ssyncadd.s32 $0xFFFF8000  }
0x145: {  	_ =	swait.ge [sflag:s11], $0x8000  }
0x146: {  	[sflag:s11] =	ssyncset.done $0x0  }
0x147: {  	[sflag:s11] =	ssyncadd.s32 $0xFFFF8000  }
0x148: {  	[tilespmem:s8], [sflag:$0x2] =	stream.indirect.gather [hbm4b:s3+s7], $0x20, s13, s7, $0xb8;
	[tilespmem:$0x19F00] =	vst v63  }
0x149: {  	_ = 	snop  }
0x14a: {  	[spmem:s2] =	stream.indirect.scatter.add.f32 [tilespmem:s10], [sflag:$0x3], $0x20, s14, s7, $0xb8;
	[tilespmem:$0x19F00] =	vst v63  }
0x14b: {  	_ =	swait.ge [sflag:s5], $0x8000  }
0x14c: {  	[sflag:s5] =	ssyncset.done $0x0  }
0x14d: {  	[sflag:s5] =	ssyncadd.s32 $0xFFFF8000  }
0x14e: {  	_ =	swait.ge [sflag:s9], $0x8000  }
0x14f: {  	[sflag:s9] =	ssyncset.done $0x0  }
0x150: {  	[sflag:s9] =	ssyncadd.s32 $0xFFFF8000  }
0x151: {  	[spmem:s2] =	stream.indirect.scatter.add.f32 [tilespmem:s8], [sflag:$0x3], $0x20, s12, s7, $0xb8;
	[tilespmem:$0x19F00] =	vst v63  }
0x152: {  	_ =	swait.ge [sflag:s5], $0x8000  }
0x153: {  	[sflag:s5] =	ssyncset.done $0x0  }
0x154: {  	[sflag:s5] =	ssyncadd.s32 $0xFFFF8000  }
0x155: {  	[bflag:$0x0] =	sbarrier.arrive $0xFFFF  }
0x156: {  	s30 =	rddreg [dreg:$0x6]  }
0x157: {  	[hbm:s30], [sflag:s4] =	dma.local [spmem:s6], $0x9E0  }
0x158: {  	_ =	swait.ge [sflag:s5], $0x9E0  }
0x159: {  	[sflag:s5] =	ssyncset.done $0x0  }
0x15a: {  	[sflag:s5] =	ssyncadd.s32 $0xFFFFF620  }
0x15b: {  	_ =	sfence.sel $0x180000  }
0x15c: {  	[bflag:$0x0] =	sbarrier.arrive $0xFFFF  }
0x15d: {  	_ =	strace $0x90000047  }
0x15e: {  	s31 =	stileid.u32;
	[bflag:$0x2] =	sbarrier.arrive $0xFFFF  }
0x15f: {  	p0 =	sne.s32 s31, $0x0;
	s0 =	rddreg [dreg:$0x2]  }
0x160: {  	s0 =	sadd.s32 @!p0 $0x100000, s0  }
0x161: {  	[sflag:s0] =	ssyncadd.tile.s32 @!p0 $0x1;
	_ =	shalt  }
.Lfunc_end2:
_tile_overlayer_lowered:
.L_overlay_start_2:
0x162: {  	(tag) =	ssettag $0x2  }
0x163: {  	s0 =	rddreg [dreg:$0x0];
	s2 =	stileid.u32  }
0x164: {  	s1 =	rddreg [dreg:$0x1];
	p0 =	sne.s32 s2, $0x0  }
0x165: {  	s3 =	rddreg [dreg:$0x2];
	[bflag:$0x3] =	sbarrier.arrive $0xFFFF;
	s2 =	simm.s32 @!p0 $0x1C03  }
0x166: {  	[timem:s3], [sflag:s2] =	dma.local @!p0 [hbm:s0], s1  }
0x167: {  	s0 =	simm.s32 @!p0 $0x3  }
0x168: {  	_ =	swait.ge @!p0 [sflag:s0], s1  }
0x169: {  	s1 =	ssub.s32 @!p0 $0x0, s1;
	[sflag:s0] =	ssyncset.done @!p0 $0x0  }
0x16a: {  	[sflag:s0] =	ssyncadd.s32 @!p0 s1  }
0x16b: {  	[bflag:$0x3] =	sbarrier.arrive $0xFFFF  }
0x16c: {  	_ =	shalt  }

// kernel: kernel.16.cloned.1.call-start
scs
__scs_entry_jumppad:
0x0: {  	(pc) =	sbr.rel $0x88, $3  }
0x1: {  	(tag) =	ssettag $0x0;
	lr =	simm.s32 $0x1  }
0x2: {  	[smem:$0x3F90] =	sst lr;
	_ =	strace $0xD0000000  }
0x3: {  	_ = 	snop  }
0x4: {  	_ = 	snop  }
0x5: {  	_ = 	snop  }
0x6: {  	_ = 	snop  }
0x7: {  	_ = 	snop  }
__scs_overlays_trampoline_lowered:
0x8: {  	[smem:$0x3F9F] =	sst s0  }
0x9: {  	[smem:$0x3FA0] =	sst s1  }
0xa: {  	[smem:$0x3FA1] =	sst s2  }
0xb: {  	[smem:$0x3FA2] =	sst s3  }
0xc: {  	[smem:$0x3FA3] =	sst s4  }
0xd: {  	[smem:$0x3FA4] =	sst s5  }
0xe: {  	[smem:$0x3FA5] =	sst s6  }
0xf: {  	[smem:$0x3FA6] =	sst s7  }
0x10: {  	[smem:$0x3FA7] =	sst s8  }
0x11: {  	[smem:$0x3FA8] =	sst s9;
	s0 =	simm.s32 @!p0 $0x0  }
0x12: {  	s1 =	sld [smem:$0x3F8E];
	s0 =	simm.s32 @p0 $0x1  }
0x13: {  	[smem:$0x3FA9] =	sst s0;
	s0 =	simm.s32 @!p1 $0x0  }
0x14: {  	s2 =	sld [smem:$0x3F8D];
	s0 =	simm.s32 @p1 $0x1  }
0x15: {  	[smem:$0x3FAA] =	sst s0;
	s0 =	simm.s32 @!p2 $0x0  }
0x16: {  	s3 =	sld [smem:$0x3FDB];
	s0 =	simm.s32 @p2 $0x1  }
0x17: {  	s4 =	simm.s32 $0x1BF5;
	[smem:$0x3FAC] =	sst s0  }
0x18: {  	s0 =	sld [smem:$0x3F8F];
	_ =	swait.ge [sflag:s4], $0x0  }
0x19: {  	s7 =	sld [smem:$0x3F90]  }
0x1a: {  	s8 =	sadd.s32 $0xFFFFE003, lr  }
0x1b: {  	s9 =	sadd.s32 $0xFFFFFEF7, lr;
	s5 =	simm.s32 $0xFFFFFFFF;
	p2 =	slt.u32 s8, $0xFFFFF086  }
0x1c: {  	p1 =	slt.u32 s9, $0xF7A;
	s5 =	simm.s32 @!p2 $0x0  }
0x1d: {  	s5 =	simm.s32 @p1 $0x1;
	p0 =	seq.s32 s7, s2  }
0x1e: {  	s7 =	smul.u32 @!p0 $0xF7A, s2;
	p2 =	seq.s32 @!p0 s5, $0x0  }
0x1f: {  	s9 =	smul.u32 $0xF7A, s1;
	s8 =	simm.s32 @!p0 $0x1BF5;
	p2 =	por !p2, p0  }
0x20: {  	[sflag:s8] =	ssyncset.s32 @!p0 $0xFFFFF086;
	s6 =	sadd.s32 @!p0 s3, s7;
	s7 =	simm.s32 @!p0 $0x108  }
0x21: {  	s3 =	sadd.s32 s3, s9;
	s6 =	sadd.s32 @!p0 $0x88, s6;
	s7 =	simm.s32 @p2 $0x1082  }
0x22: {  	[simem:s7], [sflag:s8] =	dma.local @!p0 [hbm:s6], $0xF7A  }
0x23: {  	s9 =	sor.u32 $0xD0000000, s2;
	s6 =	simm.s32 $0x108;
	_ =	swait.ge @!p0 [sflag:s8], $0x0  }
0x24: {  	s3 =	sadd.s32 $0x88, s3;
	s6 =	simm.s32 @!p1 $0x1082;
	[sflag:s4] =	ssyncset.s32 $0xFFFFF086  }
0x25: {  	[simem:s6], [sflag:s4] =	dma.local [hbm:s3], $0xF7A  }
0x26: {  	[smem:$0x3F90] =	sst s1;
	(tag) =	ssettag s2;
	_ =	strace s9  }
0x27: {  	s1 =	sld [smem:$0x3FA0]  }
0x28: {  	s2 =	sld [smem:$0x3FA1]  }
0x29: {  	s4 =	sld [smem:$0x3FA3]  }
0x2a: {  	p0 =	seq.s32 s5, $0x0;
	s5 =	sld [smem:$0x3FA4]  }
0x2b: {  	s6 =	sld [smem:$0x3FA5]  }
0x2c: {  	s7 =	sld [smem:$0x3FA6]  }
0x2d: {  	s3 =	simm.s32 $0x108;
	s8 =	sld [smem:$0x3FA7]  }
0x2e: {  	s3 =	simm.s32 @!p0 $0x1082;
	s9 =	sld [smem:$0x3FA8]  }
0x2f: {  	lr =	sadd.s32 s0, s3;
	s0 =	sld [smem:$0x3F9F]  }
0x30: {  	s3 =	sld [smem:$0x3FA2]  }
0x31: {  	[smem:$0x3FAB] =	sst s10  }
0x32: {  	s10 =	sld [smem:$0x3FA9];
	_ =	sdelay $0x3  }
0x33: {  	p0 =	seq.s32 s10, $0x1;
	s10 =	sld [smem:$0x3FAB];
	_ =	sdelay $0x3  }
0x34: {  	[smem:$0x3FAB] =	sst s10  }
0x35: {  	s10 =	sld [smem:$0x3FAA];
	_ =	sdelay $0x3  }
0x36: {  	p1 =	seq.s32 s10, $0x1;
	s10 =	sld [smem:$0x3FAB];
	_ =	sdelay $0x3  }
0x37: {  	[smem:$0x3FAB] =	sst s10  }
0x38: {  	s10 =	sld [smem:$0x3FAC]  }
0x39: {  	_ = 	snop;
	(pc) =	sbr.ind lr, $3  }
0x3a: {  	_ = 	snop  }
0x3b: {  	_ = 	snop  }
0x3c: {  	p2 =	seq.s32 s10, $0x1;
	s10 =	sld [smem:$0x3FAB]  }
0x3d: {  	_ =	shalt  }
0x3e: {  	_ =	shalt  }
0x3f: {  	_ =	shalt  }
0x40: {  	_ =	shalt  }
0x41: {  	_ =	shalt  }
0x42: {  	_ =	shalt  }
0x43: {  	_ =	shalt  }
0x44: {  	_ =	shalt  }
0x45: {  	_ =	shalt  }
0x46: {  	_ =	shalt  }
0x47: {  	_ =	shalt  }
0x48: {  	_ =	shalt  }
0x49: {  	_ =	shalt  }
0x4a: {  	_ =	shalt  }
0x4b: {  	_ =	shalt  }
0x4c: {  	_ =	shalt  }
0x4d: {  	_ =	shalt  }
0x4e: {  	_ =	shalt  }
0x4f: {  	_ =	shalt  }
0x50: {  	_ =	shalt  }
0x51: {  	_ =	shalt  }
0x52: {  	_ =	shalt  }
0x53: {  	_ =	shalt  }
0x54: {  	_ =	shalt  }
0x55: {  	_ =	shalt  }
0x56: {  	_ =	shalt  }
0x57: {  	_ =	shalt  }
0x58: {  	_ =	shalt  }
0x59: {  	_ =	shalt  }
0x5a: {  	_ =	shalt  }
0x5b: {  	_ =	shalt  }
0x5c: {  	_ =	shalt  }
0x5d: {  	_ =	shalt  }
0x5e: {  	_ =	shalt  }
0x5f: {  	_ =	shalt  }
0x60: {  	_ =	shalt  }
0x61: {  	_ =	shalt  }
0x62: {  	_ =	shalt  }
0x63: {  	_ =	shalt  }
0x64: {  	_ =	shalt  }
0x65: {  	_ =	shalt  }
0x66: {  	_ =	shalt  }
0x67: {  	_ =	shalt  }
0x68: {  	_ =	shalt  }
0x69: {  	_ =	shalt  }
0x6a: {  	_ =	shalt  }
0x6b: {  	_ =	shalt  }
0x6c: {  	_ =	shalt  }
0x6d: {  	_ =	shalt  }
0x6e: {  	_ =	shalt  }
0x6f: {  	_ =	shalt  }
0x70: {  	_ =	shalt  }
0x71: {  	_ =	shalt  }
0x72: {  	_ =	shalt  }
0x73: {  	_ =	shalt  }
0x74: {  	_ =	shalt  }
0x75: {  	_ =	shalt  }
0x76: {  	_ =	shalt  }
0x77: {  	_ =	shalt  }
0x78: {  	_ =	shalt  }
0x79: {  	_ =	shalt  }
0x7a: {  	_ =	shalt  }
0x7b: {  	_ =	shalt  }
0x7c: {  	_ =	shalt  }
0x7d: {  	_ =	shalt  }
0x7e: {  	_ =	shalt  }
0x7f: {  	_ =	shalt  }
0x80: {  	_ =	shalt  }
0x81: {  	_ =	shalt  }
0x82: {  	_ =	shalt  }
0x83: {  	_ =	shalt  }
0x84: {  	_ =	shalt  }
0x85: {  	_ =	shalt  }
0x86: {  	_ =	shalt  }
0x87: {  	_ =	shalt  }
.Lfunc_end0:
.L_simem_size_0:
called_computation.1_lowered:
.L_overlay_start_0:
0x88: {  	s2 =	sld [smem:$0x3FD9]  }
0x89: {  	s3 =	sld [smem:$0x3FFE];
	_ =	sdelay $0x1  }
0x8a: {  	s1 =	srdreg.scid  }
0x8b: {  	s0 =	sand.u32 $0x1, s1  }
0x8c: {  	s16 =	sshll.u32 s0, $0xA;
	s2 =	sadd.s32 s3, s2  }
0x8d: {  	s2 =	sadd.s32 s2, s16  }
0x8e: {  	[smem:$0x3FB7] =	sst s2  }
0x8f: {  	_ = 	snop  }
0x90: {  	(tm) =	ssettm $0x1  }
0x91: {  	s17 =	sld [smem:$0x3FFB];
	_ =	sdelay $0x3  }
0x92: {  	_ =	strace s17  }
0x93: {  	s2 =	sld [smem:$0x3FFC];
	_ =	sdelay $0x3  }
0x94: {  	_ =	strace s2  }
0x95: {  	s2 =	sld [smem:$0x3FFD];
	_ =	sdelay $0x3  }
0x96: {  	_ =	strace s2  }
0x97: {  	_ =	strace $0x8FFFFFFF  }
0x98: {  	s18 =	sld [smem:$0x3FDB];
	_ =	sdelay $0x1  }
0x99: {  	s19 =	simm.s32 $_scs_section_size  }
0x9a: {  	s4 =	simm.s32 $_size__tile_overlayer_lowered;
	s5 =	simm.s32 $_tile_overlayer_lowered  }
0x9b: {  	s22 =	simm.s32 $0x1BFF;
	s21 =	sshll.u32 s5, $0x1;
	s2 =	sadd.s32 s19, s18  }
0x9c: {  	s6 =	simm.s32 $0x0;
	s20 =	sshll.u32 s4, $0x1;
	s4 =	sadd.s32 s21, s2  }
0x9d: {  	[timem:s6], [sflag:s22] =	dma.local [hbm:s4], s20  }
0x9e: {  	_ =	swait.ge [sflag:s22], s20  }
0x9f: {  	s3 =	ssub.s32 $0x0, s20;
	[sflag:s22] =	ssyncset.done $0x0  }
0xa0: {  	[sflag:s22] =	ssyncadd.s32 s3;
	_ =	sdelay $0x1  }
0xa1: {  	s23 =	simm.s32 $0x1B8B  }
0xa2: {  	_ =	swait.ge [sflag:s23], $0x1  }
0xa3: {  	[sflag:s23] =	ssyncset.done $0x0  }
0xa4: {  	s25 =	simm.s32 $0x1B8E;
	s24 =	sld [smem:$0x3FFE];
	[sflag:s23] =	ssyncadd.s32 $0xFFFFFFFF  }
0xa5: {  	s26 =	simm.s32 $execute0_lowered;
	[smem:$0x3FD2] =	sst s25  }
0xa6: {  	s4 =	sshll.u32 s26, $0x1;
	_ =	strace $0x80000049;
	[dreg:$0x1] =	wrdreg $0xFFFFFFFF  }
0xa7: {  	s28 =	simm.s32 $_size_execute0_lowered;
	s2 =	sadd.s32 s2, s4;
	[dreg:$0x0] =	wrdreg $0x0  }
0xa8: {  	s4 =	sshll.u32 s28, $0x1;
	[dreg:$0x2] =	wrdreg s2  }
0xa9: {  	[dreg:$0x3] =	wrdreg s4  }
0xaa: {  	[dreg:$0x4] =	wrdreg $0xC0  }
0xab: {  	_ =	task [dreg:s6], $0x5FFFF  }
0xac: {  	[dreg:$0x1] =	wrdreg $0xFFFFFFFF  }
0xad: {  	[dreg:$0x0] =	wrdreg $0x60  }
0xae: {  	[dreg:$0x2] =	wrdreg s24  }
0xaf: {  	[dreg:$0x3] =	wrdreg $0x150000  }
0xb0: {  	[dreg:$0x4] =	wrdreg $0x9  }
0xb1: {  	_ =	task.clear_ibuf [dreg:s6], $0x5FFFF;
	_ =	strace $0x90000049  }
0xb2: {  	s29 =	simm.s32 $0x9;
	_ =	strace $0x8000004B  }
0xb3: {  	_ =	swait.ge [sflag:s29], $0x1  }
0xb4: {  	[sflag:s29] =	ssyncadd.s32 $0xFFFFFFFF  }
0xb5: {  	_ =	strace $0x9000004B  }
0xb6: {  	_ =	sfence  }
0xb7: {  	s30 =	sld [smem:$0x0];
	_ =	sdelay $0x2  }
0xb8: {  	s31 =	sshll.u32 s1, $0xD;
	s1 =	sshrl.u32 s1, $0x2  }
0xb9: {  	s3 =	sand.u32 $0x4000, s31;
	s1 =	sadd.s32 s1, s30  }
0xba: {  	s0 =	sor.u32 s3, s0;
	s1 =	sshll.u32 s1, $0x11  }
0xbb: {  	s0 =	sor.u32 s1, s0  }
0xbc: {  	s0 =	sadd.s32 $0x8F2B, s0  }
0xbd: {  	[sflag:s0] =	ssyncadd.remote.s32 $0x1  }
0xbe: {  	_ =	sfence.sel $0xFFFF  }
0xbf: {  	[dreg:$0x0] =	wrdreg $0xFFFFFFFF;
	(pc) =	sbr.abs _section_cstart, $3  }
0xc0: {  	[dreg:$0x1] =	wrdreg $0xFFFFFFFF  }
0xc1: {  	_ =	task.clear_ibuf [dreg:s6], $0x2FFFF;
	_ =	strace $0x9FFFFFFF  }
0xc2: {  	(tm) =	ssettm $0x7FFFFFFF  }
0xc3: {  	_ =	shalt  }
tec
execute0_lowered:
.L_overlay_start_1:
0x0: {  	(tag) =	ssettag $0x1  }
0x1: {  	s0 =	rddreg [dreg:$0x0];
	s1 =	srdreg.scid  }
0x2: {  	s2 =	rddreg [dreg:$0x1];
	s8 =	stileid.u32;
	s19 =	simm.s32 $0x0  }
0x3: {  	s31 =	simm.s32 $0x2800;
	s10 =	simm.s32 $0x5000;
	s11 =	simm.s32 $0x1  }
0x4: {  	s9 =	simm.s32 $0x2;
	s29 =	simm.s32 $0x800;
	s30 =	simm.s32 $0x2C00  }
0x5: {  	s26 =	simm.s32 $0xC00;
	s28 =	simm.s32 $0x3000;
	s24 =	simm.s32 $0x1000  }
0x6: {  	s25 =	simm.s32 $0x3400;
	s22 =	simm.s32 $0x1400;
	s23 =	simm.s32 $0x3800  }
0x7: {  	s20 =	simm.s32 $0x1800;
	s21 =	simm.s32 $0x3C00;
	p0 =	por $0x0, $0x0  }
0x8: {  	s1 =	sand.u32 $0x1, s1;
	s4 =	smul.u32 $0x4F00, s8;
	[smem:$0x7FF] =	sst s19  }
0x9: {  	s16 =	sshll.u32 s8, $0x6;
	s3 =	sshll.u32 s1, $0x4;
	s5 =	smul.u32 $0x4F000, s1  }
0xa: {  	_ =	strace $0x8000004A;
	s1 =	ssub.s32 $0x2, s1;
	s3 =	sor.u32 s8, s3  }
0xb: {  	s6 =	sshrl.u32 s4, $0x3;
	s13 =	sshrl.u32 s1, $0x1;
	s17 =	sadd.s32 s4, s2  }
0xc: {  	s8 =	simm.s32 $0xD000;
	s7 =	smul.u32 $0x500, s3;
	s6 =	sadd.s32 s6, s0  }
0xd: {  	s5 =	sadd.s32 s4, s5;
	s3 =	sadd.s32 $0x3200, s0;
	s1 =	ssub.s32 s1, s13  }
0xe: {  	s4 =	sor.u32 $0x1C03, s16;
	s16 =	simm.s32 $0x4400;
	s13 =	simm.s32 $0x2400  }
0xf: {  	s5 =	sshrl.u32 s5, $0x3;
	s12 =	sadd.s32 $0x21000, s6;
	s18 =	smax.u32 s1, $0x1  }
0x10: {  	s6 =	sshrl.u32 s17, $0x3;
	s17 =	simm.s32 $0x1C00;
	s7 =	sadd.s32 s7, s0  }
0x11: {  	s0 =	sadd.s32 s5, s0;
	[dreg:$0x3] =	wrdreg s12;
	p1 =	sne.s32 s18, $0x1  }
.Ltmp0:
0x12: {  	s14 =	sadd.s32 $0x17000, s7;
	s1 =	rddreg [dreg:$0x3];
	(pc) =	sbr.rel @!p1 .LBB2_3-.Ltmp0, $4  }
0x13: {  	s5 =	simm.s32 $0x3;
	s15 =	sadd.s32 $0xD000, s7;
	[dreg:$0x4] =	wrdreg s14  }
0x14: {  	s12 =	simm.s32 $0x4C00;
	s0 =	sadd.s32 $0x2AE00, s0;
	[dreg:$0x5] =	wrdreg s15  }
0x15: {  	s7 =	simm.s32 $0x400;
	[dreg:$0x6] =	wrdreg s0;
	s0 =	sadd.s32 $0xFFFFFFFF, s18  }
0x16: {  	s18 =	simm.s32 $0x4000;
	s15 =	simm.s32 $0x2000;
	s14 =	simm.s32 $0x4800  }
0x17: {  	[spmem:s6], [sflag:s4] =	dma.local [hbm:s1], $0x9E0  }
0x18: {  	_ =	swait.ge [sflag:s5], $0x9E0  }
0x19: {  	[sflag:s5] =	ssyncset.done $0x0  }
0x1a: {  	s1 =	rddreg [dreg:$0x4];
	[sflag:s5] =	ssyncadd.s32 $0xFFFFF620  }
0x1b: {  	[tilespmem:s19], [sflag:$0x3] =	stream.linear.gather [hbm4b:s1+s19], $0x2800, $0x38;
	[tilespmem:$0x19F00] =	vst v63  }
0x1c: {  	_ =	swait.ge [sflag:s5], $0x2800  }
0x1d: {  	[sflag:s5] =	ssyncset.done $0x0  }
0x1e: {  	s1 =	rddreg [dreg:$0x5];
	[sflag:s5] =	ssyncadd.s32 $0xFFFFD800  }
0x1f: {  	[tilespmem:s31], [sflag:$0x3] =	stream.linear.gather [hbm4b:s1+s19], $0x2800, $0x38;
	[tilespmem:$0x19F00] =	vst v63  }
0x20: {  	_ =	swait.ge [sflag:s5], $0x2800  }
0x21: {  	[sflag:s5] =	ssyncset.done $0x0  }
0x22: {  	[sflag:s5] =	ssyncadd.s32 $0xFFFFD800  }
0x23: {  	[bflag:$0x0] =	sbarrier.arrive $0xFFFF  }
0x24: {  	[tilespmem:s10], [sflag:$0x1] =	stream.indirect.gather [hbm4b:s3+s7], $0x20, s19, s7, $0xb8;
	[tilespmem:$0x19F00] =	vst v63  }
0x25: {  	_ =	swait.ge [sflag:s11], $0x8000  }
0x26: {  	[sflag:s11] =	ssyncset.done $0x0  }
0x27: {  	[sflag:s11] =	ssyncadd.s32 $0xFFFF8000  }
0x28: {  	[tilespmem:s8], [sflag:$0x2] =	stream.indirect.gather [hbm4b:s3+s7], $0x20, s7, s7, $0xb8;
	[tilespmem:$0x19F00] =	vst v63  }
0x29: {  	_ = 	snop  }
0x2a: {  	[spmem:s2] =	stream.indirect.scatter.add.f32 [tilespmem:s10], [sflag:$0x3], $0x20, s31, s7, $0xb8;
	[tilespmem:$0x19F00] =	vst v63  }
0x2b: {  	_ =	swait.ge [sflag:s5], $0x8000  }
0x2c: {  	[sflag:s5] =	ssyncset.done $0x0  }
0x2d: {  	[sflag:s5] =	ssyncadd.s32 $0xFFFF8000  }
0x2e: {  	_ =	swait.ge [sflag:s9], $0x8000  }
0x2f: {  	[sflag:s9] =	ssyncset.done $0x0  }
0x30: {  	[sflag:s9] =	ssyncadd.s32 $0xFFFF8000  }
0x31: {  	[tilespmem:s10], [sflag:$0x1] =	stream.indirect.gather [hbm4b:s3+s7], $0x20, s29, s7, $0xb8;
	[tilespmem:$0x19F00] =	vst v63  }
0x32: {  	_ = 	snop  }
0x33: {  	[spmem:s2] =	stream.indirect.scatter.add.f32 [tilespmem:s8], [sflag:$0x3], $0x20, s30, s7, $0xb8;
	[tilespmem:$0x19F00] =	vst v63  }
0x34: {  	_ =	swait.ge [sflag:s5], $0x8000  }
0x35: {  	[sflag:s5] =	ssyncset.done $0x0  }
0x36: {  	[sflag:s5] =	ssyncadd.s32 $0xFFFF8000  }
0x37: {  	_ =	swait.ge [sflag:s11], $0x8000  }
0x38: {  	[sflag:s11] =	ssyncset.done $0x0  }
0x39: {  	[sflag:s11] =	ssyncadd.s32 $0xFFFF8000  }
0x3a: {  	[tilespmem:s8], [sflag:$0x2] =	stream.indirect.gather [hbm4b:s3+s7], $0x20, s26, s7, $0xb8;
	[tilespmem:$0x19F00] =	vst v63  }
0x3b: {  	_ = 	snop  }
0x3c: {  	[spmem:s2] =	stream.indirect.scatter.add.f32 [tilespmem:s10], [sflag:$0x3], $0x20, s28, s7, $0xb8;
	[tilespmem:$0x19F00] =	vst v63  }
0x3d: {  	_ =	swait.ge [sflag:s5], $0x8000  }
0x3e: {  	[sflag:s5] =	ssyncset.done $0x0  }
0x3f: {  	[sflag:s5] =	ssyncadd.s32 $0xFFFF8000  }
0x40: {  	_ =	swait.ge [sflag:s9], $0x8000  }
0x41: {  	[sflag:s9] =	ssyncset.done $0x0  }
0x42: {  	[sflag:s9] =	ssyncadd.s32 $0xFFFF8000  }
0x43: {  	[tilespmem:s10], [sflag:$0x1] =	stream.indirect.gather [hbm4b:s3+s7], $0x20, s24, s7, $0xb8;
	[tilespmem:$0x19F00] =	vst v63  }
0x44: {  	_ = 	snop  }
0x45: {  	[spmem:s2] =	stream.indirect.scatter.add.f32 [tilespmem:s8], [sflag:$0x3], $0x20, s25, s7, $0xb8;
	[tilespmem:$0x19F00] =	vst v63  }
0x46: {  	_ =	swait.ge [sflag:s5], $0x8000  }
0x47: {  	[sflag:s5] =	ssyncset.done $0x0  }
0x48: {  	[sflag:s5] =	ssyncadd.s32 $0xFFFF8000  }
0x49: {  	_ =	swait.ge [sflag:s11], $0x8000  }
0x4a: {  	[sflag:s11] =	ssyncset.done $0x0  }
0x4b: {  	[sflag:s11] =	ssyncadd.s32 $0xFFFF8000  }
0x4c: {  	[tilespmem:s8], [sflag:$0x2] =	stream.indirect.gather [hbm4b:s3+s7], $0x20, s22, s7, $0xb8;
	[tilespmem:$0x19F00] =	vst v63  }
0x4d: {  	_ = 	snop  }
0x4e: {  	[spmem:s2] =	stream.indirect.scatter.add.f32 [tilespmem:s10], [sflag:$0x3], $0x20, s23, s7, $0xb8;
	[tilespmem:$0x19F00] =	vst v63  }
0x4f: {  	_ =	swait.ge [sflag:s5], $0x8000  }
0x50: {  	[sflag:s5] =	ssyncset.done $0x0  }
0x51: {  	[sflag:s5] =	ssyncadd.s32 $0xFFFF8000  }
0x52: {  	_ =	swait.ge [sflag:s9], $0x8000  }
0x53: {  	[sflag:s9] =	ssyncset.done $0x0  }
0x54: {  	[sflag:s9] =	ssyncadd.s32 $0xFFFF8000  }
0x55: {  	[tilespmem:s10], [sflag:$0x1] =	stream.indirect.gather [hbm4b:s3+s7], $0x20, s20, s7, $0xb8;
	[tilespmem:$0x19F00] =	vst v63  }
0x56: {  	_ = 	snop  }
0x57: {  	[spmem:s2] =	stream.indirect.scatter.add.f32 [tilespmem:s8], [sflag:$0x3], $0x20, s21, s7, $0xb8;
	[tilespmem:$0x19F00] =	vst v63  }
0x58: {  	_ =	swait.ge [sflag:s5], $0x8000  }
0x59: {  	[sflag:s5] =	ssyncset.done $0x0  }
0x5a: {  	[sflag:s5] =	ssyncadd.s32 $0xFFFF8000  }
0x5b: {  	_ =	swait.ge [sflag:s11], $0x8000  }
0x5c: {  	[sflag:s11] =	ssyncset.done $0x0  }
0x5d: {  	[sflag:s11] =	ssyncadd.s32 $0xFFFF8000  }
0x5e: {  	[tilespmem:s8], [sflag:$0x2] =	stream.indirect.gather [hbm4b:s3+s7], $0x20, s17, s7, $0xb8;
	[tilespmem:$0x19F00] =	vst v63  }
0x5f: {  	_ = 	snop  }
0x60: {  	[spmem:s2] =	stream.indirect.scatter.add.f32 [tilespmem:s10], [sflag:$0x3], $0x20, s18, s7, $0xb8;
	[tilespmem:$0x19F00] =	vst v63  }
0x61: {  	_ =	swait.ge [sflag:s5], $0x8000  }
0x62: {  	[sflag:s5] =	ssyncset.done $0x0  }
0x63: {  	[sflag:s5] =	ssyncadd.s32 $0xFFFF8000  }
0x64: {  	_ =	swait.ge [sflag:s9], $0x8000  }
0x65: {  	[sflag:s9] =	ssyncset.done $0x0  }
0x66: {  	[sflag:s9] =	ssyncadd.s32 $0xFFFF8000  }
0x67: {  	[tilespmem:s10], [sflag:$0x1] =	stream.indirect.gather [hbm4b:s3+s7], $0x20, s15, s7, $0xb8;
	[tilespmem:$0x19F00] =	vst v63  }
0x68: {  	_ = 	snop  }
0x69: {  	[spmem:s2] =	stream.indirect.scatter.add.f32 [tilespmem:s8], [sflag:$0x3], $0x20, s16, s7, $0xb8;
	[tilespmem:$0x19F00] =	vst v63  }
0x6a: {  	_ =	swait.ge [sflag:s5], $0x8000  }
0x6b: {  	[sflag:s5] =	ssyncset.done $0x0  }
0x6c: {  	[sflag:s5] =	ssyncadd.s32 $0xFFFF8000  }
0x6d: {  	_ =	swait.ge [sflag:s11], $0x8000  }
0x6e: {  	[sflag:s11] =	ssyncset.done $0x0  }
0x6f: {  	[sflag:s11] =	ssyncadd.s32 $0xFFFF8000  }
0x70: {  	[tilespmem:s8], [sflag:$0x2] =	stream.indirect.gather [hbm4b:s3+s7], $0x20, s13, s7, $0xb8;
	[tilespmem:$0x19F00] =	vst v63  }
0x71: {  	_ = 	snop  }
0x72: {  	[spmem:s2] =	stream.indirect.scatter.add.f32 [tilespmem:s10], [sflag:$0x3], $0x20, s14, s7, $0xb8;
	[tilespmem:$0x19F00] =	vst v63  }
0x73: {  	_ =	swait.ge [sflag:s5], $0x8000  }
0x74: {  	[sflag:s5] =	ssyncset.done $0x0  }
0x75: {  	[sflag:s5] =	ssyncadd.s32 $0xFFFF8000  }
0x76: {  	_ =	swait.ge [sflag:s9], $0x8000  }
0x77: {  	[sflag:s9] =	ssyncset.done $0x0  }
0x78: {  	[sflag:s9] =	ssyncadd.s32 $0xFFFF8000  }
0x79: {  	[spmem:s2] =	stream.indirect.scatter.add.f32 [tilespmem:s8], [sflag:$0x3], $0x20, s12, s7, $0xb8;
	[tilespmem:$0x19F00] =	vst v63  }
0x7a: {  	_ =	swait.ge [sflag:s5], $0x8000  }
0x7b: {  	[sflag:s5] =	ssyncset.done $0x0  }
0x7c: {  	p1 =	sne.s32 s0, $0x1;
	[sflag:s5] =	ssyncadd.s32 $0xFFFF8000  }
.Ltmp1:
0x7d: {  	[bflag:$0x0] =	sbarrier.arrive $0xFFFF;
	(pc) =	sbr.rel @!p1 .LBB2_3-.Ltmp1, $4  }
0x7e: {  	s1 =	rddreg [dreg:$0x6]  }
0x7f: {  	[hbm:s1], [sflag:s4] =	dma.local [spmem:s6], $0x9E0  }
0x80: {  	s0 =	sadd.s32 $0xFFFFFFFF, s0;
	_ =	swait.ge [sflag:s5], $0x9E0  }
0x81: {  	p0 =	por $0x1, $0x1;
	s1 =	rddreg [dreg:$0x3];
	[sflag:s5] =	ssyncset.done $0x0  }
.LBB2_2:
0x82: {  	[sflag:s5] =	ssyncadd.s32 $0xFFFFF620  }
0x83: {  	[spmem:s6], [sflag:s4] =	dma.local [hbm:s1], $0x9E0  }
0x84: {  	_ =	swait.ge [sflag:s5], $0x9E0  }
0x85: {  	[sflag:s5] =	ssyncset.done $0x0  }
0x86: {  	s1 =	rddreg [dreg:$0x4];
	[sflag:s5] =	ssyncadd.s32 $0xFFFFF620  }
0x87: {  	[tilespmem:s19], [sflag:$0x3] =	stream.linear.gather [hbm4b:s1+s19], $0x2800, $0x38;
	[tilespmem:$0x19F00] =	vst v63  }
0x88: {  	_ =	swait.ge [sflag:s5], $0x2800  }
0x89: {  	[sflag:s5] =	ssyncset.done $0x0  }
0x8a: {  	s1 =	rddreg [dreg:$0x5];
	[sflag:s5] =	ssyncadd.s32 $0xFFFFD800  }
0x8b: {  	[tilespmem:s31], [sflag:$0x3] =	stream.linear.gather [hbm4b:s1+s19], $0x2800, $0x38;
	[tilespmem:$0x19F00] =	vst v63  }
0x8c: {  	_ =	swait.ge [sflag:s5], $0x2800  }
0x8d: {  	[sflag:s5] =	ssyncset.done $0x0  }
0x8e: {  	[sflag:s5] =	ssyncadd.s32 $0xFFFFD800  }
0x8f: {  	[bflag:$0x0] =	sbarrier.arrive $0xFFFF  }
0x90: {  	[tilespmem:s10], [sflag:$0x1] =	stream.indirect.gather [hbm4b:s3+s7], $0x20, s19, s7, $0xb8;
	[tilespmem:$0x19F00] =	vst v63  }
0x91: {  	_ =	swait.ge [sflag:s11], $0x8000  }
0x92: {  	[sflag:s11] =	ssyncset.done $0x0  }
0x93: {  	[sflag:s11] =	ssyncadd.s32 $0xFFFF8000  }
0x94: {  	[tilespmem:s8], [sflag:$0x2] =	stream.indirect.gather [hbm4b:s3+s7], $0x20, s7, s7, $0xb8;
	[tilespmem:$0x19F00] =	vst v63  }
0x95: {  	_ = 	snop  }
0x96: {  	[spmem:s2] =	stream.indirect.scatter.add.f32 [tilespmem:s10], [sflag:$0x3], $0x20, s31, s7, $0xb8;
	[tilespmem:$0x19F00] =	vst v63  }
0x97: {  	_ =	swait.ge [sflag:s5], $0x8000  }
0x98: {  	[sflag:s5] =	ssyncset.done $0x0  }
0x99: {  	[sflag:s5] =	ssyncadd.s32 $0xFFFF8000  }
0x9a: {  	_ =	swait.ge [sflag:s9], $0x8000  }
0x9b: {  	[sflag:s9] =	ssyncset.done $0x0  }
0x9c: {  	[sflag:s9] =	ssyncadd.s32 $0xFFFF8000  }
0x9d: {  	[tilespmem:s10], [sflag:$0x1] =	stream.indirect.gather [hbm4b:s3+s7], $0x20, s29, s7, $0xb8;
	[tilespmem:$0x19F00] =	vst v63  }
0x9e: {  	_ = 	snop  }
0x9f: {  	[spmem:s2] =	stream.indirect.scatter.add.f32 [tilespmem:s8], [sflag:$0x3], $0x20, s30, s7, $0xb8;
	[tilespmem:$0x19F00] =	vst v63  }
0xa0: {  	_ =	swait.ge [sflag:s5], $0x8000  }
0xa1: {  	[sflag:s5] =	ssyncset.done $0x0  }
0xa2: {  	[sflag:s5] =	ssyncadd.s32 $0xFFFF8000  }
0xa3: {  	_ =	swait.ge [sflag:s11], $0x8000  }
0xa4: {  	[sflag:s11] =	ssyncset.done $0x0  }
0xa5: {  	[sflag:s11] =	ssyncadd.s32 $0xFFFF8000  }
0xa6: {  	[tilespmem:s8], [sflag:$0x2] =	stream.indirect.gather [hbm4b:s3+s7], $0x20, s26, s7, $0xb8;
	[tilespmem:$0x19F00] =	vst v63  }
0xa7: {  	_ = 	snop  }
0xa8: {  	[spmem:s2] =	stream.indirect.scatter.add.f32 [tilespmem:s10], [sflag:$0x3], $0x20, s28, s7, $0xb8;
	[tilespmem:$0x19F00] =	vst v63  }
0xa9: {  	_ =	swait.ge [sflag:s5], $0x8000  }
0xaa: {  	[sflag:s5] =	ssyncset.done $0x0  }
0xab: {  	[sflag:s5] =	ssyncadd.s32 $0xFFFF8000  }
0xac: {  	_ =	swait.ge [sflag:s9], $0x8000  }
0xad: {  	[sflag:s9] =	ssyncset.done $0x0  }
0xae: {  	[sflag:s9] =	ssyncadd.s32 $0xFFFF8000  }
0xaf: {  	[tilespmem:s10], [sflag:$0x1] =	stream.indirect.gather [hbm4b:s3+s7], $0x20, s24, s7, $0xb8;
	[tilespmem:$0x19F00] =	vst v63  }
0xb0: {  	_ = 	snop  }
0xb1: {  	[spmem:s2] =	stream.indirect.scatter.add.f32 [tilespmem:s8], [sflag:$0x3], $0x20, s25, s7, $0xb8;
	[tilespmem:$0x19F00] =	vst v63  }
0xb2: {  	_ =	swait.ge [sflag:s5], $0x8000  }
0xb3: {  	[sflag:s5] =	ssyncset.done $0x0  }
0xb4: {  	[sflag:s5] =	ssyncadd.s32 $0xFFFF8000  }
0xb5: {  	_ =	swait.ge [sflag:s11], $0x8000  }
0xb6: {  	[sflag:s11] =	ssyncset.done $0x0  }
0xb7: {  	[sflag:s11] =	ssyncadd.s32 $0xFFFF8000  }
0xb8: {  	[tilespmem:s8], [sflag:$0x2] =	stream.indirect.gather [hbm4b:s3+s7], $0x20, s22, s7, $0xb8;
	[tilespmem:$0x19F00] =	vst v63  }
0xb9: {  	_ = 	snop  }
0xba: {  	[spmem:s2] =	stream.indirect.scatter.add.f32 [tilespmem:s10], [sflag:$0x3], $0x20, s23, s7, $0xb8;
	[tilespmem:$0x19F00] =	vst v63  }
0xbb: {  	_ =	swait.ge [sflag:s5], $0x8000  }
0xbc: {  	[sflag:s5] =	ssyncset.done $0x0  }
0xbd: {  	[sflag:s5] =	ssyncadd.s32 $0xFFFF8000  }
0xbe: {  	_ =	swait.ge [sflag:s9], $0x8000  }
0xbf: {  	[sflag:s9] =	ssyncset.done $0x0  }
0xc0: {  	[sflag:s9] =	ssyncadd.s32 $0xFFFF8000  }
0xc1: {  	[tilespmem:s10], [sflag:$0x1] =	stream.indirect.gather [hbm4b:s3+s7], $0x20, s20, s7, $0xb8;
	[tilespmem:$0x19F00] =	vst v63  }
0xc2: {  	_ = 	snop  }
0xc3: {  	[spmem:s2] =	stream.indirect.scatter.add.f32 [tilespmem:s8], [sflag:$0x3], $0x20, s21, s7, $0xb8;
	[tilespmem:$0x19F00] =	vst v63  }
0xc4: {  	_ =	swait.ge [sflag:s5], $0x8000  }
0xc5: {  	[sflag:s5] =	ssyncset.done $0x0  }
0xc6: {  	[sflag:s5] =	ssyncadd.s32 $0xFFFF8000  }
0xc7: {  	_ =	swait.ge [sflag:s11], $0x8000  }
0xc8: {  	[sflag:s11] =	ssyncset.done $0x0  }
0xc9: {  	[sflag:s11] =	ssyncadd.s32 $0xFFFF8000  }
0xca: {  	[tilespmem:s8], [sflag:$0x2] =	stream.indirect.gather [hbm4b:s3+s7], $0x20, s17, s7, $0xb8;
	[tilespmem:$0x19F00] =	vst v63  }
0xcb: {  	_ = 	snop  }
0xcc: {  	[spmem:s2] =	stream.indirect.scatter.add.f32 [tilespmem:s10], [sflag:$0x3], $0x20, s18, s7, $0xb8;
	[tilespmem:$0x19F00] =	vst v63  }
0xcd: {  	_ =	swait.ge [sflag:s5], $0x8000  }
0xce: {  	[sflag:s5] =	ssyncset.done $0x0  }
0xcf: {  	[sflag:s5] =	ssyncadd.s32 $0xFFFF8000  }
0xd0: {  	_ =	swait.ge [sflag:s9], $0x8000  }
0xd1: {  	[sflag:s9] =	ssyncset.done $0x0  }
0xd2: {  	[sflag:s9] =	ssyncadd.s32 $0xFFFF8000  }
0xd3: {  	[tilespmem:s10], [sflag:$0x1] =	stream.indirect.gather [hbm4b:s3+s7], $0x20, s15, s7, $0xb8;
	[tilespmem:$0x19F00] =	vst v63  }
0xd4: {  	_ = 	snop  }
0xd5: {  	[spmem:s2] =	stream.indirect.scatter.add.f32 [tilespmem:s8], [sflag:$0x3], $0x20, s16, s7, $0xb8;
	[tilespmem:$0x19F00] =	vst v63  }
0xd6: {  	_ =	swait.ge [sflag:s5], $0x8000  }
0xd7: {  	[sflag:s5] =	ssyncset.done $0x0  }
0xd8: {  	[sflag:s5] =	ssyncadd.s32 $0xFFFF8000  }
0xd9: {  	_ =	swait.ge [sflag:s11], $0x8000  }
0xda: {  	[sflag:s11] =	ssyncset.done $0x0  }
0xdb: {  	[sflag:s11] =	ssyncadd.s32 $0xFFFF8000  }
0xdc: {  	[tilespmem:s8], [sflag:$0x2] =	stream.indirect.gather [hbm4b:s3+s7], $0x20, s13, s7, $0xb8;
	[tilespmem:$0x19F00] =	vst v63  }
0xdd: {  	_ = 	snop  }
0xde: {  	[spmem:s2] =	stream.indirect.scatter.add.f32 [tilespmem:s10], [sflag:$0x3], $0x20, s14, s7, $0xb8;
	[tilespmem:$0x19F00] =	vst v63  }
0xdf: {  	_ =	swait.ge [sflag:s5], $0x8000  }
0xe0: {  	[sflag:s5] =	ssyncset.done $0x0  }
0xe1: {  	[sflag:s5] =	ssyncadd.s32 $0xFFFF8000  }
0xe2: {  	_ =	swait.ge [sflag:s9], $0x8000  }
0xe3: {  	[sflag:s9] =	ssyncset.done $0x0  }
0xe4: {  	[sflag:s9] =	ssyncadd.s32 $0xFFFF8000  }
0xe5: {  	[spmem:s2] =	stream.indirect.scatter.add.f32 [tilespmem:s8], [sflag:$0x3], $0x20, s12, s7, $0xb8;
	[tilespmem:$0x19F00] =	vst v63  }
0xe6: {  	_ =	swait.ge [sflag:s5], $0x8000  }
0xe7: {  	[sflag:s5] =	ssyncset.done $0x0  }
0xe8: {  	p1 =	sne.s32 s0, $0x1;
	[sflag:s5] =	ssyncadd.s32 $0xFFFF8000  }
.Ltmp2:
0xe9: {  	[bflag:$0x0] =	sbarrier.arrive $0xFFFF;
	(pc) =	sbr.rel @p1 .LBB2_2-.Ltmp2, $4  }
0xea: {  	s1 =	rddreg [dreg:$0x6]  }
0xeb: {  	[hbm:s1], [sflag:s4] =	dma.local [spmem:s6], $0x9E0  }
0xec: {  	_ =	swait.ge [sflag:s5], $0x9E0  }
0xed: {  	s0 =	sadd.s32 $0xFFFFFFFF, s0;
	s1 =	rddreg [dreg:$0x3];
	[sflag:s5] =	ssyncset.done $0x0  }
.LBB2_3:
0xee: {  	[sflag:s5] =	ssyncadd.s32 @p0 $0xFFFFF620  }
0xef: {  	[spmem:s6], [sflag:s4] =	dma.local [hbm:s1], $0x9E0  }
0xf0: {  	_ =	swait.ge [sflag:s5], $0x9E0  }
0xf1: {  	[sflag:s5] =	ssyncset.done $0x0  }
0xf2: {  	s0 =	rddreg [dreg:$0x4];
	[sflag:s5] =	ssyncadd.s32 $0xFFFFF620  }
0xf3: {  	[tilespmem:s19], [sflag:$0x3] =	stream.linear.gather [hbm4b:s0+s19], $0x2800, $0x38;
	[tilespmem:$0x19F00] =	vst v63  }
0xf4: {  	_ =	swait.ge [sflag:s5], $0x2800  }
0xf5: {  	[sflag:s5] =	ssyncset.done $0x0  }
0xf6: {  	s1 =	rddreg [dreg:$0x5];
	[sflag:s5] =	ssyncadd.s32 $0xFFFFD800  }
0xf7: {  	[tilespmem:s31], [sflag:$0x3] =	stream.linear.gather [hbm4b:s1+s19], $0x2800, $0x38;
	[tilespmem:$0x19F00] =	vst v63  }
0xf8: {  	_ =	swait.ge [sflag:s5], $0x2800  }
0xf9: {  	[sflag:s5] =	ssyncset.done $0x0  }
0xfa: {  	[sflag:s5] =	ssyncadd.s32 $0xFFFFD800  }
0xfb: {  	[bflag:$0x0] =	sbarrier.arrive $0xFFFF  }
0xfc: {  	[tilespmem:s10], [sflag:$0x1] =	stream.indirect.gather [hbm4b:s3+s7], $0x20, s19, s7, $0xb8;
	[tilespmem:$0x19F00] =	vst v63  }
0xfd: {  	_ =	swait.ge [sflag:s11], $0x8000  }
0xfe: {  	[sflag:s11] =	ssyncset.done $0x0  }
0xff: {  	[sflag:s11] =	ssyncadd.s32 $0xFFFF8000  }
0x100: {  	[tilespmem:s8], [sflag:$0x2] =	stream.indirect.gather [hbm4b:s3+s7], $0x20, s7, s7, $0xb8;
	[tilespmem:$0x19F00] =	vst v63  }
0x101: {  	_ = 	snop  }
0x102: {  	[spmem:s2] =	stream.indirect.scatter.add.f32 [tilespmem:s10], [sflag:$0x3], $0x20, s31, s7, $0xb8;
	[tilespmem:$0x19F00] =	vst v63  }
0x103: {  	_ =	swait.ge [sflag:s5], $0x8000  }
0x104: {  	[sflag:s5] =	ssyncset.done $0x0  }
0x105: {  	[sflag:s5] =	ssyncadd.s32 $0xFFFF8000  }
0x106: {  	_ =	swait.ge [sflag:s9], $0x8000  }
0x107: {  	[sflag:s9] =	ssyncset.done $0x0  }
0x108: {  	[sflag:s9] =	ssyncadd.s32 $0xFFFF8000  }
0x109: {  	[tilespmem:s10], [sflag:$0x1] =	stream.indirect.gather [hbm4b:s3+s7], $0x20, s29, s7, $0xb8;
	[tilespmem:$0x19F00] =	vst v63  }
0x10a: {  	_ = 	snop  }
0x10b: {  	[spmem:s2] =	stream.indirect.scatter.add.f32 [tilespmem:s8], [sflag:$0x3], $0x20, s30, s7, $0xb8;
	[tilespmem:$0x19F00] =	vst v63  }
0x10c: {  	_ =	swait.ge [sflag:s5], $0x8000  }
0x10d: {  	[sflag:s5] =	ssyncset.done $0x0  }
0x10e: {  	[sflag:s5] =	ssyncadd.s32 $0xFFFF8000  }
0x10f: {  	_ =	swait.ge [sflag:s11], $0x8000  }
0x110: {  	[sflag:s11] =	ssyncset.done $0x0  }
0x111: {  	[sflag:s11] =	ssyncadd.s32 $0xFFFF8000  }
0x112: {  	[tilespmem:s8], [sflag:$0x2] =	stream.indirect.gather [hbm4b:s3+s7], $0x20, s26, s7, $0xb8;
	[tilespmem:$0x19F00] =	vst v63  }
0x113: {  	_ = 	snop  }
0x114: {  	[spmem:s2] =	stream.indirect.scatter.add.f32 [tilespmem:s10], [sflag:$0x3], $0x20, s28, s7, $0xb8;
	[tilespmem:$0x19F00] =	vst v63  }
0x115: {  	_ =	swait.ge [sflag:s5], $0x8000  }
0x116: {  	[sflag:s5] =	ssyncset.done $0x0  }
0x117: {  	[sflag:s5] =	ssyncadd.s32 $0xFFFF8000  }
0x118: {  	_ =	swait.ge [sflag:s9], $0x8000  }
0x119: {  	[sflag:s9] =	ssyncset.done $0x0  }
0x11a: {  	[sflag:s9] =	ssyncadd.s32 $0xFFFF8000  }
0x11b: {  	[tilespmem:s10], [sflag:$0x1] =	stream.indirect.gather [hbm4b:s3+s7], $0x20, s24, s7, $0xb8;
	[tilespmem:$0x19F00] =	vst v63  }
0x11c: {  	_ = 	snop  }
0x11d: {  	[spmem:s2] =	stream.indirect.scatter.add.f32 [tilespmem:s8], [sflag:$0x3], $0x20, s25, s7, $0xb8;
	[tilespmem:$0x19F00] =	vst v63  }
0x11e: {  	_ =	swait.ge [sflag:s5], $0x8000  }
0x11f: {  	[sflag:s5] =	ssyncset.done $0x0  }
0x120: {  	[sflag:s5] =	ssyncadd.s32 $0xFFFF8000  }
0x121: {  	_ =	swait.ge [sflag:s11], $0x8000  }
0x122: {  	[sflag:s11] =	ssyncset.done $0x0  }
0x123: {  	[sflag:s11] =	ssyncadd.s32 $0xFFFF8000  }
0x124: {  	[tilespmem:s8], [sflag:$0x2] =	stream.indirect.gather [hbm4b:s3+s7], $0x20, s22, s7, $0xb8;
	[tilespmem:$0x19F00] =	vst v63  }
0x125: {  	_ = 	snop  }
0x126: {  	[spmem:s2] =	stream.indirect.scatter.add.f32 [tilespmem:s10], [sflag:$0x3], $0x20, s23, s7, $0xb8;
	[tilespmem:$0x19F00] =	vst v63  }
0x127: {  	_ =	swait.ge [sflag:s5], $0x8000  }
0x128: {  	[sflag:s5] =	ssyncset.done $0x0  }
0x129: {  	[sflag:s5] =	ssyncadd.s32 $0xFFFF8000  }
0x12a: {  	_ =	swait.ge [sflag:s9], $0x8000  }
0x12b: {  	[sflag:s9] =	ssyncset.done $0x0  }
0x12c: {  	[sflag:s9] =	ssyncadd.s32 $0xFFFF8000  }
0x12d: {  	[tilespmem:s10], [sflag:$0x1] =	stream.indirect.gather [hbm4b:s3+s7], $0x20, s20, s7, $0xb8;
	[tilespmem:$0x19F00] =	vst v63  }
0x12e: {  	_ = 	snop  }
0x12f: {  	[spmem:s2] =	stream.indirect.scatter.add.f32 [tilespmem:s8], [sflag:$0x3], $0x20, s21, s7, $0xb8;
	[tilespmem:$0x19F00] =	vst v63  }
0x130: {  	_ =	swait.ge [sflag:s5], $0x8000  }
0x131: {  	[sflag:s5] =	ssyncset.done $0x0  }
0x132: {  	[sflag:s5] =	ssyncadd.s32 $0xFFFF8000  }
0x133: {  	_ =	swait.ge [sflag:s11], $0x8000  }
0x134: {  	[sflag:s11] =	ssyncset.done $0x0  }
0x135: {  	[sflag:s11] =	ssyncadd.s32 $0xFFFF8000  }
0x136: {  	[tilespmem:s8], [sflag:$0x2] =	stream.indirect.gather [hbm4b:s3+s7], $0x20, s17, s7, $0xb8;
	[tilespmem:$0x19F00] =	vst v63  }
0x137: {  	_ = 	snop  }
0x138: {  	[spmem:s2] =	stream.indirect.scatter.add.f32 [tilespmem:s10], [sflag:$0x3], $0x20, s18, s7, $0xb8;
	[tilespmem:$0x19F00] =	vst v63  }
0x139: {  	_ =	swait.ge [sflag:s5], $0x8000  }
0x13a: {  	[sflag:s5] =	ssyncset.done $0x0  }
0x13b: {  	[sflag:s5] =	ssyncadd.s32 $0xFFFF8000  }
0x13c: {  	_ =	swait.ge [sflag:s9], $0x8000  }
0x13d: {  	[sflag:s9] =	ssyncset.done $0x0  }
0x13e: {  	[sflag:s9] =	ssyncadd.s32 $0xFFFF8000  }
0x13f: {  	[tilespmem:s10], [sflag:$0x1] =	stream.indirect.gather [hbm4b:s3+s7], $0x20, s15, s7, $0xb8;
	[tilespmem:$0x19F00] =	vst v63  }
0x140: {  	_ = 	snop  }
0x141: {  	[spmem:s2] =	stream.indirect.scatter.add.f32 [tilespmem:s8], [sflag:$0x3], $0x20, s16, s7, $0xb8;
	[tilespmem:$0x19F00] =	vst v63  }
0x142: {  	_ =	swait.ge [sflag:s5], $0x8000  }
0x143: {  	[sflag:s5] =	ssyncset.done $0x0  }
0x144: {  	[sflag:s5] =	ssyncadd.s32 $0xFFFF8000  }
0x145: {  	_ =	swait.ge [sflag:s11], $0x8000  }
0x146: {  	[sflag:s11] =	ssyncset.done $0x0  }
0x147: {  	[sflag:s11] =	ssyncadd.s32 $0xFFFF8000  }
0x148: {  	[tilespmem:s8], [sflag:$0x2] =	stream.indirect.gather [hbm4b:s3+s7], $0x20, s13, s7, $0xb8;
	[tilespmem:$0x19F00] =	vst v63  }
0x149: {  	_ = 	snop  }
0x14a: {  	[spmem:s2] =	stream.indirect.scatter.add.f32 [tilespmem:s10], [sflag:$0x3], $0x20, s14, s7, $0xb8;
	[tilespmem:$0x19F00] =	vst v63  }
0x14b: {  	_ =	swait.ge [sflag:s5], $0x8000  }
0x14c: {  	[sflag:s5] =	ssyncset.done $0x0  }
0x14d: {  	[sflag:s5] =	ssyncadd.s32 $0xFFFF8000  }
0x14e: {  	_ =	swait.ge [sflag:s9], $0x8000  }
0x14f: {  	[sflag:s9] =	ssyncset.done $0x0  }
0x150: {  	[sflag:s9] =	ssyncadd.s32 $0xFFFF8000  }
0x151: {  	[spmem:s2] =	stream.indirect.scatter.add.f32 [tilespmem:s8], [sflag:$0x3], $0x20, s12, s7, $0xb8;
	[tilespmem:$0x19F00] =	vst v63  }
0x152: {  	_ =	swait.ge [sflag:s5], $0x8000  }
0x153: {  	[sflag:s5] =	ssyncset.done $0x0  }
0x154: {  	[sflag:s5] =	ssyncadd.s32 $0xFFFF8000  }
0x155: {  	[bflag:$0x0] =	sbarrier.arrive $0xFFFF  }
0x156: {  	s30 =	rddreg [dreg:$0x6]  }
0x157: {  	[hbm:s30], [sflag:s4] =	dma.local [spmem:s6], $0x9E0  }
0x158: {  	_ =	swait.ge [sflag:s5], $0x9E0  }
0x159: {  	[sflag:s5] =	ssyncset.done $0x0  }
0x15a: {  	[sflag:s5] =	ssyncadd.s32 $0xFFFFF620  }
0x15b: {  	_ =	sfence.sel $0x180000  }
0x15c: {  	[bflag:$0x0] =	sbarrier.arrive $0xFFFF  }
0x15d: {  	_ =	strace $0x9000004A  }
0x15e: {  	s31 =	stileid.u32;
	[bflag:$0x2] =	sbarrier.arrive $0xFFFF  }
0x15f: {  	p0 =	sne.s32 s31, $0x0;
	s0 =	rddreg [dreg:$0x2]  }
0x160: {  	s0 =	sadd.s32 @!p0 $0x100000, s0  }
0x161: {  	[sflag:s0] =	ssyncadd.tile.s32 @!p0 $0x1;
	_ =	shalt  }
.Lfunc_end2:
_tile_overlayer_lowered:
.L_overlay_start_2:
0x162: {  	(tag) =	ssettag $0x2  }
0x163: {  	s0 =	rddreg [dreg:$0x0];
	s2 =	stileid.u32  }
0x164: {  	s1 =	rddreg [dreg:$0x1];
	p0 =	sne.s32 s2, $0x0  }
0x165: {  	s3 =	rddreg [dreg:$0x2];
	[bflag:$0x3] =	sbarrier.arrive $0xFFFF;
	s2 =	simm.s32 @!p0 $0x1C03  }
0x166: {  	[timem:s3], [sflag:s2] =	dma.local @!p0 [hbm:s0], s1  }
0x167: {  	s0 =	simm.s32 @!p0 $0x3  }
0x168: {  	_ =	swait.ge @!p0 [sflag:s0], s1  }
0x169: {  	s1 =	ssub.s32 @!p0 $0x0, s1;
	[sflag:s0] =	ssyncset.done @!p0 $0x0  }
0x16a: {  	[sflag:s0] =	ssyncadd.s32 @!p0 s1  }
0x16b: {  	[bflag:$0x3] =	sbarrier.arrive $0xFFFF  }
0x16c: {  	_ =	shalt  }

// kernel: kernel.19.cloned.1.call-start
scs
__scs_entry_jumppad:
0x0: {  	(pc) =	sbr.rel $0x88, $3  }
0x1: {  	(tag) =	ssettag $0x0;
	lr =	simm.s32 $0x1  }
0x2: {  	[smem:$0x3F90] =	sst lr;
	_ =	strace $0xD0000000  }
0x3: {  	_ = 	snop  }
0x4: {  	_ = 	snop  }
0x5: {  	_ = 	snop  }
0x6: {  	_ = 	snop  }
0x7: {  	_ = 	snop  }
__scs_overlays_trampoline_lowered:
0x8: {  	[smem:$0x3F9F] =	sst s0  }
0x9: {  	[smem:$0x3FA0] =	sst s1  }
0xa: {  	[smem:$0x3FA1] =	sst s2  }
0xb: {  	[smem:$0x3FA2] =	sst s3  }
0xc: {  	[smem:$0x3FA3] =	sst s4  }
0xd: {  	[smem:$0x3FA4] =	sst s5  }
0xe: {  	[smem:$0x3FA5] =	sst s6  }
0xf: {  	[smem:$0x3FA6] =	sst s7  }
0x10: {  	[smem:$0x3FA7] =	sst s8  }
0x11: {  	[smem:$0x3FA8] =	sst s9;
	s0 =	simm.s32 @!p0 $0x0  }
0x12: {  	s1 =	sld [smem:$0x3F8E];
	s0 =	simm.s32 @p0 $0x1  }
0x13: {  	[smem:$0x3FA9] =	sst s0;
	s0 =	simm.s32 @!p1 $0x0  }
0x14: {  	s2 =	sld [smem:$0x3F8D];
	s0 =	simm.s32 @p1 $0x1  }
0x15: {  	[smem:$0x3FAA] =	sst s0;
	s0 =	simm.s32 @!p2 $0x0  }
0x16: {  	s3 =	sld [smem:$0x3FDB];
	s0 =	simm.s32 @p2 $0x1  }
0x17: {  	s4 =	simm.s32 $0x1BF5;
	[smem:$0x3FAC] =	sst s0  }
0x18: {  	s0 =	sld [smem:$0x3F8F];
	_ =	swait.ge [sflag:s4], $0x0  }
0x19: {  	s7 =	sld [smem:$0x3F90]  }
0x1a: {  	s8 =	sadd.s32 $0xFFFFE003, lr  }
0x1b: {  	s9 =	sadd.s32 $0xFFFFFEF7, lr;
	s5 =	simm.s32 $0xFFFFFFFF;
	p2 =	slt.u32 s8, $0xFFFFF086  }
0x1c: {  	p1 =	slt.u32 s9, $0xF7A;
	s5 =	simm.s32 @!p2 $0x0  }
0x1d: {  	s5 =	simm.s32 @p1 $0x1;
	p0 =	seq.s32 s7, s2  }
0x1e: {  	s7 =	smul.u32 @!p0 $0xF7A, s2;
	p2 =	seq.s32 @!p0 s5, $0x0  }
0x1f: {  	s9 =	smul.u32 $0xF7A, s1;
	s8 =	simm.s32 @!p0 $0x1BF5;
	p2 =	por !p2, p0  }
0x20: {  	[sflag:s8] =	ssyncset.s32 @!p0 $0xFFFFF086;
	s6 =	sadd.s32 @!p0 s3, s7;
	s7 =	simm.s32 @!p0 $0x108  }
0x21: {  	s3 =	sadd.s32 s3, s9;
	s6 =	sadd.s32 @!p0 $0x88, s6;
	s7 =	simm.s32 @p2 $0x1082  }
0x22: {  	[simem:s7], [sflag:s8] =	dma.local @!p0 [hbm:s6], $0xF7A  }
0x23: {  	s9 =	sor.u32 $0xD0000000, s2;
	s6 =	simm.s32 $0x108;
	_ =	swait.ge @!p0 [sflag:s8], $0x0  }
0x24: {  	s3 =	sadd.s32 $0x88, s3;
	s6 =	simm.s32 @!p1 $0x1082;
	[sflag:s4] =	ssyncset.s32 $0xFFFFF086  }
0x25: {  	[simem:s6], [sflag:s4] =	dma.local [hbm:s3], $0xF7A  }
0x26: {  	[smem:$0x3F90] =	sst s1;
	(tag) =	ssettag s2;
	_ =	strace s9  }
0x27: {  	s1 =	sld [smem:$0x3FA0]  }
0x28: {  	s2 =	sld [smem:$0x3FA1]  }
0x29: {  	s4 =	sld [smem:$0x3FA3]  }
0x2a: {  	p0 =	seq.s32 s5, $0x0;
	s5 =	sld [smem:$0x3FA4]  }
0x2b: {  	s6 =	sld [smem:$0x3FA5]  }
0x2c: {  	s7 =	sld [smem:$0x3FA6]  }
0x2d: {  	s3 =	simm.s32 $0x108;
	s8 =	sld [smem:$0x3FA7]  }
0x2e: {  	s3 =	simm.s32 @!p0 $0x1082;
	s9 =	sld [smem:$0x3FA8]  }
0x2f: {  	lr =	sadd.s32 s0, s3;
	s0 =	sld [smem:$0x3F9F]  }
0x30: {  	s3 =	sld [smem:$0x3FA2]  }
0x31: {  	[smem:$0x3FAB] =	sst s10  }
0x32: {  	s10 =	sld [smem:$0x3FA9];
	_ =	sdelay $0x3  }
0x33: {  	p0 =	seq.s32 s10, $0x1;
	s10 =	sld [smem:$0x3FAB];
	_ =	sdelay $0x3  }
0x34: {  	[smem:$0x3FAB] =	sst s10  }
0x35: {  	s10 =	sld [smem:$0x3FAA];
	_ =	sdelay $0x3  }
0x36: {  	p1 =	seq.s32 s10, $0x1;
	s10 =	sld [smem:$0x3FAB];
	_ =	sdelay $0x3  }
0x37: {  	[smem:$0x3FAB] =	sst s10  }
0x38: {  	s10 =	sld [smem:$0x3FAC]  }
0x39: {  	_ = 	snop;
	(pc) =	sbr.ind lr, $3  }
0x3a: {  	_ = 	snop  }
0x3b: {  	_ = 	snop  }
0x3c: {  	p2 =	seq.s32 s10, $0x1;
	s10 =	sld [smem:$0x3FAB]  }
0x3d: {  	_ =	shalt  }
0x3e: {  	_ =	shalt  }
0x3f: {  	_ =	shalt  }
0x40: {  	_ =	shalt  }
0x41: {  	_ =	shalt  }
0x42: {  	_ =	shalt  }
0x43: {  	_ =	shalt  }
0x44: {  	_ =	shalt  }
0x45: {  	_ =	shalt  }
0x46: {  	_ =	shalt  }
0x47: {  	_ =	shalt  }
0x48: {  	_ =	shalt  }
0x49: {  	_ =	shalt  }
0x4a: {  	_ =	shalt  }
0x4b: {  	_ =	shalt  }
0x4c: {  	_ =	shalt  }
0x4d: {  	_ =	shalt  }
0x4e: {  	_ =	shalt  }
0x4f: {  	_ =	shalt  }
0x50: {  	_ =	shalt  }
0x51: {  	_ =	shalt  }
0x52: {  	_ =	shalt  }
0x53: {  	_ =	shalt  }
0x54: {  	_ =	shalt  }
0x55: {  	_ =	shalt  }
0x56: {  	_ =	shalt  }
0x57: {  	_ =	shalt  }
0x58: {  	_ =	shalt  }
0x59: {  	_ =	shalt  }
0x5a: {  	_ =	shalt  }
0x5b: {  	_ =	shalt  }
0x5c: {  	_ =	shalt  }
0x5d: {  	_ =	shalt  }
0x5e: {  	_ =	shalt  }
0x5f: {  	_ =	shalt  }
0x60: {  	_ =	shalt  }
0x61: {  	_ =	shalt  }
0x62: {  	_ =	shalt  }
0x63: {  	_ =	shalt  }
0x64: {  	_ =	shalt  }
0x65: {  	_ =	shalt  }
0x66: {  	_ =	shalt  }
0x67: {  	_ =	shalt  }
0x68: {  	_ =	shalt  }
0x69: {  	_ =	shalt  }
0x6a: {  	_ =	shalt  }
0x6b: {  	_ =	shalt  }
0x6c: {  	_ =	shalt  }
0x6d: {  	_ =	shalt  }
0x6e: {  	_ =	shalt  }
0x6f: {  	_ =	shalt  }
0x70: {  	_ =	shalt  }
0x71: {  	_ =	shalt  }
0x72: {  	_ =	shalt  }
0x73: {  	_ =	shalt  }
0x74: {  	_ =	shalt  }
0x75: {  	_ =	shalt  }
0x76: {  	_ =	shalt  }
0x77: {  	_ =	shalt  }
0x78: {  	_ =	shalt  }
0x79: {  	_ =	shalt  }
0x7a: {  	_ =	shalt  }
0x7b: {  	_ =	shalt  }
0x7c: {  	_ =	shalt  }
0x7d: {  	_ =	shalt  }
0x7e: {  	_ =	shalt  }
0x7f: {  	_ =	shalt  }
0x80: {  	_ =	shalt  }
0x81: {  	_ =	shalt  }
0x82: {  	_ =	shalt  }
0x83: {  	_ =	shalt  }
0x84: {  	_ =	shalt  }
0x85: {  	_ =	shalt  }
0x86: {  	_ =	shalt  }
0x87: {  	_ =	shalt  }
.Lfunc_end0:
.L_simem_size_0:
called_computation.2_lowered:
.L_overlay_start_0:
0x88: {  	s2 =	sld [smem:$0x3FD9]  }
0x89: {  	s3 =	sld [smem:$0x3FFE];
	_ =	sdelay $0x1  }
0x8a: {  	s1 =	srdreg.scid  }
0x8b: {  	s0 =	sand.u32 $0x1, s1  }
0x8c: {  	s16 =	sshll.u32 s0, $0xA;
	s2 =	sadd.s32 s3, s2  }
0x8d: {  	s2 =	sadd.s32 s2, s16  }
0x8e: {  	[smem:$0x3FB7] =	sst s2  }
0x8f: {  	_ = 	snop  }
0x90: {  	(tm) =	ssettm $0x1  }
0x91: {  	s17 =	sld [smem:$0x3FFB];
	_ =	sdelay $0x3  }
0x92: {  	_ =	strace s17  }
0x93: {  	s2 =	sld [smem:$0x3FFC];
	_ =	sdelay $0x3  }
0x94: {  	_ =	strace s2  }
0x95: {  	s2 =	sld [smem:$0x3FFD];
	_ =	sdelay $0x3  }
0x96: {  	_ =	strace s2  }
0x97: {  	_ =	strace $0x8FFFFFFF  }
0x98: {  	s18 =	sld [smem:$0x3FDB];
	_ =	sdelay $0x1  }
0x99: {  	s19 =	simm.s32 $_scs_section_size  }
0x9a: {  	s4 =	simm.s32 $_size__tile_overlayer_lowered;
	s5 =	simm.s32 $_tile_overlayer_lowered  }
0x9b: {  	s22 =	simm.s32 $0x1BFF;
	s21 =	sshll.u32 s5, $0x1;
	s2 =	sadd.s32 s19, s18  }
0x9c: {  	s6 =	simm.s32 $0x0;
	s20 =	sshll.u32 s4, $0x1;
	s4 =	sadd.s32 s21, s2  }
0x9d: {  	[timem:s6], [sflag:s22] =	dma.local [hbm:s4], s20  }
0x9e: {  	_ =	swait.ge [sflag:s22], s20  }
0x9f: {  	s3 =	ssub.s32 $0x0, s20;
	[sflag:s22] =	ssyncset.done $0x0  }
0xa0: {  	[sflag:s22] =	ssyncadd.s32 s3;
	_ =	sdelay $0x1  }
0xa1: {  	s23 =	simm.s32 $0x1B8B  }
0xa2: {  	_ =	swait.ge [sflag:s23], $0x1  }
0xa3: {  	[sflag:s23] =	ssyncset.done $0x0  }
0xa4: {  	s25 =	simm.s32 $0x1B8E;
	s24 =	sld [smem:$0x3FFE];
	[sflag:s23] =	ssyncadd.s32 $0xFFFFFFFF  }
0xa5: {  	s26 =	simm.s32 $execute0_lowered;
	[smem:$0x3FD2] =	sst s25  }
0xa6: {  	s4 =	sshll.u32 s26, $0x1;
	_ =	strace $0x8000004C;
	[dreg:$0x1] =	wrdreg $0xFFFFFFFF  }
0xa7: {  	s28 =	simm.s32 $_size_execute0_lowered;
	s2 =	sadd.s32 s2, s4;
	[dreg:$0x0] =	wrdreg $0x0  }
0xa8: {  	s4 =	sshll.u32 s28, $0x1;
	[dreg:$0x2] =	wrdreg s2  }
0xa9: {  	[dreg:$0x3] =	wrdreg s4  }
0xaa: {  	[dreg:$0x4] =	wrdreg $0xC0  }
0xab: {  	_ =	task [dreg:s6], $0x5FFFF  }
0xac: {  	[dreg:$0x1] =	wrdreg $0xFFFFFFFF  }
0xad: {  	[dreg:$0x0] =	wrdreg $0x60  }
0xae: {  	[dreg:$0x2] =	wrdreg s24  }
0xaf: {  	[dreg:$0x3] =	wrdreg $0x150000  }
0xb0: {  	[dreg:$0x4] =	wrdreg $0x9  }
0xb1: {  	_ =	task.clear_ibuf [dreg:s6], $0x5FFFF;
	_ =	strace $0x9000004C  }
0xb2: {  	s29 =	simm.s32 $0x9;
	_ =	strace $0x8000004E  }
0xb3: {  	_ =	swait.ge [sflag:s29], $0x1  }
0xb4: {  	[sflag:s29] =	ssyncadd.s32 $0xFFFFFFFF  }
0xb5: {  	_ =	strace $0x9000004E  }
0xb6: {  	_ =	sfence  }
0xb7: {  	s30 =	sld [smem:$0x0];
	_ =	sdelay $0x2  }
0xb8: {  	s31 =	sshll.u32 s1, $0xD;
	s1 =	sshrl.u32 s1, $0x2  }
0xb9: {  	s3 =	sand.u32 $0x4000, s31;
	s1 =	sadd.s32 s1, s30  }
0xba: {  	s0 =	sor.u32 s3, s0;
	s1 =	sshll.u32 s1, $0x11  }
0xbb: {  	s0 =	sor.u32 s1, s0  }
0xbc: {  	s0 =	sadd.s32 $0x8F2B, s0  }
0xbd: {  	[sflag:s0] =	ssyncadd.remote.s32 $0x1  }
0xbe: {  	_ =	sfence.sel $0xFFFF  }
0xbf: {  	[dreg:$0x0] =	wrdreg $0xFFFFFFFF;
	(pc) =	sbr.abs _section_cstart, $3  }
0xc0: {  	[dreg:$0x1] =	wrdreg $0xFFFFFFFF  }
0xc1: {  	_ =	task.clear_ibuf [dreg:s6], $0x2FFFF;
	_ =	strace $0x9FFFFFFF  }
0xc2: {  	(tm) =	ssettm $0x7FFFFFFF  }
0xc3: {  	_ =	shalt  }
tec
execute0_lowered:
.L_overlay_start_1:
0x0: {  	(tag) =	ssettag $0x1  }
0x1: {  	s0 =	rddreg [dreg:$0x0];
	s1 =	srdreg.scid  }
0x2: {  	s2 =	rddreg [dreg:$0x1];
	s8 =	stileid.u32;
	s19 =	simm.s32 $0x0  }
0x3: {  	s31 =	simm.s32 $0x2800;
	s10 =	simm.s32 $0x5000;
	s11 =	simm.s32 $0x1  }
0x4: {  	s9 =	simm.s32 $0x2;
	s29 =	simm.s32 $0x800;
	s30 =	simm.s32 $0x2C00  }
0x5: {  	s26 =	simm.s32 $0xC00;
	s28 =	simm.s32 $0x3000;
	s24 =	simm.s32 $0x1000  }
0x6: {  	s25 =	simm.s32 $0x3400;
	s22 =	simm.s32 $0x1400;
	s23 =	simm.s32 $0x3800  }
0x7: {  	s20 =	simm.s32 $0x1800;
	s21 =	simm.s32 $0x3C00;
	p0 =	por $0x0, $0x0  }
0x8: {  	s1 =	sand.u32 $0x1, s1;
	s4 =	smul.u32 $0x4F00, s8;
	[smem:$0x7FF] =	sst s19  }
0x9: {  	s16 =	sshll.u32 s8, $0x6;
	s3 =	sshll.u32 s1, $0x4;
	s5 =	smul.u32 $0x4F000, s1  }
0xa: {  	_ =	strace $0x8000004D;
	s1 =	ssub.s32 $0x2, s1;
	s3 =	sor.u32 s8, s3  }
0xb: {  	s6 =	sshrl.u32 s4, $0x3;
	s13 =	sshrl.u32 s1, $0x1;
	s17 =	sadd.s32 s4, s2  }
0xc: {  	s8 =	simm.s32 $0xD000;
	s7 =	smul.u32 $0x500, s3;
	s6 =	sadd.s32 s6, s0  }
0xd: {  	s5 =	sadd.s32 s4, s5;
	s3 =	sadd.s32 $0x3200, s0;
	s1 =	ssub.s32 s1, s13  }
0xe: {  	s4 =	sor.u32 $0x1C03, s16;
	s16 =	simm.s32 $0x4400;
	s13 =	simm.s32 $0x2400  }
0xf: {  	s5 =	sshrl.u32 s5, $0x3;
	s12 =	sadd.s32 $0x21000, s6;
	s18 =	smax.u32 s1, $0x1  }
0x10: {  	s6 =	sshrl.u32 s17, $0x3;
	s17 =	simm.s32 $0x1C00;
	s7 =	sadd.s32 s7, s0  }
0x11: {  	s0 =	sadd.s32 s5, s0;
	[dreg:$0x3] =	wrdreg s12;
	p1 =	sne.s32 s18, $0x1  }
.Ltmp0:
0x12: {  	s14 =	sadd.s32 $0x17000, s7;
	s1 =	rddreg [dreg:$0x3];
	(pc) =	sbr.rel @!p1 .LBB2_3-.Ltmp0, $4  }
0x13: {  	s5 =	simm.s32 $0x3;
	s15 =	sadd.s32 $0xD000, s7;
	[dreg:$0x4] =	wrdreg s14  }
0x14: {  	s12 =	simm.s32 $0x4C00;
	s0 =	sadd.s32 $0x2AE00, s0;
	[dreg:$0x5] =	wrdreg s15  }
0x15: {  	s7 =	simm.s32 $0x400;
	[dreg:$0x6] =	wrdreg s0;
	s0 =	sadd.s32 $0xFFFFFFFF, s18  }
0x16: {  	s18 =	simm.s32 $0x4000;
	s15 =	simm.s32 $0x2000;
	s14 =	simm.s32 $0x4800  }
0x17: {  	[spmem:s6], [sflag:s4] =	dma.local [hbm:s1], $0x9E0  }
0x18: {  	_ =	swait.ge [sflag:s5], $0x9E0  }
0x19: {  	[sflag:s5] =	ssyncset.done $0x0  }
0x1a: {  	s1 =	rddreg [dreg:$0x4];
	[sflag:s5] =	ssyncadd.s32 $0xFFFFF620  }
0x1b: {  	[tilespmem:s19], [sflag:$0x3] =	stream.linear.gather [hbm4b:s1+s19], $0x2800, $0x38;
	[tilespmem:$0x19F00] =	vst v63  }
0x1c: {  	_ =	swait.ge [sflag:s5], $0x2800  }
0x1d: {  	[sflag:s5] =	ssyncset.done $0x0  }
0x1e: {  	s1 =	rddreg [dreg:$0x5];
	[sflag:s5] =	ssyncadd.s32 $0xFFFFD800  }
0x1f: {  	[tilespmem:s31], [sflag:$0x3] =	stream.linear.gather [hbm4b:s1+s19], $0x2800, $0x38;
	[tilespmem:$0x19F00] =	vst v63  }
0x20: {  	_ =	swait.ge [sflag:s5], $0x2800  }
0x21: {  	[sflag:s5] =	ssyncset.done $0x0  }
0x22: {  	[sflag:s5] =	ssyncadd.s32 $0xFFFFD800  }
0x23: {  	[bflag:$0x0] =	sbarrier.arrive $0xFFFF  }
0x24: {  	[tilespmem:s10], [sflag:$0x1] =	stream.indirect.gather [hbm4b:s3+s7], $0x20, s19, s7, $0xb8;
	[tilespmem:$0x19F00] =	vst v63  }
0x25: {  	_ =	swait.ge [sflag:s11], $0x8000  }
0x26: {  	[sflag:s11] =	ssyncset.done $0x0  }
0x27: {  	[sflag:s11] =	ssyncadd.s32 $0xFFFF8000  }
0x28: {  	[tilespmem:s8], [sflag:$0x2] =	stream.indirect.gather [hbm4b:s3+s7], $0x20, s7, s7, $0xb8;
	[tilespmem:$0x19F00] =	vst v63  }
0x29: {  	_ = 	snop  }
0x2a: {  	[spmem:s2] =	stream.indirect.scatter.add.f32 [tilespmem:s10], [sflag:$0x3], $0x20, s31, s7, $0xb8;
	[tilespmem:$0x19F00] =	vst v63  }
0x2b: {  	_ =	swait.ge [sflag:s5], $0x8000  }
0x2c: {  	[sflag:s5] =	ssyncset.done $0x0  }
0x2d: {  	[sflag:s5] =	ssyncadd.s32 $0xFFFF8000  }
0x2e: {  	_ =	swait.ge [sflag:s9], $0x8000  }
0x2f: {  	[sflag:s9] =	ssyncset.done $0x0  }
0x30: {  	[sflag:s9] =	ssyncadd.s32 $0xFFFF8000  }
0x31: {  	[tilespmem:s10], [sflag:$0x1] =	stream.indirect.gather [hbm4b:s3+s7], $0x20, s29, s7, $0xb8;
	[tilespmem:$0x19F00] =	vst v63  }
0x32: {  	_ = 	snop  }
0x33: {  	[spmem:s2] =	stream.indirect.scatter.add.f32 [tilespmem:s8], [sflag:$0x3], $0x20, s30, s7, $0xb8;
	[tilespmem:$0x19F00] =	vst v63  }
0x34: {  	_ =	swait.ge [sflag:s5], $0x8000  }
0x35: {  	[sflag:s5] =	ssyncset.done $0x0  }
0x36: {  	[sflag:s5] =	ssyncadd.s32 $0xFFFF8000  }
0x37: {  	_ =	swait.ge [sflag:s11], $0x8000  }
0x38: {  	[sflag:s11] =	ssyncset.done $0x0  }
0x39: {  	[sflag:s11] =	ssyncadd.s32 $0xFFFF8000  }
0x3a: {  	[tilespmem:s8], [sflag:$0x2] =	stream.indirect.gather [hbm4b:s3+s7], $0x20, s26, s7, $0xb8;
	[tilespmem:$0x19F00] =	vst v63  }
0x3b: {  	_ = 	snop  }
0x3c: {  	[spmem:s2] =	stream.indirect.scatter.add.f32 [tilespmem:s10], [sflag:$0x3], $0x20, s28, s7, $0xb8;
	[tilespmem:$0x19F00] =	vst v63  }
0x3d: {  	_ =	swait.ge [sflag:s5], $0x8000  }
0x3e: {  	[sflag:s5] =	ssyncset.done $0x0  }
0x3f: {  	[sflag:s5] =	ssyncadd.s32 $0xFFFF8000  }
0x40: {  	_ =	swait.ge [sflag:s9], $0x8000  }
0x41: {  	[sflag:s9] =	ssyncset.done $0x0  }
0x42: {  	[sflag:s9] =	ssyncadd.s32 $0xFFFF8000  }
0x43: {  	[tilespmem:s10], [sflag:$0x1] =	stream.indirect.gather [hbm4b:s3+s7], $0x20, s24, s7, $0xb8;
	[tilespmem:$0x19F00] =	vst v63  }
0x44: {  	_ = 	snop  }
0x45: {  	[spmem:s2] =	stream.indirect.scatter.add.f32 [tilespmem:s8], [sflag:$0x3], $0x20, s25, s7, $0xb8;
	[tilespmem:$0x19F00] =	vst v63  }
0x46: {  	_ =	swait.ge [sflag:s5], $0x8000  }
0x47: {  	[sflag:s5] =	ssyncset.done $0x0  }
0x48: {  	[sflag:s5] =	ssyncadd.s32 $0xFFFF8000  }
0x49: {  	_ =	swait.ge [sflag:s11], $0x8000  }
0x4a: {  	[sflag:s11] =	ssyncset.done $0x0  }
0x4b: {  	[sflag:s11] =	ssyncadd.s32 $0xFFFF8000  }
0x4c: {  	[tilespmem:s8], [sflag:$0x2] =	stream.indirect.gather [hbm4b:s3+s7], $0x20, s22, s7, $0xb8;
	[tilespmem:$0x19F00] =	vst v63  }
0x4d: {  	_ = 	snop  }
0x4e: {  	[spmem:s2] =	stream.indirect.scatter.add.f32 [tilespmem:s10], [sflag:$0x3], $0x20, s23, s7, $0xb8;
	[tilespmem:$0x19F00] =	vst v63  }
0x4f: {  	_ =	swait.ge [sflag:s5], $0x8000  }
0x50: {  	[sflag:s5] =	ssyncset.done $0x0  }
0x51: {  	[sflag:s5] =	ssyncadd.s32 $0xFFFF8000  }
0x52: {  	_ =	swait.ge [sflag:s9], $0x8000  }
0x53: {  	[sflag:s9] =	ssyncset.done $0x0  }
0x54: {  	[sflag:s9] =	ssyncadd.s32 $0xFFFF8000  }
0x55: {  	[tilespmem:s10], [sflag:$0x1] =	stream.indirect.gather [hbm4b:s3+s7], $0x20, s20, s7, $0xb8;
	[tilespmem:$0x19F00] =	vst v63  }
0x56: {  	_ = 	snop  }
0x57: {  	[spmem:s2] =	stream.indirect.scatter.add.f32 [tilespmem:s8], [sflag:$0x3], $0x20, s21, s7, $0xb8;
	[tilespmem:$0x19F00] =	vst v63  }
0x58: {  	_ =	swait.ge [sflag:s5], $0x8000  }
0x59: {  	[sflag:s5] =	ssyncset.done $0x0  }
0x5a: {  	[sflag:s5] =	ssyncadd.s32 $0xFFFF8000  }
0x5b: {  	_ =	swait.ge [sflag:s11], $0x8000  }
0x5c: {  	[sflag:s11] =	ssyncset.done $0x0  }
0x5d: {  	[sflag:s11] =	ssyncadd.s32 $0xFFFF8000  }
0x5e: {  	[tilespmem:s8], [sflag:$0x2] =	stream.indirect.gather [hbm4b:s3+s7], $0x20, s17, s7, $0xb8;
	[tilespmem:$0x19F00] =	vst v63  }
0x5f: {  	_ = 	snop  }
0x60: {  	[spmem:s2] =	stream.indirect.scatter.add.f32 [tilespmem:s10], [sflag:$0x3], $0x20, s18, s7, $0xb8;
	[tilespmem:$0x19F00] =	vst v63  }
0x61: {  	_ =	swait.ge [sflag:s5], $0x8000  }
0x62: {  	[sflag:s5] =	ssyncset.done $0x0  }
0x63: {  	[sflag:s5] =	ssyncadd.s32 $0xFFFF8000  }
0x64: {  	_ =	swait.ge [sflag:s9], $0x8000  }
0x65: {  	[sflag:s9] =	ssyncset.done $0x0  }
0x66: {  	[sflag:s9] =	ssyncadd.s32 $0xFFFF8000  }
0x67: {  	[tilespmem:s10], [sflag:$0x1] =	stream.indirect.gather [hbm4b:s3+s7], $0x20, s15, s7, $0xb8;
	[tilespmem:$0x19F00] =	vst v63  }
0x68: {  	_ = 	snop  }
0x69: {  	[spmem:s2] =	stream.indirect.scatter.add.f32 [tilespmem:s8], [sflag:$0x3], $0x20, s16, s7, $0xb8;
	[tilespmem:$0x19F00] =	vst v63  }
0x6a: {  	_ =	swait.ge [sflag:s5], $0x8000  }
0x6b: {  	[sflag:s5] =	ssyncset.done $0x0  }
0x6c: {  	[sflag:s5] =	ssyncadd.s32 $0xFFFF8000  }
0x6d: {  	_ =	swait.ge [sflag:s11], $0x8000  }
0x6e: {  	[sflag:s11] =	ssyncset.done $0x0  }
0x6f: {  	[sflag:s11] =	ssyncadd.s32 $0xFFFF8000  }
0x70: {  	[tilespmem:s8], [sflag:$0x2] =	stream.indirect.gather [hbm4b:s3+s7], $0x20, s13, s7, $0xb8;
	[tilespmem:$0x19F00] =	vst v63  }
0x71: {  	_ = 	snop  }
0x72: {  	[spmem:s2] =	stream.indirect.scatter.add.f32 [tilespmem:s10], [sflag:$0x3], $0x20, s14, s7, $0xb8;
	[tilespmem:$0x19F00] =	vst v63  }
0x73: {  	_ =	swait.ge [sflag:s5], $0x8000  }
0x74: {  	[sflag:s5] =	ssyncset.done $0x0  }
0x75: {  	[sflag:s5] =	ssyncadd.s32 $0xFFFF8000  }
0x76: {  	_ =	swait.ge [sflag:s9], $0x8000  }
0x77: {  	[sflag:s9] =	ssyncset.done $0x0  }
0x78: {  	[sflag:s9] =	ssyncadd.s32 $0xFFFF8000  }
0x79: {  	[spmem:s2] =	stream.indirect.scatter.add.f32 [tilespmem:s8], [sflag:$0x3], $0x20, s12, s7, $0xb8;
	[tilespmem:$0x19F00] =	vst v63  }
0x7a: {  	_ =	swait.ge [sflag:s5], $0x8000  }
0x7b: {  	[sflag:s5] =	ssyncset.done $0x0  }
0x7c: {  	p1 =	sne.s32 s0, $0x1;
	[sflag:s5] =	ssyncadd.s32 $0xFFFF8000  }
.Ltmp1:
0x7d: {  	[bflag:$0x0] =	sbarrier.arrive $0xFFFF;
	(pc) =	sbr.rel @!p1 .LBB2_3-.Ltmp1, $4  }
0x7e: {  	s1 =	rddreg [dreg:$0x6]  }
0x7f: {  	[hbm:s1], [sflag:s4] =	dma.local [spmem:s6], $0x9E0  }
0x80: {  	s0 =	sadd.s32 $0xFFFFFFFF, s0;
	_ =	swait.ge [sflag:s5], $0x9E0  }
0x81: {  	p0 =	por $0x1, $0x1;
	s1 =	rddreg [dreg:$0x3];
	[sflag:s5] =	ssyncset.done $0x0  }
.LBB2_2:
0x82: {  	[sflag:s5] =	ssyncadd.s32 $0xFFFFF620  }
0x83: {  	[spmem:s6], [sflag:s4] =	dma.local [hbm:s1], $0x9E0  }
0x84: {  	_ =	swait.ge [sflag:s5], $0x9E0  }
0x85: {  	[sflag:s5] =	ssyncset.done $0x0  }
0x86: {  	s1 =	rddreg [dreg:$0x4];
	[sflag:s5] =	ssyncadd.s32 $0xFFFFF620  }
0x87: {  	[tilespmem:s19], [sflag:$0x3] =	stream.linear.gather [hbm4b:s1+s19], $0x2800, $0x38;
	[tilespmem:$0x19F00] =	vst v63  }
0x88: {  	_ =	swait.ge [sflag:s5], $0x2800  }
0x89: {  	[sflag:s5] =	ssyncset.done $0x0  }
0x8a: {  	s1 =	rddreg [dreg:$0x5];
	[sflag:s5] =	ssyncadd.s32 $0xFFFFD800  }
0x8b: {  	[tilespmem:s31], [sflag:$0x3] =	stream.linear.gather [hbm4b:s1+s19], $0x2800, $0x38;
	[tilespmem:$0x19F00] =	vst v63  }
0x8c: {  	_ =	swait.ge [sflag:s5], $0x2800  }
0x8d: {  	[sflag:s5] =	ssyncset.done $0x0  }
0x8e: {  	[sflag:s5] =	ssyncadd.s32 $0xFFFFD800  }
0x8f: {  	[bflag:$0x0] =	sbarrier.arrive $0xFFFF  }
0x90: {  	[tilespmem:s10], [sflag:$0x1] =	stream.indirect.gather [hbm4b:s3+s7], $0x20, s19, s7, $0xb8;
	[tilespmem:$0x19F00] =	vst v63  }
0x91: {  	_ =	swait.ge [sflag:s11], $0x8000  }
0x92: {  	[sflag:s11] =	ssyncset.done $0x0  }
0x93: {  	[sflag:s11] =	ssyncadd.s32 $0xFFFF8000  }
0x94: {  	[tilespmem:s8], [sflag:$0x2] =	stream.indirect.gather [hbm4b:s3+s7], $0x20, s7, s7, $0xb8;
	[tilespmem:$0x19F00] =	vst v63  }
0x95: {  	_ = 	snop  }
0x96: {  	[spmem:s2] =	stream.indirect.scatter.add.f32 [tilespmem:s10], [sflag:$0x3], $0x20, s31, s7, $0xb8;
	[tilespmem:$0x19F00] =	vst v63  }
0x97: {  	_ =	swait.ge [sflag:s5], $0x8000  }
0x98: {  	[sflag:s5] =	ssyncset.done $0x0  }
0x99: {  	[sflag:s5] =	ssyncadd.s32 $0xFFFF8000  }
0x9a: {  	_ =	swait.ge [sflag:s9], $0x8000  }
0x9b: {  	[sflag:s9] =	ssyncset.done $0x0  }
0x9c: {  	[sflag:s9] =	ssyncadd.s32 $0xFFFF8000  }
0x9d: {  	[tilespmem:s10], [sflag:$0x1] =	stream.indirect.gather [hbm4b:s3+s7], $0x20, s29, s7, $0xb8;
	[tilespmem:$0x19F00] =	vst v63  }
0x9e: {  	_ = 	snop  }
0x9f: {  	[spmem:s2] =	stream.indirect.scatter.add.f32 [tilespmem:s8], [sflag:$0x3], $0x20, s30, s7, $0xb8;
	[tilespmem:$0x19F00] =	vst v63  }
0xa0: {  	_ =	swait.ge [sflag:s5], $0x8000  }
0xa1: {  	[sflag:s5] =	ssyncset.done $0x0  }
0xa2: {  	[sflag:s5] =	ssyncadd.s32 $0xFFFF8000  }
0xa3: {  	_ =	swait.ge [sflag:s11], $0x8000  }
0xa4: {  	[sflag:s11] =	ssyncset.done $0x0  }
0xa5: {  	[sflag:s11] =	ssyncadd.s32 $0xFFFF8000  }
0xa6: {  	[tilespmem:s8], [sflag:$0x2] =	stream.indirect.gather [hbm4b:s3+s7], $0x20, s26, s7, $0xb8;
	[tilespmem:$0x19F00] =	vst v63  }
0xa7: {  	_ = 	snop  }
0xa8: {  	[spmem:s2] =	stream.indirect.scatter.add.f32 [tilespmem:s10], [sflag:$0x3], $0x20, s28, s7, $0xb8;
	[tilespmem:$0x19F00] =	vst v63  }
0xa9: {  	_ =	swait.ge [sflag:s5], $0x8000  }
0xaa: {  	[sflag:s5] =	ssyncset.done $0x0  }
0xab: {  	[sflag:s5] =	ssyncadd.s32 $0xFFFF8000  }
0xac: {  	_ =	swait.ge [sflag:s9], $0x8000  }
0xad: {  	[sflag:s9] =	ssyncset.done $0x0  }
0xae: {  	[sflag:s9] =	ssyncadd.s32 $0xFFFF8000  }
0xaf: {  	[tilespmem:s10], [sflag:$0x1] =	stream.indirect.gather [hbm4b:s3+s7], $0x20, s24, s7, $0xb8;
	[tilespmem:$0x19F00] =	vst v63  }
0xb0: {  	_ = 	snop  }
0xb1: {  	[spmem:s2] =	stream.indirect.scatter.add.f32 [tilespmem:s8], [sflag:$0x3], $0x20, s25, s7, $0xb8;
	[tilespmem:$0x19F00] =	vst v63  }
0xb2: {  	_ =	swait.ge [sflag:s5], $0x8000  }
0xb3: {  	[sflag:s5] =	ssyncset.done $0x0  }
0xb4: {  	[sflag:s5] =	ssyncadd.s32 $0xFFFF8000  }
0xb5: {  	_ =	swait.ge [sflag:s11], $0x8000  }
0xb6: {  	[sflag:s11] =	ssyncset.done $0x0  }
0xb7: {  	[sflag:s11] =	ssyncadd.s32 $0xFFFF8000  }
0xb8: {  	[tilespmem:s8], [sflag:$0x2] =	stream.indirect.gather [hbm4b:s3+s7], $0x20, s22, s7, $0xb8;
	[tilespmem:$0x19F00] =	vst v63  }
0xb9: {  	_ = 	snop  }
0xba: {  	[spmem:s2] =	stream.indirect.scatter.add.f32 [tilespmem:s10], [sflag:$0x3], $0x20, s23, s7, $0xb8;
	[tilespmem:$0x19F00] =	vst v63  }
0xbb: {  	_ =	swait.ge [sflag:s5], $0x8000  }
0xbc: {  	[sflag:s5] =	ssyncset.done $0x0  }
0xbd: {  	[sflag:s5] =	ssyncadd.s32 $0xFFFF8000  }
0xbe: {  	_ =	swait.ge [sflag:s9], $0x8000  }
0xbf: {  	[sflag:s9] =	ssyncset.done $0x0  }
0xc0: {  	[sflag:s9] =	ssyncadd.s32 $0xFFFF8000  }
0xc1: {  	[tilespmem:s10], [sflag:$0x1] =	stream.indirect.gather [hbm4b:s3+s7], $0x20, s20, s7, $0xb8;
	[tilespmem:$0x19F00] =	vst v63  }
0xc2: {  	_ = 	snop  }
0xc3: {  	[spmem:s2] =	stream.indirect.scatter.add.f32 [tilespmem:s8], [sflag:$0x3], $0x20, s21, s7, $0xb8;
	[tilespmem:$0x19F00] =	vst v63  }
0xc4: {  	_ =	swait.ge [sflag:s5], $0x8000  }
0xc5: {  	[sflag:s5] =	ssyncset.done $0x0  }
0xc6: {  	[sflag:s5] =	ssyncadd.s32 $0xFFFF8000  }
0xc7: {  	_ =	swait.ge [sflag:s11], $0x8000  }
0xc8: {  	[sflag:s11] =	ssyncset.done $0x0  }
0xc9: {  	[sflag:s11] =	ssyncadd.s32 $0xFFFF8000  }
0xca: {  	[tilespmem:s8], [sflag:$0x2] =	stream.indirect.gather [hbm4b:s3+s7], $0x20, s17, s7, $0xb8;
	[tilespmem:$0x19F00] =	vst v63  }
0xcb: {  	_ = 	snop  }
0xcc: {  	[spmem:s2] =	stream.indirect.scatter.add.f32 [tilespmem:s10], [sflag:$0x3], $0x20, s18, s7, $0xb8;
	[tilespmem:$0x19F00] =	vst v63  }
0xcd: {  	_ =	swait.ge [sflag:s5], $0x8000  }
0xce: {  	[sflag:s5] =	ssyncset.done $0x0  }
0xcf: {  	[sflag:s5] =	ssyncadd.s32 $0xFFFF8000  }
0xd0: {  	_ =	swait.ge [sflag:s9], $0x8000  }
0xd1: {  	[sflag:s9] =	ssyncset.done $0x0  }
0xd2: {  	[sflag:s9] =	ssyncadd.s32 $0xFFFF8000  }
0xd3: {  	[tilespmem:s10], [sflag:$0x1] =	stream.indirect.gather [hbm4b:s3+s7], $0x20, s15, s7, $0xb8;
	[tilespmem:$0x19F00] =	vst v63  }
0xd4: {  	_ = 	snop  }
0xd5: {  	[spmem:s2] =	stream.indirect.scatter.add.f32 [tilespmem:s8], [sflag:$0x3], $0x20, s16, s7, $0xb8;
	[tilespmem:$0x19F00] =	vst v63  }
0xd6: {  	_ =	swait.ge [sflag:s5], $0x8000  }
0xd7: {  	[sflag:s5] =	ssyncset.done $0x0  }
0xd8: {  	[sflag:s5] =	ssyncadd.s32 $0xFFFF8000  }
0xd9: {  	_ =	swait.ge [sflag:s11], $0x8000  }
0xda: {  	[sflag:s11] =	ssyncset.done $0x0  }
0xdb: {  	[sflag:s11] =	ssyncadd.s32 $0xFFFF8000  }
0xdc: {  	[tilespmem:s8], [sflag:$0x2] =	stream.indirect.gather [hbm4b:s3+s7], $0x20, s13, s7, $0xb8;
	[tilespmem:$0x19F00] =	vst v63  }
0xdd: {  	_ = 	snop  }
0xde: {  	[spmem:s2] =	stream.indirect.scatter.add.f32 [tilespmem:s10], [sflag:$0x3], $0x20, s14, s7, $0xb8;
	[tilespmem:$0x19F00] =	vst v63  }
0xdf: {  	_ =	swait.ge [sflag:s5], $0x8000  }
0xe0: {  	[sflag:s5] =	ssyncset.done $0x0  }
0xe1: {  	[sflag:s5] =	ssyncadd.s32 $0xFFFF8000  }
0xe2: {  	_ =	swait.ge [sflag:s9], $0x8000  }
0xe3: {  	[sflag:s9] =	ssyncset.done $0x0  }
0xe4: {  	[sflag:s9] =	ssyncadd.s32 $0xFFFF8000  }
0xe5: {  	[spmem:s2] =	stream.indirect.scatter.add.f32 [tilespmem:s8], [sflag:$0x3], $0x20, s12, s7, $0xb8;
	[tilespmem:$0x19F00] =	vst v63  }
0xe6: {  	_ =	swait.ge [sflag:s5], $0x8000  }
0xe7: {  	[sflag:s5] =	ssyncset.done $0x0  }
0xe8: {  	p1 =	sne.s32 s0, $0x1;
	[sflag:s5] =	ssyncadd.s32 $0xFFFF8000  }
.Ltmp2:
0xe9: {  	[bflag:$0x0] =	sbarrier.arrive $0xFFFF;
	(pc) =	sbr.rel @p1 .LBB2_2-.Ltmp2, $4  }
0xea: {  	s1 =	rddreg [dreg:$0x6]  }
0xeb: {  	[hbm:s1], [sflag:s4] =	dma.local [spmem:s6], $0x9E0  }
0xec: {  	_ =	swait.ge [sflag:s5], $0x9E0  }
0xed: {  	s0 =	sadd.s32 $0xFFFFFFFF, s0;
	s1 =	rddreg [dreg:$0x3];
	[sflag:s5] =	ssyncset.done $0x0  }
.LBB2_3:
0xee: {  	[sflag:s5] =	ssyncadd.s32 @p0 $0xFFFFF620  }
0xef: {  	[spmem:s6], [sflag:s4] =	dma.local [hbm:s1], $0x9E0  }
0xf0: {  	_ =	swait.ge [sflag:s5], $0x9E0  }
0xf1: {  	[sflag:s5] =	ssyncset.done $0x0  }
0xf2: {  	s0 =	rddreg [dreg:$0x4];
	[sflag:s5] =	ssyncadd.s32 $0xFFFFF620  }
0xf3: {  	[tilespmem:s19], [sflag:$0x3] =	stream.linear.gather [hbm4b:s0+s19], $0x2800, $0x38;
	[tilespmem:$0x19F00] =	vst v63  }
0xf4: {  	_ =	swait.ge [sflag:s5], $0x2800  }
0xf5: {  	[sflag:s5] =	ssyncset.done $0x0  }
0xf6: {  	s1 =	rddreg [dreg:$0x5];
	[sflag:s5] =	ssyncadd.s32 $0xFFFFD800  }
0xf7: {  	[tilespmem:s31], [sflag:$0x3] =	stream.linear.gather [hbm4b:s1+s19], $0x2800, $0x38;
	[tilespmem:$0x19F00] =	vst v63  }
0xf8: {  	_ =	swait.ge [sflag:s5], $0x2800  }
0xf9: {  	[sflag:s5] =	ssyncset.done $0x0  }
0xfa: {  	[sflag:s5] =	ssyncadd.s32 $0xFFFFD800  }
0xfb: {  	[bflag:$0x0] =	sbarrier.arrive $0xFFFF  }
0xfc: {  	[tilespmem:s10], [sflag:$0x1] =	stream.indirect.gather [hbm4b:s3+s7], $0x20, s19, s7, $0xb8;
	[tilespmem:$0x19F00] =	vst v63  }
0xfd: {  	_ =	swait.ge [sflag:s11], $0x8000  }
0xfe: {  	[sflag:s11] =	ssyncset.done $0x0  }
0xff: {  	[sflag:s11] =	ssyncadd.s32 $0xFFFF8000  }
0x100: {  	[tilespmem:s8], [sflag:$0x2] =	stream.indirect.gather [hbm4b:s3+s7], $0x20, s7, s7, $0xb8;
	[tilespmem:$0x19F00] =	vst v63  }
0x101: {  	_ = 	snop  }
0x102: {  	[spmem:s2] =	stream.indirect.scatter.add.f32 [tilespmem:s10], [sflag:$0x3], $0x20, s31, s7, $0xb8;
	[tilespmem:$0x19F00] =	vst v63  }
0x103: {  	_ =	swait.ge [sflag:s5], $0x8000  }
0x104: {  	[sflag:s5] =	ssyncset.done $0x0  }
0x105: {  	[sflag:s5] =	ssyncadd.s32 $0xFFFF8000  }
0x106: {  	_ =	swait.ge [sflag:s9], $0x8000  }
0x107: {  	[sflag:s9] =	ssyncset.done $0x0  }
0x108: {  	[sflag:s9] =	ssyncadd.s32 $0xFFFF8000  }
0x109: {  	[tilespmem:s10], [sflag:$0x1] =	stream.indirect.gather [hbm4b:s3+s7], $0x20, s29, s7, $0xb8;
	[tilespmem:$0x19F00] =	vst v63  }
0x10a: {  	_ = 	snop  }
0x10b: {  	[spmem:s2] =	stream.indirect.scatter.add.f32 [tilespmem:s8], [sflag:$0x3], $0x20, s30, s7, $0xb8;
	[tilespmem:$0x19F00] =	vst v63  }
0x10c: {  	_ =	swait.ge [sflag:s5], $0x8000  }
0x10d: {  	[sflag:s5] =	ssyncset.done $0x0  }
0x10e: {  	[sflag:s5] =	ssyncadd.s32 $0xFFFF8000  }
0x10f: {  	_ =	swait.ge [sflag:s11], $0x8000  }
0x110: {  	[sflag:s11] =	ssyncset.done $0x0  }
0x111: {  	[sflag:s11] =	ssyncadd.s32 $0xFFFF8000  }
0x112: {  	[tilespmem:s8], [sflag:$0x2] =	stream.indirect.gather [hbm4b:s3+s7], $0x20, s26, s7, $0xb8;
	[tilespmem:$0x19F00] =	vst v63  }
0x113: {  	_ = 	snop  }
0x114: {  	[spmem:s2] =	stream.indirect.scatter.add.f32 [tilespmem:s10], [sflag:$0x3], $0x20, s28, s7, $0xb8;
	[tilespmem:$0x19F00] =	vst v63  }
0x115: {  	_ =	swait.ge [sflag:s5], $0x8000  }
0x116: {  	[sflag:s5] =	ssyncset.done $0x0  }
0x117: {  	[sflag:s5] =	ssyncadd.s32 $0xFFFF8000  }
0x118: {  	_ =	swait.ge [sflag:s9], $0x8000  }
0x119: {  	[sflag:s9] =	ssyncset.done $0x0  }
0x11a: {  	[sflag:s9] =	ssyncadd.s32 $0xFFFF8000  }
0x11b: {  	[tilespmem:s10], [sflag:$0x1] =	stream.indirect.gather [hbm4b:s3+s7], $0x20, s24, s7, $0xb8;
	[tilespmem:$0x19F00] =	vst v63  }
0x11c: {  	_ = 	snop  }
0x11d: {  	[spmem:s2] =	stream.indirect.scatter.add.f32 [tilespmem:s8], [sflag:$0x3], $0x20, s25, s7, $0xb8;
	[tilespmem:$0x19F00] =	vst v63  }
0x11e: {  	_ =	swait.ge [sflag:s5], $0x8000  }
0x11f: {  	[sflag:s5] =	ssyncset.done $0x0  }
0x120: {  	[sflag:s5] =	ssyncadd.s32 $0xFFFF8000  }
0x121: {  	_ =	swait.ge [sflag:s11], $0x8000  }
0x122: {  	[sflag:s11] =	ssyncset.done $0x0  }
0x123: {  	[sflag:s11] =	ssyncadd.s32 $0xFFFF8000  }
0x124: {  	[tilespmem:s8], [sflag:$0x2] =	stream.indirect.gather [hbm4b:s3+s7], $0x20, s22, s7, $0xb8;
	[tilespmem:$0x19F00] =	vst v63  }
0x125: {  	_ = 	snop  }
0x126: {  	[spmem:s2] =	stream.indirect.scatter.add.f32 [tilespmem:s10], [sflag:$0x3], $0x20, s23, s7, $0xb8;
	[tilespmem:$0x19F00] =	vst v63  }
0x127: {  	_ =	swait.ge [sflag:s5], $0x8000  }
0x128: {  	[sflag:s5] =	ssyncset.done $0x0  }
0x129: {  	[sflag:s5] =	ssyncadd.s32 $0xFFFF8000  }
0x12a: {  	_ =	swait.ge [sflag:s9], $0x8000  }
0x12b: {  	[sflag:s9] =	ssyncset.done $0x0  }
0x12c: {  	[sflag:s9] =	ssyncadd.s32 $0xFFFF8000  }
0x12d: {  	[tilespmem:s10], [sflag:$0x1] =	stream.indirect.gather [hbm4b:s3+s7], $0x20, s20, s7, $0xb8;
	[tilespmem:$0x19F00] =	vst v63  }
0x12e: {  	_ = 	snop  }
0x12f: {  	[spmem:s2] =	stream.indirect.scatter.add.f32 [tilespmem:s8], [sflag:$0x3], $0x20, s21, s7, $0xb8;
	[tilespmem:$0x19F00] =	vst v63  }
0x130: {  	_ =	swait.ge [sflag:s5], $0x8000  }
0x131: {  	[sflag:s5] =	ssyncset.done $0x0  }
0x132: {  	[sflag:s5] =	ssyncadd.s32 $0xFFFF8000  }
0x133: {  	_ =	swait.ge [sflag:s11], $0x8000  }
0x134: {  	[sflag:s11] =	ssyncset.done $0x0  }
0x135: {  	[sflag:s11] =	ssyncadd.s32 $0xFFFF8000  }
0x136: {  	[tilespmem:s8], [sflag:$0x2] =	stream.indirect.gather [hbm4b:s3+s7], $0x20, s17, s7, $0xb8;
	[tilespmem:$0x19F00] =	vst v63  }
0x137: {  	_ = 	snop  }
0x138: {  	[spmem:s2] =	stream.indirect.scatter.add.f32 [tilespmem:s10], [sflag:$0x3], $0x20, s18, s7, $0xb8;
	[tilespmem:$0x19F00] =	vst v63  }
0x139: {  	_ =	swait.ge [sflag:s5], $0x8000  }
0x13a: {  	[sflag:s5] =	ssyncset.done $0x0  }
0x13b: {  	[sflag:s5] =	ssyncadd.s32 $0xFFFF8000  }
0x13c: {  	_ =	swait.ge [sflag:s9], $0x8000  }
0x13d: {  	[sflag:s9] =	ssyncset.done $0x0  }
0x13e: {  	[sflag:s9] =	ssyncadd.s32 $0xFFFF8000  }
0x13f: {  	[tilespmem:s10], [sflag:$0x1] =	stream.indirect.gather [hbm4b:s3+s7], $0x20, s15, s7, $0xb8;
	[tilespmem:$0x19F00] =	vst v63  }
0x140: {  	_ = 	snop  }
0x141: {  	[spmem:s2] =	stream.indirect.scatter.add.f32 [tilespmem:s8], [sflag:$0x3], $0x20, s16, s7, $0xb8;
	[tilespmem:$0x19F00] =	vst v63  }
0x142: {  	_ =	swait.ge [sflag:s5], $0x8000  }
0x143: {  	[sflag:s5] =	ssyncset.done $0x0  }
0x144: {  	[sflag:s5] =	ssyncadd.s32 $0xFFFF8000  }
0x145: {  	_ =	swait.ge [sflag:s11], $0x8000  }
0x146: {  	[sflag:s11] =	ssyncset.done $0x0  }
0x147: {  	[sflag:s11] =	ssyncadd.s32 $0xFFFF8000  }
0x148: {  	[tilespmem:s8], [sflag:$0x2] =	stream.indirect.gather [hbm4b:s3+s7], $0x20, s13, s7, $0xb8;
	[tilespmem:$0x19F00] =	vst v63  }
0x149: {  	_ = 	snop  }
0x14a: {  	[spmem:s2] =	stream.indirect.scatter.add.f32 [tilespmem:s10], [sflag:$0x3], $0x20, s14, s7, $0xb8;
	[tilespmem:$0x19F00] =	vst v63  }
0x14b: {  	_ =	swait.ge [sflag:s5], $0x8000  }
0x14c: {  	[sflag:s5] =	ssyncset.done $0x0  }
0x14d: {  	[sflag:s5] =	ssyncadd.s32 $0xFFFF8000  }
0x14e: {  	_ =	swait.ge [sflag:s9], $0x8000  }
0x14f: {  	[sflag:s9] =	ssyncset.done $0x0  }
0x150: {  	[sflag:s9] =	ssyncadd.s32 $0xFFFF8000  }
0x151: {  	[spmem:s2] =	stream.indirect.scatter.add.f32 [tilespmem:s8], [sflag:$0x3], $0x20, s12, s7, $0xb8;
	[tilespmem:$0x19F00] =	vst v63  }
0x152: {  	_ =	swait.ge [sflag:s5], $0x8000  }
0x153: {  	[sflag:s5] =	ssyncset.done $0x0  }
0x154: {  	[sflag:s5] =	ssyncadd.s32 $0xFFFF8000  }
0x155: {  	[bflag:$0x0] =	sbarrier.arrive $0xFFFF  }
0x156: {  	s30 =	rddreg [dreg:$0x6]  }
0x157: {  	[hbm:s30], [sflag:s4] =	dma.local [spmem:s6], $0x9E0  }
0x158: {  	_ =	swait.ge [sflag:s5], $0x9E0  }
0x159: {  	[sflag:s5] =	ssyncset.done $0x0  }
0x15a: {  	[sflag:s5] =	ssyncadd.s32 $0xFFFFF620  }
0x15b: {  	_ =	sfence.sel $0x180000  }
0x15c: {  	[bflag:$0x0] =	sbarrier.arrive $0xFFFF  }
0x15d: {  	_ =	strace $0x9000004D  }
0x15e: {  	s31 =	stileid.u32;
	[bflag:$0x2] =	sbarrier.arrive $0xFFFF  }
0x15f: {  	p0 =	sne.s32 s31, $0x0;
	s0 =	rddreg [dreg:$0x2]  }
0x160: {  	s0 =	sadd.s32 @!p0 $0x100000, s0  }
0x161: {  	[sflag:s0] =	ssyncadd.tile.s32 @!p0 $0x1;
	_ =	shalt  }
.Lfunc_end2:
_tile_overlayer_lowered:
.L_overlay_start_2:
0x162: {  	(tag) =	ssettag $0x2  }
0x163: {  	s0 =	rddreg [dreg:$0x0];
	s2 =	stileid.u32  }
0x164: {  	s1 =	rddreg [dreg:$0x1];
	p0 =	sne.s32 s2, $0x0  }
0x165: {  	s3 =	rddreg [dreg:$0x2];
	[bflag:$0x3] =	sbarrier.arrive $0xFFFF;
	s2 =	simm.s32 @!p0 $0x1C03  }
0x166: {  	[timem:s3], [sflag:s2] =	dma.local @!p0 [hbm:s0], s1  }
0x167: {  	s0 =	simm.s32 @!p0 $0x3  }
0x168: {  	_ =	swait.ge @!p0 [sflag:s0], s1  }
0x169: {  	s1 =	ssub.s32 @!p0 $0x0, s1;
	[sflag:s0] =	ssyncset.done @!p0 $0x0  }
0x16a: {  	[sflag:s0] =	ssyncadd.s32 @!p0 s1  }
0x16b: {  	[bflag:$0x3] =	sbarrier.arrive $0xFFFF  }
0x16c: {  	_ =	shalt  }

// kernel: kernel.22.cloned.1.call-start
scs
__scs_entry_jumppad:
0x0: {  	(pc) =	sbr.rel $0x88, $3  }
0x1: {  	(tag) =	ssettag $0x0;
	lr =	simm.s32 $0x1  }
0x2: {  	[smem:$0x3F90] =	sst lr;
	_ =	strace $0xD0000000  }
0x3: {  	_ = 	snop  }
0x4: {  	_ = 	snop  }
0x5: {  	_ = 	snop  }
0x6: {  	_ = 	snop  }
0x7: {  	_ = 	snop  }
__scs_overlays_trampoline_lowered:
0x8: {  	[smem:$0x3F9F] =	sst s0  }
0x9: {  	[smem:$0x3FA0] =	sst s1  }
0xa: {  	[smem:$0x3FA1] =	sst s2  }
0xb: {  	[smem:$0x3FA2] =	sst s3  }
0xc: {  	[smem:$0x3FA3] =	sst s4  }
0xd: {  	[smem:$0x3FA4] =	sst s5  }
0xe: {  	[smem:$0x3FA5] =	sst s6  }
0xf: {  	[smem:$0x3FA6] =	sst s7  }
0x10: {  	[smem:$0x3FA7] =	sst s8  }
0x11: {  	[smem:$0x3FA8] =	sst s9;
	s0 =	simm.s32 @!p0 $0x0  }
0x12: {  	s1 =	sld [smem:$0x3F8E];
	s0 =	simm.s32 @p0 $0x1  }
0x13: {  	[smem:$0x3FA9] =	sst s0;
	s0 =	simm.s32 @!p1 $0x0  }
0x14: {  	s2 =	sld [smem:$0x3F8D];
	s0 =	simm.s32 @p1 $0x1  }
0x15: {  	[smem:$0x3FAA] =	sst s0;
	s0 =	simm.s32 @!p2 $0x0  }
0x16: {  	s3 =	sld [smem:$0x3FDB];
	s0 =	simm.s32 @p2 $0x1  }
0x17: {  	s4 =	simm.s32 $0x1BF5;
	[smem:$0x3FAC] =	sst s0  }
0x18: {  	s0 =	sld [smem:$0x3F8F];
	_ =	swait.ge [sflag:s4], $0x0  }
0x19: {  	s7 =	sld [smem:$0x3F90]  }
0x1a: {  	s8 =	sadd.s32 $0xFFFFE003, lr  }
0x1b: {  	s9 =	sadd.s32 $0xFFFFFEF7, lr;
	s5 =	simm.s32 $0xFFFFFFFF;
	p2 =	slt.u32 s8, $0xFFFFF086  }
0x1c: {  	p1 =	slt.u32 s9, $0xF7A;
	s5 =	simm.s32 @!p2 $0x0  }
0x1d: {  	s5 =	simm.s32 @p1 $0x1;
	p0 =	seq.s32 s7, s2  }
0x1e: {  	s7 =	smul.u32 @!p0 $0xF7A, s2;
	p2 =	seq.s32 @!p0 s5, $0x0  }
0x1f: {  	s9 =	smul.u32 $0xF7A, s1;
	s8 =	simm.s32 @!p0 $0x1BF5;
	p2 =	por !p2, p0  }
0x20: {  	[sflag:s8] =	ssyncset.s32 @!p0 $0xFFFFF086;
	s6 =	sadd.s32 @!p0 s3, s7;
	s7 =	simm.s32 @!p0 $0x108  }
0x21: {  	s3 =	sadd.s32 s3, s9;
	s6 =	sadd.s32 @!p0 $0x88, s6;
	s7 =	simm.s32 @p2 $0x1082  }
0x22: {  	[simem:s7], [sflag:s8] =	dma.local @!p0 [hbm:s6], $0xF7A  }
0x23: {  	s9 =	sor.u32 $0xD0000000, s2;
	s6 =	simm.s32 $0x108;
	_ =	swait.ge @!p0 [sflag:s8], $0x0  }
0x24: {  	s3 =	sadd.s32 $0x88, s3;
	s6 =	simm.s32 @!p1 $0x1082;
	[sflag:s4] =	ssyncset.s32 $0xFFFFF086  }
0x25: {  	[simem:s6], [sflag:s4] =	dma.local [hbm:s3], $0xF7A  }
0x26: {  	[smem:$0x3F90] =	sst s1;
	(tag) =	ssettag s2;
	_ =	strace s9  }
0x27: {  	s1 =	sld [smem:$0x3FA0]  }
0x28: {  	s2 =	sld [smem:$0x3FA1]  }
0x29: {  	s4 =	sld [smem:$0x3FA3]  }
0x2a: {  	p0 =	seq.s32 s5, $0x0;
	s5 =	sld [smem:$0x3FA4]  }
0x2b: {  	s6 =	sld [smem:$0x3FA5]  }
0x2c: {  	s7 =	sld [smem:$0x3FA6]  }
0x2d: {  	s3 =	simm.s32 $0x108;
	s8 =	sld [smem:$0x3FA7]  }
0x2e: {  	s3 =	simm.s32 @!p0 $0x1082;
	s9 =	sld [smem:$0x3FA8]  }
0x2f: {  	lr =	sadd.s32 s0, s3;
	s0 =	sld [smem:$0x3F9F]  }
0x30: {  	s3 =	sld [smem:$0x3FA2]  }
0x31: {  	[smem:$0x3FAB] =	sst s10  }
0x32: {  	s10 =	sld [smem:$0x3FA9];
	_ =	sdelay $0x3  }
0x33: {  	p0 =	seq.s32 s10, $0x1;
	s10 =	sld [smem:$0x3FAB];
	_ =	sdelay $0x3  }
0x34: {  	[smem:$0x3FAB] =	sst s10  }
0x35: {  	s10 =	sld [smem:$0x3FAA];
	_ =	sdelay $0x3  }
0x36: {  	p1 =	seq.s32 s10, $0x1;
	s10 =	sld [smem:$0x3FAB];
	_ =	sdelay $0x3  }
0x37: {  	[smem:$0x3FAB] =	sst s10  }
0x38: {  	s10 =	sld [smem:$0x3FAC]  }
0x39: {  	_ = 	snop;
	(pc) =	sbr.ind lr, $3  }
0x3a: {  	_ = 	snop  }
0x3b: {  	_ = 	snop  }
0x3c: {  	p2 =	seq.s32 s10, $0x1;
	s10 =	sld [smem:$0x3FAB]  }
0x3d: {  	_ =	shalt  }
0x3e: {  	_ =	shalt  }
0x3f: {  	_ =	shalt  }
0x40: {  	_ =	shalt  }
0x41: {  	_ =	shalt  }
0x42: {  	_ =	shalt  }
0x43: {  	_ =	shalt  }
0x44: {  	_ =	shalt  }
0x45: {  	_ =	shalt  }
0x46: {  	_ =	shalt  }
0x47: {  	_ =	shalt  }
0x48: {  	_ =	shalt  }
0x49: {  	_ =	shalt  }
0x4a: {  	_ =	shalt  }
0x4b: {  	_ =	shalt  }
0x4c: {  	_ =	shalt  }
0x4d: {  	_ =	shalt  }
0x4e: {  	_ =	shalt  }
0x4f: {  	_ =	shalt  }
0x50: {  	_ =	shalt  }
0x51: {  	_ =	shalt  }
0x52: {  	_ =	shalt  }
0x53: {  	_ =	shalt  }
0x54: {  	_ =	shalt  }
0x55: {  	_ =	shalt  }
0x56: {  	_ =	shalt  }
0x57: {  	_ =	shalt  }
0x58: {  	_ =	shalt  }
0x59: {  	_ =	shalt  }
0x5a: {  	_ =	shalt  }
0x5b: {  	_ =	shalt  }
0x5c: {  	_ =	shalt  }
0x5d: {  	_ =	shalt  }
0x5e: {  	_ =	shalt  }
0x5f: {  	_ =	shalt  }
0x60: {  	_ =	shalt  }
0x61: {  	_ =	shalt  }
0x62: {  	_ =	shalt  }
0x63: {  	_ =	shalt  }
0x64: {  	_ =	shalt  }
0x65: {  	_ =	shalt  }
0x66: {  	_ =	shalt  }
0x67: {  	_ =	shalt  }
0x68: {  	_ =	shalt  }
0x69: {  	_ =	shalt  }
0x6a: {  	_ =	shalt  }
0x6b: {  	_ =	shalt  }
0x6c: {  	_ =	shalt  }
0x6d: {  	_ =	shalt  }
0x6e: {  	_ =	shalt  }
0x6f: {  	_ =	shalt  }
0x70: {  	_ =	shalt  }
0x71: {  	_ =	shalt  }
0x72: {  	_ =	shalt  }
0x73: {  	_ =	shalt  }
0x74: {  	_ =	shalt  }
0x75: {  	_ =	shalt  }
0x76: {  	_ =	shalt  }
0x77: {  	_ =	shalt  }
0x78: {  	_ =	shalt  }
0x79: {  	_ =	shalt  }
0x7a: {  	_ =	shalt  }
0x7b: {  	_ =	shalt  }
0x7c: {  	_ =	shalt  }
0x7d: {  	_ =	shalt  }
0x7e: {  	_ =	shalt  }
0x7f: {  	_ =	shalt  }
0x80: {  	_ =	shalt  }
0x81: {  	_ =	shalt  }
0x82: {  	_ =	shalt  }
0x83: {  	_ =	shalt  }
0x84: {  	_ =	shalt  }
0x85: {  	_ =	shalt  }
0x86: {  	_ =	shalt  }
0x87: {  	_ =	shalt  }
.Lfunc_end0:
.L_simem_size_0:
called_computation.3_lowered:
.L_overlay_start_0:
0x88: {  	s2 =	sld [smem:$0x3FD9]  }
0x89: {  	s3 =	sld [smem:$0x3FFE];
	_ =	sdelay $0x1  }
0x8a: {  	s1 =	srdreg.scid  }
0x8b: {  	s0 =	sand.u32 $0x1, s1  }
0x8c: {  	s16 =	sshll.u32 s0, $0xA;
	s2 =	sadd.s32 s3, s2  }
0x8d: {  	s2 =	sadd.s32 s2, s16  }
0x8e: {  	[smem:$0x3FB7] =	sst s2  }
0x8f: {  	_ = 	snop  }
0x90: {  	(tm) =	ssettm $0x1  }
0x91: {  	s17 =	sld [smem:$0x3FFB];
	_ =	sdelay $0x3  }
0x92: {  	_ =	strace s17  }
0x93: {  	s2 =	sld [smem:$0x3FFC];
	_ =	sdelay $0x3  }
0x94: {  	_ =	strace s2  }
0x95: {  	s2 =	sld [smem:$0x3FFD];
	_ =	sdelay $0x3  }
0x96: {  	_ =	strace s2  }
0x97: {  	_ =	strace $0x8FFFFFFF  }
0x98: {  	s18 =	sld [smem:$0x3FDB];
	_ =	sdelay $0x1  }
0x99: {  	s19 =	simm.s32 $_scs_section_size  }
0x9a: {  	s4 =	simm.s32 $_size__tile_overlayer_lowered;
	s5 =	simm.s32 $_tile_overlayer_lowered  }
0x9b: {  	s22 =	simm.s32 $0x1BFF;
	s21 =	sshll.u32 s5, $0x1;
	s2 =	sadd.s32 s19, s18  }
0x9c: {  	s6 =	simm.s32 $0x0;
	s20 =	sshll.u32 s4, $0x1;
	s4 =	sadd.s32 s21, s2  }
0x9d: {  	[timem:s6], [sflag:s22] =	dma.local [hbm:s4], s20  }
0x9e: {  	_ =	swait.ge [sflag:s22], s20  }
0x9f: {  	s3 =	ssub.s32 $0x0, s20;
	[sflag:s22] =	ssyncset.done $0x0  }
0xa0: {  	[sflag:s22] =	ssyncadd.s32 s3;
	_ =	sdelay $0x1  }
0xa1: {  	s23 =	simm.s32 $0x1B8B  }
0xa2: {  	_ =	swait.ge [sflag:s23], $0x1  }
0xa3: {  	[sflag:s23] =	ssyncset.done $0x0  }
0xa4: {  	s25 =	simm.s32 $0x1B8E;
	s24 =	sld [smem:$0x3FFE];
	[sflag:s23] =	ssyncadd.s32 $0xFFFFFFFF  }
0xa5: {  	s26 =	simm.s32 $execute0_lowered;
	[smem:$0x3FD2] =	sst s25  }
0xa6: {  	s4 =	sshll.u32 s26, $0x1;
	_ =	strace $0x8000004F;
	[dreg:$0x1] =	wrdreg $0xFFFFFFFF  }
0xa7: {  	s28 =	simm.s32 $_size_execute0_lowered;
	s2 =	sadd.s32 s2, s4;
	[dreg:$0x0] =	wrdreg $0x0  }
0xa8: {  	s4 =	sshll.u32 s28, $0x1;
	[dreg:$0x2] =	wrdreg s2  }
0xa9: {  	[dreg:$0x3] =	wrdreg s4  }
0xaa: {  	[dreg:$0x4] =	wrdreg $0xC0  }
0xab: {  	_ =	task [dreg:s6], $0x5FFFF  }
0xac: {  	[dreg:$0x1] =	wrdreg $0xFFFFFFFF  }
0xad: {  	[dreg:$0x0] =	wrdreg $0x60  }
0xae: {  	[dreg:$0x2] =	wrdreg s24  }
0xaf: {  	[dreg:$0x3] =	wrdreg $0x150000  }
0xb0: {  	[dreg:$0x4] =	wrdreg $0x9  }
0xb1: {  	_ =	task.clear_ibuf [dreg:s6], $0x5FFFF;
	_ =	strace $0x9000004F  }
0xb2: {  	s29 =	simm.s32 $0x9;
	_ =	strace $0x80000051  }
0xb3: {  	_ =	swait.ge [sflag:s29], $0x1  }
0xb4: {  	[sflag:s29] =	ssyncadd.s32 $0xFFFFFFFF  }
0xb5: {  	_ =	strace $0x90000051  }
0xb6: {  	_ =	sfence  }
0xb7: {  	s30 =	sld [smem:$0x0];
	_ =	sdelay $0x2  }
0xb8: {  	s31 =	sshll.u32 s1, $0xD;
	s1 =	sshrl.u32 s1, $0x2  }
0xb9: {  	s3 =	sand.u32 $0x4000, s31;
	s1 =	sadd.s32 s1, s30  }
0xba: {  	s0 =	sor.u32 s3, s0;
	s1 =	sshll.u32 s1, $0x11  }
0xbb: {  	s0 =	sor.u32 s1, s0  }
0xbc: {  	s0 =	sadd.s32 $0x8F2B, s0  }
0xbd: {  	[sflag:s0] =	ssyncadd.remote.s32 $0x1  }
0xbe: {  	_ =	sfence.sel $0xFFFF  }
0xbf: {  	[dreg:$0x0] =	wrdreg $0xFFFFFFFF;
	(pc) =	sbr.abs _section_cstart, $3  }
0xc0: {  	[dreg:$0x1] =	wrdreg $0xFFFFFFFF  }
0xc1: {  	_ =	task.clear_ibuf [dreg:s6], $0x2FFFF;
	_ =	strace $0x9FFFFFFF  }
0xc2: {  	(tm) =	ssettm $0x7FFFFFFF  }
0xc3: {  	_ =	shalt  }
tec
execute0_lowered:
.L_overlay_start_1:
0x0: {  	(tag) =	ssettag $0x1  }
0x1: {  	s0 =	rddreg [dreg:$0x0];
	s1 =	srdreg.scid  }
0x2: {  	s2 =	rddreg [dreg:$0x1];
	s8 =	stileid.u32;
	s19 =	simm.s32 $0x0  }
0x3: {  	s31 =	simm.s32 $0x2800;
	s10 =	simm.s32 $0x5000;
	s11 =	simm.s32 $0x1  }
0x4: {  	s9 =	simm.s32 $0x2;
	s29 =	simm.s32 $0x800;
	s30 =	simm.s32 $0x2C00  }
0x5: {  	s26 =	simm.s32 $0xC00;
	s28 =	simm.s32 $0x3000;
	s24 =	simm.s32 $0x1000  }
0x6: {  	s25 =	simm.s32 $0x3400;
	s22 =	simm.s32 $0x1400;
	s23 =	simm.s32 $0x3800  }
0x7: {  	s20 =	simm.s32 $0x1800;
	s21 =	simm.s32 $0x3C00;
	p0 =	por $0x0, $0x0  }
0x8: {  	s1 =	sand.u32 $0x1, s1;
	s4 =	smul.u32 $0x4F00, s8;
	[smem:$0x7FF] =	sst s19  }
0x9: {  	s16 =	sshll.u32 s8, $0x6;
	s3 =	sshll.u32 s1, $0x4;
	s5 =	smul.u32 $0x4F000, s1  }
0xa: {  	_ =	strace $0x80000050;
	s1 =	ssub.s32 $0x2, s1;
	s3 =	sor.u32 s8, s3  }
0xb: {  	s6 =	sshrl.u32 s4, $0x3;
	s13 =	sshrl.u32 s1, $0x1;
	s17 =	sadd.s32 s4, s2  }
0xc: {  	s8 =	simm.s32 $0xD000;
	s7 =	smul.u32 $0x500, s3;
	s6 =	sadd.s32 s6, s0  }
0xd: {  	s5 =	sadd.s32 s4, s5;
	s3 =	sadd.s32 $0x3200, s0;
	s1 =	ssub.s32 s1, s13  }
0xe: {  	s4 =	sor.u32 $0x1C03, s16;
	s16 =	simm.s32 $0x4400;
	s13 =	simm.s32 $0x2400  }
0xf: {  	s5 =	sshrl.u32 s5, $0x3;
	s12 =	sadd.s32 $0x21000, s6;
	s18 =	smax.u32 s1, $0x1  }
0x10: {  	s6 =	sshrl.u32 s17, $0x3;
	s17 =	simm.s32 $0x1C00;
	s7 =	sadd.s32 s7, s0  }
0x11: {  	s0 =	sadd.s32 s5, s0;
	[dreg:$0x3] =	wrdreg s12;
	p1 =	sne.s32 s18, $0x1  }
.Ltmp0:
0x12: {  	s14 =	sadd.s32 $0x17000, s7;
	s1 =	rddreg [dreg:$0x3];
	(pc) =	sbr.rel @!p1 .LBB2_3-.Ltmp0, $4  }
0x13: {  	s5 =	simm.s32 $0x3;
	s15 =	sadd.s32 $0xD000, s7;
	[dreg:$0x4] =	wrdreg s14  }
0x14: {  	s12 =	simm.s32 $0x4C00;
	s0 =	sadd.s32 $0x2AE00, s0;
	[dreg:$0x5] =	wrdreg s15  }
0x15: {  	s7 =	simm.s32 $0x400;
	[dreg:$0x6] =	wrdreg s0;
	s0 =	sadd.s32 $0xFFFFFFFF, s18  }
0x16: {  	s18 =	simm.s32 $0x4000;
	s15 =	simm.s32 $0x2000;
	s14 =	simm.s32 $0x4800  }
0x17: {  	[spmem:s6], [sflag:s4] =	dma.local [hbm:s1], $0x9E0  }
0x18: {  	_ =	swait.ge [sflag:s5], $0x9E0  }
0x19: {  	[sflag:s5] =	ssyncset.done $0x0  }
0x1a: {  	s1 =	rddreg [dreg:$0x4];
	[sflag:s5] =	ssyncadd.s32 $0xFFFFF620  }
0x1b: {  	[tilespmem:s19], [sflag:$0x3] =	stream.linear.gather [hbm4b:s1+s19], $0x2800, $0x38;
	[tilespmem:$0x19F00] =	vst v63  }
0x1c: {  	_ =	swait.ge [sflag:s5], $0x2800  }
0x1d: {  	[sflag:s5] =	ssyncset.done $0x0  }
0x1e: {  	s1 =	rddreg [dreg:$0x5];
	[sflag:s5] =	ssyncadd.s32 $0xFFFFD800  }
0x1f: {  	[tilespmem:s31], [sflag:$0x3] =	stream.linear.gather [hbm4b:s1+s19], $0x2800, $0x38;
	[tilespmem:$0x19F00] =	vst v63  }
0x20: {  	_ =	swait.ge [sflag:s5], $0x2800  }
0x21: {  	[sflag:s5] =	ssyncset.done $0x0  }
0x22: {  	[sflag:s5] =	ssyncadd.s32 $0xFFFFD800  }
0x23: {  	[bflag:$0x0] =	sbarrier.arrive $0xFFFF  }
0x24: {  	[tilespmem:s10], [sflag:$0x1] =	stream.indirect.gather [hbm4b:s3+s7], $0x20, s19, s7, $0xb8;
	[tilespmem:$0x19F00] =	vst v63  }
0x25: {  	_ =	swait.ge [sflag:s11], $0x8000  }
0x26: {  	[sflag:s11] =	ssyncset.done $0x0  }
0x27: {  	[sflag:s11] =	ssyncadd.s32 $0xFFFF8000  }
0x28: {  	[tilespmem:s8], [sflag:$0x2] =	stream.indirect.gather [hbm4b:s3+s7], $0x20, s7, s7, $0xb8;
	[tilespmem:$0x19F00] =	vst v63  }
0x29: {  	_ = 	snop  }
0x2a: {  	[spmem:s2] =	stream.indirect.scatter.add.f32 [tilespmem:s10], [sflag:$0x3], $0x20, s31, s7, $0xb8;
	[tilespmem:$0x19F00] =	vst v63  }
0x2b: {  	_ =	swait.ge [sflag:s5], $0x8000  }
0x2c: {  	[sflag:s5] =	ssyncset.done $0x0  }
0x2d: {  	[sflag:s5] =	ssyncadd.s32 $0xFFFF8000  }
0x2e: {  	_ =	swait.ge [sflag:s9], $0x8000  }
0x2f: {  	[sflag:s9] =	ssyncset.done $0x0  }
0x30: {  	[sflag:s9] =	ssyncadd.s32 $0xFFFF8000  }
0x31: {  	[tilespmem:s10], [sflag:$0x1] =	stream.indirect.gather [hbm4b:s3+s7], $0x20, s29, s7, $0xb8;
	[tilespmem:$0x19F00] =	vst v63  }
0x32: {  	_ = 	snop  }
0x33: {  	[spmem:s2] =	stream.indirect.scatter.add.f32 [tilespmem:s8], [sflag:$0x3], $0x20, s30, s7, $0xb8;
	[tilespmem:$0x19F00] =	vst v63  }
0x34: {  	_ =	swait.ge [sflag:s5], $0x8000  }
0x35: {  	[sflag:s5] =	ssyncset.done $0x0  }
0x36: {  	[sflag:s5] =	ssyncadd.s32 $0xFFFF8000  }
0x37: {  	_ =	swait.ge [sflag:s11], $0x8000  }
0x38: {  	[sflag:s11] =	ssyncset.done $0x0  }
0x39: {  	[sflag:s11] =	ssyncadd.s32 $0xFFFF8000  }
0x3a: {  	[tilespmem:s8], [sflag:$0x2] =	stream.indirect.gather [hbm4b:s3+s7], $0x20, s26, s7, $0xb8;
	[tilespmem:$0x19F00] =	vst v63  }
0x3b: {  	_ = 	snop  }
0x3c: {  	[spmem:s2] =	stream.indirect.scatter.add.f32 [tilespmem:s10], [sflag:$0x3], $0x20, s28, s7, $0xb8;
	[tilespmem:$0x19F00] =	vst v63  }
0x3d: {  	_ =	swait.ge [sflag:s5], $0x8000  }
0x3e: {  	[sflag:s5] =	ssyncset.done $0x0  }
0x3f: {  	[sflag:s5] =	ssyncadd.s32 $0xFFFF8000  }
0x40: {  	_ =	swait.ge [sflag:s9], $0x8000  }
0x41: {  	[sflag:s9] =	ssyncset.done $0x0  }
0x42: {  	[sflag:s9] =	ssyncadd.s32 $0xFFFF8000  }
0x43: {  	[tilespmem:s10], [sflag:$0x1] =	stream.indirect.gather [hbm4b:s3+s7], $0x20, s24, s7, $0xb8;
	[tilespmem:$0x19F00] =	vst v63  }
0x44: {  	_ = 	snop  }
0x45: {  	[spmem:s2] =	stream.indirect.scatter.add.f32 [tilespmem:s8], [sflag:$0x3], $0x20, s25, s7, $0xb8;
	[tilespmem:$0x19F00] =	vst v63  }
0x46: {  	_ =	swait.ge [sflag:s5], $0x8000  }
0x47: {  	[sflag:s5] =	ssyncset.done $0x0  }
0x48: {  	[sflag:s5] =	ssyncadd.s32 $0xFFFF8000  }
0x49: {  	_ =	swait.ge [sflag:s11], $0x8000  }
0x4a: {  	[sflag:s11] =	ssyncset.done $0x0  }
0x4b: {  	[sflag:s11] =	ssyncadd.s32 $0xFFFF8000  }
0x4c: {  	[tilespmem:s8], [sflag:$0x2] =	stream.indirect.gather [hbm4b:s3+s7], $0x20, s22, s7, $0xb8;
	[tilespmem:$0x19F00] =	vst v63  }
0x4d: {  	_ = 	snop  }
0x4e: {  	[spmem:s2] =	stream.indirect.scatter.add.f32 [tilespmem:s10], [sflag:$0x3], $0x20, s23, s7, $0xb8;
	[tilespmem:$0x19F00] =	vst v63  }
0x4f: {  	_ =	swait.ge [sflag:s5], $0x8000  }
0x50: {  	[sflag:s5] =	ssyncset.done $0x0  }
0x51: {  	[sflag:s5] =	ssyncadd.s32 $0xFFFF8000  }
0x52: {  	_ =	swait.ge [sflag:s9], $0x8000  }
0x53: {  	[sflag:s9] =	ssyncset.done $0x0  }
0x54: {  	[sflag:s9] =	ssyncadd.s32 $0xFFFF8000  }
0x55: {  	[tilespmem:s10], [sflag:$0x1] =	stream.indirect.gather [hbm4b:s3+s7], $0x20, s20, s7, $0xb8;
	[tilespmem:$0x19F00] =	vst v63  }
0x56: {  	_ = 	snop  }
0x57: {  	[spmem:s2] =	stream.indirect.scatter.add.f32 [tilespmem:s8], [sflag:$0x3], $0x20, s21, s7, $0xb8;
	[tilespmem:$0x19F00] =	vst v63  }
0x58: {  	_ =	swait.ge [sflag:s5], $0x8000  }
0x59: {  	[sflag:s5] =	ssyncset.done $0x0  }
0x5a: {  	[sflag:s5] =	ssyncadd.s32 $0xFFFF8000  }
0x5b: {  	_ =	swait.ge [sflag:s11], $0x8000  }
0x5c: {  	[sflag:s11] =	ssyncset.done $0x0  }
0x5d: {  	[sflag:s11] =	ssyncadd.s32 $0xFFFF8000  }
0x5e: {  	[tilespmem:s8], [sflag:$0x2] =	stream.indirect.gather [hbm4b:s3+s7], $0x20, s17, s7, $0xb8;
	[tilespmem:$0x19F00] =	vst v63  }
0x5f: {  	_ = 	snop  }
0x60: {  	[spmem:s2] =	stream.indirect.scatter.add.f32 [tilespmem:s10], [sflag:$0x3], $0x20, s18, s7, $0xb8;
	[tilespmem:$0x19F00] =	vst v63  }
0x61: {  	_ =	swait.ge [sflag:s5], $0x8000  }
0x62: {  	[sflag:s5] =	ssyncset.done $0x0  }
0x63: {  	[sflag:s5] =	ssyncadd.s32 $0xFFFF8000  }
0x64: {  	_ =	swait.ge [sflag:s9], $0x8000  }
0x65: {  	[sflag:s9] =	ssyncset.done $0x0  }
0x66: {  	[sflag:s9] =	ssyncadd.s32 $0xFFFF8000  }
0x67: {  	[tilespmem:s10], [sflag:$0x1] =	stream.indirect.gather [hbm4b:s3+s7], $0x20, s15, s7, $0xb8;
	[tilespmem:$0x19F00] =	vst v63  }
0x68: {  	_ = 	snop  }
0x69: {  	[spmem:s2] =	stream.indirect.scatter.add.f32 [tilespmem:s8], [sflag:$0x3], $0x20, s16, s7, $0xb8;
	[tilespmem:$0x19F00] =	vst v63  }
0x6a: {  	_ =	swait.ge [sflag:s5], $0x8000  }
0x6b: {  	[sflag:s5] =	ssyncset.done $0x0  }
0x6c: {  	[sflag:s5] =	ssyncadd.s32 $0xFFFF8000  }
0x6d: {  	_ =	swait.ge [sflag:s11], $0x8000  }
0x6e: {  	[sflag:s11] =	ssyncset.done $0x0  }
0x6f: {  	[sflag:s11] =	ssyncadd.s32 $0xFFFF8000  }
0x70: {  	[tilespmem:s8], [sflag:$0x2] =	stream.indirect.gather [hbm4b:s3+s7], $0x20, s13, s7, $0xb8;
	[tilespmem:$0x19F00] =	vst v63  }
0x71: {  	_ = 	snop  }
0x72: {  	[spmem:s2] =	stream.indirect.scatter.add.f32 [tilespmem:s10], [sflag:$0x3], $0x20, s14, s7, $0xb8;
	[tilespmem:$0x19F00] =	vst v63  }
0x73: {  	_ =	swait.ge [sflag:s5], $0x8000  }
0x74: {  	[sflag:s5] =	ssyncset.done $0x0  }
0x75: {  	[sflag:s5] =	ssyncadd.s32 $0xFFFF8000  }
0x76: {  	_ =	swait.ge [sflag:s9], $0x8000  }
0x77: {  	[sflag:s9] =	ssyncset.done $0x0  }
0x78: {  	[sflag:s9] =	ssyncadd.s32 $0xFFFF8000  }
0x79: {  	[spmem:s2] =	stream.indirect.scatter.add.f32 [tilespmem:s8], [sflag:$0x3], $0x20, s12, s7, $0xb8;
	[tilespmem:$0x19F00] =	vst v63  }
0x7a: {  	_ =	swait.ge [sflag:s5], $0x8000  }
0x7b: {  	[sflag:s5] =	ssyncset.done $0x0  }
0x7c: {  	p1 =	sne.s32 s0, $0x1;
	[sflag:s5] =	ssyncadd.s32 $0xFFFF8000  }
.Ltmp1:
0x7d: {  	[bflag:$0x0] =	sbarrier.arrive $0xFFFF;
	(pc) =	sbr.rel @!p1 .LBB2_3-.Ltmp1, $4  }
0x7e: {  	s1 =	rddreg [dreg:$0x6]  }
0x7f: {  	[hbm:s1], [sflag:s4] =	dma.local [spmem:s6], $0x9E0  }
0x80: {  	s0 =	sadd.s32 $0xFFFFFFFF, s0;
	_ =	swait.ge [sflag:s5], $0x9E0  }
0x81: {  	p0 =	por $0x1, $0x1;
	s1 =	rddreg [dreg:$0x3];
	[sflag:s5] =	ssyncset.done $0x0  }
.LBB2_2:
0x82: {  	[sflag:s5] =	ssyncadd.s32 $0xFFFFF620  }
0x83: {  	[spmem:s6], [sflag:s4] =	dma.local [hbm:s1], $0x9E0  }
0x84: {  	_ =	swait.ge [sflag:s5], $0x9E0  }
0x85: {  	[sflag:s5] =	ssyncset.done $0x0  }
0x86: {  	s1 =	rddreg [dreg:$0x4];
	[sflag:s5] =	ssyncadd.s32 $0xFFFFF620  }
0x87: {  	[tilespmem:s19], [sflag:$0x3] =	stream.linear.gather [hbm4b:s1+s19], $0x2800, $0x38;
	[tilespmem:$0x19F00] =	vst v63  }
0x88: {  	_ =	swait.ge [sflag:s5], $0x2800  }
0x89: {  	[sflag:s5] =	ssyncset.done $0x0  }
0x8a: {  	s1 =	rddreg [dreg:$0x5];
	[sflag:s5] =	ssyncadd.s32 $0xFFFFD800  }
0x8b: {  	[tilespmem:s31], [sflag:$0x3] =	stream.linear.gather [hbm4b:s1+s19], $0x2800, $0x38;
	[tilespmem:$0x19F00] =	vst v63  }
0x8c: {  	_ =	swait.ge [sflag:s5], $0x2800  }
0x8d: {  	[sflag:s5] =	ssyncset.done $0x0  }
0x8e: {  	[sflag:s5] =	ssyncadd.s32 $0xFFFFD800  }
0x8f: {  	[bflag:$0x0] =	sbarrier.arrive $0xFFFF  }
0x90: {  	[tilespmem:s10], [sflag:$0x1] =	stream.indirect.gather [hbm4b:s3+s7], $0x20, s19, s7, $0xb8;
	[tilespmem:$0x19F00] =	vst v63  }
0x91: {  	_ =	swait.ge [sflag:s11], $0x8000  }
0x92: {  	[sflag:s11] =	ssyncset.done $0x0  }
0x93: {  	[sflag:s11] =	ssyncadd.s32 $0xFFFF8000  }
0x94: {  	[tilespmem:s8], [sflag:$0x2] =	stream.indirect.gather [hbm4b:s3+s7], $0x20, s7, s7, $0xb8;
	[tilespmem:$0x19F00] =	vst v63  }
0x95: {  	_ = 	snop  }
0x96: {  	[spmem:s2] =	stream.indirect.scatter.add.f32 [tilespmem:s10], [sflag:$0x3], $0x20, s31, s7, $0xb8;
	[tilespmem:$0x19F00] =	vst v63  }
0x97: {  	_ =	swait.ge [sflag:s5], $0x8000  }
0x98: {  	[sflag:s5] =	ssyncset.done $0x0  }
0x99: {  	[sflag:s5] =	ssyncadd.s32 $0xFFFF8000  }
0x9a: {  	_ =	swait.ge [sflag:s9], $0x8000  }
0x9b: {  	[sflag:s9] =	ssyncset.done $0x0  }
0x9c: {  	[sflag:s9] =	ssyncadd.s32 $0xFFFF8000  }
0x9d: {  	[tilespmem:s10], [sflag:$0x1] =	stream.indirect.gather [hbm4b:s3+s7], $0x20, s29, s7, $0xb8;
	[tilespmem:$0x19F00] =	vst v63  }
0x9e: {  	_ = 	snop  }
0x9f: {  	[spmem:s2] =	stream.indirect.scatter.add.f32 [tilespmem:s8], [sflag:$0x3], $0x20, s30, s7, $0xb8;
	[tilespmem:$0x19F00] =	vst v63  }
0xa0: {  	_ =	swait.ge [sflag:s5], $0x8000  }
0xa1: {  	[sflag:s5] =	ssyncset.done $0x0  }
0xa2: {  	[sflag:s5] =	ssyncadd.s32 $0xFFFF8000  }
0xa3: {  	_ =	swait.ge [sflag:s11], $0x8000  }
0xa4: {  	[sflag:s11] =	ssyncset.done $0x0  }
0xa5: {  	[sflag:s11] =	ssyncadd.s32 $0xFFFF8000  }
0xa6: {  	[tilespmem:s8], [sflag:$0x2] =	stream.indirect.gather [hbm4b:s3+s7], $0x20, s26, s7, $0xb8;
	[tilespmem:$0x19F00] =	vst v63  }
0xa7: {  	_ = 	snop  }
0xa8: {  	[spmem:s2] =	stream.indirect.scatter.add.f32 [tilespmem:s10], [sflag:$0x3], $0x20, s28, s7, $0xb8;
	[tilespmem:$0x19F00] =	vst v63  }
0xa9: {  	_ =	swait.ge [sflag:s5], $0x8000  }
0xaa: {  	[sflag:s5] =	ssyncset.done $0x0  }
0xab: {  	[sflag:s5] =	ssyncadd.s32 $0xFFFF8000  }
0xac: {  	_ =	swait.ge [sflag:s9], $0x8000  }
0xad: {  	[sflag:s9] =	ssyncset.done $0x0  }
0xae: {  	[sflag:s9] =	ssyncadd.s32 $0xFFFF8000  }
0xaf: {  	[tilespmem:s10], [sflag:$0x1] =	stream.indirect.gather [hbm4b:s3+s7], $0x20, s24, s7, $0xb8;
	[tilespmem:$0x19F00] =	vst v63  }
0xb0: {  	_ = 	snop  }
0xb1: {  	[spmem:s2] =	stream.indirect.scatter.add.f32 [tilespmem:s8], [sflag:$0x3], $0x20, s25, s7, $0xb8;
	[tilespmem:$0x19F00] =	vst v63  }
0xb2: {  	_ =	swait.ge [sflag:s5], $0x8000  }
0xb3: {  	[sflag:s5] =	ssyncset.done $0x0  }
0xb4: {  	[sflag:s5] =	ssyncadd.s32 $0xFFFF8000  }
0xb5: {  	_ =	swait.ge [sflag:s11], $0x8000  }
0xb6: {  	[sflag:s11] =	ssyncset.done $0x0  }
0xb7: {  	[sflag:s11] =	ssyncadd.s32 $0xFFFF8000  }
0xb8: {  	[tilespmem:s8], [sflag:$0x2] =	stream.indirect.gather [hbm4b:s3+s7], $0x20, s22, s7, $0xb8;
	[tilespmem:$0x19F00] =	vst v63  }
0xb9: {  	_ = 	snop  }
0xba: {  	[spmem:s2] =	stream.indirect.scatter.add.f32 [tilespmem:s10], [sflag:$0x3], $0x20, s23, s7, $0xb8;
	[tilespmem:$0x19F00] =	vst v63  }
0xbb: {  	_ =	swait.ge [sflag:s5], $0x8000  }
0xbc: {  	[sflag:s5] =	ssyncset.done $0x0  }
0xbd: {  	[sflag:s5] =	ssyncadd.s32 $0xFFFF8000  }
0xbe: {  	_ =	swait.ge [sflag:s9], $0x8000  }
0xbf: {  	[sflag:s9] =	ssyncset.done $0x0  }
0xc0: {  	[sflag:s9] =	ssyncadd.s32 $0xFFFF8000  }
0xc1: {  	[tilespmem:s10], [sflag:$0x1] =	stream.indirect.gather [hbm4b:s3+s7], $0x20, s20, s7, $0xb8;
	[tilespmem:$0x19F00] =	vst v63  }
0xc2: {  	_ = 	snop  }
0xc3: {  	[spmem:s2] =	stream.indirect.scatter.add.f32 [tilespmem:s8], [sflag:$0x3], $0x20, s21, s7, $0xb8;
	[tilespmem:$0x19F00] =	vst v63  }
0xc4: {  	_ =	swait.ge [sflag:s5], $0x8000  }
0xc5: {  	[sflag:s5] =	ssyncset.done $0x0  }
0xc6: {  	[sflag:s5] =	ssyncadd.s32 $0xFFFF8000  }
0xc7: {  	_ =	swait.ge [sflag:s11], $0x8000  }
0xc8: {  	[sflag:s11] =	ssyncset.done $0x0  }
0xc9: {  	[sflag:s11] =	ssyncadd.s32 $0xFFFF8000  }
0xca: {  	[tilespmem:s8], [sflag:$0x2] =	stream.indirect.gather [hbm4b:s3+s7], $0x20, s17, s7, $0xb8;
	[tilespmem:$0x19F00] =	vst v63  }
0xcb: {  	_ = 	snop  }
0xcc: {  	[spmem:s2] =	stream.indirect.scatter.add.f32 [tilespmem:s10], [sflag:$0x3], $0x20, s18, s7, $0xb8;
	[tilespmem:$0x19F00] =	vst v63  }
0xcd: {  	_ =	swait.ge [sflag:s5], $0x8000  }
0xce: {  	[sflag:s5] =	ssyncset.done $0x0  }
0xcf: {  	[sflag:s5] =	ssyncadd.s32 $0xFFFF8000  }
0xd0: {  	_ =	swait.ge [sflag:s9], $0x8000  }
0xd1: {  	[sflag:s9] =	ssyncset.done $0x0  }
0xd2: {  	[sflag:s9] =	ssyncadd.s32 $0xFFFF8000  }
0xd3: {  	[tilespmem:s10], [sflag:$0x1] =	stream.indirect.gather [hbm4b:s3+s7], $0x20, s15, s7, $0xb8;
	[tilespmem:$0x19F00] =	vst v63  }
0xd4: {  	_ = 	snop  }
0xd5: {  	[spmem:s2] =	stream.indirect.scatter.add.f32 [tilespmem:s8], [sflag:$0x3], $0x20, s16, s7, $0xb8;
	[tilespmem:$0x19F00] =	vst v63  }
0xd6: {  	_ =	swait.ge [sflag:s5], $0x8000  }
0xd7: {  	[sflag:s5] =	ssyncset.done $0x0  }
0xd8: {  	[sflag:s5] =	ssyncadd.s32 $0xFFFF8000  }
0xd9: {  	_ =	swait.ge [sflag:s11], $0x8000  }
0xda: {  	[sflag:s11] =	ssyncset.done $0x0  }
0xdb: {  	[sflag:s11] =	ssyncadd.s32 $0xFFFF8000  }
0xdc: {  	[tilespmem:s8], [sflag:$0x2] =	stream.indirect.gather [hbm4b:s3+s7], $0x20, s13, s7, $0xb8;
	[tilespmem:$0x19F00] =	vst v63  }
0xdd: {  	_ = 	snop  }
0xde: {  	[spmem:s2] =	stream.indirect.scatter.add.f32 [tilespmem:s10], [sflag:$0x3], $0x20, s14, s7, $0xb8;
	[tilespmem:$0x19F00] =	vst v63  }
0xdf: {  	_ =	swait.ge [sflag:s5], $0x8000  }
0xe0: {  	[sflag:s5] =	ssyncset.done $0x0  }
0xe1: {  	[sflag:s5] =	ssyncadd.s32 $0xFFFF8000  }
0xe2: {  	_ =	swait.ge [sflag:s9], $0x8000  }
0xe3: {  	[sflag:s9] =	ssyncset.done $0x0  }
0xe4: {  	[sflag:s9] =	ssyncadd.s32 $0xFFFF8000  }
0xe5: {  	[spmem:s2] =	stream.indirect.scatter.add.f32 [tilespmem:s8], [sflag:$0x3], $0x20, s12, s7, $0xb8;
	[tilespmem:$0x19F00] =	vst v63  }
0xe6: {  	_ =	swait.ge [sflag:s5], $0x8000  }
0xe7: {  	[sflag:s5] =	ssyncset.done $0x0  }
0xe8: {  	p1 =	sne.s32 s0, $0x1;
	[sflag:s5] =	ssyncadd.s32 $0xFFFF8000  }
.Ltmp2:
0xe9: {  	[bflag:$0x0] =	sbarrier.arrive $0xFFFF;
	(pc) =	sbr.rel @p1 .LBB2_2-.Ltmp2, $4  }
0xea: {  	s1 =	rddreg [dreg:$0x6]  }
0xeb: {  	[hbm:s1], [sflag:s4] =	dma.local [spmem:s6], $0x9E0  }
0xec: {  	_ =	swait.ge [sflag:s5], $0x9E0  }
0xed: {  	s0 =	sadd.s32 $0xFFFFFFFF, s0;
	s1 =	rddreg [dreg:$0x3];
	[sflag:s5] =	ssyncset.done $0x0  }
.LBB2_3:
0xee: {  	[sflag:s5] =	ssyncadd.s32 @p0 $0xFFFFF620  }
0xef: {  	[spmem:s6], [sflag:s4] =	dma.local [hbm:s1], $0x9E0  }
0xf0: {  	_ =	swait.ge [sflag:s5], $0x9E0  }
0xf1: {  	[sflag:s5] =	ssyncset.done $0x0  }
0xf2: {  	s0 =	rddreg [dreg:$0x4];
	[sflag:s5] =	ssyncadd.s32 $0xFFFFF620  }
0xf3: {  	[tilespmem:s19], [sflag:$0x3] =	stream.linear.gather [hbm4b:s0+s19], $0x2800, $0x38;
	[tilespmem:$0x19F00] =	vst v63  }
0xf4: {  	_ =	swait.ge [sflag:s5], $0x2800  }
0xf5: {  	[sflag:s5] =	ssyncset.done $0x0  }
0xf6: {  	s1 =	rddreg [dreg:$0x5];
	[sflag:s5] =	ssyncadd.s32 $0xFFFFD800  }
0xf7: {  	[tilespmem:s31], [sflag:$0x3] =	stream.linear.gather [hbm4b:s1+s19], $0x2800, $0x38;
	[tilespmem:$0x19F00] =	vst v63  }
0xf8: {  	_ =	swait.ge [sflag:s5], $0x2800  }
0xf9: {  	[sflag:s5] =	ssyncset.done $0x0  }
0xfa: {  	[sflag:s5] =	ssyncadd.s32 $0xFFFFD800  }
0xfb: {  	[bflag:$0x0] =	sbarrier.arrive $0xFFFF  }
0xfc: {  	[tilespmem:s10], [sflag:$0x1] =	stream.indirect.gather [hbm4b:s3+s7], $0x20, s19, s7, $0xb8;
	[tilespmem:$0x19F00] =	vst v63  }
0xfd: {  	_ =	swait.ge [sflag:s11], $0x8000  }
0xfe: {  	[sflag:s11] =	ssyncset.done $0x0  }
0xff: {  	[sflag:s11] =	ssyncadd.s32 $0xFFFF8000  }
0x100: {  	[tilespmem:s8], [sflag:$0x2] =	stream.indirect.gather [hbm4b:s3+s7], $0x20, s7, s7, $0xb8;
	[tilespmem:$0x19F00] =	vst v63  }
0x101: {  	_ = 	snop  }
0x102: {  	[spmem:s2] =	stream.indirect.scatter.add.f32 [tilespmem:s10], [sflag:$0x3], $0x20, s31, s7, $0xb8;
	[tilespmem:$0x19F00] =	vst v63  }
0x103: {  	_ =	swait.ge [sflag:s5], $0x8000  }
0x104: {  	[sflag:s5] =	ssyncset.done $0x0  }
0x105: {  	[sflag:s5] =	ssyncadd.s32 $0xFFFF8000  }
0x106: {  	_ =	swait.ge [sflag:s9], $0x8000  }
0x107: {  	[sflag:s9] =	ssyncset.done $0x0  }
0x108: {  	[sflag:s9] =	ssyncadd.s32 $0xFFFF8000  }
0x109: {  	[tilespmem:s10], [sflag:$0x1] =	stream.indirect.gather [hbm4b:s3+s7], $0x20, s29, s7, $0xb8;
	[tilespmem:$0x19F00] =	vst v63  }
0x10a: {  	_ = 	snop  }
0x10b: {  	[spmem:s2] =	stream.indirect.scatter.add.f32 [tilespmem:s8], [sflag:$0x3], $0x20, s30, s7, $0xb8;
	[tilespmem:$0x19F00] =	vst v63  }
0x10c: {  	_ =	swait.ge [sflag:s5], $0x8000  }
0x10d: {  	[sflag:s5] =	ssyncset.done $0x0  }
0x10e: {  	[sflag:s5] =	ssyncadd.s32 $0xFFFF8000  }
0x10f: {  	_ =	swait.ge [sflag:s11], $0x8000  }
0x110: {  	[sflag:s11] =	ssyncset.done $0x0  }
0x111: {  	[sflag:s11] =	ssyncadd.s32 $0xFFFF8000  }
0x112: {  	[tilespmem:s8], [sflag:$0x2] =	stream.indirect.gather [hbm4b:s3+s7], $0x20, s26, s7, $0xb8;
	[tilespmem:$0x19F00] =	vst v63  }
0x113: {  	_ = 	snop  }
0x114: {  	[spmem:s2] =	stream.indirect.scatter.add.f32 [tilespmem:s10], [sflag:$0x3], $0x20, s28, s7, $0xb8;
	[tilespmem:$0x19F00] =	vst v63  }
0x115: {  	_ =	swait.ge [sflag:s5], $0x8000  }
0x116: {  	[sflag:s5] =	ssyncset.done $0x0  }
0x117: {  	[sflag:s5] =	ssyncadd.s32 $0xFFFF8000  }
0x118: {  	_ =	swait.ge [sflag:s9], $0x8000  }
0x119: {  	[sflag:s9] =	ssyncset.done $0x0  }
0x11a: {  	[sflag:s9] =	ssyncadd.s32 $0xFFFF8000  }
0x11b: {  	[tilespmem:s10], [sflag:$0x1] =	stream.indirect.gather [hbm4b:s3+s7], $0x20, s24, s7, $0xb8;
	[tilespmem:$0x19F00] =	vst v63  }
0x11c: {  	_ = 	snop  }
0x11d: {  	[spmem:s2] =	stream.indirect.scatter.add.f32 [tilespmem:s8], [sflag:$0x3], $0x20, s25, s7, $0xb8;
	[tilespmem:$0x19F00] =	vst v63  }
0x11e: {  	_ =	swait.ge [sflag:s5], $0x8000  }
0x11f: {  	[sflag:s5] =	ssyncset.done $0x0  }
0x120: {  	[sflag:s5] =	ssyncadd.s32 $0xFFFF8000  }
0x121: {  	_ =	swait.ge [sflag:s11], $0x8000  }
0x122: {  	[sflag:s11] =	ssyncset.done $0x0  }
0x123: {  	[sflag:s11] =	ssyncadd.s32 $0xFFFF8000  }
0x124: {  	[tilespmem:s8], [sflag:$0x2] =	stream.indirect.gather [hbm4b:s3+s7], $0x20, s22, s7, $0xb8;
	[tilespmem:$0x19F00] =	vst v63  }
0x125: {  	_ = 	snop  }
0x126: {  	[spmem:s2] =	stream.indirect.scatter.add.f32 [tilespmem:s10], [sflag:$0x3], $0x20, s23, s7, $0xb8;
	[tilespmem:$0x19F00] =	vst v63  }
0x127: {  	_ =	swait.ge [sflag:s5], $0x8000  }
0x128: {  	[sflag:s5] =	ssyncset.done $0x0  }
0x129: {  	[sflag:s5] =	ssyncadd.s32 $0xFFFF8000  }
0x12a: {  	_ =	swait.ge [sflag:s9], $0x8000  }
0x12b: {  	[sflag:s9] =	ssyncset.done $0x0  }
0x12c: {  	[sflag:s9] =	ssyncadd.s32 $0xFFFF8000  }
0x12d: {  	[tilespmem:s10], [sflag:$0x1] =	stream.indirect.gather [hbm4b:s3+s7], $0x20, s20, s7, $0xb8;
	[tilespmem:$0x19F00] =	vst v63  }
0x12e: {  	_ = 	snop  }
0x12f: {  	[spmem:s2] =	stream.indirect.scatter.add.f32 [tilespmem:s8], [sflag:$0x3], $0x20, s21, s7, $0xb8;
	[tilespmem:$0x19F00] =	vst v63  }
0x130: {  	_ =	swait.ge [sflag:s5], $0x8000  }
0x131: {  	[sflag:s5] =	ssyncset.done $0x0  }
0x132: {  	[sflag:s5] =	ssyncadd.s32 $0xFFFF8000  }
0x133: {  	_ =	swait.ge [sflag:s11], $0x8000  }
0x134: {  	[sflag:s11] =	ssyncset.done $0x0  }
0x135: {  	[sflag:s11] =	ssyncadd.s32 $0xFFFF8000  }
0x136: {  	[tilespmem:s8], [sflag:$0x2] =	stream.indirect.gather [hbm4b:s3+s7], $0x20, s17, s7, $0xb8;
	[tilespmem:$0x19F00] =	vst v63  }
0x137: {  	_ = 	snop  }
0x138: {  	[spmem:s2] =	stream.indirect.scatter.add.f32 [tilespmem:s10], [sflag:$0x3], $0x20, s18, s7, $0xb8;
	[tilespmem:$0x19F00] =	vst v63  }
0x139: {  	_ =	swait.ge [sflag:s5], $0x8000  }
0x13a: {  	[sflag:s5] =	ssyncset.done $0x0  }
0x13b: {  	[sflag:s5] =	ssyncadd.s32 $0xFFFF8000  }
0x13c: {  	_ =	swait.ge [sflag:s9], $0x8000  }
0x13d: {  	[sflag:s9] =	ssyncset.done $0x0  }
0x13e: {  	[sflag:s9] =	ssyncadd.s32 $0xFFFF8000  }
0x13f: {  	[tilespmem:s10], [sflag:$0x1] =	stream.indirect.gather [hbm4b:s3+s7], $0x20, s15, s7, $0xb8;
	[tilespmem:$0x19F00] =	vst v63  }
0x140: {  	_ = 	snop  }
0x141: {  	[spmem:s2] =	stream.indirect.scatter.add.f32 [tilespmem:s8], [sflag:$0x3], $0x20, s16, s7, $0xb8;
	[tilespmem:$0x19F00] =	vst v63  }
0x142: {  	_ =	swait.ge [sflag:s5], $0x8000  }
0x143: {  	[sflag:s5] =	ssyncset.done $0x0  }
0x144: {  	[sflag:s5] =	ssyncadd.s32 $0xFFFF8000  }
0x145: {  	_ =	swait.ge [sflag:s11], $0x8000  }
0x146: {  	[sflag:s11] =	ssyncset.done $0x0  }
0x147: {  	[sflag:s11] =	ssyncadd.s32 $0xFFFF8000  }
0x148: {  	[tilespmem:s8], [sflag:$0x2] =	stream.indirect.gather [hbm4b:s3+s7], $0x20, s13, s7, $0xb8;
	[tilespmem:$0x19F00] =	vst v63  }
0x149: {  	_ = 	snop  }
0x14a: {  	[spmem:s2] =	stream.indirect.scatter.add.f32 [tilespmem:s10], [sflag:$0x3], $0x20, s14, s7, $0xb8;
	[tilespmem:$0x19F00] =	vst v63  }
0x14b: {  	_ =	swait.ge [sflag:s5], $0x8000  }
0x14c: {  	[sflag:s5] =	ssyncset.done $0x0  }
0x14d: {  	[sflag:s5] =	ssyncadd.s32 $0xFFFF8000  }
0x14e: {  	_ =	swait.ge [sflag:s9], $0x8000  }
0x14f: {  	[sflag:s9] =	ssyncset.done $0x0  }
0x150: {  	[sflag:s9] =	ssyncadd.s32 $0xFFFF8000  }
0x151: {  	[spmem:s2] =	stream.indirect.scatter.add.f32 [tilespmem:s8], [sflag:$0x3], $0x20, s12, s7, $0xb8;
	[tilespmem:$0x19F00] =	vst v63  }
0x152: {  	_ =	swait.ge [sflag:s5], $0x8000  }
0x153: {  	[sflag:s5] =	ssyncset.done $0x0  }
0x154: {  	[sflag:s5] =	ssyncadd.s32 $0xFFFF8000  }
0x155: {  	[bflag:$0x0] =	sbarrier.arrive $0xFFFF  }
0x156: {  	s30 =	rddreg [dreg:$0x6]  }
0x157: {  	[hbm:s30], [sflag:s4] =	dma.local [spmem:s6], $0x9E0  }
0x158: {  	_ =	swait.ge [sflag:s5], $0x9E0  }
0x159: {  	[sflag:s5] =	ssyncset.done $0x0  }
0x15a: {  	[sflag:s5] =	ssyncadd.s32 $0xFFFFF620  }
0x15b: {  	_ =	sfence.sel $0x180000  }
0x15c: {  	[bflag:$0x0] =	sbarrier.arrive $0xFFFF  }
0x15d: {  	_ =	strace $0x90000050  }
0x15e: {  	s31 =	stileid.u32;
	[bflag:$0x2] =	sbarrier.arrive $0xFFFF  }
0x15f: {  	p0 =	sne.s32 s31, $0x0;
	s0 =	rddreg [dreg:$0x2]  }
0x160: {  	s0 =	sadd.s32 @!p0 $0x100000, s0  }
0x161: {  	[sflag:s0] =	ssyncadd.tile.s32 @!p0 $0x1;
	_ =	shalt  }
.Lfunc_end2:
_tile_overlayer_lowered:
.L_overlay_start_2:
0x162: {  	(tag) =	ssettag $0x2  }
0x163: {  	s0 =	rddreg [dreg:$0x0];
	s2 =	stileid.u32  }
0x164: {  	s1 =	rddreg [dreg:$0x1];
	p0 =	sne.s32 s2, $0x0  }
0x165: {  	s3 =	rddreg [dreg:$0x2];
	[bflag:$0x3] =	sbarrier.arrive $0xFFFF;
	s2 =	simm.s32 @!p0 $0x1C03  }
0x166: {  	[timem:s3], [sflag:s2] =	dma.local @!p0 [hbm:s0], s1  }
0x167: {  	s0 =	simm.s32 @!p0 $0x3  }
0x168: {  	_ =	swait.ge @!p0 [sflag:s0], s1  }
0x169: {  	s1 =	ssub.s32 @!p0 $0x0, s1;
	[sflag:s0] =	ssyncset.done @!p0 $0x0  }
0x16a: {  	[sflag:s0] =	ssyncadd.s32 @!p0 s1  }
0x16b: {  	[bflag:$0x3] =	sbarrier.arrive $0xFFFF  }
0x16c: {  	_ =	shalt  }

// kernel: kernel.25.cloned.1.call-start
scs
__scs_entry_jumppad:
0x0: {  	(pc) =	sbr.rel $0x88, $3  }
0x1: {  	(tag) =	ssettag $0x0;
	lr =	simm.s32 $0x1  }
0x2: {  	[smem:$0x3F90] =	sst lr;
	_ =	strace $0xD0000000  }
0x3: {  	_ = 	snop  }
0x4: {  	_ = 	snop  }
0x5: {  	_ = 	snop  }
0x6: {  	_ = 	snop  }
0x7: {  	_ = 	snop  }
__scs_overlays_trampoline_lowered:
0x8: {  	[smem:$0x3F9F] =	sst s0  }
0x9: {  	[smem:$0x3FA0] =	sst s1  }
0xa: {  	[smem:$0x3FA1] =	sst s2  }
0xb: {  	[smem:$0x3FA2] =	sst s3  }
0xc: {  	[smem:$0x3FA3] =	sst s4  }
0xd: {  	[smem:$0x3FA4] =	sst s5  }
0xe: {  	[smem:$0x3FA5] =	sst s6  }
0xf: {  	[smem:$0x3FA6] =	sst s7  }
0x10: {  	[smem:$0x3FA7] =	sst s8  }
0x11: {  	[smem:$0x3FA8] =	sst s9;
	s0 =	simm.s32 @!p0 $0x0  }
0x12: {  	s1 =	sld [smem:$0x3F8E];
	s0 =	simm.s32 @p0 $0x1  }
0x13: {  	[smem:$0x3FA9] =	sst s0;
	s0 =	simm.s32 @!p1 $0x0  }
0x14: {  	s2 =	sld [smem:$0x3F8D];
	s0 =	simm.s32 @p1 $0x1  }
0x15: {  	[smem:$0x3FAA] =	sst s0;
	s0 =	simm.s32 @!p2 $0x0  }
0x16: {  	s3 =	sld [smem:$0x3FDB];
	s0 =	simm.s32 @p2 $0x1  }
0x17: {  	s4 =	simm.s32 $0x1BF5;
	[smem:$0x3FAC] =	sst s0  }
0x18: {  	s0 =	sld [smem:$0x3F8F];
	_ =	swait.ge [sflag:s4], $0x0  }
0x19: {  	s7 =	sld [smem:$0x3F90]  }
0x1a: {  	s8 =	sadd.s32 $0xFFFFE003, lr  }
0x1b: {  	s9 =	sadd.s32 $0xFFFFFEF7, lr;
	s5 =	simm.s32 $0xFFFFFFFF;
	p2 =	slt.u32 s8, $0xFFFFF086  }
0x1c: {  	p1 =	slt.u32 s9, $0xF7A;
	s5 =	simm.s32 @!p2 $0x0  }
0x1d: {  	s5 =	simm.s32 @p1 $0x1;
	p0 =	seq.s32 s7, s2  }
0x1e: {  	s7 =	smul.u32 @!p0 $0xF7A, s2;
	p2 =	seq.s32 @!p0 s5, $0x0  }
0x1f: {  	s9 =	smul.u32 $0xF7A, s1;
	s8 =	simm.s32 @!p0 $0x1BF5;
	p2 =	por !p2, p0  }
0x20: {  	[sflag:s8] =	ssyncset.s32 @!p0 $0xFFFFF086;
	s6 =	sadd.s32 @!p0 s3, s7;
	s7 =	simm.s32 @!p0 $0x108  }
0x21: {  	s3 =	sadd.s32 s3, s9;
	s6 =	sadd.s32 @!p0 $0x88, s6;
	s7 =	simm.s32 @p2 $0x1082  }
0x22: {  	[simem:s7], [sflag:s8] =	dma.local @!p0 [hbm:s6], $0xF7A  }
0x23: {  	s9 =	sor.u32 $0xD0000000, s2;
	s6 =	simm.s32 $0x108;
	_ =	swait.ge @!p0 [sflag:s8], $0x0  }
0x24: {  	s3 =	sadd.s32 $0x88, s3;
	s6 =	simm.s32 @!p1 $0x1082;
	[sflag:s4] =	ssyncset.s32 $0xFFFFF086  }
0x25: {  	[simem:s6], [sflag:s4] =	dma.local [hbm:s3], $0xF7A  }
0x26: {  	[smem:$0x3F90] =	sst s1;
	(tag) =	ssettag s2;
	_ =	strace s9  }
0x27: {  	s1 =	sld [smem:$0x3FA0]  }
0x28: {  	s2 =	sld [smem:$0x3FA1]  }
0x29: {  	s4 =	sld [smem:$0x3FA3]  }
0x2a: {  	p0 =	seq.s32 s5, $0x0;
	s5 =	sld [smem:$0x3FA4]  }
0x2b: {  	s6 =	sld [smem:$0x3FA5]  }
0x2c: {  	s7 =	sld [smem:$0x3FA6]  }
0x2d: {  	s3 =	simm.s32 $0x108;
	s8 =	sld [smem:$0x3FA7]  }
0x2e: {  	s3 =	simm.s32 @!p0 $0x1082;
	s9 =	sld [smem:$0x3FA8]  }
0x2f: {  	lr =	sadd.s32 s0, s3;
	s0 =	sld [smem:$0x3F9F]  }
0x30: {  	s3 =	sld [smem:$0x3FA2]  }
0x31: {  	[smem:$0x3FAB] =	sst s10  }
0x32: {  	s10 =	sld [smem:$0x3FA9];
	_ =	sdelay $0x3  }
0x33: {  	p0 =	seq.s32 s10, $0x1;
	s10 =	sld [smem:$0x3FAB];
	_ =	sdelay $0x3  }
0x34: {  	[smem:$0x3FAB] =	sst s10  }
0x35: {  	s10 =	sld [smem:$0x3FAA];
	_ =	sdelay $0x3  }
0x36: {  	p1 =	seq.s32 s10, $0x1;
	s10 =	sld [smem:$0x3FAB];
	_ =	sdelay $0x3  }
0x37: {  	[smem:$0x3FAB] =	sst s10  }
0x38: {  	s10 =	sld [smem:$0x3FAC]  }
0x39: {  	_ = 	snop;
	(pc) =	sbr.ind lr, $3  }
0x3a: {  	_ = 	snop  }
0x3b: {  	_ = 	snop  }
0x3c: {  	p2 =	seq.s32 s10, $0x1;
	s10 =	sld [smem:$0x3FAB]  }
0x3d: {  	_ =	shalt  }
0x3e: {  	_ =	shalt  }
0x3f: {  	_ =	shalt  }
0x40: {  	_ =	shalt  }
0x41: {  	_ =	shalt  }
0x42: {  	_ =	shalt  }
0x43: {  	_ =	shalt  }
0x44: {  	_ =	shalt  }
0x45: {  	_ =	shalt  }
0x46: {  	_ =	shalt  }
0x47: {  	_ =	shalt  }
0x48: {  	_ =	shalt  }
0x49: {  	_ =	shalt  }
0x4a: {  	_ =	shalt  }
0x4b: {  	_ =	shalt  }
0x4c: {  	_ =	shalt  }
0x4d: {  	_ =	shalt  }
0x4e: {  	_ =	shalt  }
0x4f: {  	_ =	shalt  }
0x50: {  	_ =	shalt  }
0x51: {  	_ =	shalt  }
0x52: {  	_ =	shalt  }
0x53: {  	_ =	shalt  }
0x54: {  	_ =	shalt  }
0x55: {  	_ =	shalt  }
0x56: {  	_ =	shalt  }
0x57: {  	_ =	shalt  }
0x58: {  	_ =	shalt  }
0x59: {  	_ =	shalt  }
0x5a: {  	_ =	shalt  }
0x5b: {  	_ =	shalt  }
0x5c: {  	_ =	shalt  }
0x5d: {  	_ =	shalt  }
0x5e: {  	_ =	shalt  }
0x5f: {  	_ =	shalt  }
0x60: {  	_ =	shalt  }
0x61: {  	_ =	shalt  }
0x62: {  	_ =	shalt  }
0x63: {  	_ =	shalt  }
0x64: {  	_ =	shalt  }
0x65: {  	_ =	shalt  }
0x66: {  	_ =	shalt  }
0x67: {  	_ =	shalt  }
0x68: {  	_ =	shalt  }
0x69: {  	_ =	shalt  }
0x6a: {  	_ =	shalt  }
0x6b: {  	_ =	shalt  }
0x6c: {  	_ =	shalt  }
0x6d: {  	_ =	shalt  }
0x6e: {  	_ =	shalt  }
0x6f: {  	_ =	shalt  }
0x70: {  	_ =	shalt  }
0x71: {  	_ =	shalt  }
0x72: {  	_ =	shalt  }
0x73: {  	_ =	shalt  }
0x74: {  	_ =	shalt  }
0x75: {  	_ =	shalt  }
0x76: {  	_ =	shalt  }
0x77: {  	_ =	shalt  }
0x78: {  	_ =	shalt  }
0x79: {  	_ =	shalt  }
0x7a: {  	_ =	shalt  }
0x7b: {  	_ =	shalt  }
0x7c: {  	_ =	shalt  }
0x7d: {  	_ =	shalt  }
0x7e: {  	_ =	shalt  }
0x7f: {  	_ =	shalt  }
0x80: {  	_ =	shalt  }
0x81: {  	_ =	shalt  }
0x82: {  	_ =	shalt  }
0x83: {  	_ =	shalt  }
0x84: {  	_ =	shalt  }
0x85: {  	_ =	shalt  }
0x86: {  	_ =	shalt  }
0x87: {  	_ =	shalt  }
.Lfunc_end0:
.L_simem_size_0:
called_computation.4_lowered:
.L_overlay_start_0:
0x88: {  	s2 =	sld [smem:$0x3FD9]  }
0x89: {  	s3 =	sld [smem:$0x3FFE];
	_ =	sdelay $0x1  }
0x8a: {  	s1 =	srdreg.scid  }
0x8b: {  	s0 =	sand.u32 $0x1, s1  }
0x8c: {  	s16 =	sshll.u32 s0, $0xA;
	s2 =	sadd.s32 s3, s2  }
0x8d: {  	s2 =	sadd.s32 s2, s16  }
0x8e: {  	[smem:$0x3FB7] =	sst s2  }
0x8f: {  	_ = 	snop  }
0x90: {  	(tm) =	ssettm $0x1  }
0x91: {  	s17 =	sld [smem:$0x3FFB];
	_ =	sdelay $0x3  }
0x92: {  	_ =	strace s17  }
0x93: {  	s2 =	sld [smem:$0x3FFC];
	_ =	sdelay $0x3  }
0x94: {  	_ =	strace s2  }
0x95: {  	s2 =	sld [smem:$0x3FFD];
	_ =	sdelay $0x3  }
0x96: {  	_ =	strace s2  }
0x97: {  	_ =	strace $0x8FFFFFFF  }
0x98: {  	s18 =	sld [smem:$0x3FDB];
	_ =	sdelay $0x1  }
0x99: {  	s19 =	simm.s32 $_scs_section_size  }
0x9a: {  	s4 =	simm.s32 $_size__tile_overlayer_lowered;
	s5 =	simm.s32 $_tile_overlayer_lowered  }
0x9b: {  	s22 =	simm.s32 $0x1BFF;
	s21 =	sshll.u32 s5, $0x1;
	s2 =	sadd.s32 s19, s18  }
0x9c: {  	s6 =	simm.s32 $0x0;
	s20 =	sshll.u32 s4, $0x1;
	s4 =	sadd.s32 s21, s2  }
0x9d: {  	[timem:s6], [sflag:s22] =	dma.local [hbm:s4], s20  }
0x9e: {  	_ =	swait.ge [sflag:s22], s20  }
0x9f: {  	s3 =	ssub.s32 $0x0, s20;
	[sflag:s22] =	ssyncset.done $0x0  }
0xa0: {  	[sflag:s22] =	ssyncadd.s32 s3;
	_ =	sdelay $0x1  }
0xa1: {  	s23 =	simm.s32 $0x1B8B  }
0xa2: {  	_ =	swait.ge [sflag:s23], $0x1  }
0xa3: {  	[sflag:s23] =	ssyncset.done $0x0  }
0xa4: {  	s25 =	simm.s32 $0x1B8E;
	s24 =	sld [smem:$0x3FFE];
	[sflag:s23] =	ssyncadd.s32 $0xFFFFFFFF  }
0xa5: {  	s26 =	simm.s32 $execute0_lowered;
	[smem:$0x3FD2] =	sst s25  }
0xa6: {  	s4 =	sshll.u32 s26, $0x1;
	_ =	strace $0x80000052;
	[dreg:$0x1] =	wrdreg $0xFFFFFFFF  }
0xa7: {  	s28 =	simm.s32 $_size_execute0_lowered;
	s2 =	sadd.s32 s2, s4;
	[dreg:$0x0] =	wrdreg $0x0  }
0xa8: {  	s4 =	sshll.u32 s28, $0x1;
	[dreg:$0x2] =	wrdreg s2  }
0xa9: {  	[dreg:$0x3] =	wrdreg s4  }
0xaa: {  	[dreg:$0x4] =	wrdreg $0xC0  }
0xab: {  	_ =	task [dreg:s6], $0x5FFFF  }
0xac: {  	[dreg:$0x1] =	wrdreg $0xFFFFFFFF  }
0xad: {  	[dreg:$0x0] =	wrdreg $0x60  }
0xae: {  	[dreg:$0x2] =	wrdreg s24  }
0xaf: {  	[dreg:$0x3] =	wrdreg $0x150000  }
0xb0: {  	[dreg:$0x4] =	wrdreg $0x9  }
0xb1: {  	_ =	task.clear_ibuf [dreg:s6], $0x5FFFF;
	_ =	strace $0x90000052  }
0xb2: {  	s29 =	simm.s32 $0x9;
	_ =	strace $0x80000054  }
0xb3: {  	_ =	swait.ge [sflag:s29], $0x1  }
0xb4: {  	[sflag:s29] =	ssyncadd.s32 $0xFFFFFFFF  }
0xb5: {  	_ =	strace $0x90000054  }
0xb6: {  	_ =	sfence  }
0xb7: {  	s30 =	sld [smem:$0x0];
	_ =	sdelay $0x2  }
0xb8: {  	s31 =	sshll.u32 s1, $0xD;
	s1 =	sshrl.u32 s1, $0x2  }
0xb9: {  	s3 =	sand.u32 $0x4000, s31;
	s1 =	sadd.s32 s1, s30  }
0xba: {  	s0 =	sor.u32 s3, s0;
	s1 =	sshll.u32 s1, $0x11  }
0xbb: {  	s0 =	sor.u32 s1, s0  }
0xbc: {  	s0 =	sadd.s32 $0x8F2B, s0  }
0xbd: {  	[sflag:s0] =	ssyncadd.remote.s32 $0x1  }
0xbe: {  	_ =	sfence.sel $0xFFFF  }
0xbf: {  	[dreg:$0x0] =	wrdreg $0xFFFFFFFF;
	(pc) =	sbr.abs _section_cstart, $3  }
0xc0: {  	[dreg:$0x1] =	wrdreg $0xFFFFFFFF  }
0xc1: {  	_ =	task.clear_ibuf [dreg:s6], $0x2FFFF;
	_ =	strace $0x9FFFFFFF  }
0xc2: {  	(tm) =	ssettm $0x7FFFFFFF  }
0xc3: {  	_ =	shalt  }
tec
execute0_lowered:
.L_overlay_start_1:
0x0: {  	(tag) =	ssettag $0x1  }
0x1: {  	s0 =	rddreg [dreg:$0x0];
	s1 =	srdreg.scid  }
0x2: {  	s2 =	rddreg [dreg:$0x1];
	s8 =	stileid.u32;
	s19 =	simm.s32 $0x0  }
0x3: {  	s31 =	simm.s32 $0x2800;
	s10 =	simm.s32 $0x5000;
	s11 =	simm.s32 $0x1  }
0x4: {  	s9 =	simm.s32 $0x2;
	s29 =	simm.s32 $0x800;
	s30 =	simm.s32 $0x2C00  }
0x5: {  	s26 =	simm.s32 $0xC00;
	s28 =	simm.s32 $0x3000;
	s24 =	simm.s32 $0x1000  }
0x6: {  	s25 =	simm.s32 $0x3400;
	s22 =	simm.s32 $0x1400;
	s23 =	simm.s32 $0x3800  }
0x7: {  	s20 =	simm.s32 $0x1800;
	s21 =	simm.s32 $0x3C00;
	p0 =	por $0x0, $0x0  }
0x8: {  	s1 =	sand.u32 $0x1, s1;
	s4 =	smul.u32 $0x4F00, s8;
	[smem:$0x7FF] =	sst s19  }
0x9: {  	s16 =	sshll.u32 s8, $0x6;
	s3 =	sshll.u32 s1, $0x4;
	s5 =	smul.u32 $0x4F000, s1  }
0xa: {  	_ =	strace $0x80000053;
	s1 =	ssub.s32 $0x2, s1;
	s3 =	sor.u32 s8, s3  }
0xb: {  	s6 =	sshrl.u32 s4, $0x3;
	s13 =	sshrl.u32 s1, $0x1;
	s17 =	sadd.s32 s4, s2  }
0xc: {  	s8 =	simm.s32 $0xD000;
	s7 =	smul.u32 $0x500, s3;
	s6 =	sadd.s32 s6, s0  }
0xd: {  	s5 =	sadd.s32 s4, s5;
	s3 =	sadd.s32 $0x3200, s0;
	s1 =	ssub.s32 s1, s13  }
0xe: {  	s4 =	sor.u32 $0x1C03, s16;
	s16 =	simm.s32 $0x4400;
	s13 =	simm.s32 $0x2400  }
0xf: {  	s5 =	sshrl.u32 s5, $0x3;
	s12 =	sadd.s32 $0x21000, s6;
	s18 =	smax.u32 s1, $0x1  }
0x10: {  	s6 =	sshrl.u32 s17, $0x3;
	s17 =	simm.s32 $0x1C00;
	s7 =	sadd.s32 s7, s0  }
0x11: {  	s0 =	sadd.s32 s5, s0;
	[dreg:$0x3] =	wrdreg s12;
	p1 =	sne.s32 s18, $0x1  }
.Ltmp0:
0x12: {  	s14 =	sadd.s32 $0x17000, s7;
	s1 =	rddreg [dreg:$0x3];
	(pc) =	sbr.rel @!p1 .LBB2_3-.Ltmp0, $4  }
0x13: {  	s5 =	simm.s32 $0x3;
	s15 =	sadd.s32 $0xD000, s7;
	[dreg:$0x4] =	wrdreg s14  }
0x14: {  	s12 =	simm.s32 $0x4C00;
	s0 =	sadd.s32 $0x2AE00, s0;
	[dreg:$0x5] =	wrdreg s15  }
0x15: {  	s7 =	simm.s32 $0x400;
	[dreg:$0x6] =	wrdreg s0;
	s0 =	sadd.s32 $0xFFFFFFFF, s18  }
0x16: {  	s18 =	simm.s32 $0x4000;
	s15 =	simm.s32 $0x2000;
	s14 =	simm.s32 $0x4800  }
0x17: {  	[spmem:s6], [sflag:s4] =	dma.local [hbm:s1], $0x9E0  }
0x18: {  	_ =	swait.ge [sflag:s5], $0x9E0  }
0x19: {  	[sflag:s5] =	ssyncset.done $0x0  }
0x1a: {  	s1 =	rddreg [dreg:$0x4];
	[sflag:s5] =	ssyncadd.s32 $0xFFFFF620  }
0x1b: {  	[tilespmem:s19], [sflag:$0x3] =	stream.linear.gather [hbm4b:s1+s19], $0x2800, $0x38;
	[tilespmem:$0x19F00] =	vst v63  }
0x1c: {  	_ =	swait.ge [sflag:s5], $0x2800  }
0x1d: {  	[sflag:s5] =	ssyncset.done $0x0  }
0x1e: {  	s1 =	rddreg [dreg:$0x5];
	[sflag:s5] =	ssyncadd.s32 $0xFFFFD800  }
0x1f: {  	[tilespmem:s31], [sflag:$0x3] =	stream.linear.gather [hbm4b:s1+s19], $0x2800, $0x38;
	[tilespmem:$0x19F00] =	vst v63  }
0x20: {  	_ =	swait.ge [sflag:s5], $0x2800  }
0x21: {  	[sflag:s5] =	ssyncset.done $0x0  }
0x22: {  	[sflag:s5] =	ssyncadd.s32 $0xFFFFD800  }
0x23: {  	[bflag:$0x0] =	sbarrier.arrive $0xFFFF  }
0x24: {  	[tilespmem:s10], [sflag:$0x1] =	stream.indirect.gather [hbm4b:s3+s7], $0x20, s19, s7, $0xb8;
	[tilespmem:$0x19F00] =	vst v63  }
0x25: {  	_ =	swait.ge [sflag:s11], $0x8000  }
0x26: {  	[sflag:s11] =	ssyncset.done $0x0  }
0x27: {  	[sflag:s11] =	ssyncadd.s32 $0xFFFF8000  }
0x28: {  	[tilespmem:s8], [sflag:$0x2] =	stream.indirect.gather [hbm4b:s3+s7], $0x20, s7, s7, $0xb8;
	[tilespmem:$0x19F00] =	vst v63  }
0x29: {  	_ = 	snop  }
0x2a: {  	[spmem:s2] =	stream.indirect.scatter.add.f32 [tilespmem:s10], [sflag:$0x3], $0x20, s31, s7, $0xb8;
	[tilespmem:$0x19F00] =	vst v63  }
0x2b: {  	_ =	swait.ge [sflag:s5], $0x8000  }
0x2c: {  	[sflag:s5] =	ssyncset.done $0x0  }
0x2d: {  	[sflag:s5] =	ssyncadd.s32 $0xFFFF8000  }
0x2e: {  	_ =	swait.ge [sflag:s9], $0x8000  }
0x2f: {  	[sflag:s9] =	ssyncset.done $0x0  }
0x30: {  	[sflag:s9] =	ssyncadd.s32 $0xFFFF8000  }
0x31: {  	[tilespmem:s10], [sflag:$0x1] =	stream.indirect.gather [hbm4b:s3+s7], $0x20, s29, s7, $0xb8;
	[tilespmem:$0x19F00] =	vst v63  }
0x32: {  	_ = 	snop  }
0x33: {  	[spmem:s2] =	stream.indirect.scatter.add.f32 [tilespmem:s8], [sflag:$0x3], $0x20, s30, s7, $0xb8;
	[tilespmem:$0x19F00] =	vst v63  }
0x34: {  	_ =	swait.ge [sflag:s5], $0x8000  }
0x35: {  	[sflag:s5] =	ssyncset.done $0x0  }
0x36: {  	[sflag:s5] =	ssyncadd.s32 $0xFFFF8000  }
0x37: {  	_ =	swait.ge [sflag:s11], $0x8000  }
0x38: {  	[sflag:s11] =	ssyncset.done $0x0  }
0x39: {  	[sflag:s11] =	ssyncadd.s32 $0xFFFF8000  }
0x3a: {  	[tilespmem:s8], [sflag:$0x2] =	stream.indirect.gather [hbm4b:s3+s7], $0x20, s26, s7, $0xb8;
	[tilespmem:$0x19F00] =	vst v63  }
0x3b: {  	_ = 	snop  }
0x3c: {  	[spmem:s2] =	stream.indirect.scatter.add.f32 [tilespmem:s10], [sflag:$0x3], $0x20, s28, s7, $0xb8;
	[tilespmem:$0x19F00] =	vst v63  }
0x3d: {  	_ =	swait.ge [sflag:s5], $0x8000  }
0x3e: {  	[sflag:s5] =	ssyncset.done $0x0  }
0x3f: {  	[sflag:s5] =	ssyncadd.s32 $0xFFFF8000  }
0x40: {  	_ =	swait.ge [sflag:s9], $0x8000  }
0x41: {  	[sflag:s9] =	ssyncset.done $0x0  }
0x42: {  	[sflag:s9] =	ssyncadd.s32 $0xFFFF8000  }
0x43: {  	[tilespmem:s10], [sflag:$0x1] =	stream.indirect.gather [hbm4b:s3+s7], $0x20, s24, s7, $0xb8;
	[tilespmem:$0x19F00] =	vst v63  }
0x44: {  	_ = 	snop  }
0x45: {  	[spmem:s2] =	stream.indirect.scatter.add.f32 [tilespmem:s8], [sflag:$0x3], $0x20, s25, s7, $0xb8;
	[tilespmem:$0x19F00] =	vst v63  }
0x46: {  	_ =	swait.ge [sflag:s5], $0x8000  }
0x47: {  	[sflag:s5] =	ssyncset.done $0x0  }
0x48: {  	[sflag:s5] =	ssyncadd.s32 $0xFFFF8000  }
0x49: {  	_ =	swait.ge [sflag:s11], $0x8000  }
0x4a: {  	[sflag:s11] =	ssyncset.done $0x0  }
0x4b: {  	[sflag:s11] =	ssyncadd.s32 $0xFFFF8000  }
0x4c: {  	[tilespmem:s8], [sflag:$0x2] =	stream.indirect.gather [hbm4b:s3+s7], $0x20, s22, s7, $0xb8;
	[tilespmem:$0x19F00] =	vst v63  }
0x4d: {  	_ = 	snop  }
0x4e: {  	[spmem:s2] =	stream.indirect.scatter.add.f32 [tilespmem:s10], [sflag:$0x3], $0x20, s23, s7, $0xb8;
	[tilespmem:$0x19F00] =	vst v63  }
0x4f: {  	_ =	swait.ge [sflag:s5], $0x8000  }
0x50: {  	[sflag:s5] =	ssyncset.done $0x0  }
0x51: {  	[sflag:s5] =	ssyncadd.s32 $0xFFFF8000  }
0x52: {  	_ =	swait.ge [sflag:s9], $0x8000  }
0x53: {  	[sflag:s9] =	ssyncset.done $0x0  }
0x54: {  	[sflag:s9] =	ssyncadd.s32 $0xFFFF8000  }
0x55: {  	[tilespmem:s10], [sflag:$0x1] =	stream.indirect.gather [hbm4b:s3+s7], $0x20, s20, s7, $0xb8;
	[tilespmem:$0x19F00] =	vst v63  }
0x56: {  	_ = 	snop  }
0x57: {  	[spmem:s2] =	stream.indirect.scatter.add.f32 [tilespmem:s8], [sflag:$0x3], $0x20, s21, s7, $0xb8;
	[tilespmem:$0x19F00] =	vst v63  }
0x58: {  	_ =	swait.ge [sflag:s5], $0x8000  }
0x59: {  	[sflag:s5] =	ssyncset.done $0x0  }
0x5a: {  	[sflag:s5] =	ssyncadd.s32 $0xFFFF8000  }
0x5b: {  	_ =	swait.ge [sflag:s11], $0x8000  }
0x5c: {  	[sflag:s11] =	ssyncset.done $0x0  }
0x5d: {  	[sflag:s11] =	ssyncadd.s32 $0xFFFF8000  }
0x5e: {  	[tilespmem:s8], [sflag:$0x2] =	stream.indirect.gather [hbm4b:s3+s7], $0x20, s17, s7, $0xb8;
	[tilespmem:$0x19F00] =	vst v63  }
0x5f: {  	_ = 	snop  }
0x60: {  	[spmem:s2] =	stream.indirect.scatter.add.f32 [tilespmem:s10], [sflag:$0x3], $0x20, s18, s7, $0xb8;
	[tilespmem:$0x19F00] =	vst v63  }
0x61: {  	_ =	swait.ge [sflag:s5], $0x8000  }
0x62: {  	[sflag:s5] =	ssyncset.done $0x0  }
0x63: {  	[sflag:s5] =	ssyncadd.s32 $0xFFFF8000  }
0x64: {  	_ =	swait.ge [sflag:s9], $0x8000  }
0x65: {  	[sflag:s9] =	ssyncset.done $0x0  }
0x66: {  	[sflag:s9] =	ssyncadd.s32 $0xFFFF8000  }
0x67: {  	[tilespmem:s10], [sflag:$0x1] =	stream.indirect.gather [hbm4b:s3+s7], $0x20, s15, s7, $0xb8;
	[tilespmem:$0x19F00] =	vst v63  }
0x68: {  	_ = 	snop  }
0x69: {  	[spmem:s2] =	stream.indirect.scatter.add.f32 [tilespmem:s8], [sflag:$0x3], $0x20, s16, s7, $0xb8;
	[tilespmem:$0x19F00] =	vst v63  }
0x6a: {  	_ =	swait.ge [sflag:s5], $0x8000  }
0x6b: {  	[sflag:s5] =	ssyncset.done $0x0  }
0x6c: {  	[sflag:s5] =	ssyncadd.s32 $0xFFFF8000  }
0x6d: {  	_ =	swait.ge [sflag:s11], $0x8000  }
0x6e: {  	[sflag:s11] =	ssyncset.done $0x0  }
0x6f: {  	[sflag:s11] =	ssyncadd.s32 $0xFFFF8000  }
0x70: {  	[tilespmem:s8], [sflag:$0x2] =	stream.indirect.gather [hbm4b:s3+s7], $0x20, s13, s7, $0xb8;
	[tilespmem:$0x19F00] =	vst v63  }
0x71: {  	_ = 	snop  }
0x72: {  	[spmem:s2] =	stream.indirect.scatter.add.f32 [tilespmem:s10], [sflag:$0x3], $0x20, s14, s7, $0xb8;
	[tilespmem:$0x19F00] =	vst v63  }
0x73: {  	_ =	swait.ge [sflag:s5], $0x8000  }
0x74: {  	[sflag:s5] =	ssyncset.done $0x0  }
0x75: {  	[sflag:s5] =	ssyncadd.s32 $0xFFFF8000  }
0x76: {  	_ =	swait.ge [sflag:s9], $0x8000  }
0x77: {  	[sflag:s9] =	ssyncset.done $0x0  }
0x78: {  	[sflag:s9] =	ssyncadd.s32 $0xFFFF8000  }
0x79: {  	[spmem:s2] =	stream.indirect.scatter.add.f32 [tilespmem:s8], [sflag:$0x3], $0x20, s12, s7, $0xb8;
	[tilespmem:$0x19F00] =	vst v63  }
0x7a: {  	_ =	swait.ge [sflag:s5], $0x8000  }
0x7b: {  	[sflag:s5] =	ssyncset.done $0x0  }
0x7c: {  	p1 =	sne.s32 s0, $0x1;
	[sflag:s5] =	ssyncadd.s32 $0xFFFF8000  }
.Ltmp1:
0x7d: {  	[bflag:$0x0] =	sbarrier.arrive $0xFFFF;
	(pc) =	sbr.rel @!p1 .LBB2_3-.Ltmp1, $4  }
0x7e: {  	s1 =	rddreg [dreg:$0x6]  }
0x7f: {  	[hbm:s1], [sflag:s4] =	dma.local [spmem:s6], $0x9E0  }
0x80: {  	s0 =	sadd.s32 $0xFFFFFFFF, s0;
	_ =	swait.ge [sflag:s5], $0x9E0  }
0x81: {  	p0 =	por $0x1, $0x1;
	s1 =	rddreg [dreg:$0x3];
	[sflag:s5] =	ssyncset.done $0x0  }
.LBB2_2:
0x82: {  	[sflag:s5] =	ssyncadd.s32 $0xFFFFF620  }
0x83: {  	[spmem:s6], [sflag:s4] =	dma.local [hbm:s1], $0x9E0  }
0x84: {  	_ =	swait.ge [sflag:s5], $0x9E0  }
0x85: {  	[sflag:s5] =	ssyncset.done $0x0  }
0x86: {  	s1 =	rddreg [dreg:$0x4];
	[sflag:s5] =	ssyncadd.s32 $0xFFFFF620  }
0x87: {  	[tilespmem:s19], [sflag:$0x3] =	stream.linear.gather [hbm4b:s1+s19], $0x2800, $0x38;
	[tilespmem:$0x19F00] =	vst v63  }
0x88: {  	_ =	swait.ge [sflag:s5], $0x2800  }
0x89: {  	[sflag:s5] =	ssyncset.done $0x0  }
0x8a: {  	s1 =	rddreg [dreg:$0x5];
	[sflag:s5] =	ssyncadd.s32 $0xFFFFD800  }
0x8b: {  	[tilespmem:s31], [sflag:$0x3] =	stream.linear.gather [hbm4b:s1+s19], $0x2800, $0x38;
	[tilespmem:$0x19F00] =	vst v63  }
0x8c: {  	_ =	swait.ge [sflag:s5], $0x2800  }
0x8d: {  	[sflag:s5] =	ssyncset.done $0x0  }
0x8e: {  	[sflag:s5] =	ssyncadd.s32 $0xFFFFD800  }
0x8f: {  	[bflag:$0x0] =	sbarrier.arrive $0xFFFF  }
0x90: {  	[tilespmem:s10], [sflag:$0x1] =	stream.indirect.gather [hbm4b:s3+s7], $0x20, s19, s7, $0xb8;
	[tilespmem:$0x19F00] =	vst v63  }
0x91: {  	_ =	swait.ge [sflag:s11], $0x8000  }
0x92: {  	[sflag:s11] =	ssyncset.done $0x0  }
0x93: {  	[sflag:s11] =	ssyncadd.s32 $0xFFFF8000  }
0x94: {  	[tilespmem:s8], [sflag:$0x2] =	stream.indirect.gather [hbm4b:s3+s7], $0x20, s7, s7, $0xb8;
	[tilespmem:$0x19F00] =	vst v63  }
0x95: {  	_ = 	snop  }
0x96: {  	[spmem:s2] =	stream.indirect.scatter.add.f32 [tilespmem:s10], [sflag:$0x3], $0x20, s31, s7, $0xb8;
	[tilespmem:$0x19F00] =	vst v63  }
0x97: {  	_ =	swait.ge [sflag:s5], $0x8000  }
0x98: {  	[sflag:s5] =	ssyncset.done $0x0  }
0x99: {  	[sflag:s5] =	ssyncadd.s32 $0xFFFF8000  }
0x9a: {  	_ =	swait.ge [sflag:s9], $0x8000  }
0x9b: {  	[sflag:s9] =	ssyncset.done $0x0  }
0x9c: {  	[sflag:s9] =	ssyncadd.s32 $0xFFFF8000  }
0x9d: {  	[tilespmem:s10], [sflag:$0x1] =	stream.indirect.gather [hbm4b:s3+s7], $0x20, s29, s7, $0xb8;
	[tilespmem:$0x19F00] =	vst v63  }
0x9e: {  	_ = 	snop  }
0x9f: {  	[spmem:s2] =	stream.indirect.scatter.add.f32 [tilespmem:s8], [sflag:$0x3], $0x20, s30, s7, $0xb8;
	[tilespmem:$0x19F00] =	vst v63  }
0xa0: {  	_ =	swait.ge [sflag:s5], $0x8000  }
0xa1: {  	[sflag:s5] =	ssyncset.done $0x0  }
0xa2: {  	[sflag:s5] =	ssyncadd.s32 $0xFFFF8000  }
0xa3: {  	_ =	swait.ge [sflag:s11], $0x8000  }
0xa4: {  	[sflag:s11] =	ssyncset.done $0x0  }
0xa5: {  	[sflag:s11] =	ssyncadd.s32 $0xFFFF8000  }
0xa6: {  	[tilespmem:s8], [sflag:$0x2] =	stream.indirect.gather [hbm4b:s3+s7], $0x20, s26, s7, $0xb8;
	[tilespmem:$0x19F00] =	vst v63  }
0xa7: {  	_ = 	snop  }
0xa8: {  	[spmem:s2] =	stream.indirect.scatter.add.f32 [tilespmem:s10], [sflag:$0x3], $0x20, s28, s7, $0xb8;
	[tilespmem:$0x19F00] =	vst v63  }
0xa9: {  	_ =	swait.ge [sflag:s5], $0x8000  }
0xaa: {  	[sflag:s5] =	ssyncset.done $0x0  }
0xab: {  	[sflag:s5] =	ssyncadd.s32 $0xFFFF8000  }
0xac: {  	_ =	swait.ge [sflag:s9], $0x8000  }
0xad: {  	[sflag:s9] =	ssyncset.done $0x0  }
0xae: {  	[sflag:s9] =	ssyncadd.s32 $0xFFFF8000  }
0xaf: {  	[tilespmem:s10], [sflag:$0x1] =	stream.indirect.gather [hbm4b:s3+s7], $0x20, s24, s7, $0xb8;
	[tilespmem:$0x19F00] =	vst v63  }
0xb0: {  	_ = 	snop  }
0xb1: {  	[spmem:s2] =	stream.indirect.scatter.add.f32 [tilespmem:s8], [sflag:$0x3], $0x20, s25, s7, $0xb8;
	[tilespmem:$0x19F00] =	vst v63  }
0xb2: {  	_ =	swait.ge [sflag:s5], $0x8000  }
0xb3: {  	[sflag:s5] =	ssyncset.done $0x0  }
0xb4: {  	[sflag:s5] =	ssyncadd.s32 $0xFFFF8000  }
0xb5: {  	_ =	swait.ge [sflag:s11], $0x8000  }
0xb6: {  	[sflag:s11] =	ssyncset.done $0x0  }
0xb7: {  	[sflag:s11] =	ssyncadd.s32 $0xFFFF8000  }
0xb8: {  	[tilespmem:s8], [sflag:$0x2] =	stream.indirect.gather [hbm4b:s3+s7], $0x20, s22, s7, $0xb8;
	[tilespmem:$0x19F00] =	vst v63  }
0xb9: {  	_ = 	snop  }
0xba: {  	[spmem:s2] =	stream.indirect.scatter.add.f32 [tilespmem:s10], [sflag:$0x3], $0x20, s23, s7, $0xb8;
	[tilespmem:$0x19F00] =	vst v63  }
0xbb: {  	_ =	swait.ge [sflag:s5], $0x8000  }
0xbc: {  	[sflag:s5] =	ssyncset.done $0x0  }
0xbd: {  	[sflag:s5] =	ssyncadd.s32 $0xFFFF8000  }
0xbe: {  	_ =	swait.ge [sflag:s9], $0x8000  }
0xbf: {  	[sflag:s9] =	ssyncset.done $0x0  }
0xc0: {  	[sflag:s9] =	ssyncadd.s32 $0xFFFF8000  }
0xc1: {  	[tilespmem:s10], [sflag:$0x1] =	stream.indirect.gather [hbm4b:s3+s7], $0x20, s20, s7, $0xb8;
	[tilespmem:$0x19F00] =	vst v63  }
0xc2: {  	_ = 	snop  }
0xc3: {  	[spmem:s2] =	stream.indirect.scatter.add.f32 [tilespmem:s8], [sflag:$0x3], $0x20, s21, s7, $0xb8;
	[tilespmem:$0x19F00] =	vst v63  }
0xc4: {  	_ =	swait.ge [sflag:s5], $0x8000  }
0xc5: {  	[sflag:s5] =	ssyncset.done $0x0  }
0xc6: {  	[sflag:s5] =	ssyncadd.s32 $0xFFFF8000  }
0xc7: {  	_ =	swait.ge [sflag:s11], $0x8000  }
0xc8: {  	[sflag:s11] =	ssyncset.done $0x0  }
0xc9: {  	[sflag:s11] =	ssyncadd.s32 $0xFFFF8000  }
0xca: {  	[tilespmem:s8], [sflag:$0x2] =	stream.indirect.gather [hbm4b:s3+s7], $0x20, s17, s7, $0xb8;
	[tilespmem:$0x19F00] =	vst v63  }
0xcb: {  	_ = 	snop  }
0xcc: {  	[spmem:s2] =	stream.indirect.scatter.add.f32 [tilespmem:s10], [sflag:$0x3], $0x20, s18, s7, $0xb8;
	[tilespmem:$0x19F00] =	vst v63  }
0xcd: {  	_ =	swait.ge [sflag:s5], $0x8000  }
0xce: {  	[sflag:s5] =	ssyncset.done $0x0  }
0xcf: {  	[sflag:s5] =	ssyncadd.s32 $0xFFFF8000  }
0xd0: {  	_ =	swait.ge [sflag:s9], $0x8000  }
0xd1: {  	[sflag:s9] =	ssyncset.done $0x0  }
0xd2: {  	[sflag:s9] =	ssyncadd.s32 $0xFFFF8000  }
0xd3: {  	[tilespmem:s10], [sflag:$0x1] =	stream.indirect.gather [hbm4b:s3+s7], $0x20, s15, s7, $0xb8;
	[tilespmem:$0x19F00] =	vst v63  }
0xd4: {  	_ = 	snop  }
0xd5: {  	[spmem:s2] =	stream.indirect.scatter.add.f32 [tilespmem:s8], [sflag:$0x3], $0x20, s16, s7, $0xb8;
	[tilespmem:$0x19F00] =	vst v63  }
0xd6: {  	_ =	swait.ge [sflag:s5], $0x8000  }
0xd7: {  	[sflag:s5] =	ssyncset.done $0x0  }
0xd8: {  	[sflag:s5] =	ssyncadd.s32 $0xFFFF8000  }
0xd9: {  	_ =	swait.ge [sflag:s11], $0x8000  }
0xda: {  	[sflag:s11] =	ssyncset.done $0x0  }
0xdb: {  	[sflag:s11] =	ssyncadd.s32 $0xFFFF8000  }
0xdc: {  	[tilespmem:s8], [sflag:$0x2] =	stream.indirect.gather [hbm4b:s3+s7], $0x20, s13, s7, $0xb8;
	[tilespmem:$0x19F00] =	vst v63  }
0xdd: {  	_ = 	snop  }
0xde: {  	[spmem:s2] =	stream.indirect.scatter.add.f32 [tilespmem:s10], [sflag:$0x3], $0x20, s14, s7, $0xb8;
	[tilespmem:$0x19F00] =	vst v63  }
0xdf: {  	_ =	swait.ge [sflag:s5], $0x8000  }
0xe0: {  	[sflag:s5] =	ssyncset.done $0x0  }
0xe1: {  	[sflag:s5] =	ssyncadd.s32 $0xFFFF8000  }
0xe2: {  	_ =	swait.ge [sflag:s9], $0x8000  }
0xe3: {  	[sflag:s9] =	ssyncset.done $0x0  }
0xe4: {  	[sflag:s9] =	ssyncadd.s32 $0xFFFF8000  }
0xe5: {  	[spmem:s2] =	stream.indirect.scatter.add.f32 [tilespmem:s8], [sflag:$0x3], $0x20, s12, s7, $0xb8;
	[tilespmem:$0x19F00] =	vst v63  }
0xe6: {  	_ =	swait.ge [sflag:s5], $0x8000  }
0xe7: {  	[sflag:s5] =	ssyncset.done $0x0  }
0xe8: {  	p1 =	sne.s32 s0, $0x1;
	[sflag:s5] =	ssyncadd.s32 $0xFFFF8000  }
.Ltmp2:
0xe9: {  	[bflag:$0x0] =	sbarrier.arrive $0xFFFF;
	(pc) =	sbr.rel @p1 .LBB2_2-.Ltmp2, $4  }
0xea: {  	s1 =	rddreg [dreg:$0x6]  }
0xeb: {  	[hbm:s1], [sflag:s4] =	dma.local [spmem:s6], $0x9E0  }
0xec: {  	_ =	swait.ge [sflag:s5], $0x9E0  }
0xed: {  	s0 =	sadd.s32 $0xFFFFFFFF, s0;
	s1 =	rddreg [dreg:$0x3];
	[sflag:s5] =	ssyncset.done $0x0  }
.LBB2_3:
0xee: {  	[sflag:s5] =	ssyncadd.s32 @p0 $0xFFFFF620  }
0xef: {  	[spmem:s6], [sflag:s4] =	dma.local [hbm:s1], $0x9E0  }
0xf0: {  	_ =	swait.ge [sflag:s5], $0x9E0  }
0xf1: {  	[sflag:s5] =	ssyncset.done $0x0  }
0xf2: {  	s0 =	rddreg [dreg:$0x4];
	[sflag:s5] =	ssyncadd.s32 $0xFFFFF620  }
0xf3: {  	[tilespmem:s19], [sflag:$0x3] =	stream.linear.gather [hbm4b:s0+s19], $0x2800, $0x38;
	[tilespmem:$0x19F00] =	vst v63  }
0xf4: {  	_ =	swait.ge [sflag:s5], $0x2800  }
0xf5: {  	[sflag:s5] =	ssyncset.done $0x0  }
0xf6: {  	s1 =	rddreg [dreg:$0x5];
	[sflag:s5] =	ssyncadd.s32 $0xFFFFD800  }
0xf7: {  	[tilespmem:s31], [sflag:$0x3] =	stream.linear.gather [hbm4b:s1+s19], $0x2800, $0x38;
	[tilespmem:$0x19F00] =	vst v63  }
0xf8: {  	_ =	swait.ge [sflag:s5], $0x2800  }
0xf9: {  	[sflag:s5] =	ssyncset.done $0x0  }
0xfa: {  	[sflag:s5] =	ssyncadd.s32 $0xFFFFD800  }
0xfb: {  	[bflag:$0x0] =	sbarrier.arrive $0xFFFF  }
0xfc: {  	[tilespmem:s10], [sflag:$0x1] =	stream.indirect.gather [hbm4b:s3+s7], $0x20, s19, s7, $0xb8;
	[tilespmem:$0x19F00] =	vst v63  }
0xfd: {  	_ =	swait.ge [sflag:s11], $0x8000  }
0xfe: {  	[sflag:s11] =	ssyncset.done $0x0  }
0xff: {  	[sflag:s11] =	ssyncadd.s32 $0xFFFF8000  }
0x100: {  	[tilespmem:s8], [sflag:$0x2] =	stream.indirect.gather [hbm4b:s3+s7], $0x20, s7, s7, $0xb8;
	[tilespmem:$0x19F00] =	vst v63  }
0x101: {  	_ = 	snop  }
0x102: {  	[spmem:s2] =	stream.indirect.scatter.add.f32 [tilespmem:s10], [sflag:$0x3], $0x20, s31, s7, $0xb8;
	[tilespmem:$0x19F00] =	vst v63  }
0x103: {  	_ =	swait.ge [sflag:s5], $0x8000  }
0x104: {  	[sflag:s5] =	ssyncset.done $0x0  }
0x105: {  	[sflag:s5] =	ssyncadd.s32 $0xFFFF8000  }
0x106: {  	_ =	swait.ge [sflag:s9], $0x8000  }
0x107: {  	[sflag:s9] =	ssyncset.done $0x0  }
0x108: {  	[sflag:s9] =	ssyncadd.s32 $0xFFFF8000  }
0x109: {  	[tilespmem:s10], [sflag:$0x1] =	stream.indirect.gather [hbm4b:s3+s7], $0x20, s29, s7, $0xb8;
	[tilespmem:$0x19F00] =	vst v63  }
0x10a: {  	_ = 	snop  }
0x10b: {  	[spmem:s2] =	stream.indirect.scatter.add.f32 [tilespmem:s8], [sflag:$0x3], $0x20, s30, s7, $0xb8;
	[tilespmem:$0x19F00] =	vst v63  }
0x10c: {  	_ =	swait.ge [sflag:s5], $0x8000  }
0x10d: {  	[sflag:s5] =	ssyncset.done $0x0  }
0x10e: {  	[sflag:s5] =	ssyncadd.s32 $0xFFFF8000  }
0x10f: {  	_ =	swait.ge [sflag:s11], $0x8000  }
0x110: {  	[sflag:s11] =	ssyncset.done $0x0  }
0x111: {  	[sflag:s11] =	ssyncadd.s32 $0xFFFF8000  }
0x112: {  	[tilespmem:s8], [sflag:$0x2] =	stream.indirect.gather [hbm4b:s3+s7], $0x20, s26, s7, $0xb8;
	[tilespmem:$0x19F00] =	vst v63  }
0x113: {  	_ = 	snop  }
0x114: {  	[spmem:s2] =	stream.indirect.scatter.add.f32 [tilespmem:s10], [sflag:$0x3], $0x20, s28, s7, $0xb8;
	[tilespmem:$0x19F00] =	vst v63  }
0x115: {  	_ =	swait.ge [sflag:s5], $0x8000  }
0x116: {  	[sflag:s5] =	ssyncset.done $0x0  }
0x117: {  	[sflag:s5] =	ssyncadd.s32 $0xFFFF8000  }
0x118: {  	_ =	swait.ge [sflag:s9], $0x8000  }
0x119: {  	[sflag:s9] =	ssyncset.done $0x0  }
0x11a: {  	[sflag:s9] =	ssyncadd.s32 $0xFFFF8000  }
0x11b: {  	[tilespmem:s10], [sflag:$0x1] =	stream.indirect.gather [hbm4b:s3+s7], $0x20, s24, s7, $0xb8;
	[tilespmem:$0x19F00] =	vst v63  }
0x11c: {  	_ = 	snop  }
0x11d: {  	[spmem:s2] =	stream.indirect.scatter.add.f32 [tilespmem:s8], [sflag:$0x3], $0x20, s25, s7, $0xb8;
	[tilespmem:$0x19F00] =	vst v63  }
0x11e: {  	_ =	swait.ge [sflag:s5], $0x8000  }
0x11f: {  	[sflag:s5] =	ssyncset.done $0x0  }
0x120: {  	[sflag:s5] =	ssyncadd.s32 $0xFFFF8000  }
0x121: {  	_ =	swait.ge [sflag:s11], $0x8000  }
0x122: {  	[sflag:s11] =	ssyncset.done $0x0  }
0x123: {  	[sflag:s11] =	ssyncadd.s32 $0xFFFF8000  }
0x124: {  	[tilespmem:s8], [sflag:$0x2] =	stream.indirect.gather [hbm4b:s3+s7], $0x20, s22, s7, $0xb8;
	[tilespmem:$0x19F00] =	vst v63  }
0x125: {  	_ = 	snop  }
0x126: {  	[spmem:s2] =	stream.indirect.scatter.add.f32 [tilespmem:s10], [sflag:$0x3], $0x20, s23, s7, $0xb8;
	[tilespmem:$0x19F00] =	vst v63  }
0x127: {  	_ =	swait.ge [sflag:s5], $0x8000  }
0x128: {  	[sflag:s5] =	ssyncset.done $0x0  }
0x129: {  	[sflag:s5] =	ssyncadd.s32 $0xFFFF8000  }
0x12a: {  	_ =	swait.ge [sflag:s9], $0x8000  }
0x12b: {  	[sflag:s9] =	ssyncset.done $0x0  }
0x12c: {  	[sflag:s9] =	ssyncadd.s32 $0xFFFF8000  }
0x12d: {  	[tilespmem:s10], [sflag:$0x1] =	stream.indirect.gather [hbm4b:s3+s7], $0x20, s20, s7, $0xb8;
	[tilespmem:$0x19F00] =	vst v63  }
0x12e: {  	_ = 	snop  }
0x12f: {  	[spmem:s2] =	stream.indirect.scatter.add.f32 [tilespmem:s8], [sflag:$0x3], $0x20, s21, s7, $0xb8;
	[tilespmem:$0x19F00] =	vst v63  }
0x130: {  	_ =	swait.ge [sflag:s5], $0x8000  }
0x131: {  	[sflag:s5] =	ssyncset.done $0x0  }
0x132: {  	[sflag:s5] =	ssyncadd.s32 $0xFFFF8000  }
0x133: {  	_ =	swait.ge [sflag:s11], $0x8000  }
0x134: {  	[sflag:s11] =	ssyncset.done $0x0  }
0x135: {  	[sflag:s11] =	ssyncadd.s32 $0xFFFF8000  }
0x136: {  	[tilespmem:s8], [sflag:$0x2] =	stream.indirect.gather [hbm4b:s3+s7], $0x20, s17, s7, $0xb8;
	[tilespmem:$0x19F00] =	vst v63  }
0x137: {  	_ = 	snop  }
0x138: {  	[spmem:s2] =	stream.indirect.scatter.add.f32 [tilespmem:s10], [sflag:$0x3], $0x20, s18, s7, $0xb8;
	[tilespmem:$0x19F00] =	vst v63  }
0x139: {  	_ =	swait.ge [sflag:s5], $0x8000  }
0x13a: {  	[sflag:s5] =	ssyncset.done $0x0  }
0x13b: {  	[sflag:s5] =	ssyncadd.s32 $0xFFFF8000  }
0x13c: {  	_ =	swait.ge [sflag:s9], $0x8000  }
0x13d: {  	[sflag:s9] =	ssyncset.done $0x0  }
0x13e: {  	[sflag:s9] =	ssyncadd.s32 $0xFFFF8000  }
0x13f: {  	[tilespmem:s10], [sflag:$0x1] =	stream.indirect.gather [hbm4b:s3+s7], $0x20, s15, s7, $0xb8;
	[tilespmem:$0x19F00] =	vst v63  }
0x140: {  	_ = 	snop  }
0x141: {  	[spmem:s2] =	stream.indirect.scatter.add.f32 [tilespmem:s8], [sflag:$0x3], $0x20, s16, s7, $0xb8;
	[tilespmem:$0x19F00] =	vst v63  }
0x142: {  	_ =	swait.ge [sflag:s5], $0x8000  }
0x143: {  	[sflag:s5] =	ssyncset.done $0x0  }
0x144: {  	[sflag:s5] =	ssyncadd.s32 $0xFFFF8000  }
0x145: {  	_ =	swait.ge [sflag:s11], $0x8000  }
0x146: {  	[sflag:s11] =	ssyncset.done $0x0  }
0x147: {  	[sflag:s11] =	ssyncadd.s32 $0xFFFF8000  }
0x148: {  	[tilespmem:s8], [sflag:$0x2] =	stream.indirect.gather [hbm4b:s3+s7], $0x20, s13, s7, $0xb8;
	[tilespmem:$0x19F00] =	vst v63  }
0x149: {  	_ = 	snop  }
0x14a: {  	[spmem:s2] =	stream.indirect.scatter.add.f32 [tilespmem:s10], [sflag:$0x3], $0x20, s14, s7, $0xb8;
	[tilespmem:$0x19F00] =	vst v63  }
0x14b: {  	_ =	swait.ge [sflag:s5], $0x8000  }
0x14c: {  	[sflag:s5] =	ssyncset.done $0x0  }
0x14d: {  	[sflag:s5] =	ssyncadd.s32 $0xFFFF8000  }
0x14e: {  	_ =	swait.ge [sflag:s9], $0x8000  }
0x14f: {  	[sflag:s9] =	ssyncset.done $0x0  }
0x150: {  	[sflag:s9] =	ssyncadd.s32 $0xFFFF8000  }
0x151: {  	[spmem:s2] =	stream.indirect.scatter.add.f32 [tilespmem:s8], [sflag:$0x3], $0x20, s12, s7, $0xb8;
	[tilespmem:$0x19F00] =	vst v63  }
0x152: {  	_ =	swait.ge [sflag:s5], $0x8000  }
0x153: {  	[sflag:s5] =	ssyncset.done $0x0  }
0x154: {  	[sflag:s5] =	ssyncadd.s32 $0xFFFF8000  }
0x155: {  	[bflag:$0x0] =	sbarrier.arrive $0xFFFF  }
0x156: {  	s30 =	rddreg [dreg:$0x6]  }
0x157: {  	[hbm:s30], [sflag:s4] =	dma.local [spmem:s6], $0x9E0  }
0x158: {  	_ =	swait.ge [sflag:s5], $0x9E0  }
0x159: {  	[sflag:s5] =	ssyncset.done $0x0  }
0x15a: {  	[sflag:s5] =	ssyncadd.s32 $0xFFFFF620  }
0x15b: {  	_ =	sfence.sel $0x180000  }
0x15c: {  	[bflag:$0x0] =	sbarrier.arrive $0xFFFF  }
0x15d: {  	_ =	strace $0x90000053  }
0x15e: {  	s31 =	stileid.u32;
	[bflag:$0x2] =	sbarrier.arrive $0xFFFF  }
0x15f: {  	p0 =	sne.s32 s31, $0x0;
	s0 =	rddreg [dreg:$0x2]  }
0x160: {  	s0 =	sadd.s32 @!p0 $0x100000, s0  }
0x161: {  	[sflag:s0] =	ssyncadd.tile.s32 @!p0 $0x1;
	_ =	shalt  }
.Lfunc_end2:
_tile_overlayer_lowered:
.L_overlay_start_2:
0x162: {  	(tag) =	ssettag $0x2  }
0x163: {  	s0 =	rddreg [dreg:$0x0];
	s2 =	stileid.u32  }
0x164: {  	s1 =	rddreg [dreg:$0x1];
	p0 =	sne.s32 s2, $0x0  }
0x165: {  	s3 =	rddreg [dreg:$0x2];
	[bflag:$0x3] =	sbarrier.arrive $0xFFFF;
	s2 =	simm.s32 @!p0 $0x1C03  }
0x166: {  	[timem:s3], [sflag:s2] =	dma.local @!p0 [hbm:s0], s1  }
0x167: {  	s0 =	simm.s32 @!p0 $0x3  }
0x168: {  	_ =	swait.ge @!p0 [sflag:s0], s1  }
0x169: {  	s1 =	ssub.s32 @!p0 $0x0, s1;
	[sflag:s0] =	ssyncset.done @!p0 $0x0  }
0x16a: {  	[sflag:s0] =	ssyncadd.s32 @!p0 s1  }
0x16b: {  	[bflag:$0x3] =	sbarrier.arrive $0xFFFF  }
0x16c: {  	_ =	shalt  }

</sc_bundles>
